<compile_context>
chip_gen: v7x
topology: tpu7x:2x2x1
jax: 0.10.2.dev20260603
libtpu: 0.0.44.dev20260713+nightly
codegen_flags: <defaults>
</compile_context>

<pallas_src>
import functools

import jax
import jax.numpy as jnp
from jax import lax
from jax.experimental import pallas as pl
from jax.experimental.pallas import tpu as pltpu
from jax.experimental.pallas import tpu_sc as plsc

_K = 16
_SEG = 128
_CAP = 64
_BATCH = 4



def _d2_body(xr_ref, xa_ref, d2_ref, thr_ref, *, block_r: int, n: int):
    pid = pl.program_id(0)
    xr = xr_ref[...]
    xa = xa_ref[...]

    s = lax.dot_general(xr, xa, (((1,), (1,)), ((), ())),
                        preferred_element_type=jnp.float32)
    x2r = jnp.sum(xr * xr, axis=1)
    x2a = jnp.sum(xa * xa, axis=1)
    d2 = x2r[:, None] + x2a[None, :] - 2.0 * s

    col = lax.broadcasted_iota(jnp.int32, (block_r, n), 1)
    row_g = pid * block_r + lax.broadcasted_iota(jnp.int32, (block_r, n), 0)
    inf = jnp.float32(jnp.inf)
    dist = jnp.sqrt(jnp.maximum(d2, 0.0))
    dist = jnp.where(col == row_g, inf, dist)
    d2_ref[...] = dist

    nseg = n // _SEG
    segmin = jnp.min(dist.reshape(block_r, nseg, _SEG), axis=2)
    segmin = jnp.concatenate(
        [segmin, jnp.full((block_r, 128 - nseg), inf, jnp.float32)], axis=1)
    sidx = lax.broadcasted_iota(jnp.int32, (block_r, 128), 1)
    for _ in range(_K - 1):
        m = jnp.min(segmin, axis=1)
        eq = segmin == m[:, None]
        sel = jnp.min(jnp.where(eq, sidx, 128), axis=1)
        segmin = jnp.where(eq & (sidx == sel[:, None]), inf, segmin)
    t = jnp.min(segmin, axis=1)
    thr_ref[...] = jnp.broadcast_to(t[:, None], (block_r, 128))


def _stage1(x, block_r: int = 256):
    n, d = x.shape
    grid = n // block_r
    return pl.pallas_call(
        functools.partial(_d2_body, block_r=block_r, n=n),
        grid=(grid,),
        in_specs=[
            pl.BlockSpec((block_r, d), lambda i: (i, 0)),
            pl.BlockSpec((n, d), lambda i: (0, 0)),
        ],
        out_specs=[
            pl.BlockSpec((block_r, n), lambda i: (i, 0)),
            pl.BlockSpec((block_r, 128), lambda i: (i, 0)),
        ],
        out_shape=[
            jax.ShapeDtypeStruct((n, n), jnp.float32),
            jax.ShapeDtypeStruct((n, 128), jnp.float32),
        ],
    )(x, x)



def _scan_sc_body(dist_hbm, thr_hbm, ck_hbm, cv_hbm,
                  dbuf, tbuf, okbuf, ovbuf, isem, osem, *,
                  rows_per_worker: int, n: int):
    num_cores = 2
    wid = lax.axis_index("s") * num_cores + lax.axis_index("c")
    base = wid * rows_per_worker
    slots = rows_per_worker // _BATCH

    def start_in(slot, b):
        r0 = base + slot * _BATCH
        for k in range(_BATCH):
            pltpu.make_async_copy(dist_hbm.at[r0 + k], dbuf[b][k],
                                  isem[b]).start()
            pltpu.make_async_copy(thr_hbm.at[r0 + k], tbuf[b][k],
                                  isem[b]).start()

    def wait_in(b):
        for k in range(_BATCH):
            pltpu.make_async_copy(dist_hbm.at[base], dbuf[b][k],
                                  isem[b]).wait()
            pltpu.make_async_copy(thr_hbm.at[base], tbuf[b][k],
                                  isem[b]).wait()

    def start_out(slot, b):
        r0 = base + slot * _BATCH
        for k in range(_BATCH):
            pltpu.make_async_copy(okbuf[b][k], ck_hbm.at[r0 + k],
                                  osem[b]).start()
            pltpu.make_async_copy(ovbuf[b][k], cv_hbm.at[r0 + k],
                                  osem[b]).start()

    def wait_out(b):
        for k in range(_BATCH):
            pltpu.make_async_copy(okbuf[b][k], ck_hbm.at[base],
                                  osem[b]).wait()
            pltpu.make_async_copy(ovbuf[b][k], cv_hbm.at[base],
                                  osem[b]).wait()

    start_in(0, 0)
    inf_vec = jnp.full((16,), jnp.inf, jnp.float32)
    iota16 = lax.broadcasted_iota(jnp.int32, (16,), 0)
    lim = jnp.int32(_CAP - 16)

    def body(i2, carry):
        for b in range(2):
            slot = i2 * 2 + b
            nb = 1 - b

            @pl.when(slot + 1 < slots)
            def _():
                start_in(slot + 1, nb)

            wait_in(b)

            @pl.when(slot >= 2)
            def _():
                wait_out(b)

            for k in range(_BATCH):
                for w in range(_CAP // 16):
                    okbuf[b][k][pl.ds(w * 16, 16)] = inf_vec

            tvecs = [tbuf[b][k][pl.ds(0, 16)] for k in range(_BATCH)]

            def quad(q, ptrs):
                for d in range(4):
                    jo = q * 4 + d
                    off = jo * 16
                    new = []
                    for k in range(_BATCH):
                        v = dbuf[b][k][pl.ds(off, 16)]
                        msk = v <= tvecs[k]
                        cnt = jnp.sum(msk.astype(jnp.int32))
                        p = jnp.minimum(ptrs[k], lim)
                        plsc.store_compressed(
                            okbuf[b][k].at[pl.ds(p, 16)], v, mask=msk)
                        plsc.store_compressed(
                            ovbuf[b][k].at[pl.ds(p, 16)], iota16 + off,
                            mask=msk)
                        new.append(ptrs[k] + cnt)
                    ptrs = tuple(new)
                return ptrs

            z = jnp.int32(0)
            lax.fori_loop(0, n // 16 // 4, quad, (z,) * _BATCH)
            start_out(slot, b)
        return carry

    lax.fori_loop(0, slots // 2, body, 0)
    wait_out(0)
    wait_out(1)


def _stage2(dist, thr, n):
    num_workers = 32
    rows_per_worker = n // num_workers
    mesh = plsc.VectorSubcoreMesh(core_axis_name="c", subcore_axis_name="s",
                                  num_cores=2, num_subcores=16)
    f = pl.kernel(
        functools.partial(_scan_sc_body, rows_per_worker=rows_per_worker,
                          n=n),
        out_type=(jax.ShapeDtypeStruct((n, _CAP), jnp.float32),
                  jax.ShapeDtypeStruct((n, _CAP), jnp.int32)),
        mesh=mesh,
        compiler_params=pltpu.CompilerParams(needs_layout_passes=False),
        scratch_types=[
            [[pltpu.VMEM((n,), jnp.float32) for _ in range(_BATCH)]
             for _ in range(2)],
            [[pltpu.VMEM((128,), jnp.float32) for _ in range(_BATCH)]
             for _ in range(2)],
            [[pltpu.VMEM((_CAP,), jnp.float32) for _ in range(_BATCH)]
             for _ in range(2)],
            [[pltpu.VMEM((_CAP,), jnp.int32) for _ in range(_BATCH)]
             for _ in range(2)],
            [pltpu.SemaphoreType.DMA for _ in range(2)],
            [pltpu.SemaphoreType.DMA for _ in range(2)],
        ],
    )
    return f(dist, thr)



def _final_body(ck_ref, cv_ref, out_ref, *, block_r: int):
    big = jnp.int32(2**30)
    inf = jnp.float32(jnp.inf)
    keys = jnp.concatenate(
        [ck_ref[...], jnp.full((block_r, 128 - _CAP), inf, jnp.float32)],
        axis=1)
    idx = jnp.concatenate(
        [cv_ref[...], jnp.full((block_r, 128 - _CAP), big, jnp.int32)],
        axis=1)
    lane = lax.broadcasted_iota(jnp.int32, (block_r, 128), 1)
    acc = jnp.zeros((block_r, 128), jnp.int32)
    for t in range(_K):
        m = jnp.min(keys, axis=1)
        eq = keys == m[:, None]
        sel = jnp.min(jnp.where(eq, idx, big), axis=1)
        acc = acc + jnp.where(lane == t, sel[:, None], 0)
        if t + 1 < _K:
            keys = jnp.where(eq & (idx == sel[:, None]), inf, keys)
    out_ref[...] = acc[:, :_K]


def _stage3(ck, cv, n, block_r: int = 1024):
    grid = n // block_r
    return pl.pallas_call(
        functools.partial(_final_body, block_r=block_r),
        grid=(grid,),
        in_specs=[
            pl.BlockSpec((block_r, _CAP), lambda i: (i, 0)),
            pl.BlockSpec((block_r, _CAP), lambda i: (i, 0)),
        ],
        out_specs=pl.BlockSpec((block_r, _K), lambda i: (i, 0)),
        out_shape=jax.ShapeDtypeStruct((n, _K), jnp.int32),
    )(ck, cv)


def kernel(x, k):
    del k
    n, _ = x.shape
    dist, thr = _stage1(x)
    ck, cv = _stage2(dist, thr, n)
    return _stage3(ck, cv, n)

# --- scband reference (transcript-rebuilt; emitter-appended) ---
"""Pipeline reference for scband-knngraph-4406636445921 (READ-ONLY COPY).

The authoritative reference and input builder live on the scoring server;
editing this copy changes nothing except your own understanding.
"""

import jax, jax.numpy as jnp
from jax import lax
import numpy as np


def setup_inputs(seed: int = 0) -> dict:
    key = jax.random.key(seed)
    x = jax.random.normal(key, (8192, 64), dtype=jnp.float32)
    return {"x": x, "k": 16}


def reference(x, k):
    # torch.cdist(x, x) with p=2 (euclidean), via the |a|^2 + |b|^2 - 2ab identity
    x2 = jnp.sum(x * x, axis=1)
    d2 = x2[:, None] + x2[None, :] - 2.0 * (x @ x.T)
    dist = jnp.sqrt(jnp.maximum(d2, 0.0))
    # torch.sort(dist, dim=1).indices -> argsort each row ascending
    order = jnp.argsort(dist, axis=1)
    # drop self-match (column 0), keep k nearest neighbors; slice size is the
    # known constant (16) while the traced k supplies the start offset
    start = jnp.minimum(k, 1)
    indices = lax.dynamic_slice_in_dim(order, start, 16, axis=1)
    return indices

if __name__ == "__main__":
    import jax
    _d = setup_inputs()
    print(jax.jit(kernel)(*tuple(_d.values())))

</pallas_src>

<mosaic_0001>
#map = affine_map<(d0, d1) -> (0, 0)>
module attributes {stable_mosaic.version = 14 : i64} {
  func.func @_scan_sc_body(%arg0: i32, %arg1: i32, %arg2: memref<8192x8192xf32, #tpu.memory_space<hbm>>, %arg3: memref<8192x128xf32, #tpu.memory_space<hbm>>, %arg4: memref<8192x64xf32, #tpu.memory_space<hbm>>, %arg5: memref<8192x64xi32, #tpu.memory_space<hbm>>, %arg6: memref<8192xf32, #tpu.memory_space<vmem>>, %arg7: memref<8192xf32, #tpu.memory_space<vmem>>, %arg8: memref<8192xf32, #tpu.memory_space<vmem>>, %arg9: memref<8192xf32, #tpu.memory_space<vmem>>, %arg10: memref<8192xf32, #tpu.memory_space<vmem>>, %arg11: memref<8192xf32, #tpu.memory_space<vmem>>, %arg12: memref<8192xf32, #tpu.memory_space<vmem>>, %arg13: memref<8192xf32, #tpu.memory_space<vmem>>, %arg14: memref<128xf32, #tpu.memory_space<vmem>>, %arg15: memref<128xf32, #tpu.memory_space<vmem>>, %arg16: memref<128xf32, #tpu.memory_space<vmem>>, %arg17: memref<128xf32, #tpu.memory_space<vmem>>, %arg18: memref<128xf32, #tpu.memory_space<vmem>>, %arg19: memref<128xf32, #tpu.memory_space<vmem>>, %arg20: memref<128xf32, #tpu.memory_space<vmem>>, %arg21: memref<128xf32, #tpu.memory_space<vmem>>, %arg22: memref<64xf32, #tpu.memory_space<vmem>>, %arg23: memref<64xf32, #tpu.memory_space<vmem>>, %arg24: memref<64xf32, #tpu.memory_space<vmem>>, %arg25: memref<64xf32, #tpu.memory_space<vmem>>, %arg26: memref<64xf32, #tpu.memory_space<vmem>>, %arg27: memref<64xf32, #tpu.memory_space<vmem>>, %arg28: memref<64xf32, #tpu.memory_space<vmem>>, %arg29: memref<64xf32, #tpu.memory_space<vmem>>, %arg30: memref<64xi32, #tpu.memory_space<vmem>>, %arg31: memref<64xi32, #tpu.memory_space<vmem>>, %arg32: memref<64xi32, #tpu.memory_space<vmem>>, %arg33: memref<64xi32, #tpu.memory_space<vmem>>, %arg34: memref<64xi32, #tpu.memory_space<vmem>>, %arg35: memref<64xi32, #tpu.memory_space<vmem>>, %arg36: memref<64xi32, #tpu.memory_space<vmem>>, %arg37: memref<64xi32, #tpu.memory_space<vmem>>, %arg38: memref<!tpu.dma_semaphore, #tpu.memory_space<semaphore_mem>>, %arg39: memref<!tpu.dma_semaphore, #tpu.memory_space<semaphore_mem>>, %arg40: memref<!tpu.dma_semaphore, #tpu.memory_space<semaphore_mem>>, %arg41: memref<!tpu.dma_semaphore, #tpu.memory_space<semaphore_mem>>) attributes {dimension_semantics = [#tpu.dimension_semantics<core_parallel>, #tpu.dimension_semantics<subcore_parallel>], iteration_bounds = array<i64: 2, 16>, scalar_prefetch = 0 : i64, scratch_operands = 36 : i64, tpu.core_type = #tpu.core_type<sc_vector_subcore>, window_params = [{transform_indices = #map}, {transform_indices = #map}, {transform_indices = #map}, {transform_indices = #map}]} {
    %mul3A = arith.constant 2 : i32
    %mul3A_0 = arith.muli %arg1, %mul3A : i32
    %add3A = arith.addi %mul3A_0, %arg0 : i32
    %mul3A_1 = arith.constant 256 : i32
    %mul3A_2 = arith.muli %add3A, %mul3A_1 : i32
    %add3A_3 = arith.constant 0 : i32
    %add3A_4 = arith.addi %mul3A_2, %add3A_3 : i32
    %add3A_5 = arith.constant 0 : i32
    %add3A_6 = arith.addi %add3A_4, %add3A_5 : i32
    %dma_start3A = arith.constant 0 : i32
    %dma_start3A_7 = tpu.memref_slice %arg2[%add3A_6, %dma_start3A] : memref<8192x8192xf32, #tpu.memory_space<hbm>> -> memref<1x8192xf32, #tpu.memory_space<hbm>>
    %dma_start3A_8 = tpu.memref_squeeze %dma_start3A_7 : memref<1x8192xf32, #tpu.memory_space<hbm>> -> memref<8192xf32, #tpu.memory_space<hbm>>
    %dma_start3A_9 = arith.constant 0 : i32
    %dma_start3A_10 = tpu.memref_slice %arg2[%add3A_6, %dma_start3A_9] : memref<8192x8192xf32, #tpu.memory_space<hbm>> -> memref<1x8192xf32, #tpu.memory_space<hbm>>
    %dma_start3A_11 = tpu.memref_squeeze %dma_start3A_10 : memref<1x8192xf32, #tpu.memory_space<hbm>> -> memref<8192xf32, #tpu.memory_space<hbm>>
    tpu.enqueue_dma source(%dma_start3A_11 : memref<8192xf32, #tpu.memory_space<hbm>>) target(%arg6 : memref<8192xf32, #tpu.memory_space<vmem>>) target_semaphore(%arg38 : memref<!tpu.dma_semaphore, #tpu.memory_space<semaphore_mem>>)
    %add3A_12 = arith.constant 0 : i32
    %add3A_13 = arith.addi %add3A_4, %add3A_12 : i32
    %dma_start3A_14 = arith.constant 0 : i32
    %dma_start3A_15 = tpu.memref_slice %arg3[%add3A_13, %dma_start3A_14] : memref<8192x128xf32, #tpu.memory_space<hbm>> -> memref<1x128xf32, #tpu.memory_space<hbm>>
    %dma_start3A_16 = tpu.memref_squeeze %dma_start3A_15 : memref<1x128xf32, #tpu.memory_space<hbm>> -> memref<128xf32, #tpu.memory_space<hbm>>
    %dma_start3A_17 = arith.constant 0 : i32
    %dma_start3A_18 = tpu.memref_slice %arg3[%add3A_13, %dma_start3A_17] : memref<8192x128xf32, #tpu.memory_space<hbm>> -> memref<1x128xf32, #tpu.memory_space<hbm>>
    %dma_start3A_19 = tpu.memref_squeeze %dma_start3A_18 : memref<1x128xf32, #tpu.memory_space<hbm>> -> memref<128xf32, #tpu.memory_space<hbm>>
    tpu.enqueue_dma source(%dma_start3A_19 : memref<128xf32, #tpu.memory_space<hbm>>) target(%arg14 : memref<128xf32, #tpu.memory_space<vmem>>) target_semaphore(%arg38 : memref<!tpu.dma_semaphore, #tpu.memory_space<semaphore_mem>>)
    %add3A_20 = arith.constant 1 : i32
    %add3A_21 = arith.addi %add3A_4, %add3A_20 : i32
    %dma_start3A_22 = arith.constant 0 : i32
    %dma_start3A_23 = tpu.memref_slice %arg2[%add3A_21, %dma_start3A_22] : memref<8192x8192xf32, #tpu.memory_space<hbm>> -> memref<1x8192xf32, #tpu.memory_space<hbm>>
    %dma_start3A_24 = tpu.memref_squeeze %dma_start3A_23 : memref<1x8192xf32, #tpu.memory_space<hbm>> -> memref<8192xf32, #tpu.memory_space<hbm>>
    %dma_start3A_25 = arith.constant 0 : i32
    %dma_start3A_26 = tpu.memref_slice %arg2[%add3A_21, %dma_start3A_25] : memref<8192x8192xf32, #tpu.memory_space<hbm>> -> memref<1x8192xf32, #tpu.memory_space<hbm>>
    %dma_start3A_27 = tpu.memref_squeeze %dma_start3A_26 : memref<1x8192xf32, #tpu.memory_space<hbm>> -> memref<8192xf32, #tpu.memory_space<hbm>>
    tpu.enqueue_dma source(%dma_start3A_27 : memref<8192xf32, #tpu.memory_space<hbm>>) target(%arg7 : memref<8192xf32, #tpu.memory_space<vmem>>) target_semaphore(%arg38 : memref<!tpu.dma_semaphore, #tpu.memory_space<semaphore_mem>>)
    %add3A_28 = arith.constant 1 : i32
    %add3A_29 = arith.addi %add3A_4, %add3A_28 : i32
    %dma_start3A_30 = arith.constant 0 : i32
    %dma_start3A_31 = tpu.memref_slice %arg3[%add3A_29, %dma_start3A_30] : memref<8192x128xf32, #tpu.memory_space<hbm>> -> memref<1x128xf32, #tpu.memory_space<hbm>>
    %dma_start3A_32 = tpu.memref_squeeze %dma_start3A_31 : memref<1x128xf32, #tpu.memory_space<hbm>> -> memref<128xf32, #tpu.memory_space<hbm>>
    %dma_start3A_33 = arith.constant 0 : i32
    %dma_start3A_34 = tpu.memref_slice %arg3[%add3A_29, %dma_start3A_33] : memref<8192x128xf32, #tpu.memory_space<hbm>> -> memref<1x128xf32, #tpu.memory_space<hbm>>
    %dma_start3A_35 = tpu.memref_squeeze %dma_start3A_34 : memref<1x128xf32, #tpu.memory_space<hbm>> -> memref<128xf32, #tpu.memory_space<hbm>>
    tpu.enqueue_dma source(%dma_start3A_35 : memref<128xf32, #tpu.memory_space<hbm>>) target(%arg15 : memref<128xf32, #tpu.memory_space<vmem>>) target_semaphore(%arg38 : memref<!tpu.dma_semaphore, #tpu.memory_space<semaphore_mem>>)
    %add3A_36 = arith.constant 2 : i32
    %add3A_37 = arith.addi %add3A_4, %add3A_36 : i32
    %dma_start3A_38 = arith.constant 0 : i32
    %dma_start3A_39 = tpu.memref_slice %arg2[%add3A_37, %dma_start3A_38] : memref<8192x8192xf32, #tpu.memory_space<hbm>> -> memref<1x8192xf32, #tpu.memory_space<hbm>>
    %dma_start3A_40 = tpu.memref_squeeze %dma_start3A_39 : memref<1x8192xf32, #tpu.memory_space<hbm>> -> memref<8192xf32, #tpu.memory_space<hbm>>
    %dma_start3A_41 = arith.constant 0 : i32
    %dma_start3A_42 = tpu.memref_slice %arg2[%add3A_37, %dma_start3A_41] : memref<8192x8192xf32, #tpu.memory_space<hbm>> -> memref<1x8192xf32, #tpu.memory_space<hbm>>
    %dma_start3A_43 = tpu.memref_squeeze %dma_start3A_42 : memref<1x8192xf32, #tpu.memory_space<hbm>> -> memref<8192xf32, #tpu.memory_space<hbm>>
    tpu.enqueue_dma source(%dma_start3A_43 : memref<8192xf32, #tpu.memory_space<hbm>>) target(%arg8 : memref<8192xf32, #tpu.memory_space<vmem>>) target_semaphore(%arg38 : memref<!tpu.dma_semaphore, #tpu.memory_space<semaphore_mem>>)
    %add3A_44 = arith.constant 2 : i32
    %add3A_45 = arith.addi %add3A_4, %add3A_44 : i32
    %dma_start3A_46 = arith.constant 0 : i32
    %dma_start3A_47 = tpu.memref_slice %arg3[%add3A_45, %dma_start3A_46] : memref<8192x128xf32, #tpu.memory_space<hbm>> -> memref<1x128xf32, #tpu.memory_space<hbm>>
    %dma_start3A_48 = tpu.memref_squeeze %dma_start3A_47 : memref<1x128xf32, #tpu.memory_space<hbm>> -> memref<128xf32, #tpu.memory_space<hbm>>
    %dma_start3A_49 = arith.constant 0 : i32
    %dma_start3A_50 = tpu.memref_slice %arg3[%add3A_45, %dma_start3A_49] : memref<8192x128xf32, #tpu.memory_space<hbm>> -> memref<1x128xf32, #tpu.memory_space<hbm>>
    %dma_start3A_51 = tpu.memref_squeeze %dma_start3A_50 : memref<1x128xf32, #tpu.memory_space<hbm>> -> memref<128xf32, #tpu.memory_space<hbm>>
    tpu.enqueue_dma source(%dma_start3A_51 : memref<128xf32, #tpu.memory_space<hbm>>) target(%arg16 : memref<128xf32, #tpu.memory_space<vmem>>) target_semaphore(%arg38 : memref<!tpu.dma_semaphore, #tpu.memory_space<semaphore_mem>>)
    %add3A_52 = arith.constant 3 : i32
    %add3A_53 = arith.addi %add3A_4, %add3A_52 : i32
    %dma_start3A_54 = arith.constant 0 : i32
    %dma_start3A_55 = tpu.memref_slice %arg2[%add3A_53, %dma_start3A_54] : memref<8192x8192xf32, #tpu.memory_space<hbm>> -> memref<1x8192xf32, #tpu.memory_space<hbm>>
    %dma_start3A_56 = tpu.memref_squeeze %dma_start3A_55 : memref<1x8192xf32, #tpu.memory_space<hbm>> -> memref<8192xf32, #tpu.memory_space<hbm>>
    %dma_start3A_57 = arith.constant 0 : i32
    %dma_start3A_58 = tpu.memref_slice %arg2[%add3A_53, %dma_start3A_57] : memref<8192x8192xf32, #tpu.memory_space<hbm>> -> memref<1x8192xf32, #tpu.memory_space<hbm>>
    %dma_start3A_59 = tpu.memref_squeeze %dma_start3A_58 : memref<1x8192xf32, #tpu.memory_space<hbm>> -> memref<8192xf32, #tpu.memory_space<hbm>>
    tpu.enqueue_dma source(%dma_start3A_59 : memref<8192xf32, #tpu.memory_space<hbm>>) target(%arg9 : memref<8192xf32, #tpu.memory_space<vmem>>) target_semaphore(%arg38 : memref<!tpu.dma_semaphore, #tpu.memory_space<semaphore_mem>>)
    %add3A_60 = arith.constant 3 : i32
    %add3A_61 = arith.addi %add3A_4, %add3A_60 : i32
    %dma_start3A_62 = arith.constant 0 : i32
    %dma_start3A_63 = tpu.memref_slice %arg3[%add3A_61, %dma_start3A_62] : memref<8192x128xf32, #tpu.memory_space<hbm>> -> memref<1x128xf32, #tpu.memory_space<hbm>>
    %dma_start3A_64 = tpu.memref_squeeze %dma_start3A_63 : memref<1x128xf32, #tpu.memory_space<hbm>> -> memref<128xf32, #tpu.memory_space<hbm>>
    %dma_start3A_65 = arith.constant 0 : i32
    %dma_start3A_66 = tpu.memref_slice %arg3[%add3A_61, %dma_start3A_65] : memref<8192x128xf32, #tpu.memory_space<hbm>> -> memref<1x128xf32, #tpu.memory_space<hbm>>
    %dma_start3A_67 = tpu.memref_squeeze %dma_start3A_66 : memref<1x128xf32, #tpu.memory_space<hbm>> -> memref<128xf32, #tpu.memory_space<hbm>>
    tpu.enqueue_dma source(%dma_start3A_67 : memref<128xf32, #tpu.memory_space<hbm>>) target(%arg17 : memref<128xf32, #tpu.memory_space<vmem>>) target_semaphore(%arg38 : memref<!tpu.dma_semaphore, #tpu.memory_space<semaphore_mem>>)
    %broadcast_in_dim3A = arith.constant 0x7F800000 : f32
    %broadcast_in_dim3A_68 = vector.broadcast %broadcast_in_dim3A : f32 to vector<16xf32>
    %iota3A = tpu.iota {dimensions = array<i32: 0>} : vector<16xi32>
    %scan3A = arith.constant 0 : i32
    %scan3A_69 = arith.constant 48 : i32
    %scan3A_70 = arith.constant 0 : i32
    %scan3A_71 = arith.constant 32 : i32
    %scan3A_72 = arith.addi %scan3A_70, %scan3A_71 : i32
    %scan3A_73 = arith.constant 1 : i32
    scf.for %scan3A_170 = %scan3A_70 to %scan3A_72 step %scan3A_73  : i32 {
      %mul3A_171 = arith.constant 2 : i32
      %mul3A_172 = arith.muli %scan3A_170, %mul3A_171 : i32
      %add3A_173 = arith.constant 0 : i32
      %add3A_174 = arith.addi %mul3A_172, %add3A_173 : i32
      %add3A_175 = arith.constant 1 : i32
      %add3A_176 = arith.addi %add3A_174, %add3A_175 : i32
      %lt3A = arith.constant 64 : i32
      %lt3A_177 = arith.cmpi slt, %add3A_176, %lt3A : i32
      %convert_element_type3A = arith.extui %lt3A_177 : i1 to i32
      %cond3A = arith.constant 0 : i32
      %cond3A_178 = arith.cmpi ne, %convert_element_type3A, %cond3A : i32
      scf.if %cond3A_178 {
        %add3A_527 = arith.constant 1 : i32
        %add3A_528 = arith.addi %add3A_174, %add3A_527 : i32
        %mul3A_529 = arith.constant 4 : i32
        %mul3A_530 = arith.muli %add3A_528, %mul3A_529 : i32
        %add3A_531 = arith.addi %mul3A_2, %mul3A_530 : i32
        %add3A_532 = arith.constant 0 : i32
        %add3A_533 = arith.addi %add3A_531, %add3A_532 : i32
        %dma_start3A_534 = arith.constant 0 : i32
        %dma_start3A_535 = tpu.memref_slice %arg2[%add3A_533, %dma_start3A_534] : memref<8192x8192xf32, #tpu.memory_space<hbm>> -> memref<1x8192xf32, #tpu.memory_space<hbm>>
        %dma_start3A_536 = tpu.memref_squeeze %dma_start3A_535 : memref<1x8192xf32, #tpu.memory_space<hbm>> -> memref<8192xf32, #tpu.memory_space<hbm>>
        %dma_start3A_537 = arith.constant 0 : i32
        %dma_start3A_538 = tpu.memref_slice %arg2[%add3A_533, %dma_start3A_537] : memref<8192x8192xf32, #tpu.memory_space<hbm>> -> memref<1x8192xf32, #tpu.memory_space<hbm>>
        %dma_start3A_539 = tpu.memref_squeeze %dma_start3A_538 : memref<1x8192xf32, #tpu.memory_space<hbm>> -> memref<8192xf32, #tpu.memory_space<hbm>>
        tpu.enqueue_dma source(%dma_start3A_539 : memref<8192xf32, #tpu.memory_space<hbm>>) target(%arg10 : memref<8192xf32, #tpu.memory_space<vmem>>) target_semaphore(%arg39 : memref<!tpu.dma_semaphore, #tpu.memory_space<semaphore_mem>>)
        %add3A_540 = arith.constant 0 : i32
        %add3A_541 = arith.addi %add3A_531, %add3A_540 : i32
        %dma_start3A_542 = arith.constant 0 : i32
        %dma_start3A_543 = tpu.memref_slice %arg3[%add3A_541, %dma_start3A_542] : memref<8192x128xf32, #tpu.memory_space<hbm>> -> memref<1x128xf32, #tpu.memory_space<hbm>>
        %dma_start3A_544 = tpu.memref_squeeze %dma_start3A_543 : memref<1x128xf32, #tpu.memory_space<hbm>> -> memref<128xf32, #tpu.memory_space<hbm>>
        %dma_start3A_545 = arith.constant 0 : i32
        %dma_start3A_546 = tpu.memref_slice %arg3[%add3A_541, %dma_start3A_545] : memref<8192x128xf32, #tpu.memory_space<hbm>> -> memref<1x128xf32, #tpu.memory_space<hbm>>
        %dma_start3A_547 = tpu.memref_squeeze %dma_start3A_546 : memref<1x128xf32, #tpu.memory_space<hbm>> -> memref<128xf32, #tpu.memory_space<hbm>>
        tpu.enqueue_dma source(%dma_start3A_547 : memref<128xf32, #tpu.memory_space<hbm>>) target(%arg18 : memref<128xf32, #tpu.memory_space<vmem>>) target_semaphore(%arg39 : memref<!tpu.dma_semaphore, #tpu.memory_space<semaphore_mem>>)
        %add3A_548 = arith.constant 1 : i32
        %add3A_549 = arith.addi %add3A_531, %add3A_548 : i32
        %dma_start3A_550 = arith.constant 0 : i32
        %dma_start3A_551 = tpu.memref_slice %arg2[%add3A_549, %dma_start3A_550] : memref<8192x8192xf32, #tpu.memory_space<hbm>> -> memref<1x8192xf32, #tpu.memory_space<hbm>>
        %dma_start3A_552 = tpu.memref_squeeze %dma_start3A_551 : memref<1x8192xf32, #tpu.memory_space<hbm>> -> memref<8192xf32, #tpu.memory_space<hbm>>
        %dma_start3A_553 = arith.constant 0 : i32
        %dma_start3A_554 = tpu.memref_slice %arg2[%add3A_549, %dma_start3A_553] : memref<8192x8192xf32, #tpu.memory_space<hbm>> -> memref<1x8192xf32, #tpu.memory_space<hbm>>
        %dma_start3A_555 = tpu.memref_squeeze %dma_start3A_554 : memref<1x8192xf32, #tpu.memory_space<hbm>> -> memref<8192xf32, #tpu.memory_space<hbm>>
        tpu.enqueue_dma source(%dma_start3A_555 : memref<8192xf32, #tpu.memory_space<hbm>>) target(%arg11 : memref<8192xf32, #tpu.memory_space<vmem>>) target_semaphore(%arg39 : memref<!tpu.dma_semaphore, #tpu.memory_space<semaphore_mem>>)
        %add3A_556 = arith.constant 1 : i32
        %add3A_557 = arith.addi %add3A_531, %add3A_556 : i32
        %dma_start3A_558 = arith.constant 0 : i32
        %dma_start3A_559 = tpu.memref_slice %arg3[%add3A_557, %dma_start3A_558] : memref<8192x128xf32, #tpu.memory_space<hbm>> -> memref<1x128xf32, #tpu.memory_space<hbm>>
        %dma_start3A_560 = tpu.memref_squeeze %dma_start3A_559 : memref<1x128xf32, #tpu.memory_space<hbm>> -> memref<128xf32, #tpu.memory_space<hbm>>
        %dma_start3A_561 = arith.constant 0 : i32
        %dma_start3A_562 = tpu.memref_slice %arg3[%add3A_557, %dma_start3A_561] : memref<8192x128xf32, #tpu.memory_space<hbm>> -> memref<1x128xf32, #tpu.memory_space<hbm>>
        %dma_start3A_563 = tpu.memref_squeeze %dma_start3A_562 : memref<1x128xf32, #tpu.memory_space<hbm>> -> memref<128xf32, #tpu.memory_space<hbm>>
        tpu.enqueue_dma source(%dma_start3A_563 : memref<128xf32, #tpu.memory_space<hbm>>) target(%arg19 : memref<128xf32, #tpu.memory_space<vmem>>) target_semaphore(%arg39 : memref<!tpu.dma_semaphore, #tpu.memory_space<semaphore_mem>>)
        %add3A_564 = arith.constant 2 : i32
        %add3A_565 = arith.addi %add3A_531, %add3A_564 : i32
        %dma_start3A_566 = arith.constant 0 : i32
        %dma_start3A_567 = tpu.memref_slice %arg2[%add3A_565, %dma_start3A_566] : memref<8192x8192xf32, #tpu.memory_space<hbm>> -> memref<1x8192xf32, #tpu.memory_space<hbm>>
        %dma_start3A_568 = tpu.memref_squeeze %dma_start3A_567 : memref<1x8192xf32, #tpu.memory_space<hbm>> -> memref<8192xf32, #tpu.memory_space<hbm>>
        %dma_start3A_569 = arith.constant 0 : i32
        %dma_start3A_570 = tpu.memref_slice %arg2[%add3A_565, %dma_start3A_569] : memref<8192x8192xf32, #tpu.memory_space<hbm>> -> memref<1x8192xf32, #tpu.memory_space<hbm>>
        %dma_start3A_571 = tpu.memref_squeeze %dma_start3A_570 : memref<1x8192xf32, #tpu.memory_space<hbm>> -> memref<8192xf32, #tpu.memory_space<hbm>>
        tpu.enqueue_dma source(%dma_start3A_571 : memref<8192xf32, #tpu.memory_space<hbm>>) target(%arg12 : memref<8192xf32, #tpu.memory_space<vmem>>) target_semaphore(%arg39 : memref<!tpu.dma_semaphore, #tpu.memory_space<semaphore_mem>>)
        %add3A_572 = arith.constant 2 : i32
        %add3A_573 = arith.addi %add3A_531, %add3A_572 : i32
        %dma_start3A_574 = arith.constant 0 : i32
        %dma_start3A_575 = tpu.memref_slice %arg3[%add3A_573, %dma_start3A_574] : memref<8192x128xf32, #tpu.memory_space<hbm>> -> memref<1x128xf32, #tpu.memory_space<hbm>>
        %dma_start3A_576 = tpu.memref_squeeze %dma_start3A_575 : memref<1x128xf32, #tpu.memory_space<hbm>> -> memref<128xf32, #tpu.memory_space<hbm>>
        %dma_start3A_577 = arith.constant 0 : i32
        %dma_start3A_578 = tpu.memref_slice %arg3[%add3A_573, %dma_start3A_577] : memref<8192x128xf32, #tpu.memory_space<hbm>> -> memref<1x128xf32, #tpu.memory_space<hbm>>
        %dma_start3A_579 = tpu.memref_squeeze %dma_start3A_578 : memref<1x128xf32, #tpu.memory_space<hbm>> -> memref<128xf32, #tpu.memory_space<hbm>>
        tpu.enqueue_dma source(%dma_start3A_579 : memref<128xf32, #tpu.memory_space<hbm>>) target(%arg20 : memref<128xf32, #tpu.memory_space<vmem>>) target_semaphore(%arg39 : memref<!tpu.dma_semaphore, #tpu.memory_space<semaphore_mem>>)
        %add3A_580 = arith.constant 3 : i32
        %add3A_581 = arith.addi %add3A_531, %add3A_580 : i32
        %dma_start3A_582 = arith.constant 0 : i32
        %dma_start3A_583 = tpu.memref_slice %arg2[%add3A_581, %dma_start3A_582] : memref<8192x8192xf32, #tpu.memory_space<hbm>> -> memref<1x8192xf32, #tpu.memory_space<hbm>>
        %dma_start3A_584 = tpu.memref_squeeze %dma_start3A_583 : memref<1x8192xf32, #tpu.memory_space<hbm>> -> memref<8192xf32, #tpu.memory_space<hbm>>
        %dma_start3A_585 = arith.constant 0 : i32
        %dma_start3A_586 = tpu.memref_slice %arg2[%add3A_581, %dma_start3A_585] : memref<8192x8192xf32, #tpu.memory_space<hbm>> -> memref<1x8192xf32, #tpu.memory_space<hbm>>
        %dma_start3A_587 = tpu.memref_squeeze %dma_start3A_586 : memref<1x8192xf32, #tpu.memory_space<hbm>> -> memref<8192xf32, #tpu.memory_space<hbm>>
        tpu.enqueue_dma source(%dma_start3A_587 : memref<8192xf32, #tpu.memory_space<hbm>>) target(%arg13 : memref<8192xf32, #tpu.memory_space<vmem>>) target_semaphore(%arg39 : memref<!tpu.dma_semaphore, #tpu.memory_space<semaphore_mem>>)
        %add3A_588 = arith.constant 3 : i32
        %add3A_589 = arith.addi %add3A_531, %add3A_588 : i32
        %dma_start3A_590 = arith.constant 0 : i32
        %dma_start3A_591 = tpu.memref_slice %arg3[%add3A_589, %dma_start3A_590] : memref<8192x128xf32, #tpu.memory_space<hbm>> -> memref<1x128xf32, #tpu.memory_space<hbm>>
        %dma_start3A_592 = tpu.memref_squeeze %dma_start3A_591 : memref<1x128xf32, #tpu.memory_space<hbm>> -> memref<128xf32, #tpu.memory_space<hbm>>
        %dma_start3A_593 = arith.constant 0 : i32
        %dma_start3A_594 = tpu.memref_slice %arg3[%add3A_589, %dma_start3A_593] : memref<8192x128xf32, #tpu.memory_space<hbm>> -> memref<1x128xf32, #tpu.memory_space<hbm>>
        %dma_start3A_595 = tpu.memref_squeeze %dma_start3A_594 : memref<1x128xf32, #tpu.memory_space<hbm>> -> memref<128xf32, #tpu.memory_space<hbm>>
        tpu.enqueue_dma source(%dma_start3A_595 : memref<128xf32, #tpu.memory_space<hbm>>) target(%arg21 : memref<128xf32, #tpu.memory_space<vmem>>) target_semaphore(%arg39 : memref<!tpu.dma_semaphore, #tpu.memory_space<semaphore_mem>>)
      } else {
      }
      %dma_wait3A_179 = arith.constant 0 : i32
      %dma_wait3A_180 = tpu.memref_slice %arg2[%mul3A_2, %dma_wait3A_179] : memref<8192x8192xf32, #tpu.memory_space<hbm>> -> memref<1x8192xf32, #tpu.memory_space<hbm>>
      %dma_wait3A_181 = tpu.memref_squeeze %dma_wait3A_180 : memref<1x8192xf32, #tpu.memory_space<hbm>> -> memref<8192xf32, #tpu.memory_space<hbm>>
      %dma_wait3A_182 = arith.constant 0 : i32
      %dma_wait3A_183 = tpu.memref_slice %arg2[%mul3A_2, %dma_wait3A_182] : memref<8192x8192xf32, #tpu.memory_space<hbm>> -> memref<1x8192xf32, #tpu.memory_space<hbm>>
      %dma_wait3A_184 = tpu.memref_squeeze %dma_wait3A_183 : memref<1x8192xf32, #tpu.memory_space<hbm>> -> memref<8192xf32, #tpu.memory_space<hbm>>
      tpu.wait_dma2 semaphore(%arg38 : memref<!tpu.dma_semaphore, #tpu.memory_space<semaphore_mem>>) src(%dma_wait3A_184 : memref<8192xf32, #tpu.memory_space<hbm>>) dst(%arg6 : memref<8192xf32, #tpu.memory_space<vmem>>)
      %dma_wait3A_185 = arith.constant 0 : i32
      %dma_wait3A_186 = tpu.memref_slice %arg3[%mul3A_2, %dma_wait3A_185] : memref<8192x128xf32, #tpu.memory_space<hbm>> -> memref<1x128xf32, #tpu.memory_space<hbm>>
      %dma_wait3A_187 = tpu.memref_squeeze %dma_wait3A_186 : memref<1x128xf32, #tpu.memory_space<hbm>> -> memref<128xf32, #tpu.memory_space<hbm>>
      %dma_wait3A_188 = arith.constant 0 : i32
      %dma_wait3A_189 = tpu.memref_slice %arg3[%mul3A_2, %dma_wait3A_188] : memref<8192x128xf32, #tpu.memory_space<hbm>> -> memref<1x128xf32, #tpu.memory_space<hbm>>
      %dma_wait3A_190 = tpu.memref_squeeze %dma_wait3A_189 : memref<1x128xf32, #tpu.memory_space<hbm>> -> memref<128xf32, #tpu.memory_space<hbm>>
      tpu.wait_dma2 semaphore(%arg38 : memref<!tpu.dma_semaphore, #tpu.memory_space<semaphore_mem>>) src(%dma_wait3A_190 : memref<128xf32, #tpu.memory_space<hbm>>) dst(%arg14 : memref<128xf32, #tpu.memory_space<vmem>>)
      %dma_wait3A_191 = arith.constant 0 : i32
      %dma_wait3A_192 = tpu.memref_slice %arg2[%mul3A_2, %dma_wait3A_191] : memref<8192x8192xf32, #tpu.memory_space<hbm>> -> memref<1x8192xf32, #tpu.memory_space<hbm>>
      %dma_wait3A_193 = tpu.memref_squeeze %dma_wait3A_192 : memref<1x8192xf32, #tpu.memory_space<hbm>> -> memref<8192xf32, #tpu.memory_space<hbm>>
      %dma_wait3A_194 = arith.constant 0 : i32
      %dma_wait3A_195 = tpu.memref_slice %arg2[%mul3A_2, %dma_wait3A_194] : memref<8192x8192xf32, #tpu.memory_space<hbm>> -> memref<1x8192xf32, #tpu.memory_space<hbm>>
      %dma_wait3A_196 = tpu.memref_squeeze %dma_wait3A_195 : memref<1x8192xf32, #tpu.memory_space<hbm>> -> memref<8192xf32, #tpu.memory_space<hbm>>
      tpu.wait_dma2 semaphore(%arg38 : memref<!tpu.dma_semaphore, #tpu.memory_space<semaphore_mem>>) src(%dma_wait3A_196 : memref<8192xf32, #tpu.memory_space<hbm>>) dst(%arg7 : memref<8192xf32, #tpu.memory_space<vmem>>)
      %dma_wait3A_197 = arith.constant 0 : i32
      %dma_wait3A_198 = tpu.memref_slice %arg3[%mul3A_2, %dma_wait3A_197] : memref<8192x128xf32, #tpu.memory_space<hbm>> -> memref<1x128xf32, #tpu.memory_space<hbm>>
      %dma_wait3A_199 = tpu.memref_squeeze %dma_wait3A_198 : memref<1x128xf32, #tpu.memory_space<hbm>> -> memref<128xf32, #tpu.memory_space<hbm>>
      %dma_wait3A_200 = arith.constant 0 : i32
      %dma_wait3A_201 = tpu.memref_slice %arg3[%mul3A_2, %dma_wait3A_200] : memref<8192x128xf32, #tpu.memory_space<hbm>> -> memref<1x128xf32, #tpu.memory_space<hbm>>
      %dma_wait3A_202 = tpu.memref_squeeze %dma_wait3A_201 : memref<1x128xf32, #tpu.memory_space<hbm>> -> memref<128xf32, #tpu.memory_space<hbm>>
      tpu.wait_dma2 semaphore(%arg38 : memref<!tpu.dma_semaphore, #tpu.memory_space<semaphore_mem>>) src(%dma_wait3A_202 : memref<128xf32, #tpu.memory_space<hbm>>) dst(%arg15 : memref<128xf32, #tpu.memory_space<vmem>>)
      %dma_wait3A_203 = arith.constant 0 : i32
      %dma_wait3A_204 = tpu.memref_slice %arg2[%mul3A_2, %dma_wait3A_203] : memref<8192x8192xf32, #tpu.memory_space<hbm>> -> memref<1x8192xf32, #tpu.memory_space<hbm>>
      %dma_wait3A_205 = tpu.memref_squeeze %dma_wait3A_204 : memref<1x8192xf32, #tpu.memory_space<hbm>> -> memref<8192xf32, #tpu.memory_space<hbm>>
      %dma_wait3A_206 = arith.constant 0 : i32
      %dma_wait3A_207 = tpu.memref_slice %arg2[%mul3A_2, %dma_wait3A_206] : memref<8192x8192xf32, #tpu.memory_space<hbm>> -> memref<1x8192xf32, #tpu.memory_space<hbm>>
      %dma_wait3A_208 = tpu.memref_squeeze %dma_wait3A_207 : memref<1x8192xf32, #tpu.memory_space<hbm>> -> memref<8192xf32, #tpu.memory_space<hbm>>
      tpu.wait_dma2 semaphore(%arg38 : memref<!tpu.dma_semaphore, #tpu.memory_space<semaphore_mem>>) src(%dma_wait3A_208 : memref<8192xf32, #tpu.memory_space<hbm>>) dst(%arg8 : memref<8192xf32, #tpu.memory_space<vmem>>)
      %dma_wait3A_209 = arith.constant 0 : i32
      %dma_wait3A_210 = tpu.memref_slice %arg3[%mul3A_2, %dma_wait3A_209] : memref<8192x128xf32, #tpu.memory_space<hbm>> -> memref<1x128xf32, #tpu.memory_space<hbm>>
      %dma_wait3A_211 = tpu.memref_squeeze %dma_wait3A_210 : memref<1x128xf32, #tpu.memory_space<hbm>> -> memref<128xf32, #tpu.memory_space<hbm>>
      %dma_wait3A_212 = arith.constant 0 : i32
      %dma_wait3A_213 = tpu.memref_slice %arg3[%mul3A_2, %dma_wait3A_212] : memref<8192x128xf32, #tpu.memory_space<hbm>> -> memref<1x128xf32, #tpu.memory_space<hbm>>
      %dma_wait3A_214 = tpu.memref_squeeze %dma_wait3A_213 : memref<1x128xf32, #tpu.memory_space<hbm>> -> memref<128xf32, #tpu.memory_space<hbm>>
      tpu.wait_dma2 semaphore(%arg38 : memref<!tpu.dma_semaphore, #tpu.memory_space<semaphore_mem>>) src(%dma_wait3A_214 : memref<128xf32, #tpu.memory_space<hbm>>) dst(%arg16 : memref<128xf32, #tpu.memory_space<vmem>>)
      %dma_wait3A_215 = arith.constant 0 : i32
      %dma_wait3A_216 = tpu.memref_slice %arg2[%mul3A_2, %dma_wait3A_215] : memref<8192x8192xf32, #tpu.memory_space<hbm>> -> memref<1x8192xf32, #tpu.memory_space<hbm>>
      %dma_wait3A_217 = tpu.memref_squeeze %dma_wait3A_216 : memref<1x8192xf32, #tpu.memory_space<hbm>> -> memref<8192xf32, #tpu.memory_space<hbm>>
      %dma_wait3A_218 = arith.constant 0 : i32
      %dma_wait3A_219 = tpu.memref_slice %arg2[%mul3A_2, %dma_wait3A_218] : memref<8192x8192xf32, #tpu.memory_space<hbm>> -> memref<1x8192xf32, #tpu.memory_space<hbm>>
      %dma_wait3A_220 = tpu.memref_squeeze %dma_wait3A_219 : memref<1x8192xf32, #tpu.memory_space<hbm>> -> memref<8192xf32, #tpu.memory_space<hbm>>
      tpu.wait_dma2 semaphore(%arg38 : memref<!tpu.dma_semaphore, #tpu.memory_space<semaphore_mem>>) src(%dma_wait3A_220 : memref<8192xf32, #tpu.memory_space<hbm>>) dst(%arg9 : memref<8192xf32, #tpu.memory_space<vmem>>)
      %dma_wait3A_221 = arith.constant 0 : i32
      %dma_wait3A_222 = tpu.memref_slice %arg3[%mul3A_2, %dma_wait3A_221] : memref<8192x128xf32, #tpu.memory_space<hbm>> -> memref<1x128xf32, #tpu.memory_space<hbm>>
      %dma_wait3A_223 = tpu.memref_squeeze %dma_wait3A_222 : memref<1x128xf32, #tpu.memory_space<hbm>> -> memref<128xf32, #tpu.memory_space<hbm>>
      %dma_wait3A_224 = arith.constant 0 : i32
      %dma_wait3A_225 = tpu.memref_slice %arg3[%mul3A_2, %dma_wait3A_224] : memref<8192x128xf32, #tpu.memory_space<hbm>> -> memref<1x128xf32, #tpu.memory_space<hbm>>
      %dma_wait3A_226 = tpu.memref_squeeze %dma_wait3A_225 : memref<1x128xf32, #tpu.memory_space<hbm>> -> memref<128xf32, #tpu.memory_space<hbm>>
      tpu.wait_dma2 semaphore(%arg38 : memref<!tpu.dma_semaphore, #tpu.memory_space<semaphore_mem>>) src(%dma_wait3A_226 : memref<128xf32, #tpu.memory_space<hbm>>) dst(%arg17 : memref<128xf32, #tpu.memory_space<vmem>>)
      %ge3A = arith.constant 2 : i32
      %ge3A_227 = arith.cmpi sge, %add3A_174, %ge3A : i32
      %convert_element_type3A_228 = arith.extui %ge3A_227 : i1 to i32
      %cond3A_229 = arith.constant 0 : i32
      %cond3A_230 = arith.cmpi ne, %convert_element_type3A_228, %cond3A_229 : i32
      scf.if %cond3A_230 {
        %dma_wait3A_527 = arith.constant 0 : i32
        %dma_wait3A_528 = tpu.memref_slice %arg4[%mul3A_2, %dma_wait3A_527] : memref<8192x64xf32, #tpu.memory_space<hbm>> -> memref<1x64xf32, #tpu.memory_space<hbm>>
        %dma_wait3A_529 = tpu.memref_squeeze %dma_wait3A_528 : memref<1x64xf32, #tpu.memory_space<hbm>> -> memref<64xf32, #tpu.memory_space<hbm>>
        %dma_wait3A_530 = arith.constant 0 : i32
        %dma_wait3A_531 = tpu.memref_slice %arg4[%mul3A_2, %dma_wait3A_530] : memref<8192x64xf32, #tpu.memory_space<hbm>> -> memref<1x64xf32, #tpu.memory_space<hbm>>
        %dma_wait3A_532 = tpu.memref_squeeze %dma_wait3A_531 : memref<1x64xf32, #tpu.memory_space<hbm>> -> memref<64xf32, #tpu.memory_space<hbm>>
        tpu.wait_dma2 semaphore(%arg40 : memref<!tpu.dma_semaphore, #tpu.memory_space<semaphore_mem>>) src(%arg22 : memref<64xf32, #tpu.memory_space<vmem>>) dst(%dma_wait3A_532 : memref<64xf32, #tpu.memory_space<hbm>>)
        %dma_wait3A_533 = arith.constant 0 : i32
        %dma_wait3A_534 = tpu.memref_slice %arg5[%mul3A_2, %dma_wait3A_533] : memref<8192x64xi32, #tpu.memory_space<hbm>> -> memref<1x64xi32, #tpu.memory_space<hbm>>
        %dma_wait3A_535 = tpu.memref_squeeze %dma_wait3A_534 : memref<1x64xi32, #tpu.memory_space<hbm>> -> memref<64xi32, #tpu.memory_space<hbm>>
        %dma_wait3A_536 = arith.constant 0 : i32
        %dma_wait3A_537 = tpu.memref_slice %arg5[%mul3A_2, %dma_wait3A_536] : memref<8192x64xi32, #tpu.memory_space<hbm>> -> memref<1x64xi32, #tpu.memory_space<hbm>>
        %dma_wait3A_538 = tpu.memref_squeeze %dma_wait3A_537 : memref<1x64xi32, #tpu.memory_space<hbm>> -> memref<64xi32, #tpu.memory_space<hbm>>
        tpu.wait_dma2 semaphore(%arg40 : memref<!tpu.dma_semaphore, #tpu.memory_space<semaphore_mem>>) src(%arg30 : memref<64xi32, #tpu.memory_space<vmem>>) dst(%dma_wait3A_538 : memref<64xi32, #tpu.memory_space<hbm>>)
        %dma_wait3A_539 = arith.constant 0 : i32
        %dma_wait3A_540 = tpu.memref_slice %arg4[%mul3A_2, %dma_wait3A_539] : memref<8192x64xf32, #tpu.memory_space<hbm>> -> memref<1x64xf32, #tpu.memory_space<hbm>>
        %dma_wait3A_541 = tpu.memref_squeeze %dma_wait3A_540 : memref<1x64xf32, #tpu.memory_space<hbm>> -> memref<64xf32, #tpu.memory_space<hbm>>
        %dma_wait3A_542 = arith.constant 0 : i32
        %dma_wait3A_543 = tpu.memref_slice %arg4[%mul3A_2, %dma_wait3A_542] : memref<8192x64xf32, #tpu.memory_space<hbm>> -> memref<1x64xf32, #tpu.memory_space<hbm>>
        %dma_wait3A_544 = tpu.memref_squeeze %dma_wait3A_543 : memref<1x64xf32, #tpu.memory_space<hbm>> -> memref<64xf32, #tpu.memory_space<hbm>>
        tpu.wait_dma2 semaphore(%arg40 : memref<!tpu.dma_semaphore, #tpu.memory_space<semaphore_mem>>) src(%arg23 : memref<64xf32, #tpu.memory_space<vmem>>) dst(%dma_wait3A_544 : memref<64xf32, #tpu.memory_space<hbm>>)
        %dma_wait3A_545 = arith.constant 0 : i32
        %dma_wait3A_546 = tpu.memref_slice %arg5[%mul3A_2, %dma_wait3A_545] : memref<8192x64xi32, #tpu.memory_space<hbm>> -> memref<1x64xi32, #tpu.memory_space<hbm>>
        %dma_wait3A_547 = tpu.memref_squeeze %dma_wait3A_546 : memref<1x64xi32, #tpu.memory_space<hbm>> -> memref<64xi32, #tpu.memory_space<hbm>>
        %dma_wait3A_548 = arith.constant 0 : i32
        %dma_wait3A_549 = tpu.memref_slice %arg5[%mul3A_2, %dma_wait3A_548] : memref<8192x64xi32, #tpu.memory_space<hbm>> -> memref<1x64xi32, #tpu.memory_space<hbm>>
        %dma_wait3A_550 = tpu.memref_squeeze %dma_wait3A_549 : memref<1x64xi32, #tpu.memory_space<hbm>> -> memref<64xi32, #tpu.memory_space<hbm>>
        tpu.wait_dma2 semaphore(%arg40 : memref<!tpu.dma_semaphore, #tpu.memory_space<semaphore_mem>>) src(%arg31 : memref<64xi32, #tpu.memory_space<vmem>>) dst(%dma_wait3A_550 : memref<64xi32, #tpu.memory_space<hbm>>)
        %dma_wait3A_551 = arith.constant 0 : i32
        %dma_wait3A_552 = tpu.memref_slice %arg4[%mul3A_2, %dma_wait3A_551] : memref<8192x64xf32, #tpu.memory_space<hbm>> -> memref<1x64xf32, #tpu.memory_space<hbm>>
        %dma_wait3A_553 = tpu.memref_squeeze %dma_wait3A_552 : memref<1x64xf32, #tpu.memory_space<hbm>> -> memref<64xf32, #tpu.memory_space<hbm>>
        %dma_wait3A_554 = arith.constant 0 : i32
        %dma_wait3A_555 = tpu.memref_slice %arg4[%mul3A_2, %dma_wait3A_554] : memref<8192x64xf32, #tpu.memory_space<hbm>> -> memref<1x64xf32, #tpu.memory_space<hbm>>
        %dma_wait3A_556 = tpu.memref_squeeze %dma_wait3A_555 : memref<1x64xf32, #tpu.memory_space<hbm>> -> memref<64xf32, #tpu.memory_space<hbm>>
        tpu.wait_dma2 semaphore(%arg40 : memref<!tpu.dma_semaphore, #tpu.memory_space<semaphore_mem>>) src(%arg24 : memref<64xf32, #tpu.memory_space<vmem>>) dst(%dma_wait3A_556 : memref<64xf32, #tpu.memory_space<hbm>>)
        %dma_wait3A_557 = arith.constant 0 : i32
        %dma_wait3A_558 = tpu.memref_slice %arg5[%mul3A_2, %dma_wait3A_557] : memref<8192x64xi32, #tpu.memory_space<hbm>> -> memref<1x64xi32, #tpu.memory_space<hbm>>
        %dma_wait3A_559 = tpu.memref_squeeze %dma_wait3A_558 : memref<1x64xi32, #tpu.memory_space<hbm>> -> memref<64xi32, #tpu.memory_space<hbm>>
        %dma_wait3A_560 = arith.constant 0 : i32
        %dma_wait3A_561 = tpu.memref_slice %arg5[%mul3A_2, %dma_wait3A_560] : memref<8192x64xi32, #tpu.memory_space<hbm>> -> memref<1x64xi32, #tpu.memory_space<hbm>>
        %dma_wait3A_562 = tpu.memref_squeeze %dma_wait3A_561 : memref<1x64xi32, #tpu.memory_space<hbm>> -> memref<64xi32, #tpu.memory_space<hbm>>
        tpu.wait_dma2 semaphore(%arg40 : memref<!tpu.dma_semaphore, #tpu.memory_space<semaphore_mem>>) src(%arg32 : memref<64xi32, #tpu.memory_space<vmem>>) dst(%dma_wait3A_562 : memref<64xi32, #tpu.memory_space<hbm>>)
        %dma_wait3A_563 = arith.constant 0 : i32
        %dma_wait3A_564 = tpu.memref_slice %arg4[%mul3A_2, %dma_wait3A_563] : memref<8192x64xf32, #tpu.memory_space<hbm>> -> memref<1x64xf32, #tpu.memory_space<hbm>>
        %dma_wait3A_565 = tpu.memref_squeeze %dma_wait3A_564 : memref<1x64xf32, #tpu.memory_space<hbm>> -> memref<64xf32, #tpu.memory_space<hbm>>
        %dma_wait3A_566 = arith.constant 0 : i32
        %dma_wait3A_567 = tpu.memref_slice %arg4[%mul3A_2, %dma_wait3A_566] : memref<8192x64xf32, #tpu.memory_space<hbm>> -> memref<1x64xf32, #tpu.memory_space<hbm>>
        %dma_wait3A_568 = tpu.memref_squeeze %dma_wait3A_567 : memref<1x64xf32, #tpu.memory_space<hbm>> -> memref<64xf32, #tpu.memory_space<hbm>>
        tpu.wait_dma2 semaphore(%arg40 : memref<!tpu.dma_semaphore, #tpu.memory_space<semaphore_mem>>) src(%arg25 : memref<64xf32, #tpu.memory_space<vmem>>) dst(%dma_wait3A_568 : memref<64xf32, #tpu.memory_space<hbm>>)
        %dma_wait3A_569 = arith.constant 0 : i32
        %dma_wait3A_570 = tpu.memref_slice %arg5[%mul3A_2, %dma_wait3A_569] : memref<8192x64xi32, #tpu.memory_space<hbm>> -> memref<1x64xi32, #tpu.memory_space<hbm>>
        %dma_wait3A_571 = tpu.memref_squeeze %dma_wait3A_570 : memref<1x64xi32, #tpu.memory_space<hbm>> -> memref<64xi32, #tpu.memory_space<hbm>>
        %dma_wait3A_572 = arith.constant 0 : i32
        %dma_wait3A_573 = tpu.memref_slice %arg5[%mul3A_2, %dma_wait3A_572] : memref<8192x64xi32, #tpu.memory_space<hbm>> -> memref<1x64xi32, #tpu.memory_space<hbm>>
        %dma_wait3A_574 = tpu.memref_squeeze %dma_wait3A_573 : memref<1x64xi32, #tpu.memory_space<hbm>> -> memref<64xi32, #tpu.memory_space<hbm>>
        tpu.wait_dma2 semaphore(%arg40 : memref<!tpu.dma_semaphore, #tpu.memory_space<semaphore_mem>>) src(%arg33 : memref<64xi32, #tpu.memory_space<vmem>>) dst(%dma_wait3A_574 : memref<64xi32, #tpu.memory_space<hbm>>)
      } else {
      }
      %swap3A = arith.constant 0 : index
      %swap3A_231 = tpu.vector_load %arg22[%swap3A] {strides = array<i32>} : memref<64xf32, #tpu.memory_space<vmem>>, vector<16xf32>,
      tpu.vector_store %arg22[%swap3A], %broadcast_in_dim3A_68 {strides = array<i32>} : memref<64xf32, #tpu.memory_space<vmem>>, vector<16xf32>,
      %swap3A_232 = arith.constant 16 : index
      %swap3A_233 = tpu.vector_load %arg22[%swap3A_232] {strides = array<i32>} : memref<64xf32, #tpu.memory_space<vmem>>, vector<16xf32>,
      tpu.vector_store %arg22[%swap3A_232], %broadcast_in_dim3A_68 {strides = array<i32>} : memref<64xf32, #tpu.memory_space<vmem>>, vector<16xf32>,
      %swap3A_234 = arith.constant 32 : index
      %swap3A_235 = tpu.vector_load %arg22[%swap3A_234] {strides = array<i32>} : memref<64xf32, #tpu.memory_space<vmem>>, vector<16xf32>,
      tpu.vector_store %arg22[%swap3A_234], %broadcast_in_dim3A_68 {strides = array<i32>} : memref<64xf32, #tpu.memory_space<vmem>>, vector<16xf32>,
      %swap3A_236 = arith.constant 48 : index
      %swap3A_237 = tpu.vector_load %arg22[%swap3A_236] {strides = array<i32>} : memref<64xf32, #tpu.memory_space<vmem>>, vector<16xf32>,
      tpu.vector_store %arg22[%swap3A_236], %broadcast_in_dim3A_68 {strides = array<i32>} : memref<64xf32, #tpu.memory_space<vmem>>, vector<16xf32>,
      %swap3A_238 = arith.constant 0 : index
      %swap3A_239 = tpu.vector_load %arg23[%swap3A_238] {strides = array<i32>} : memref<64xf32, #tpu.memory_space<vmem>>, vector<16xf32>,
      tpu.vector_store %arg23[%swap3A_238], %broadcast_in_dim3A_68 {strides = array<i32>} : memref<64xf32, #tpu.memory_space<vmem>>, vector<16xf32>,
      %swap3A_240 = arith.constant 16 : index
      %swap3A_241 = tpu.vector_load %arg23[%swap3A_240] {strides = array<i32>} : memref<64xf32, #tpu.memory_space<vmem>>, vector<16xf32>,
      tpu.vector_store %arg23[%swap3A_240], %broadcast_in_dim3A_68 {strides = array<i32>} : memref<64xf32, #tpu.memory_space<vmem>>, vector<16xf32>,
      %swap3A_242 = arith.constant 32 : index
      %swap3A_243 = tpu.vector_load %arg23[%swap3A_242] {strides = array<i32>} : memref<64xf32, #tpu.memory_space<vmem>>, vector<16xf32>,
      tpu.vector_store %arg23[%swap3A_242], %broadcast_in_dim3A_68 {strides = array<i32>} : memref<64xf32, #tpu.memory_space<vmem>>, vector<16xf32>,
      %swap3A_244 = arith.constant 48 : index
      %swap3A_245 = tpu.vector_load %arg23[%swap3A_244] {strides = array<i32>} : memref<64xf32, #tpu.memory_space<vmem>>, vector<16xf32>,
      tpu.vector_store %arg23[%swap3A_244], %broadcast_in_dim3A_68 {strides = array<i32>} : memref<64xf32, #tpu.memory_space<vmem>>, vector<16xf32>,
      %swap3A_246 = arith.constant 0 : index
      %swap3A_247 = tpu.vector_load %arg24[%swap3A_246] {strides = array<i32>} : memref<64xf32, #tpu.memory_space<vmem>>, vector<16xf32>,
      tpu.vector_store %arg24[%swap3A_246], %broadcast_in_dim3A_68 {strides = array<i32>} : memref<64xf32, #tpu.memory_space<vmem>>, vector<16xf32>,
      %swap3A_248 = arith.constant 16 : index
      %swap3A_249 = tpu.vector_load %arg24[%swap3A_248] {strides = array<i32>} : memref<64xf32, #tpu.memory_space<vmem>>, vector<16xf32>,
      tpu.vector_store %arg24[%swap3A_248], %broadcast_in_dim3A_68 {strides = array<i32>} : memref<64xf32, #tpu.memory_space<vmem>>, vector<16xf32>,
      %swap3A_250 = arith.constant 32 : index
      %swap3A_251 = tpu.vector_load %arg24[%swap3A_250] {strides = array<i32>} : memref<64xf32, #tpu.memory_space<vmem>>, vector<16xf32>,
      tpu.vector_store %arg24[%swap3A_250], %broadcast_in_dim3A_68 {strides = array<i32>} : memref<64xf32, #tpu.memory_space<vmem>>, vector<16xf32>,
      %swap3A_252 = arith.constant 48 : index
      %swap3A_253 = tpu.vector_load %arg24[%swap3A_252] {strides = array<i32>} : memref<64xf32, #tpu.memory_space<vmem>>, vector<16xf32>,
      tpu.vector_store %arg24[%swap3A_252], %broadcast_in_dim3A_68 {strides = array<i32>} : memref<64xf32, #tpu.memory_space<vmem>>, vector<16xf32>,
      %swap3A_254 = arith.constant 0 : index
      %swap3A_255 = tpu.vector_load %arg25[%swap3A_254] {strides = array<i32>} : memref<64xf32, #tpu.memory_space<vmem>>, vector<16xf32>,
      tpu.vector_store %arg25[%swap3A_254], %broadcast_in_dim3A_68 {strides = array<i32>} : memref<64xf32, #tpu.memory_space<vmem>>, vector<16xf32>,
      %swap3A_256 = arith.constant 16 : index
      %swap3A_257 = tpu.vector_load %arg25[%swap3A_256] {strides = array<i32>} : memref<64xf32, #tpu.memory_space<vmem>>, vector<16xf32>,
      tpu.vector_store %arg25[%swap3A_256], %broadcast_in_dim3A_68 {strides = array<i32>} : memref<64xf32, #tpu.memory_space<vmem>>, vector<16xf32>,
      %swap3A_258 = arith.constant 32 : index
      %swap3A_259 = tpu.vector_load %arg25[%swap3A_258] {strides = array<i32>} : memref<64xf32, #tpu.memory_space<vmem>>, vector<16xf32>,
      tpu.vector_store %arg25[%swap3A_258], %broadcast_in_dim3A_68 {strides = array<i32>} : memref<64xf32, #tpu.memory_space<vmem>>, vector<16xf32>,
      %swap3A_260 = arith.constant 48 : index
      %swap3A_261 = tpu.vector_load %arg25[%swap3A_260] {strides = array<i32>} : memref<64xf32, #tpu.memory_space<vmem>>, vector<16xf32>,
      tpu.vector_store %arg25[%swap3A_260], %broadcast_in_dim3A_68 {strides = array<i32>} : memref<64xf32, #tpu.memory_space<vmem>>, vector<16xf32>,
      %get3A = arith.constant 0 : index
      %get3A_262 = tpu.vector_load %arg14[%get3A] {strides = array<i32>} : memref<128xf32, #tpu.memory_space<vmem>>, vector<16xf32>,
      %get3A_263 = arith.constant 0 : index
      %get3A_264 = tpu.vector_load %arg15[%get3A_263] {strides = array<i32>} : memref<128xf32, #tpu.memory_space<vmem>>, vector<16xf32>,
      %get3A_265 = arith.constant 0 : index
      %get3A_266 = tpu.vector_load %arg16[%get3A_265] {strides = array<i32>} : memref<128xf32, #tpu.memory_space<vmem>>, vector<16xf32>,
      %get3A_267 = arith.constant 0 : index
      %get3A_268 = tpu.vector_load %arg17[%get3A_267] {strides = array<i32>} : memref<128xf32, #tpu.memory_space<vmem>>, vector<16xf32>,
      %scan3A_269 = arith.constant 0 : i32
      %scan3A_270 = arith.constant 0 : i32
      %scan3A_271 = arith.constant 0 : i32
      %scan3A_272 = arith.constant 0 : i32
      %scan3A_273 = arith.constant 0 : i32
      %scan3A_274 = arith.constant 128 : i32
      %scan3A_275 = arith.addi %scan3A_273, %scan3A_274 : i32
      %scan3A_276 = arith.constant 1 : i32
      %scan3A_277:4 = scf.for %scan3A_527 = %scan3A_273 to %scan3A_275 step %scan3A_276 iter_args(%scan3A_528 = %scan3A_269, %scan3A_529 = %scan3A_270, %scan3A_530 = %scan3A_271, %scan3A_531 = %scan3A_272) -> (i32, i32, i32, i32)  : i32 {
        %mul3A_532 = arith.constant 4 : i32
        %mul3A_533 = arith.muli %scan3A_527, %mul3A_532 : i32
        %add3A_534 = arith.constant 0 : i32
        %add3A_535 = arith.addi %mul3A_533, %add3A_534 : i32
        %mul3A_536 = arith.constant 16 : i32
        %mul3A_537 = arith.muli %add3A_535, %mul3A_536 : i32
        %get3A_538 = arith.index_cast %mul3A_537 : i32 to index
        %get3A_539 = tpu.vector_load %arg6[%get3A_538] {strides = array<i32>} : memref<8192xf32, #tpu.memory_space<vmem>>, vector<16xf32>,
        %le3A = arith.cmpf ole, %get3A_539, %get3A_262 : vector<16xf32>
        %convert_element_type3A_540 = arith.extui %le3A : vector<16xi1> to vector<16xi32>
        %reduce_sum3A = arith.constant true
        %reduce_sum3A_541 = vector.broadcast %reduce_sum3A : i1 to vector<16xi1>
        %reduce_sum3A_542 = tpu.scan <sum>, %convert_element_type3A_540 masked %reduce_sum3A_541 : vector<16xi32>, vector<16xi1> -> vector<16xi32>
        %reduce_sum3A_543 = vector.extract %reduce_sum3A_542[15] : i32 from vector<16xi32>
        %min3A = arith.minsi %scan3A_528, %scan3A_69 : i32
        %swap3A_544 = arith.index_cast %min3A : i32 to index
        %swap3A_545 = tpu.vector_load %arg22[%swap3A_544] masked %le3A {strides = array<i32>} : memref<64xf32, #tpu.memory_space<vmem>>, vector<16xf32>, vector<16xi1>
        tpu.vector_store %arg22[%swap3A_544], %get3A_539 masked %le3A {strides = array<i32>} : memref<64xf32, #tpu.memory_space<vmem>>, vector<16xf32>, vector<16xi1>
        %add3A_546 = vector.broadcast %mul3A_537 : i32 to vector<16xi32>
        %add3A_547 = arith.addi %iota3A, %add3A_546 : vector<16xi32>
        %swap3A_548 = arith.index_cast %min3A : i32 to index
        %swap3A_549 = tpu.vector_load %arg30[%swap3A_548] masked %le3A {strides = array<i32>} : memref<64xi32, #tpu.memory_space<vmem>>, vector<16xi32>, vector<16xi1>
        tpu.vector_store %arg30[%swap3A_548], %add3A_547 masked %le3A {strides = array<i32>} : memref<64xi32, #tpu.memory_space<vmem>>, vector<16xi32>, vector<16xi1>
        %add3A_550 = arith.addi %scan3A_528, %reduce_sum3A_543 : i32
        %get3A_551 = arith.index_cast %mul3A_537 : i32 to index
        %get3A_552 = tpu.vector_load %arg7[%get3A_551] {strides = array<i32>} : memref<8192xf32, #tpu.memory_space<vmem>>, vector<16xf32>,
        %le3A_553 = arith.cmpf ole, %get3A_552, %get3A_264 : vector<16xf32>
        %convert_element_type3A_554 = arith.extui %le3A_553 : vector<16xi1> to vector<16xi32>
        %reduce_sum3A_555 = arith.constant true
        %reduce_sum3A_556 = vector.broadcast %reduce_sum3A_555 : i1 to vector<16xi1>
        %reduce_sum3A_557 = tpu.scan <sum>, %convert_element_type3A_554 masked %reduce_sum3A_556 : vector<16xi32>, vector<16xi1> -> vector<16xi32>
        %reduce_sum3A_558 = vector.extract %reduce_sum3A_557[15] : i32 from vector<16xi32>
        %min3A_559 = arith.minsi %scan3A_529, %scan3A_69 : i32
        %swap3A_560 = arith.index_cast %min3A_559 : i32 to index
        %swap3A_561 = tpu.vector_load %arg23[%swap3A_560] masked %le3A_553 {strides = array<i32>} : memref<64xf32, #tpu.memory_space<vmem>>, vector<16xf32>, vector<16xi1>
        tpu.vector_store %arg23[%swap3A_560], %get3A_552 masked %le3A_553 {strides = array<i32>} : memref<64xf32, #tpu.memory_space<vmem>>, vector<16xf32>, vector<16xi1>
        %add3A_562 = vector.broadcast %mul3A_537 : i32 to vector<16xi32>
        %add3A_563 = arith.addi %iota3A, %add3A_562 : vector<16xi32>
        %swap3A_564 = arith.index_cast %min3A_559 : i32 to index
        %swap3A_565 = tpu.vector_load %arg31[%swap3A_564] masked %le3A_553 {strides = array<i32>} : memref<64xi32, #tpu.memory_space<vmem>>, vector<16xi32>, vector<16xi1>
        tpu.vector_store %arg31[%swap3A_564], %add3A_563 masked %le3A_553 {strides = array<i32>} : memref<64xi32, #tpu.memory_space<vmem>>, vector<16xi32>, vector<16xi1>
        %add3A_566 = arith.addi %scan3A_529, %reduce_sum3A_558 : i32
        %get3A_567 = arith.index_cast %mul3A_537 : i32 to index
        %get3A_568 = tpu.vector_load %arg8[%get3A_567] {strides = array<i32>} : memref<8192xf32, #tpu.memory_space<vmem>>, vector<16xf32>,
        %le3A_569 = arith.cmpf ole, %get3A_568, %get3A_266 : vector<16xf32>
        %convert_element_type3A_570 = arith.extui %le3A_569 : vector<16xi1> to vector<16xi32>
        %reduce_sum3A_571 = arith.constant true
        %reduce_sum3A_572 = vector.broadcast %reduce_sum3A_571 : i1 to vector<16xi1>
        %reduce_sum3A_573 = tpu.scan <sum>, %convert_element_type3A_570 masked %reduce_sum3A_572 : vector<16xi32>, vector<16xi1> -> vector<16xi32>
        %reduce_sum3A_574 = vector.extract %reduce_sum3A_573[15] : i32 from vector<16xi32>
        %min3A_575 = arith.minsi %scan3A_530, %scan3A_69 : i32
        %swap3A_576 = arith.index_cast %min3A_575 : i32 to index
        %swap3A_577 = tpu.vector_load %arg24[%swap3A_576] masked %le3A_569 {strides = array<i32>} : memref<64xf32, #tpu.memory_space<vmem>>, vector<16xf32>, vector<16xi1>
        tpu.vector_store %arg24[%swap3A_576], %get3A_568 masked %le3A_569 {strides = array<i32>} : memref<64xf32, #tpu.memory_space<vmem>>, vector<16xf32>, vector<16xi1>
        %add3A_578 = vector.broadcast %mul3A_537 : i32 to vector<16xi32>
        %add3A_579 = arith.addi %iota3A, %add3A_578 : vector<16xi32>
        %swap3A_580 = arith.index_cast %min3A_575 : i32 to index
        %swap3A_581 = tpu.vector_load %arg32[%swap3A_580] masked %le3A_569 {strides = array<i32>} : memref<64xi32, #tpu.memory_space<vmem>>, vector<16xi32>, vector<16xi1>
        tpu.vector_store %arg32[%swap3A_580], %add3A_579 masked %le3A_569 {strides = array<i32>} : memref<64xi32, #tpu.memory_space<vmem>>, vector<16xi32>, vector<16xi1>
        %add3A_582 = arith.addi %scan3A_530, %reduce_sum3A_574 : i32
        %get3A_583 = arith.index_cast %mul3A_537 : i32 to index
        %get3A_584 = tpu.vector_load %arg9[%get3A_583] {strides = array<i32>} : memref<8192xf32, #tpu.memory_space<vmem>>, vector<16xf32>,
        %le3A_585 = arith.cmpf ole, %get3A_584, %get3A_268 : vector<16xf32>
        %convert_element_type3A_586 = arith.extui %le3A_585 : vector<16xi1> to vector<16xi32>
        %reduce_sum3A_587 = arith.constant true
        %reduce_sum3A_588 = vector.broadcast %reduce_sum3A_587 : i1 to vector<16xi1>
        %reduce_sum3A_589 = tpu.scan <sum>, %convert_element_type3A_586 masked %reduce_sum3A_588 : vector<16xi32>, vector<16xi1> -> vector<16xi32>
        %reduce_sum3A_590 = vector.extract %reduce_sum3A_589[15] : i32 from vector<16xi32>
        %min3A_591 = arith.minsi %scan3A_531, %scan3A_69 : i32
        %swap3A_592 = arith.index_cast %min3A_591 : i32 to index
        %swap3A_593 = tpu.vector_load %arg25[%swap3A_592] masked %le3A_585 {strides = array<i32>} : memref<64xf32, #tpu.memory_space<vmem>>, vector<16xf32>, vector<16xi1>
        tpu.vector_store %arg25[%swap3A_592], %get3A_584 masked %le3A_585 {strides = array<i32>} : memref<64xf32, #tpu.memory_space<vmem>>, vector<16xf32>, vector<16xi1>
        %add3A_594 = vector.broadcast %mul3A_537 : i32 to vector<16xi32>
        %add3A_595 = arith.addi %iota3A, %add3A_594 : vector<16xi32>
        %swap3A_596 = arith.index_cast %min3A_591 : i32 to index
        %swap3A_597 = tpu.vector_load %arg33[%swap3A_596] masked %le3A_585 {strides = array<i32>} : memref<64xi32, #tpu.memory_space<vmem>>, vector<16xi32>, vector<16xi1>
        tpu.vector_store %arg33[%swap3A_596], %add3A_595 masked %le3A_585 {strides = array<i32>} : memref<64xi32, #tpu.memory_space<vmem>>, vector<16xi32>, vector<16xi1>
        %add3A_598 = arith.addi %scan3A_531, %reduce_sum3A_590 : i32
        %mul3A_599 = arith.constant 4 : i32
        %mul3A_600 = arith.muli %scan3A_527, %mul3A_599 : i32
        %add3A_601 = arith.constant 1 : i32
        %add3A_602 = arith.addi %mul3A_600, %add3A_601 : i32
        %mul3A_603 = arith.constant 16 : i32
        %mul3A_604 = arith.muli %add3A_602, %mul3A_603 : i32
        %get3A_605 = arith.index_cast %mul3A_604 : i32 to index
        %get3A_606 = tpu.vector_load %arg6[%get3A_605] {strides = array<i32>} : memref<8192xf32, #tpu.memory_space<vmem>>, vector<16xf32>,
        %le3A_607 = arith.cmpf ole, %get3A_606, %get3A_262 : vector<16xf32>
        %convert_element_type3A_608 = arith.extui %le3A_607 : vector<16xi1> to vector<16xi32>
        %reduce_sum3A_609 = arith.constant true
        %reduce_sum3A_610 = vector.broadcast %reduce_sum3A_609 : i1 to vector<16xi1>
        %reduce_sum3A_611 = tpu.scan <sum>, %convert_element_type3A_608 masked %reduce_sum3A_610 : vector<16xi32>, vector<16xi1> -> vector<16xi32>
        %reduce_sum3A_612 = vector.extract %reduce_sum3A_611[15] : i32 from vector<16xi32>
        %min3A_613 = arith.minsi %add3A_550, %scan3A_69 : i32
        %swap3A_614 = arith.index_cast %min3A_613 : i32 to index
        %swap3A_615 = tpu.vector_load %arg22[%swap3A_614] masked %le3A_607 {strides = array<i32>} : memref<64xf32, #tpu.memory_space<vmem>>, vector<16xf32>, vector<16xi1>
        tpu.vector_store %arg22[%swap3A_614], %get3A_606 masked %le3A_607 {strides = array<i32>} : memref<64xf32, #tpu.memory_space<vmem>>, vector<16xf32>, vector<16xi1>
        %add3A_616 = vector.broadcast %mul3A_604 : i32 to vector<16xi32>
        %add3A_617 = arith.addi %iota3A, %add3A_616 : vector<16xi32>
        %swap3A_618 = arith.index_cast %min3A_613 : i32 to index
        %swap3A_619 = tpu.vector_load %arg30[%swap3A_618] masked %le3A_607 {strides = array<i32>} : memref<64xi32, #tpu.memory_space<vmem>>, vector<16xi32>, vector<16xi1>
        tpu.vector_store %arg30[%swap3A_618], %add3A_617 masked %le3A_607 {strides = array<i32>} : memref<64xi32, #tpu.memory_space<vmem>>, vector<16xi32>, vector<16xi1>
        %add3A_620 = arith.addi %add3A_550, %reduce_sum3A_612 : i32
        %get3A_621 = arith.index_cast %mul3A_604 : i32 to index
        %get3A_622 = tpu.vector_load %arg7[%get3A_621] {strides = array<i32>} : memref<8192xf32, #tpu.memory_space<vmem>>, vector<16xf32>,
        %le3A_623 = arith.cmpf ole, %get3A_622, %get3A_264 : vector<16xf32>
        %convert_element_type3A_624 = arith.extui %le3A_623 : vector<16xi1> to vector<16xi32>
        %reduce_sum3A_625 = arith.constant true
        %reduce_sum3A_626 = vector.broadcast %reduce_sum3A_625 : i1 to vector<16xi1>
        %reduce_sum3A_627 = tpu.scan <sum>, %convert_element_type3A_624 masked %reduce_sum3A_626 : vector<16xi32>, vector<16xi1> -> vector<16xi32>
        %reduce_sum3A_628 = vector.extract %reduce_sum3A_627[15] : i32 from vector<16xi32>
        %min3A_629 = arith.minsi %add3A_566, %scan3A_69 : i32
        %swap3A_630 = arith.index_cast %min3A_629 : i32 to index
        %swap3A_631 = tpu.vector_load %arg23[%swap3A_630] masked %le3A_623 {strides = array<i32>} : memref<64xf32, #tpu.memory_space<vmem>>, vector<16xf32>, vector<16xi1>
        tpu.vector_store %arg23[%swap3A_630], %get3A_622 masked %le3A_623 {strides = array<i32>} : memref<64xf32, #tpu.memory_space<vmem>>, vector<16xf32>, vector<16xi1>
        %add3A_632 = vector.broadcast %mul3A_604 : i32 to vector<16xi32>
        %add3A_633 = arith.addi %iota3A, %add3A_632 : vector<16xi32>
        %swap3A_634 = arith.index_cast %min3A_629 : i32 to index
        %swap3A_635 = tpu.vector_load %arg31[%swap3A_634] masked %le3A_623 {strides = array<i32>} : memref<64xi32, #tpu.memory_space<vmem>>, vector<16xi32>, vector<16xi1>
        tpu.vector_store %arg31[%swap3A_634], %add3A_633 masked %le3A_623 {strides = array<i32>} : memref<64xi32, #tpu.memory_space<vmem>>, vector<16xi32>, vector<16xi1>
        %add3A_636 = arith.addi %add3A_566, %reduce_sum3A_628 : i32
        %get3A_637 = arith.index_cast %mul3A_604 : i32 to index
        %get3A_638 = tpu.vector_load %arg8[%get3A_637] {strides = array<i32>} : memref<8192xf32, #tpu.memory_space<vmem>>, vector<16xf32>,
        %le3A_639 = arith.cmpf ole, %get3A_638, %get3A_266 : vector<16xf32>
        %convert_element_type3A_640 = arith.extui %le3A_639 : vector<16xi1> to vector<16xi32>
        %reduce_sum3A_641 = arith.constant true
        %reduce_sum3A_642 = vector.broadcast %reduce_sum3A_641 : i1 to vector<16xi1>
        %reduce_sum3A_643 = tpu.scan <sum>, %convert_element_type3A_640 masked %reduce_sum3A_642 : vector<16xi32>, vector<16xi1> -> vector<16xi32>
        %reduce_sum3A_644 = vector.extract %reduce_sum3A_643[15] : i32 from vector<16xi32>
        %min3A_645 = arith.minsi %add3A_582, %scan3A_69 : i32
        %swap3A_646 = arith.index_cast %min3A_645 : i32 to index
        %swap3A_647 = tpu.vector_load %arg24[%swap3A_646] masked %le3A_639 {strides = array<i32>} : memref<64xf32, #tpu.memory_space<vmem>>, vector<16xf32>, vector<16xi1>
        tpu.vector_store %arg24[%swap3A_646], %get3A_638 masked %le3A_639 {strides = array<i32>} : memref<64xf32, #tpu.memory_space<vmem>>, vector<16xf32>, vector<16xi1>
        %add3A_648 = vector.broadcast %mul3A_604 : i32 to vector<16xi32>
        %add3A_649 = arith.addi %iota3A, %add3A_648 : vector<16xi32>
        %swap3A_650 = arith.index_cast %min3A_645 : i32 to index
        %swap3A_651 = tpu.vector_load %arg32[%swap3A_650] masked %le3A_639 {strides = array<i32>} : memref<64xi32, #tpu.memory_space<vmem>>, vector<16xi32>, vector<16xi1>
        tpu.vector_store %arg32[%swap3A_650], %add3A_649 masked %le3A_639 {strides = array<i32>} : memref<64xi32, #tpu.memory_space<vmem>>, vector<16xi32>, vector<16xi1>
        %add3A_652 = arith.addi %add3A_582, %reduce_sum3A_644 : i32
        %get3A_653 = arith.index_cast %mul3A_604 : i32 to index
        %get3A_654 = tpu.vector_load %arg9[%get3A_653] {strides = array<i32>} : memref<8192xf32, #tpu.memory_space<vmem>>, vector<16xf32>,
        %le3A_655 = arith.cmpf ole, %get3A_654, %get3A_268 : vector<16xf32>
        %convert_element_type3A_656 = arith.extui %le3A_655 : vector<16xi1> to vector<16xi32>
        %reduce_sum3A_657 = arith.constant true
        %reduce_sum3A_658 = vector.broadcast %reduce_sum3A_657 : i1 to vector<16xi1>
        %reduce_sum3A_659 = tpu.scan <sum>, %convert_element_type3A_656 masked %reduce_sum3A_658 : vector<16xi32>, vector<16xi1> -> vector<16xi32>
        %reduce_sum3A_660 = vector.extract %reduce_sum3A_659[15] : i32 from vector<16xi32>
        %min3A_661 = arith.minsi %add3A_598, %scan3A_69 : i32
        %swap3A_662 = arith.index_cast %min3A_661 : i32 to index
        %swap3A_663 = tpu.vector_load %arg25[%swap3A_662] masked %le3A_655 {strides = array<i32>} : memref<64xf32, #tpu.memory_space<vmem>>, vector<16xf32>, vector<16xi1>
        tpu.vector_store %arg25[%swap3A_662], %get3A_654 masked %le3A_655 {strides = array<i32>} : memref<64xf32, #tpu.memory_space<vmem>>, vector<16xf32>, vector<16xi1>
        %add3A_664 = vector.broadcast %mul3A_604 : i32 to vector<16xi32>
        %add3A_665 = arith.addi %iota3A, %add3A_664 : vector<16xi32>
        %swap3A_666 = arith.index_cast %min3A_661 : i32 to index
        %swap3A_667 = tpu.vector_load %arg33[%swap3A_666] masked %le3A_655 {strides = array<i32>} : memref<64xi32, #tpu.memory_space<vmem>>, vector<16xi32>, vector<16xi1>
        tpu.vector_store %arg33[%swap3A_666], %add3A_665 masked %le3A_655 {strides = array<i32>} : memref<64xi32, #tpu.memory_space<vmem>>, vector<16xi32>, vector<16xi1>
        %add3A_668 = arith.addi %add3A_598, %reduce_sum3A_660 : i32
        %mul3A_669 = arith.constant 4 : i32
        %mul3A_670 = arith.muli %scan3A_527, %mul3A_669 : i32
        %add3A_671 = arith.constant 2 : i32
        %add3A_672 = arith.addi %mul3A_670, %add3A_671 : i32
        %mul3A_673 = arith.constant 16 : i32
        %mul3A_674 = arith.muli %add3A_672, %mul3A_673 : i32
        %get3A_675 = arith.index_cast %mul3A_674 : i32 to index
        %get3A_676 = tpu.vector_load %arg6[%get3A_675] {strides = array<i32>} : memref<8192xf32, #tpu.memory_space<vmem>>, vector<16xf32>,
        %le3A_677 = arith.cmpf ole, %get3A_676, %get3A_262 : vector<16xf32>
        %convert_element_type3A_678 = arith.extui %le3A_677 : vector<16xi1> to vector<16xi32>
        %reduce_sum3A_679 = arith.constant true
        %reduce_sum3A_680 = vector.broadcast %reduce_sum3A_679 : i1 to vector<16xi1>
        %reduce_sum3A_681 = tpu.scan <sum>, %convert_element_type3A_678 masked %reduce_sum3A_680 : vector<16xi32>, vector<16xi1> -> vector<16xi32>
        %reduce_sum3A_682 = vector.extract %reduce_sum3A_681[15] : i32 from vector<16xi32>
        %min3A_683 = arith.minsi %add3A_620, %scan3A_69 : i32
        %swap3A_684 = arith.index_cast %min3A_683 : i32 to index
        %swap3A_685 = tpu.vector_load %arg22[%swap3A_684] masked %le3A_677 {strides = array<i32>} : memref<64xf32, #tpu.memory_space<vmem>>, vector<16xf32>, vector<16xi1>
        tpu.vector_store %arg22[%swap3A_684], %get3A_676 masked %le3A_677 {strides = array<i32>} : memref<64xf32, #tpu.memory_space<vmem>>, vector<16xf32>, vector<16xi1>
        %add3A_686 = vector.broadcast %mul3A_674 : i32 to vector<16xi32>
        %add3A_687 = arith.addi %iota3A, %add3A_686 : vector<16xi32>
        %swap3A_688 = arith.index_cast %min3A_683 : i32 to index
        %swap3A_689 = tpu.vector_load %arg30[%swap3A_688] masked %le3A_677 {strides = array<i32>} : memref<64xi32, #tpu.memory_space<vmem>>, vector<16xi32>, vector<16xi1>
        tpu.vector_store %arg30[%swap3A_688], %add3A_687 masked %le3A_677 {strides = array<i32>} : memref<64xi32, #tpu.memory_space<vmem>>, vector<16xi32>, vector<16xi1>
        %add3A_690 = arith.addi %add3A_620, %reduce_sum3A_682 : i32
        %get3A_691 = arith.index_cast %mul3A_674 : i32 to index
        %get3A_692 = tpu.vector_load %arg7[%get3A_691] {strides = array<i32>} : memref<8192xf32, #tpu.memory_space<vmem>>, vector<16xf32>,
        %le3A_693 = arith.cmpf ole, %get3A_692, %get3A_264 : vector<16xf32>
        %convert_element_type3A_694 = arith.extui %le3A_693 : vector<16xi1> to vector<16xi32>
        %reduce_sum3A_695 = arith.constant true
        %reduce_sum3A_696 = vector.broadcast %reduce_sum3A_695 : i1 to vector<16xi1>
        %reduce_sum3A_697 = tpu.scan <sum>, %convert_element_type3A_694 masked %reduce_sum3A_696 : vector<16xi32>, vector<16xi1> -> vector<16xi32>
        %reduce_sum3A_698 = vector.extract %reduce_sum3A_697[15] : i32 from vector<16xi32>
        %min3A_699 = arith.minsi %add3A_636, %scan3A_69 : i32
        %swap3A_700 = arith.index_cast %min3A_699 : i32 to index
        %swap3A_701 = tpu.vector_load %arg23[%swap3A_700] masked %le3A_693 {strides = array<i32>} : memref<64xf32, #tpu.memory_space<vmem>>, vector<16xf32>, vector<16xi1>
        tpu.vector_store %arg23[%swap3A_700], %get3A_692 masked %le3A_693 {strides = array<i32>} : memref<64xf32, #tpu.memory_space<vmem>>, vector<16xf32>, vector<16xi1>
        %add3A_702 = vector.broadcast %mul3A_674 : i32 to vector<16xi32>
        %add3A_703 = arith.addi %iota3A, %add3A_702 : vector<16xi32>
        %swap3A_704 = arith.index_cast %min3A_699 : i32 to index
        %swap3A_705 = tpu.vector_load %arg31[%swap3A_704] masked %le3A_693 {strides = array<i32>} : memref<64xi32, #tpu.memory_space<vmem>>, vector<16xi32>, vector<16xi1>
        tpu.vector_store %arg31[%swap3A_704], %add3A_703 masked %le3A_693 {strides = array<i32>} : memref<64xi32, #tpu.memory_space<vmem>>, vector<16xi32>, vector<16xi1>
        %add3A_706 = arith.addi %add3A_636, %reduce_sum3A_698 : i32
        %get3A_707 = arith.index_cast %mul3A_674 : i32 to index
        %get3A_708 = tpu.vector_load %arg8[%get3A_707] {strides = array<i32>} : memref<8192xf32, #tpu.memory_space<vmem>>, vector<16xf32>,
        %le3A_709 = arith.cmpf ole, %get3A_708, %get3A_266 : vector<16xf32>
        %convert_element_type3A_710 = arith.extui %le3A_709 : vector<16xi1> to vector<16xi32>
        %reduce_sum3A_711 = arith.constant true
        %reduce_sum3A_712 = vector.broadcast %reduce_sum3A_711 : i1 to vector<16xi1>
        %reduce_sum3A_713 = tpu.scan <sum>, %convert_element_type3A_710 masked %reduce_sum3A_712 : vector<16xi32>, vector<16xi1> -> vector<16xi32>
        %reduce_sum3A_714 = vector.extract %reduce_sum3A_713[15] : i32 from vector<16xi32>
        %min3A_715 = arith.minsi %add3A_652, %scan3A_69 : i32
        %swap3A_716 = arith.index_cast %min3A_715 : i32 to index
        %swap3A_717 = tpu.vector_load %arg24[%swap3A_716] masked %le3A_709 {strides = array<i32>} : memref<64xf32, #tpu.memory_space<vmem>>, vector<16xf32>, vector<16xi1>
        tpu.vector_store %arg24[%swap3A_716], %get3A_708 masked %le3A_709 {strides = array<i32>} : memref<64xf32, #tpu.memory_space<vmem>>, vector<16xf32>, vector<16xi1>
        %add3A_718 = vector.broadcast %mul3A_674 : i32 to vector<16xi32>
        %add3A_719 = arith.addi %iota3A, %add3A_718 : vector<16xi32>
        %swap3A_720 = arith.index_cast %min3A_715 : i32 to index
        %swap3A_721 = tpu.vector_load %arg32[%swap3A_720] masked %le3A_709 {strides = array<i32>} : memref<64xi32, #tpu.memory_space<vmem>>, vector<16xi32>, vector<16xi1>
        tpu.vector_store %arg32[%swap3A_720], %add3A_719 masked %le3A_709 {strides = array<i32>} : memref<64xi32, #tpu.memory_space<vmem>>, vector<16xi32>, vector<16xi1>
        %add3A_722 = arith.addi %add3A_652, %reduce_sum3A_714 : i32
        %get3A_723 = arith.index_cast %mul3A_674 : i32 to index
        %get3A_724 = tpu.vector_load %arg9[%get3A_723] {strides = array<i32>} : memref<8192xf32, #tpu.memory_space<vmem>>, vector<16xf32>,
        %le3A_725 = arith.cmpf ole, %get3A_724, %get3A_268 : vector<16xf32>
        %convert_element_type3A_726 = arith.extui %le3A_725 : vector<16xi1> to vector<16xi32>
        %reduce_sum3A_727 = arith.constant true
        %reduce_sum3A_728 = vector.broadcast %reduce_sum3A_727 : i1 to vector<16xi1>
        %reduce_sum3A_729 = tpu.scan <sum>, %convert_element_type3A_726 masked %reduce_sum3A_728 : vector<16xi32>, vector<16xi1> -> vector<16xi32>
        %reduce_sum3A_730 = vector.extract %reduce_sum3A_729[15] : i32 from vector<16xi32>
        %min3A_731 = arith.minsi %add3A_668, %scan3A_69 : i32
        %swap3A_732 = arith.index_cast %min3A_731 : i32 to index
        %swap3A_733 = tpu.vector_load %arg25[%swap3A_732] masked %le3A_725 {strides = array<i32>} : memref<64xf32, #tpu.memory_space<vmem>>, vector<16xf32>, vector<16xi1>
        tpu.vector_store %arg25[%swap3A_732], %get3A_724 masked %le3A_725 {strides = array<i32>} : memref<64xf32, #tpu.memory_space<vmem>>, vector<16xf32>, vector<16xi1>
        %add3A_734 = vector.broadcast %mul3A_674 : i32 to vector<16xi32>
        %add3A_735 = arith.addi %iota3A, %add3A_734 : vector<16xi32>
        %swap3A_736 = arith.index_cast %min3A_731 : i32 to index
        %swap3A_737 = tpu.vector_load %arg33[%swap3A_736] masked %le3A_725 {strides = array<i32>} : memref<64xi32, #tpu.memory_space<vmem>>, vector<16xi32>, vector<16xi1>
        tpu.vector_store %arg33[%swap3A_736], %add3A_735 masked %le3A_725 {strides = array<i32>} : memref<64xi32, #tpu.memory_space<vmem>>, vector<16xi32>, vector<16xi1>
        %add3A_738 = arith.addi %add3A_668, %reduce_sum3A_730 : i32
        %mul3A_739 = arith.constant 4 : i32
        %mul3A_740 = arith.muli %scan3A_527, %mul3A_739 : i32
        %add3A_741 = arith.constant 3 : i32
        %add3A_742 = arith.addi %mul3A_740, %add3A_741 : i32
        %mul3A_743 = arith.constant 16 : i32
        %mul3A_744 = arith.muli %add3A_742, %mul3A_743 : i32
        %get3A_745 = arith.index_cast %mul3A_744 : i32 to index
        %get3A_746 = tpu.vector_load %arg6[%get3A_745] {strides = array<i32>} : memref<8192xf32, #tpu.memory_space<vmem>>, vector<16xf32>,
        %le3A_747 = arith.cmpf ole, %get3A_746, %get3A_262 : vector<16xf32>
        %convert_element_type3A_748 = arith.extui %le3A_747 : vector<16xi1> to vector<16xi32>
        %reduce_sum3A_749 = arith.constant true
        %reduce_sum3A_750 = vector.broadcast %reduce_sum3A_749 : i1 to vector<16xi1>
        %reduce_sum3A_751 = tpu.scan <sum>, %convert_element_type3A_748 masked %reduce_sum3A_750 : vector<16xi32>, vector<16xi1> -> vector<16xi32>
        %reduce_sum3A_752 = vector.extract %reduce_sum3A_751[15] : i32 from vector<16xi32>
        %min3A_753 = arith.minsi %add3A_690, %scan3A_69 : i32
        %swap3A_754 = arith.index_cast %min3A_753 : i32 to index
        %swap3A_755 = tpu.vector_load %arg22[%swap3A_754] masked %le3A_747 {strides = array<i32>} : memref<64xf32, #tpu.memory_space<vmem>>, vector<16xf32>, vector<16xi1>
        tpu.vector_store %arg22[%swap3A_754], %get3A_746 masked %le3A_747 {strides = array<i32>} : memref<64xf32, #tpu.memory_space<vmem>>, vector<16xf32>, vector<16xi1>
        %add3A_756 = vector.broadcast %mul3A_744 : i32 to vector<16xi32>
        %add3A_757 = arith.addi %iota3A, %add3A_756 : vector<16xi32>
        %swap3A_758 = arith.index_cast %min3A_753 : i32 to index
        %swap3A_759 = tpu.vector_load %arg30[%swap3A_758] masked %le3A_747 {strides = array<i32>} : memref<64xi32, #tpu.memory_space<vmem>>, vector<16xi32>, vector<16xi1>
        tpu.vector_store %arg30[%swap3A_758], %add3A_757 masked %le3A_747 {strides = array<i32>} : memref<64xi32, #tpu.memory_space<vmem>>, vector<16xi32>, vector<16xi1>
        %add3A_760 = arith.addi %add3A_690, %reduce_sum3A_752 : i32
        %get3A_761 = arith.index_cast %mul3A_744 : i32 to index
        %get3A_762 = tpu.vector_load %arg7[%get3A_761] {strides = array<i32>} : memref<8192xf32, #tpu.memory_space<vmem>>, vector<16xf32>,
        %le3A_763 = arith.cmpf ole, %get3A_762, %get3A_264 : vector<16xf32>
        %convert_element_type3A_764 = arith.extui %le3A_763 : vector<16xi1> to vector<16xi32>
        %reduce_sum3A_765 = arith.constant true
        %reduce_sum3A_766 = vector.broadcast %reduce_sum3A_765 : i1 to vector<16xi1>
        %reduce_sum3A_767 = tpu.scan <sum>, %convert_element_type3A_764 masked %reduce_sum3A_766 : vector<16xi32>, vector<16xi1> -> vector<16xi32>
        %reduce_sum3A_768 = vector.extract %reduce_sum3A_767[15] : i32 from vector<16xi32>
        %min3A_769 = arith.minsi %add3A_706, %scan3A_69 : i32
        %swap3A_770 = arith.index_cast %min3A_769 : i32 to index
        %swap3A_771 = tpu.vector_load %arg23[%swap3A_770] masked %le3A_763 {strides = array<i32>} : memref<64xf32, #tpu.memory_space<vmem>>, vector<16xf32>, vector<16xi1>
        tpu.vector_store %arg23[%swap3A_770], %get3A_762 masked %le3A_763 {strides = array<i32>} : memref<64xf32, #tpu.memory_space<vmem>>, vector<16xf32>, vector<16xi1>
        %add3A_772 = vector.broadcast %mul3A_744 : i32 to vector<16xi32>
        %add3A_773 = arith.addi %iota3A, %add3A_772 : vector<16xi32>
        %swap3A_774 = arith.index_cast %min3A_769 : i32 to index
        %swap3A_775 = tpu.vector_load %arg31[%swap3A_774] masked %le3A_763 {strides = array<i32>} : memref<64xi32, #tpu.memory_space<vmem>>, vector<16xi32>, vector<16xi1>
        tpu.vector_store %arg31[%swap3A_774], %add3A_773 masked %le3A_763 {strides = array<i32>} : memref<64xi32, #tpu.memory_space<vmem>>, vector<16xi32>, vector<16xi1>
        %add3A_776 = arith.addi %add3A_706, %reduce_sum3A_768 : i32
        %get3A_777 = arith.index_cast %mul3A_744 : i32 to index
        %get3A_778 = tpu.vector_load %arg8[%get3A_777] {strides = array<i32>} : memref<8192xf32, #tpu.memory_space<vmem>>, vector<16xf32>,
        %le3A_779 = arith.cmpf ole, %get3A_778, %get3A_266 : vector<16xf32>
        %convert_element_type3A_780 = arith.extui %le3A_779 : vector<16xi1> to vector<16xi32>
        %reduce_sum3A_781 = arith.constant true
        %reduce_sum3A_782 = vector.broadcast %reduce_sum3A_781 : i1 to vector<16xi1>
        %reduce_sum3A_783 = tpu.scan <sum>, %convert_element_type3A_780 masked %reduce_sum3A_782 : vector<16xi32>, vector<16xi1> -> vector<16xi32>
        %reduce_sum3A_784 = vector.extract %reduce_sum3A_783[15] : i32 from vector<16xi32>
        %min3A_785 = arith.minsi %add3A_722, %scan3A_69 : i32
        %swap3A_786 = arith.index_cast %min3A_785 : i32 to index
        %swap3A_787 = tpu.vector_load %arg24[%swap3A_786] masked %le3A_779 {strides = array<i32>} : memref<64xf32, #tpu.memory_space<vmem>>, vector<16xf32>, vector<16xi1>
        tpu.vector_store %arg24[%swap3A_786], %get3A_778 masked %le3A_779 {strides = array<i32>} : memref<64xf32, #tpu.memory_space<vmem>>, vector<16xf32>, vector<16xi1>
        %add3A_788 = vector.broadcast %mul3A_744 : i32 to vector<16xi32>
        %add3A_789 = arith.addi %iota3A, %add3A_788 : vector<16xi32>
        %swap3A_790 = arith.index_cast %min3A_785 : i32 to index
        %swap3A_791 = tpu.vector_load %arg32[%swap3A_790] masked %le3A_779 {strides = array<i32>} : memref<64xi32, #tpu.memory_space<vmem>>, vector<16xi32>, vector<16xi1>
        tpu.vector_store %arg32[%swap3A_790], %add3A_789 masked %le3A_779 {strides = array<i32>} : memref<64xi32, #tpu.memory_space<vmem>>, vector<16xi32>, vector<16xi1>
        %add3A_792 = arith.addi %add3A_722, %reduce_sum3A_784 : i32
        %get3A_793 = arith.index_cast %mul3A_744 : i32 to index
        %get3A_794 = tpu.vector_load %arg9[%get3A_793] {strides = array<i32>} : memref<8192xf32, #tpu.memory_space<vmem>>, vector<16xf32>,
        %le3A_795 = arith.cmpf ole, %get3A_794, %get3A_268 : vector<16xf32>
        %convert_element_type3A_796 = arith.extui %le3A_795 : vector<16xi1> to vector<16xi32>
        %reduce_sum3A_797 = arith.constant true
        %reduce_sum3A_798 = vector.broadcast %reduce_sum3A_797 : i1 to vector<16xi1>
        %reduce_sum3A_799 = tpu.scan <sum>, %convert_element_type3A_796 masked %reduce_sum3A_798 : vector<16xi32>, vector<16xi1> -> vector<16xi32>
        %reduce_sum3A_800 = vector.extract %reduce_sum3A_799[15] : i32 from vector<16xi32>
        %min3A_801 = arith.minsi %add3A_738, %scan3A_69 : i32
        %swap3A_802 = arith.index_cast %min3A_801 : i32 to index
        %swap3A_803 = tpu.vector_load %arg25[%swap3A_802] masked %le3A_795 {strides = array<i32>} : memref<64xf32, #tpu.memory_space<vmem>>, vector<16xf32>, vector<16xi1>
        tpu.vector_store %arg25[%swap3A_802], %get3A_794 masked %le3A_795 {strides = array<i32>} : memref<64xf32, #tpu.memory_space<vmem>>, vector<16xf32>, vector<16xi1>
        %add3A_804 = vector.broadcast %mul3A_744 : i32 to vector<16xi32>
        %add3A_805 = arith.addi %iota3A, %add3A_804 : vector<16xi32>
        %swap3A_806 = arith.index_cast %min3A_801 : i32 to index
        %swap3A_807 = tpu.vector_load %arg33[%swap3A_806] masked %le3A_795 {strides = array<i32>} : memref<64xi32, #tpu.memory_space<vmem>>, vector<16xi32>, vector<16xi1>
        tpu.vector_store %arg33[%swap3A_806], %add3A_805 masked %le3A_795 {strides = array<i32>} : memref<64xi32, #tpu.memory_space<vmem>>, vector<16xi32>, vector<16xi1>
        %add3A_808 = arith.addi %add3A_738, %reduce_sum3A_800 : i32
        scf.yield %add3A_760, %add3A_776, %add3A_792, %add3A_808 : i32, i32, i32, i32
      }
      %scan3A_278 = arith.constant 128 : i32
      %mul3A_279 = arith.constant 4 : i32
      %mul3A_280 = arith.muli %add3A_174, %mul3A_279 : i32
      %add3A_281 = arith.addi %mul3A_2, %mul3A_280 : i32
      %add3A_282 = arith.constant 0 : i32
      %add3A_283 = arith.addi %add3A_281, %add3A_282 : i32
      %dma_start3A_284 = arith.constant 0 : i32
      %dma_start3A_285 = tpu.memref_slice %arg4[%add3A_283, %dma_start3A_284] : memref<8192x64xf32, #tpu.memory_space<hbm>> -> memref<1x64xf32, #tpu.memory_space<hbm>>
      %dma_start3A_286 = tpu.memref_squeeze %dma_start3A_285 : memref<1x64xf32, #tpu.memory_space<hbm>> -> memref<64xf32, #tpu.memory_space<hbm>>
      %dma_start3A_287 = arith.constant 0 : i32
      %dma_start3A_288 = tpu.memref_slice %arg4[%add3A_283, %dma_start3A_287] : memref<8192x64xf32, #tpu.memory_space<hbm>> -> memref<1x64xf32, #tpu.memory_space<hbm>>
      %dma_start3A_289 = tpu.memref_squeeze %dma_start3A_288 : memref<1x64xf32, #tpu.memory_space<hbm>> -> memref<64xf32, #tpu.memory_space<hbm>>
      tpu.enqueue_dma source(%arg22 : memref<64xf32, #tpu.memory_space<vmem>>) target(%dma_start3A_289 : memref<64xf32, #tpu.memory_space<hbm>>) target_semaphore(%arg40 : memref<!tpu.dma_semaphore, #tpu.memory_space<semaphore_mem>>)
      %add3A_290 = arith.constant 0 : i32
      %add3A_291 = arith.addi %add3A_281, %add3A_290 : i32
      %dma_start3A_292 = arith.constant 0 : i32
      %dma_start3A_293 = tpu.memref_slice %arg5[%add3A_291, %dma_start3A_292] : memref<8192x64xi32, #tpu.memory_space<hbm>> -> memref<1x64xi32, #tpu.memory_space<hbm>>
      %dma_start3A_294 = tpu.memref_squeeze %dma_start3A_293 : memref<1x64xi32, #tpu.memory_space<hbm>> -> memref<64xi32, #tpu.memory_space<hbm>>
      %dma_start3A_295 = arith.constant 0 : i32
      %dma_start3A_296 = tpu.memref_slice %arg5[%add3A_291, %dma_start3A_295] : memref<8192x64xi32, #tpu.memory_space<hbm>> -> memref<1x64xi32, #tpu.memory_space<hbm>>
      %dma_start3A_297 = tpu.memref_squeeze %dma_start3A_296 : memref<1x64xi32, #tpu.memory_space<hbm>> -> memref<64xi32, #tpu.memory_space<hbm>>
      tpu.enqueue_dma source(%arg30 : memref<64xi32, #tpu.memory_space<vmem>>) target(%dma_start3A_297 : memref<64xi32, #tpu.memory_space<hbm>>) target_semaphore(%arg40 : memref<!tpu.dma_semaphore, #tpu.memory_space<semaphore_mem>>)
      %add3A_298 = arith.constant 1 : i32
      %add3A_299 = arith.addi %add3A_281, %add3A_298 : i32
      %dma_start3A_300 = arith.constant 0 : i32
      %dma_start3A_301 = tpu.memref_slice %arg4[%add3A_299, %dma_start3A_300] : memref<8192x64xf32, #tpu.memory_space<hbm>> -> memref<1x64xf32, #tpu.memory_space<hbm>>
      %dma_start3A_302 = tpu.memref_squeeze %dma_start3A_301 : memref<1x64xf32, #tpu.memory_space<hbm>> -> memref<64xf32, #tpu.memory_space<hbm>>
      %dma_start3A_303 = arith.constant 0 : i32
      %dma_start3A_304 = tpu.memref_slice %arg4[%add3A_299, %dma_start3A_303] : memref<8192x64xf32, #tpu.memory_space<hbm>> -> memref<1x64xf32, #tpu.memory_space<hbm>>
      %dma_start3A_305 = tpu.memref_squeeze %dma_start3A_304 : memref<1x64xf32, #tpu.memory_space<hbm>> -> memref<64xf32, #tpu.memory_space<hbm>>
      tpu.enqueue_dma source(%arg23 : memref<64xf32, #tpu.memory_space<vmem>>) target(%dma_start3A_305 : memref<64xf32, #tpu.memory_space<hbm>>) target_semaphore(%arg40 : memref<!tpu.dma_semaphore, #tpu.memory_space<semaphore_mem>>)
      %add3A_306 = arith.constant 1 : i32
      %add3A_307 = arith.addi %add3A_281, %add3A_306 : i32
      %dma_start3A_308 = arith.constant 0 : i32
      %dma_start3A_309 = tpu.memref_slice %arg5[%add3A_307, %dma_start3A_308] : memref<8192x64xi32, #tpu.memory_space<hbm>> -> memref<1x64xi32, #tpu.memory_space<hbm>>
      %dma_start3A_310 = tpu.memref_squeeze %dma_start3A_309 : memref<1x64xi32, #tpu.memory_space<hbm>> -> memref<64xi32, #tpu.memory_space<hbm>>
      %dma_start3A_311 = arith.constant 0 : i32
      %dma_start3A_312 = tpu.memref_slice %arg5[%add3A_307, %dma_start3A_311] : memref<8192x64xi32, #tpu.memory_space<hbm>> -> memref<1x64xi32, #tpu.memory_space<hbm>>
      %dma_start3A_313 = tpu.memref_squeeze %dma_start3A_312 : memref<1x64xi32, #tpu.memory_space<hbm>> -> memref<64xi32, #tpu.memory_space<hbm>>
      tpu.enqueue_dma source(%arg31 : memref<64xi32, #tpu.memory_space<vmem>>) target(%dma_start3A_313 : memref<64xi32, #tpu.memory_space<hbm>>) target_semaphore(%arg40 : memref<!tpu.dma_semaphore, #tpu.memory_space<semaphore_mem>>)
      %add3A_314 = arith.constant 2 : i32
      %add3A_315 = arith.addi %add3A_281, %add3A_314 : i32
      %dma_start3A_316 = arith.constant 0 : i32
      %dma_start3A_317 = tpu.memref_slice %arg4[%add3A_315, %dma_start3A_316] : memref<8192x64xf32, #tpu.memory_space<hbm>> -> memref<1x64xf32, #tpu.memory_space<hbm>>
      %dma_start3A_318 = tpu.memref_squeeze %dma_start3A_317 : memref<1x64xf32, #tpu.memory_space<hbm>> -> memref<64xf32, #tpu.memory_space<hbm>>
      %dma_start3A_319 = arith.constant 0 : i32
      %dma_start3A_320 = tpu.memref_slice %arg4[%add3A_315, %dma_start3A_319] : memref<8192x64xf32, #tpu.memory_space<hbm>> -> memref<1x64xf32, #tpu.memory_space<hbm>>
      %dma_start3A_321 = tpu.memref_squeeze %dma_start3A_320 : memref<1x64xf32, #tpu.memory_space<hbm>> -> memref<64xf32, #tpu.memory_space<hbm>>
      tpu.enqueue_dma source(%arg24 : memref<64xf32, #tpu.memory_space<vmem>>) target(%dma_start3A_321 : memref<64xf32, #tpu.memory_space<hbm>>) target_semaphore(%arg40 : memref<!tpu.dma_semaphore, #tpu.memory_space<semaphore_mem>>)
      %add3A_322 = arith.constant 2 : i32
      %add3A_323 = arith.addi %add3A_281, %add3A_322 : i32
      %dma_start3A_324 = arith.constant 0 : i32
      %dma_start3A_325 = tpu.memref_slice %arg5[%add3A_323, %dma_start3A_324] : memref<8192x64xi32, #tpu.memory_space<hbm>> -> memref<1x64xi32, #tpu.memory_space<hbm>>
      %dma_start3A_326 = tpu.memref_squeeze %dma_start3A_325 : memref<1x64xi32, #tpu.memory_space<hbm>> -> memref<64xi32, #tpu.memory_space<hbm>>
      %dma_start3A_327 = arith.constant 0 : i32
      %dma_start3A_328 = tpu.memref_slice %arg5[%add3A_323, %dma_start3A_327] : memref<8192x64xi32, #tpu.memory_space<hbm>> -> memref<1x64xi32, #tpu.memory_space<hbm>>
      %dma_start3A_329 = tpu.memref_squeeze %dma_start3A_328 : memref<1x64xi32, #tpu.memory_space<hbm>> -> memref<64xi32, #tpu.memory_space<hbm>>
      tpu.enqueue_dma source(%arg32 : memref<64xi32, #tpu.memory_space<vmem>>) target(%dma_start3A_329 : memref<64xi32, #tpu.memory_space<hbm>>) target_semaphore(%arg40 : memref<!tpu.dma_semaphore, #tpu.memory_space<semaphore_mem>>)
      %add3A_330 = arith.constant 3 : i32
      %add3A_331 = arith.addi %add3A_281, %add3A_330 : i32
      %dma_start3A_332 = arith.constant 0 : i32
      %dma_start3A_333 = tpu.memref_slice %arg4[%add3A_331, %dma_start3A_332] : memref<8192x64xf32, #tpu.memory_space<hbm>> -> memref<1x64xf32, #tpu.memory_space<hbm>>
      %dma_start3A_334 = tpu.memref_squeeze %dma_start3A_333 : memref<1x64xf32, #tpu.memory_space<hbm>> -> memref<64xf32, #tpu.memory_space<hbm>>
      %dma_start3A_335 = arith.constant 0 : i32
      %dma_start3A_336 = tpu.memref_slice %arg4[%add3A_331, %dma_start3A_335] : memref<8192x64xf32, #tpu.memory_space<hbm>> -> memref<1x64xf32, #tpu.memory_space<hbm>>
      %dma_start3A_337 = tpu.memref_squeeze %dma_start3A_336 : memref<1x64xf32, #tpu.memory_space<hbm>> -> memref<64xf32, #tpu.memory_space<hbm>>
      tpu.enqueue_dma source(%arg25 : memref<64xf32, #tpu.memory_space<vmem>>) target(%dma_start3A_337 : memref<64xf32, #tpu.memory_space<hbm>>) target_semaphore(%arg40 : memref<!tpu.dma_semaphore, #tpu.memory_space<semaphore_mem>>)
      %add3A_338 = arith.constant 3 : i32
      %add3A_339 = arith.addi %add3A_281, %add3A_338 : i32
      %dma_start3A_340 = arith.constant 0 : i32
      %dma_start3A_341 = tpu.memref_slice %arg5[%add3A_339, %dma_start3A_340] : memref<8192x64xi32, #tpu.memory_space<hbm>> -> memref<1x64xi32, #tpu.memory_space<hbm>>
      %dma_start3A_342 = tpu.memref_squeeze %dma_start3A_341 : memref<1x64xi32, #tpu.memory_space<hbm>> -> memref<64xi32, #tpu.memory_space<hbm>>
      %dma_start3A_343 = arith.constant 0 : i32
      %dma_start3A_344 = tpu.memref_slice %arg5[%add3A_339, %dma_start3A_343] : memref<8192x64xi32, #tpu.memory_space<hbm>> -> memref<1x64xi32, #tpu.memory_space<hbm>>
      %dma_start3A_345 = tpu.memref_squeeze %dma_start3A_344 : memref<1x64xi32, #tpu.memory_space<hbm>> -> memref<64xi32, #tpu.memory_space<hbm>>
      tpu.enqueue_dma source(%arg33 : memref<64xi32, #tpu.memory_space<vmem>>) target(%dma_start3A_345 : memref<64xi32, #tpu.memory_space<hbm>>) target_semaphore(%arg40 : memref<!tpu.dma_semaphore, #tpu.memory_space<semaphore_mem>>)
      %mul3A_346 = arith.constant 2 : i32
      %mul3A_347 = arith.muli %scan3A_170, %mul3A_346 : i32
      %add3A_348 = arith.constant 1 : i32
      %add3A_349 = arith.addi %mul3A_347, %add3A_348 : i32
      %add3A_350 = arith.constant 1 : i32
      %add3A_351 = arith.addi %add3A_349, %add3A_350 : i32
      %lt3A_352 = arith.constant 64 : i32
      %lt3A_353 = arith.cmpi slt, %add3A_351, %lt3A_352 : i32
      %convert_element_type3A_354 = arith.extui %lt3A_353 : i1 to i32
      %cond3A_355 = arith.constant 0 : i32
      %cond3A_356 = arith.cmpi ne, %convert_element_type3A_354, %cond3A_355 : i32
      scf.if %cond3A_356 {
        %add3A_527 = arith.constant 1 : i32
        %add3A_528 = arith.addi %add3A_349, %add3A_527 : i32
        %mul3A_529 = arith.constant 4 : i32
        %mul3A_530 = arith.muli %add3A_528, %mul3A_529 : i32
        %add3A_531 = arith.addi %mul3A_2, %mul3A_530 : i32
        %add3A_532 = arith.constant 0 : i32
        %add3A_533 = arith.addi %add3A_531, %add3A_532 : i32
        %dma_start3A_534 = arith.constant 0 : i32
        %dma_start3A_535 = tpu.memref_slice %arg2[%add3A_533, %dma_start3A_534] : memref<8192x8192xf32, #tpu.memory_space<hbm>> -> memref<1x8192xf32, #tpu.memory_space<hbm>>
        %dma_start3A_536 = tpu.memref_squeeze %dma_start3A_535 : memref<1x8192xf32, #tpu.memory_space<hbm>> -> memref<8192xf32, #tpu.memory_space<hbm>>
        %dma_start3A_537 = arith.constant 0 : i32
        %dma_start3A_538 = tpu.memref_slice %arg2[%add3A_533, %dma_start3A_537] : memref<8192x8192xf32, #tpu.memory_space<hbm>> -> memref<1x8192xf32, #tpu.memory_space<hbm>>
        %dma_start3A_539 = tpu.memref_squeeze %dma_start3A_538 : memref<1x8192xf32, #tpu.memory_space<hbm>> -> memref<8192xf32, #tpu.memory_space<hbm>>
        tpu.enqueue_dma source(%dma_start3A_539 : memref<8192xf32, #tpu.memory_space<hbm>>) target(%arg6 : memref<8192xf32, #tpu.memory_space<vmem>>) target_semaphore(%arg38 : memref<!tpu.dma_semaphore, #tpu.memory_space<semaphore_mem>>)
        %add3A_540 = arith.constant 0 : i32
        %add3A_541 = arith.addi %add3A_531, %add3A_540 : i32
        %dma_start3A_542 = arith.constant 0 : i32
        %dma_start3A_543 = tpu.memref_slice %arg3[%add3A_541, %dma_start3A_542] : memref<8192x128xf32, #tpu.memory_space<hbm>> -> memref<1x128xf32, #tpu.memory_space<hbm>>
        %dma_start3A_544 = tpu.memref_squeeze %dma_start3A_543 : memref<1x128xf32, #tpu.memory_space<hbm>> -> memref<128xf32, #tpu.memory_space<hbm>>
        %dma_start3A_545 = arith.constant 0 : i32
        %dma_start3A_546 = tpu.memref_slice %arg3[%add3A_541, %dma_start3A_545] : memref<8192x128xf32, #tpu.memory_space<hbm>> -> memref<1x128xf32, #tpu.memory_space<hbm>>
        %dma_start3A_547 = tpu.memref_squeeze %dma_start3A_546 : memref<1x128xf32, #tpu.memory_space<hbm>> -> memref<128xf32, #tpu.memory_space<hbm>>
        tpu.enqueue_dma source(%dma_start3A_547 : memref<128xf32, #tpu.memory_space<hbm>>) target(%arg14 : memref<128xf32, #tpu.memory_space<vmem>>) target_semaphore(%arg38 : memref<!tpu.dma_semaphore, #tpu.memory_space<semaphore_mem>>)
        %add3A_548 = arith.constant 1 : i32
        %add3A_549 = arith.addi %add3A_531, %add3A_548 : i32
        %dma_start3A_550 = arith.constant 0 : i32
        %dma_start3A_551 = tpu.memref_slice %arg2[%add3A_549, %dma_start3A_550] : memref<8192x8192xf32, #tpu.memory_space<hbm>> -> memref<1x8192xf32, #tpu.memory_space<hbm>>
        %dma_start3A_552 = tpu.memref_squeeze %dma_start3A_551 : memref<1x8192xf32, #tpu.memory_space<hbm>> -> memref<8192xf32, #tpu.memory_space<hbm>>
        %dma_start3A_553 = arith.constant 0 : i32
        %dma_start3A_554 = tpu.memref_slice %arg2[%add3A_549, %dma_start3A_553] : memref<8192x8192xf32, #tpu.memory_space<hbm>> -> memref<1x8192xf32, #tpu.memory_space<hbm>>
        %dma_start3A_555 = tpu.memref_squeeze %dma_start3A_554 : memref<1x8192xf32, #tpu.memory_space<hbm>> -> memref<8192xf32, #tpu.memory_space<hbm>>
        tpu.enqueue_dma source(%dma_start3A_555 : memref<8192xf32, #tpu.memory_space<hbm>>) target(%arg7 : memref<8192xf32, #tpu.memory_space<vmem>>) target_semaphore(%arg38 : memref<!tpu.dma_semaphore, #tpu.memory_space<semaphore_mem>>)
        %add3A_556 = arith.constant 1 : i32
        %add3A_557 = arith.addi %add3A_531, %add3A_556 : i32
        %dma_start3A_558 = arith.constant 0 : i32
        %dma_start3A_559 = tpu.memref_slice %arg3[%add3A_557, %dma_start3A_558] : memref<8192x128xf32, #tpu.memory_space<hbm>> -> memref<1x128xf32, #tpu.memory_space<hbm>>
        %dma_start3A_560 = tpu.memref_squeeze %dma_start3A_559 : memref<1x128xf32, #tpu.memory_space<hbm>> -> memref<128xf32, #tpu.memory_space<hbm>>
        %dma_start3A_561 = arith.constant 0 : i32
        %dma_start3A_562 = tpu.memref_slice %arg3[%add3A_557, %dma_start3A_561] : memref<8192x128xf32, #tpu.memory_space<hbm>> -> memref<1x128xf32, #tpu.memory_space<hbm>>
        %dma_start3A_563 = tpu.memref_squeeze %dma_start3A_562 : memref<1x128xf32, #tpu.memory_space<hbm>> -> memref<128xf32, #tpu.memory_space<hbm>>
        tpu.enqueue_dma source(%dma_start3A_563 : memref<128xf32, #tpu.memory_space<hbm>>) target(%arg15 : memref<128xf32, #tpu.memory_space<vmem>>) target_semaphore(%arg38 : memref<!tpu.dma_semaphore, #tpu.memory_space<semaphore_mem>>)
        %add3A_564 = arith.constant 2 : i32
        %add3A_565 = arith.addi %add3A_531, %add3A_564 : i32
        %dma_start3A_566 = arith.constant 0 : i32
        %dma_start3A_567 = tpu.memref_slice %arg2[%add3A_565, %dma_start3A_566] : memref<8192x8192xf32, #tpu.memory_space<hbm>> -> memref<1x8192xf32, #tpu.memory_space<hbm>>
        %dma_start3A_568 = tpu.memref_squeeze %dma_start3A_567 : memref<1x8192xf32, #tpu.memory_space<hbm>> -> memref<8192xf32, #tpu.memory_space<hbm>>
        %dma_start3A_569 = arith.constant 0 : i32
        %dma_start3A_570 = tpu.memref_slice %arg2[%add3A_565, %dma_start3A_569] : memref<8192x8192xf32, #tpu.memory_space<hbm>> -> memref<1x8192xf32, #tpu.memory_space<hbm>>
        %dma_start3A_571 = tpu.memref_squeeze %dma_start3A_570 : memref<1x8192xf32, #tpu.memory_space<hbm>> -> memref<8192xf32, #tpu.memory_space<hbm>>
        tpu.enqueue_dma source(%dma_start3A_571 : memref<8192xf32, #tpu.memory_space<hbm>>) target(%arg8 : memref<8192xf32, #tpu.memory_space<vmem>>) target_semaphore(%arg38 : memref<!tpu.dma_semaphore, #tpu.memory_space<semaphore_mem>>)
        %add3A_572 = arith.constant 2 : i32
        %add3A_573 = arith.addi %add3A_531, %add3A_572 : i32
        %dma_start3A_574 = arith.constant 0 : i32
        %dma_start3A_575 = tpu.memref_slice %arg3[%add3A_573, %dma_start3A_574] : memref<8192x128xf32, #tpu.memory_space<hbm>> -> memref<1x128xf32, #tpu.memory_space<hbm>>
        %dma_start3A_576 = tpu.memref_squeeze %dma_start3A_575 : memref<1x128xf32, #tpu.memory_space<hbm>> -> memref<128xf32, #tpu.memory_space<hbm>>
        %dma_start3A_577 = arith.constant 0 : i32
        %dma_start3A_578 = tpu.memref_slice %arg3[%add3A_573, %dma_start3A_577] : memref<8192x128xf32, #tpu.memory_space<hbm>> -> memref<1x128xf32, #tpu.memory_space<hbm>>
        %dma_start3A_579 = tpu.memref_squeeze %dma_start3A_578 : memref<1x128xf32, #tpu.memory_space<hbm>> -> memref<128xf32, #tpu.memory_space<hbm>>
        tpu.enqueue_dma source(%dma_start3A_579 : memref<128xf32, #tpu.memory_space<hbm>>) target(%arg16 : memref<128xf32, #tpu.memory_space<vmem>>) target_semaphore(%arg38 : memref<!tpu.dma_semaphore, #tpu.memory_space<semaphore_mem>>)
        %add3A_580 = arith.constant 3 : i32
        %add3A_581 = arith.addi %add3A_531, %add3A_580 : i32
        %dma_start3A_582 = arith.constant 0 : i32
        %dma_start3A_583 = tpu.memref_slice %arg2[%add3A_581, %dma_start3A_582] : memref<8192x8192xf32, #tpu.memory_space<hbm>> -> memref<1x8192xf32, #tpu.memory_space<hbm>>
        %dma_start3A_584 = tpu.memref_squeeze %dma_start3A_583 : memref<1x8192xf32, #tpu.memory_space<hbm>> -> memref<8192xf32, #tpu.memory_space<hbm>>
        %dma_start3A_585 = arith.constant 0 : i32
        %dma_start3A_586 = tpu.memref_slice %arg2[%add3A_581, %dma_start3A_585] : memref<8192x8192xf32, #tpu.memory_space<hbm>> -> memref<1x8192xf32, #tpu.memory_space<hbm>>
        %dma_start3A_587 = tpu.memref_squeeze %dma_start3A_586 : memref<1x8192xf32, #tpu.memory_space<hbm>> -> memref<8192xf32, #tpu.memory_space<hbm>>
        tpu.enqueue_dma source(%dma_start3A_587 : memref<8192xf32, #tpu.memory_space<hbm>>) target(%arg9 : memref<8192xf32, #tpu.memory_space<vmem>>) target_semaphore(%arg38 : memref<!tpu.dma_semaphore, #tpu.memory_space<semaphore_mem>>)
        %add3A_588 = arith.constant 3 : i32
        %add3A_589 = arith.addi %add3A_531, %add3A_588 : i32
        %dma_start3A_590 = arith.constant 0 : i32
        %dma_start3A_591 = tpu.memref_slice %arg3[%add3A_589, %dma_start3A_590] : memref<8192x128xf32, #tpu.memory_space<hbm>> -> memref<1x128xf32, #tpu.memory_space<hbm>>
        %dma_start3A_592 = tpu.memref_squeeze %dma_start3A_591 : memref<1x128xf32, #tpu.memory_space<hbm>> -> memref<128xf32, #tpu.memory_space<hbm>>
        %dma_start3A_593 = arith.constant 0 : i32
        %dma_start3A_594 = tpu.memref_slice %arg3[%add3A_589, %dma_start3A_593] : memref<8192x128xf32, #tpu.memory_space<hbm>> -> memref<1x128xf32, #tpu.memory_space<hbm>>
        %dma_start3A_595 = tpu.memref_squeeze %dma_start3A_594 : memref<1x128xf32, #tpu.memory_space<hbm>> -> memref<128xf32, #tpu.memory_space<hbm>>
        tpu.enqueue_dma source(%dma_start3A_595 : memref<128xf32, #tpu.memory_space<hbm>>) target(%arg17 : memref<128xf32, #tpu.memory_space<vmem>>) target_semaphore(%arg38 : memref<!tpu.dma_semaphore, #tpu.memory_space<semaphore_mem>>)
      } else {
      }
      %dma_wait3A_357 = arith.constant 0 : i32
      %dma_wait3A_358 = tpu.memref_slice %arg2[%mul3A_2, %dma_wait3A_357] : memref<8192x8192xf32, #tpu.memory_space<hbm>> -> memref<1x8192xf32, #tpu.memory_space<hbm>>
      %dma_wait3A_359 = tpu.memref_squeeze %dma_wait3A_358 : memref<1x8192xf32, #tpu.memory_space<hbm>> -> memref<8192xf32, #tpu.memory_space<hbm>>
      %dma_wait3A_360 = arith.constant 0 : i32
      %dma_wait3A_361 = tpu.memref_slice %arg2[%mul3A_2, %dma_wait3A_360] : memref<8192x8192xf32, #tpu.memory_space<hbm>> -> memref<1x8192xf32, #tpu.memory_space<hbm>>
      %dma_wait3A_362 = tpu.memref_squeeze %dma_wait3A_361 : memref<1x8192xf32, #tpu.memory_space<hbm>> -> memref<8192xf32, #tpu.memory_space<hbm>>
      tpu.wait_dma2 semaphore(%arg39 : memref<!tpu.dma_semaphore, #tpu.memory_space<semaphore_mem>>) src(%dma_wait3A_362 : memref<8192xf32, #tpu.memory_space<hbm>>) dst(%arg10 : memref<8192xf32, #tpu.memory_space<vmem>>)
      %dma_wait3A_363 = arith.constant 0 : i32
      %dma_wait3A_364 = tpu.memref_slice %arg3[%mul3A_2, %dma_wait3A_363] : memref<8192x128xf32, #tpu.memory_space<hbm>> -> memref<1x128xf32, #tpu.memory_space<hbm>>
      %dma_wait3A_365 = tpu.memref_squeeze %dma_wait3A_364 : memref<1x128xf32, #tpu.memory_space<hbm>> -> memref<128xf32, #tpu.memory_space<hbm>>
      %dma_wait3A_366 = arith.constant 0 : i32
      %dma_wait3A_367 = tpu.memref_slice %arg3[%mul3A_2, %dma_wait3A_366] : memref<8192x128xf32, #tpu.memory_space<hbm>> -> memref<1x128xf32, #tpu.memory_space<hbm>>
      %dma_wait3A_368 = tpu.memref_squeeze %dma_wait3A_367 : memref<1x128xf32, #tpu.memory_space<hbm>> -> memref<128xf32, #tpu.memory_space<hbm>>
      tpu.wait_dma2 semaphore(%arg39 : memref<!tpu.dma_semaphore, #tpu.memory_space<semaphore_mem>>) src(%dma_wait3A_368 : memref<128xf32, #tpu.memory_space<hbm>>) dst(%arg18 : memref<128xf32, #tpu.memory_space<vmem>>)
      %dma_wait3A_369 = arith.constant 0 : i32
      %dma_wait3A_370 = tpu.memref_slice %arg2[%mul3A_2, %dma_wait3A_369] : memref<8192x8192xf32, #tpu.memory_space<hbm>> -> memref<1x8192xf32, #tpu.memory_space<hbm>>
      %dma_wait3A_371 = tpu.memref_squeeze %dma_wait3A_370 : memref<1x8192xf32, #tpu.memory_space<hbm>> -> memref<8192xf32, #tpu.memory_space<hbm>>
      %dma_wait3A_372 = arith.constant 0 : i32
      %dma_wait3A_373 = tpu.memref_slice %arg2[%mul3A_2, %dma_wait3A_372] : memref<8192x8192xf32, #tpu.memory_space<hbm>> -> memref<1x8192xf32, #tpu.memory_space<hbm>>
      %dma_wait3A_374 = tpu.memref_squeeze %dma_wait3A_373 : memref<1x8192xf32, #tpu.memory_space<hbm>> -> memref<8192xf32, #tpu.memory_space<hbm>>
      tpu.wait_dma2 semaphore(%arg39 : memref<!tpu.dma_semaphore, #tpu.memory_space<semaphore_mem>>) src(%dma_wait3A_374 : memref<8192xf32, #tpu.memory_space<hbm>>) dst(%arg11 : memref<8192xf32, #tpu.memory_space<vmem>>)
      %dma_wait3A_375 = arith.constant 0 : i32
      %dma_wait3A_376 = tpu.memref_slice %arg3[%mul3A_2, %dma_wait3A_375] : memref<8192x128xf32, #tpu.memory_space<hbm>> -> memref<1x128xf32, #tpu.memory_space<hbm>>
      %dma_wait3A_377 = tpu.memref_squeeze %dma_wait3A_376 : memref<1x128xf32, #tpu.memory_space<hbm>> -> memref<128xf32, #tpu.memory_space<hbm>>
      %dma_wait3A_378 = arith.constant 0 : i32
      %dma_wait3A_379 = tpu.memref_slice %arg3[%mul3A_2, %dma_wait3A_378] : memref<8192x128xf32, #tpu.memory_space<hbm>> -> memref<1x128xf32, #tpu.memory_space<hbm>>
      %dma_wait3A_380 = tpu.memref_squeeze %dma_wait3A_379 : memref<1x128xf32, #tpu.memory_space<hbm>> -> memref<128xf32, #tpu.memory_space<hbm>>
      tpu.wait_dma2 semaphore(%arg39 : memref<!tpu.dma_semaphore, #tpu.memory_space<semaphore_mem>>) src(%dma_wait3A_380 : memref<128xf32, #tpu.memory_space<hbm>>) dst(%arg19 : memref<128xf32, #tpu.memory_space<vmem>>)
      %dma_wait3A_381 = arith.constant 0 : i32
      %dma_wait3A_382 = tpu.memref_slice %arg2[%mul3A_2, %dma_wait3A_381] : memref<8192x8192xf32, #tpu.memory_space<hbm>> -> memref<1x8192xf32, #tpu.memory_space<hbm>>
      %dma_wait3A_383 = tpu.memref_squeeze %dma_wait3A_382 : memref<1x8192xf32, #tpu.memory_space<hbm>> -> memref<8192xf32, #tpu.memory_space<hbm>>
      %dma_wait3A_384 = arith.constant 0 : i32
      %dma_wait3A_385 = tpu.memref_slice %arg2[%mul3A_2, %dma_wait3A_384] : memref<8192x8192xf32, #tpu.memory_space<hbm>> -> memref<1x8192xf32, #tpu.memory_space<hbm>>
      %dma_wait3A_386 = tpu.memref_squeeze %dma_wait3A_385 : memref<1x8192xf32, #tpu.memory_space<hbm>> -> memref<8192xf32, #tpu.memory_space<hbm>>
      tpu.wait_dma2 semaphore(%arg39 : memref<!tpu.dma_semaphore, #tpu.memory_space<semaphore_mem>>) src(%dma_wait3A_386 : memref<8192xf32, #tpu.memory_space<hbm>>) dst(%arg12 : memref<8192xf32, #tpu.memory_space<vmem>>)
      %dma_wait3A_387 = arith.constant 0 : i32
      %dma_wait3A_388 = tpu.memref_slice %arg3[%mul3A_2, %dma_wait3A_387] : memref<8192x128xf32, #tpu.memory_space<hbm>> -> memref<1x128xf32, #tpu.memory_space<hbm>>
      %dma_wait3A_389 = tpu.memref_squeeze %dma_wait3A_388 : memref<1x128xf32, #tpu.memory_space<hbm>> -> memref<128xf32, #tpu.memory_space<hbm>>
      %dma_wait3A_390 = arith.constant 0 : i32
      %dma_wait3A_391 = tpu.memref_slice %arg3[%mul3A_2, %dma_wait3A_390] : memref<8192x128xf32, #tpu.memory_space<hbm>> -> memref<1x128xf32, #tpu.memory_space<hbm>>
      %dma_wait3A_392 = tpu.memref_squeeze %dma_wait3A_391 : memref<1x128xf32, #tpu.memory_space<hbm>> -> memref<128xf32, #tpu.memory_space<hbm>>
      tpu.wait_dma2 semaphore(%arg39 : memref<!tpu.dma_semaphore, #tpu.memory_space<semaphore_mem>>) src(%dma_wait3A_392 : memref<128xf32, #tpu.memory_space<hbm>>) dst(%arg20 : memref<128xf32, #tpu.memory_space<vmem>>)
      %dma_wait3A_393 = arith.constant 0 : i32
      %dma_wait3A_394 = tpu.memref_slice %arg2[%mul3A_2, %dma_wait3A_393] : memref<8192x8192xf32, #tpu.memory_space<hbm>> -> memref<1x8192xf32, #tpu.memory_space<hbm>>
      %dma_wait3A_395 = tpu.memref_squeeze %dma_wait3A_394 : memref<1x8192xf32, #tpu.memory_space<hbm>> -> memref<8192xf32, #tpu.memory_space<hbm>>
      %dma_wait3A_396 = arith.constant 0 : i32
      %dma_wait3A_397 = tpu.memref_slice %arg2[%mul3A_2, %dma_wait3A_396] : memref<8192x8192xf32, #tpu.memory_space<hbm>> -> memref<1x8192xf32, #tpu.memory_space<hbm>>
      %dma_wait3A_398 = tpu.memref_squeeze %dma_wait3A_397 : memref<1x8192xf32, #tpu.memory_space<hbm>> -> memref<8192xf32, #tpu.memory_space<hbm>>
      tpu.wait_dma2 semaphore(%arg39 : memref<!tpu.dma_semaphore, #tpu.memory_space<semaphore_mem>>) src(%dma_wait3A_398 : memref<8192xf32, #tpu.memory_space<hbm>>) dst(%arg13 : memref<8192xf32, #tpu.memory_space<vmem>>)
      %dma_wait3A_399 = arith.constant 0 : i32
      %dma_wait3A_400 = tpu.memref_slice %arg3[%mul3A_2, %dma_wait3A_399] : memref<8192x128xf32, #tpu.memory_space<hbm>> -> memref<1x128xf32, #tpu.memory_space<hbm>>
      %dma_wait3A_401 = tpu.memref_squeeze %dma_wait3A_400 : memref<1x128xf32, #tpu.memory_space<hbm>> -> memref<128xf32, #tpu.memory_space<hbm>>
      %dma_wait3A_402 = arith.constant 0 : i32
      %dma_wait3A_403 = tpu.memref_slice %arg3[%mul3A_2, %dma_wait3A_402] : memref<8192x128xf32, #tpu.memory_space<hbm>> -> memref<1x128xf32, #tpu.memory_space<hbm>>
      %dma_wait3A_404 = tpu.memref_squeeze %dma_wait3A_403 : memref<1x128xf32, #tpu.memory_space<hbm>> -> memref<128xf32, #tpu.memory_space<hbm>>
      tpu.wait_dma2 semaphore(%arg39 : memref<!tpu.dma_semaphore, #tpu.memory_space<semaphore_mem>>) src(%dma_wait3A_404 : memref<128xf32, #tpu.memory_space<hbm>>) dst(%arg21 : memref<128xf32, #tpu.memory_space<vmem>>)
      %ge3A_405 = arith.constant 2 : i32
      %ge3A_406 = arith.cmpi sge, %add3A_349, %ge3A_405 : i32
      %convert_element_type3A_407 = arith.extui %ge3A_406 : i1 to i32
      %cond3A_408 = arith.constant 0 : i32
      %cond3A_409 = arith.cmpi ne, %convert_element_type3A_407, %cond3A_408 : i32
      scf.if %cond3A_409 {
        %dma_wait3A_527 = arith.constant 0 : i32
        %dma_wait3A_528 = tpu.memref_slice %arg4[%mul3A_2, %dma_wait3A_527] : memref<8192x64xf32, #tpu.memory_space<hbm>> -> memref<1x64xf32, #tpu.memory_space<hbm>>
        %dma_wait3A_529 = tpu.memref_squeeze %dma_wait3A_528 : memref<1x64xf32, #tpu.memory_space<hbm>> -> memref<64xf32, #tpu.memory_space<hbm>>
        %dma_wait3A_530 = arith.constant 0 : i32
        %dma_wait3A_531 = tpu.memref_slice %arg4[%mul3A_2, %dma_wait3A_530] : memref<8192x64xf32, #tpu.memory_space<hbm>> -> memref<1x64xf32, #tpu.memory_space<hbm>>
        %dma_wait3A_532 = tpu.memref_squeeze %dma_wait3A_531 : memref<1x64xf32, #tpu.memory_space<hbm>> -> memref<64xf32, #tpu.memory_space<hbm>>
        tpu.wait_dma2 semaphore(%arg41 : memref<!tpu.dma_semaphore, #tpu.memory_space<semaphore_mem>>) src(%arg26 : memref<64xf32, #tpu.memory_space<vmem>>) dst(%dma_wait3A_532 : memref<64xf32, #tpu.memory_space<hbm>>)
        %dma_wait3A_533 = arith.constant 0 : i32
        %dma_wait3A_534 = tpu.memref_slice %arg5[%mul3A_2, %dma_wait3A_533] : memref<8192x64xi32, #tpu.memory_space<hbm>> -> memref<1x64xi32, #tpu.memory_space<hbm>>
        %dma_wait3A_535 = tpu.memref_squeeze %dma_wait3A_534 : memref<1x64xi32, #tpu.memory_space<hbm>> -> memref<64xi32, #tpu.memory_space<hbm>>
        %dma_wait3A_536 = arith.constant 0 : i32
        %dma_wait3A_537 = tpu.memref_slice %arg5[%mul3A_2, %dma_wait3A_536] : memref<8192x64xi32, #tpu.memory_space<hbm>> -> memref<1x64xi32, #tpu.memory_space<hbm>>
        %dma_wait3A_538 = tpu.memref_squeeze %dma_wait3A_537 : memref<1x64xi32, #tpu.memory_space<hbm>> -> memref<64xi32, #tpu.memory_space<hbm>>
        tpu.wait_dma2 semaphore(%arg41 : memref<!tpu.dma_semaphore, #tpu.memory_space<semaphore_mem>>) src(%arg34 : memref<64xi32, #tpu.memory_space<vmem>>) dst(%dma_wait3A_538 : memref<64xi32, #tpu.memory_space<hbm>>)
        %dma_wait3A_539 = arith.constant 0 : i32
        %dma_wait3A_540 = tpu.memref_slice %arg4[%mul3A_2, %dma_wait3A_539] : memref<8192x64xf32, #tpu.memory_space<hbm>> -> memref<1x64xf32, #tpu.memory_space<hbm>>
        %dma_wait3A_541 = tpu.memref_squeeze %dma_wait3A_540 : memref<1x64xf32, #tpu.memory_space<hbm>> -> memref<64xf32, #tpu.memory_space<hbm>>
        %dma_wait3A_542 = arith.constant 0 : i32
        %dma_wait3A_543 = tpu.memref_slice %arg4[%mul3A_2, %dma_wait3A_542] : memref<8192x64xf32, #tpu.memory_space<hbm>> -> memref<1x64xf32, #tpu.memory_space<hbm>>
        %dma_wait3A_544 = tpu.memref_squeeze %dma_wait3A_543 : memref<1x64xf32, #tpu.memory_space<hbm>> -> memref<64xf32, #tpu.memory_space<hbm>>
        tpu.wait_dma2 semaphore(%arg41 : memref<!tpu.dma_semaphore, #tpu.memory_space<semaphore_mem>>) src(%arg27 : memref<64xf32, #tpu.memory_space<vmem>>) dst(%dma_wait3A_544 : memref<64xf32, #tpu.memory_space<hbm>>)
        %dma_wait3A_545 = arith.constant 0 : i32
        %dma_wait3A_546 = tpu.memref_slice %arg5[%mul3A_2, %dma_wait3A_545] : memref<8192x64xi32, #tpu.memory_space<hbm>> -> memref<1x64xi32, #tpu.memory_space<hbm>>
        %dma_wait3A_547 = tpu.memref_squeeze %dma_wait3A_546 : memref<1x64xi32, #tpu.memory_space<hbm>> -> memref<64xi32, #tpu.memory_space<hbm>>
        %dma_wait3A_548 = arith.constant 0 : i32
        %dma_wait3A_549 = tpu.memref_slice %arg5[%mul3A_2, %dma_wait3A_548] : memref<8192x64xi32, #tpu.memory_space<hbm>> -> memref<1x64xi32, #tpu.memory_space<hbm>>
        %dma_wait3A_550 = tpu.memref_squeeze %dma_wait3A_549 : memref<1x64xi32, #tpu.memory_space<hbm>> -> memref<64xi32, #tpu.memory_space<hbm>>
        tpu.wait_dma2 semaphore(%arg41 : memref<!tpu.dma_semaphore, #tpu.memory_space<semaphore_mem>>) src(%arg35 : memref<64xi32, #tpu.memory_space<vmem>>) dst(%dma_wait3A_550 : memref<64xi32, #tpu.memory_space<hbm>>)
        %dma_wait3A_551 = arith.constant 0 : i32
        %dma_wait3A_552 = tpu.memref_slice %arg4[%mul3A_2, %dma_wait3A_551] : memref<8192x64xf32, #tpu.memory_space<hbm>> -> memref<1x64xf32, #tpu.memory_space<hbm>>
        %dma_wait3A_553 = tpu.memref_squeeze %dma_wait3A_552 : memref<1x64xf32, #tpu.memory_space<hbm>> -> memref<64xf32, #tpu.memory_space<hbm>>
        %dma_wait3A_554 = arith.constant 0 : i32
        %dma_wait3A_555 = tpu.memref_slice %arg4[%mul3A_2, %dma_wait3A_554] : memref<8192x64xf32, #tpu.memory_space<hbm>> -> memref<1x64xf32, #tpu.memory_space<hbm>>
        %dma_wait3A_556 = tpu.memref_squeeze %dma_wait3A_555 : memref<1x64xf32, #tpu.memory_space<hbm>> -> memref<64xf32, #tpu.memory_space<hbm>>
        tpu.wait_dma2 semaphore(%arg41 : memref<!tpu.dma_semaphore, #tpu.memory_space<semaphore_mem>>) src(%arg28 : memref<64xf32, #tpu.memory_space<vmem>>) dst(%dma_wait3A_556 : memref<64xf32, #tpu.memory_space<hbm>>)
        %dma_wait3A_557 = arith.constant 0 : i32
        %dma_wait3A_558 = tpu.memref_slice %arg5[%mul3A_2, %dma_wait3A_557] : memref<8192x64xi32, #tpu.memory_space<hbm>> -> memref<1x64xi32, #tpu.memory_space<hbm>>
        %dma_wait3A_559 = tpu.memref_squeeze %dma_wait3A_558 : memref<1x64xi32, #tpu.memory_space<hbm>> -> memref<64xi32, #tpu.memory_space<hbm>>
        %dma_wait3A_560 = arith.constant 0 : i32
        %dma_wait3A_561 = tpu.memref_slice %arg5[%mul3A_2, %dma_wait3A_560] : memref<8192x64xi32, #tpu.memory_space<hbm>> -> memref<1x64xi32, #tpu.memory_space<hbm>>
        %dma_wait3A_562 = tpu.memref_squeeze %dma_wait3A_561 : memref<1x64xi32, #tpu.memory_space<hbm>> -> memref<64xi32, #tpu.memory_space<hbm>>
        tpu.wait_dma2 semaphore(%arg41 : memref<!tpu.dma_semaphore, #tpu.memory_space<semaphore_mem>>) src(%arg36 : memref<64xi32, #tpu.memory_space<vmem>>) dst(%dma_wait3A_562 : memref<64xi32, #tpu.memory_space<hbm>>)
        %dma_wait3A_563 = arith.constant 0 : i32
        %dma_wait3A_564 = tpu.memref_slice %arg4[%mul3A_2, %dma_wait3A_563] : memref<8192x64xf32, #tpu.memory_space<hbm>> -> memref<1x64xf32, #tpu.memory_space<hbm>>
        %dma_wait3A_565 = tpu.memref_squeeze %dma_wait3A_564 : memref<1x64xf32, #tpu.memory_space<hbm>> -> memref<64xf32, #tpu.memory_space<hbm>>
        %dma_wait3A_566 = arith.constant 0 : i32
        %dma_wait3A_567 = tpu.memref_slice %arg4[%mul3A_2, %dma_wait3A_566] : memref<8192x64xf32, #tpu.memory_space<hbm>> -> memref<1x64xf32, #tpu.memory_space<hbm>>
        %dma_wait3A_568 = tpu.memref_squeeze %dma_wait3A_567 : memref<1x64xf32, #tpu.memory_space<hbm>> -> memref<64xf32, #tpu.memory_space<hbm>>
        tpu.wait_dma2 semaphore(%arg41 : memref<!tpu.dma_semaphore, #tpu.memory_space<semaphore_mem>>) src(%arg29 : memref<64xf32, #tpu.memory_space<vmem>>) dst(%dma_wait3A_568 : memref<64xf32, #tpu.memory_space<hbm>>)
        %dma_wait3A_569 = arith.constant 0 : i32
        %dma_wait3A_570 = tpu.memref_slice %arg5[%mul3A_2, %dma_wait3A_569] : memref<8192x64xi32, #tpu.memory_space<hbm>> -> memref<1x64xi32, #tpu.memory_space<hbm>>
        %dma_wait3A_571 = tpu.memref_squeeze %dma_wait3A_570 : memref<1x64xi32, #tpu.memory_space<hbm>> -> memref<64xi32, #tpu.memory_space<hbm>>
        %dma_wait3A_572 = arith.constant 0 : i32
        %dma_wait3A_573 = tpu.memref_slice %arg5[%mul3A_2, %dma_wait3A_572] : memref<8192x64xi32, #tpu.memory_space<hbm>> -> memref<1x64xi32, #tpu.memory_space<hbm>>
        %dma_wait3A_574 = tpu.memref_squeeze %dma_wait3A_573 : memref<1x64xi32, #tpu.memory_space<hbm>> -> memref<64xi32, #tpu.memory_space<hbm>>
        tpu.wait_dma2 semaphore(%arg41 : memref<!tpu.dma_semaphore, #tpu.memory_space<semaphore_mem>>) src(%arg37 : memref<64xi32, #tpu.memory_space<vmem>>) dst(%dma_wait3A_574 : memref<64xi32, #tpu.memory_space<hbm>>)
      } else {
      }
      %swap3A_410 = arith.constant 0 : index
      %swap3A_411 = tpu.vector_load %arg26[%swap3A_410] {strides = array<i32>} : memref<64xf32, #tpu.memory_space<vmem>>, vector<16xf32>,
      tpu.vector_store %arg26[%swap3A_410], %broadcast_in_dim3A_68 {strides = array<i32>} : memref<64xf32, #tpu.memory_space<vmem>>, vector<16xf32>,
      %swap3A_412 = arith.constant 16 : index
      %swap3A_413 = tpu.vector_load %arg26[%swap3A_412] {strides = array<i32>} : memref<64xf32, #tpu.memory_space<vmem>>, vector<16xf32>,
      tpu.vector_store %arg26[%swap3A_412], %broadcast_in_dim3A_68 {strides = array<i32>} : memref<64xf32, #tpu.memory_space<vmem>>, vector<16xf32>,
      %swap3A_414 = arith.constant 32 : index
      %swap3A_415 = tpu.vector_load %arg26[%swap3A_414] {strides = array<i32>} : memref<64xf32, #tpu.memory_space<vmem>>, vector<16xf32>,
      tpu.vector_store %arg26[%swap3A_414], %broadcast_in_dim3A_68 {strides = array<i32>} : memref<64xf32, #tpu.memory_space<vmem>>, vector<16xf32>,
      %swap3A_416 = arith.constant 48 : index
      %swap3A_417 = tpu.vector_load %arg26[%swap3A_416] {strides = array<i32>} : memref<64xf32, #tpu.memory_space<vmem>>, vector<16xf32>,
      tpu.vector_store %arg26[%swap3A_416], %broadcast_in_dim3A_68 {strides = array<i32>} : memref<64xf32, #tpu.memory_space<vmem>>, vector<16xf32>,
      %swap3A_418 = arith.constant 0 : index
      %swap3A_419 = tpu.vector_load %arg27[%swap3A_418] {strides = array<i32>} : memref<64xf32, #tpu.memory_space<vmem>>, vector<16xf32>,
      tpu.vector_store %arg27[%swap3A_418], %broadcast_in_dim3A_68 {strides = array<i32>} : memref<64xf32, #tpu.memory_space<vmem>>, vector<16xf32>,
      %swap3A_420 = arith.constant 16 : index
      %swap3A_421 = tpu.vector_load %arg27[%swap3A_420] {strides = array<i32>} : memref<64xf32, #tpu.memory_space<vmem>>, vector<16xf32>,
      tpu.vector_store %arg27[%swap3A_420], %broadcast_in_dim3A_68 {strides = array<i32>} : memref<64xf32, #tpu.memory_space<vmem>>, vector<16xf32>,
      %swap3A_422 = arith.constant 32 : index
      %swap3A_423 = tpu.vector_load %arg27[%swap3A_422] {strides = array<i32>} : memref<64xf32, #tpu.memory_space<vmem>>, vector<16xf32>,
      tpu.vector_store %arg27[%swap3A_422], %broadcast_in_dim3A_68 {strides = array<i32>} : memref<64xf32, #tpu.memory_space<vmem>>, vector<16xf32>,
      %swap3A_424 = arith.constant 48 : index
      %swap3A_425 = tpu.vector_load %arg27[%swap3A_424] {strides = array<i32>} : memref<64xf32, #tpu.memory_space<vmem>>, vector<16xf32>,
      tpu.vector_store %arg27[%swap3A_424], %broadcast_in_dim3A_68 {strides = array<i32>} : memref<64xf32, #tpu.memory_space<vmem>>, vector<16xf32>,
      %swap3A_426 = arith.constant 0 : index
      %swap3A_427 = tpu.vector_load %arg28[%swap3A_426] {strides = array<i32>} : memref<64xf32, #tpu.memory_space<vmem>>, vector<16xf32>,
      tpu.vector_store %arg28[%swap3A_426], %broadcast_in_dim3A_68 {strides = array<i32>} : memref<64xf32, #tpu.memory_space<vmem>>, vector<16xf32>,
      %swap3A_428 = arith.constant 16 : index
      %swap3A_429 = tpu.vector_load %arg28[%swap3A_428] {strides = array<i32>} : memref<64xf32, #tpu.memory_space<vmem>>, vector<16xf32>,
      tpu.vector_store %arg28[%swap3A_428], %broadcast_in_dim3A_68 {strides = array<i32>} : memref<64xf32, #tpu.memory_space<vmem>>, vector<16xf32>,
      %swap3A_430 = arith.constant 32 : index
      %swap3A_431 = tpu.vector_load %arg28[%swap3A_430] {strides = array<i32>} : memref<64xf32, #tpu.memory_space<vmem>>, vector<16xf32>,
      tpu.vector_store %arg28[%swap3A_430], %broadcast_in_dim3A_68 {strides = array<i32>} : memref<64xf32, #tpu.memory_space<vmem>>, vector<16xf32>,
      %swap3A_432 = arith.constant 48 : index
      %swap3A_433 = tpu.vector_load %arg28[%swap3A_432] {strides = array<i32>} : memref<64xf32, #tpu.memory_space<vmem>>, vector<16xf32>,
      tpu.vector_store %arg28[%swap3A_432], %broadcast_in_dim3A_68 {strides = array<i32>} : memref<64xf32, #tpu.memory_space<vmem>>, vector<16xf32>,
      %swap3A_434 = arith.constant 0 : index
      %swap3A_435 = tpu.vector_load %arg29[%swap3A_434] {strides = array<i32>} : memref<64xf32, #tpu.memory_space<vmem>>, vector<16xf32>,
      tpu.vector_store %arg29[%swap3A_434], %broadcast_in_dim3A_68 {strides = array<i32>} : memref<64xf32, #tpu.memory_space<vmem>>, vector<16xf32>,
      %swap3A_436 = arith.constant 16 : index
      %swap3A_437 = tpu.vector_load %arg29[%swap3A_436] {strides = array<i32>} : memref<64xf32, #tpu.memory_space<vmem>>, vector<16xf32>,
      tpu.vector_store %arg29[%swap3A_436], %broadcast_in_dim3A_68 {strides = array<i32>} : memref<64xf32, #tpu.memory_space<vmem>>, vector<16xf32>,
      %swap3A_438 = arith.constant 32 : index
      %swap3A_439 = tpu.vector_load %arg29[%swap3A_438] {strides = array<i32>} : memref<64xf32, #tpu.memory_space<vmem>>, vector<16xf32>,
      tpu.vector_store %arg29[%swap3A_438], %broadcast_in_dim3A_68 {strides = array<i32>} : memref<64xf32, #tpu.memory_space<vmem>>, vector<16xf32>,
      %swap3A_440 = arith.constant 48 : index
      %swap3A_441 = tpu.vector_load %arg29[%swap3A_440] {strides = array<i32>} : memref<64xf32, #tpu.memory_space<vmem>>, vector<16xf32>,
      tpu.vector_store %arg29[%swap3A_440], %broadcast_in_dim3A_68 {strides = array<i32>} : memref<64xf32, #tpu.memory_space<vmem>>, vector<16xf32>,
      %get3A_442 = arith.constant 0 : index
      %get3A_443 = tpu.vector_load %arg18[%get3A_442] {strides = array<i32>} : memref<128xf32, #tpu.memory_space<vmem>>, vector<16xf32>,
      %get3A_444 = arith.constant 0 : index
      %get3A_445 = tpu.vector_load %arg19[%get3A_444] {strides = array<i32>} : memref<128xf32, #tpu.memory_space<vmem>>, vector<16xf32>,
      %get3A_446 = arith.constant 0 : index
      %get3A_447 = tpu.vector_load %arg20[%get3A_446] {strides = array<i32>} : memref<128xf32, #tpu.memory_space<vmem>>, vector<16xf32>,
      %get3A_448 = arith.constant 0 : index
      %get3A_449 = tpu.vector_load %arg21[%get3A_448] {strides = array<i32>} : memref<128xf32, #tpu.memory_space<vmem>>, vector<16xf32>,
      %scan3A_450 = arith.constant 0 : i32
      %scan3A_451 = arith.constant 0 : i32
      %scan3A_452 = arith.constant 0 : i32
      %scan3A_453 = arith.constant 0 : i32
      %scan3A_454 = arith.constant 0 : i32
      %scan3A_455 = arith.constant 128 : i32
      %scan3A_456 = arith.addi %scan3A_454, %scan3A_455 : i32
      %scan3A_457 = arith.constant 1 : i32
      %scan3A_458:4 = scf.for %scan3A_527 = %scan3A_454 to %scan3A_456 step %scan3A_457 iter_args(%scan3A_528 = %scan3A_450, %scan3A_529 = %scan3A_451, %scan3A_530 = %scan3A_452, %scan3A_531 = %scan3A_453) -> (i32, i32, i32, i32)  : i32 {
        %mul3A_532 = arith.constant 4 : i32
        %mul3A_533 = arith.muli %scan3A_527, %mul3A_532 : i32
        %add3A_534 = arith.constant 0 : i32
        %add3A_535 = arith.addi %mul3A_533, %add3A_534 : i32
        %mul3A_536 = arith.constant 16 : i32
        %mul3A_537 = arith.muli %add3A_535, %mul3A_536 : i32
        %get3A_538 = arith.index_cast %mul3A_537 : i32 to index
        %get3A_539 = tpu.vector_load %arg10[%get3A_538] {strides = array<i32>} : memref<8192xf32, #tpu.memory_space<vmem>>, vector<16xf32>,
        %le3A = arith.cmpf ole, %get3A_539, %get3A_443 : vector<16xf32>
        %convert_element_type3A_540 = arith.extui %le3A : vector<16xi1> to vector<16xi32>
        %reduce_sum3A = arith.constant true
        %reduce_sum3A_541 = vector.broadcast %reduce_sum3A : i1 to vector<16xi1>
        %reduce_sum3A_542 = tpu.scan <sum>, %convert_element_type3A_540 masked %reduce_sum3A_541 : vector<16xi32>, vector<16xi1> -> vector<16xi32>
        %reduce_sum3A_543 = vector.extract %reduce_sum3A_542[15] : i32 from vector<16xi32>
        %min3A = arith.minsi %scan3A_528, %scan3A_69 : i32
        %swap3A_544 = arith.index_cast %min3A : i32 to index
        %swap3A_545 = tpu.vector_load %arg26[%swap3A_544] masked %le3A {strides = array<i32>} : memref<64xf32, #tpu.memory_space<vmem>>, vector<16xf32>, vector<16xi1>
        tpu.vector_store %arg26[%swap3A_544], %get3A_539 masked %le3A {strides = array<i32>} : memref<64xf32, #tpu.memory_space<vmem>>, vector<16xf32>, vector<16xi1>
        %add3A_546 = vector.broadcast %mul3A_537 : i32 to vector<16xi32>
        %add3A_547 = arith.addi %iota3A, %add3A_546 : vector<16xi32>
        %swap3A_548 = arith.index_cast %min3A : i32 to index
        %swap3A_549 = tpu.vector_load %arg34[%swap3A_548] masked %le3A {strides = array<i32>} : memref<64xi32, #tpu.memory_space<vmem>>, vector<16xi32>, vector<16xi1>
        tpu.vector_store %arg34[%swap3A_548], %add3A_547 masked %le3A {strides = array<i32>} : memref<64xi32, #tpu.memory_space<vmem>>, vector<16xi32>, vector<16xi1>
        %add3A_550 = arith.addi %scan3A_528, %reduce_sum3A_543 : i32
        %get3A_551 = arith.index_cast %mul3A_537 : i32 to index
        %get3A_552 = tpu.vector_load %arg11[%get3A_551] {strides = array<i32>} : memref<8192xf32, #tpu.memory_space<vmem>>, vector<16xf32>,
        %le3A_553 = arith.cmpf ole, %get3A_552, %get3A_445 : vector<16xf32>
        %convert_element_type3A_554 = arith.extui %le3A_553 : vector<16xi1> to vector<16xi32>
        %reduce_sum3A_555 = arith.constant true
        %reduce_sum3A_556 = vector.broadcast %reduce_sum3A_555 : i1 to vector<16xi1>
        %reduce_sum3A_557 = tpu.scan <sum>, %convert_element_type3A_554 masked %reduce_sum3A_556 : vector<16xi32>, vector<16xi1> -> vector<16xi32>
        %reduce_sum3A_558 = vector.extract %reduce_sum3A_557[15] : i32 from vector<16xi32>
        %min3A_559 = arith.minsi %scan3A_529, %scan3A_69 : i32
        %swap3A_560 = arith.index_cast %min3A_559 : i32 to index
        %swap3A_561 = tpu.vector_load %arg27[%swap3A_560] masked %le3A_553 {strides = array<i32>} : memref<64xf32, #tpu.memory_space<vmem>>, vector<16xf32>, vector<16xi1>
        tpu.vector_store %arg27[%swap3A_560], %get3A_552 masked %le3A_553 {strides = array<i32>} : memref<64xf32, #tpu.memory_space<vmem>>, vector<16xf32>, vector<16xi1>
        %add3A_562 = vector.broadcast %mul3A_537 : i32 to vector<16xi32>
        %add3A_563 = arith.addi %iota3A, %add3A_562 : vector<16xi32>
        %swap3A_564 = arith.index_cast %min3A_559 : i32 to index
        %swap3A_565 = tpu.vector_load %arg35[%swap3A_564] masked %le3A_553 {strides = array<i32>} : memref<64xi32, #tpu.memory_space<vmem>>, vector<16xi32>, vector<16xi1>
        tpu.vector_store %arg35[%swap3A_564], %add3A_563 masked %le3A_553 {strides = array<i32>} : memref<64xi32, #tpu.memory_space<vmem>>, vector<16xi32>, vector<16xi1>
        %add3A_566 = arith.addi %scan3A_529, %reduce_sum3A_558 : i32
        %get3A_567 = arith.index_cast %mul3A_537 : i32 to index
        %get3A_568 = tpu.vector_load %arg12[%get3A_567] {strides = array<i32>} : memref<8192xf32, #tpu.memory_space<vmem>>, vector<16xf32>,
        %le3A_569 = arith.cmpf ole, %get3A_568, %get3A_447 : vector<16xf32>
        %convert_element_type3A_570 = arith.extui %le3A_569 : vector<16xi1> to vector<16xi32>
        %reduce_sum3A_571 = arith.constant true
        %reduce_sum3A_572 = vector.broadcast %reduce_sum3A_571 : i1 to vector<16xi1>
        %reduce_sum3A_573 = tpu.scan <sum>, %convert_element_type3A_570 masked %reduce_sum3A_572 : vector<16xi32>, vector<16xi1> -> vector<16xi32>
        %reduce_sum3A_574 = vector.extract %reduce_sum3A_573[15] : i32 from vector<16xi32>
        %min3A_575 = arith.minsi %scan3A_530, %scan3A_69 : i32
        %swap3A_576 = arith.index_cast %min3A_575 : i32 to index
        %swap3A_577 = tpu.vector_load %arg28[%swap3A_576] masked %le3A_569 {strides = array<i32>} : memref<64xf32, #tpu.memory_space<vmem>>, vector<16xf32>, vector<16xi1>
        tpu.vector_store %arg28[%swap3A_576], %get3A_568 masked %le3A_569 {strides = array<i32>} : memref<64xf32, #tpu.memory_space<vmem>>, vector<16xf32>, vector<16xi1>
        %add3A_578 = vector.broadcast %mul3A_537 : i32 to vector<16xi32>
        %add3A_579 = arith.addi %iota3A, %add3A_578 : vector<16xi32>
        %swap3A_580 = arith.index_cast %min3A_575 : i32 to index
        %swap3A_581 = tpu.vector_load %arg36[%swap3A_580] masked %le3A_569 {strides = array<i32>} : memref<64xi32, #tpu.memory_space<vmem>>, vector<16xi32>, vector<16xi1>
        tpu.vector_store %arg36[%swap3A_580], %add3A_579 masked %le3A_569 {strides = array<i32>} : memref<64xi32, #tpu.memory_space<vmem>>, vector<16xi32>, vector<16xi1>
        %add3A_582 = arith.addi %scan3A_530, %reduce_sum3A_574 : i32
        %get3A_583 = arith.index_cast %mul3A_537 : i32 to index
        %get3A_584 = tpu.vector_load %arg13[%get3A_583] {strides = array<i32>} : memref<8192xf32, #tpu.memory_space<vmem>>, vector<16xf32>,
        %le3A_585 = arith.cmpf ole, %get3A_584, %get3A_449 : vector<16xf32>
        %convert_element_type3A_586 = arith.extui %le3A_585 : vector<16xi1> to vector<16xi32>
        %reduce_sum3A_587 = arith.constant true
        %reduce_sum3A_588 = vector.broadcast %reduce_sum3A_587 : i1 to vector<16xi1>
        %reduce_sum3A_589 = tpu.scan <sum>, %convert_element_type3A_586 masked %reduce_sum3A_588 : vector<16xi32>, vector<16xi1> -> vector<16xi32>
        %reduce_sum3A_590 = vector.extract %reduce_sum3A_589[15] : i32 from vector<16xi32>
        %min3A_591 = arith.minsi %scan3A_531, %scan3A_69 : i32
        %swap3A_592 = arith.index_cast %min3A_591 : i32 to index
        %swap3A_593 = tpu.vector_load %arg29[%swap3A_592] masked %le3A_585 {strides = array<i32>} : memref<64xf32, #tpu.memory_space<vmem>>, vector<16xf32>, vector<16xi1>
        tpu.vector_store %arg29[%swap3A_592], %get3A_584 masked %le3A_585 {strides = array<i32>} : memref<64xf32, #tpu.memory_space<vmem>>, vector<16xf32>, vector<16xi1>
        %add3A_594 = vector.broadcast %mul3A_537 : i32 to vector<16xi32>
        %add3A_595 = arith.addi %iota3A, %add3A_594 : vector<16xi32>
        %swap3A_596 = arith.index_cast %min3A_591 : i32 to index
        %swap3A_597 = tpu.vector_load %arg37[%swap3A_596] masked %le3A_585 {strides = array<i32>} : memref<64xi32, #tpu.memory_space<vmem>>, vector<16xi32>, vector<16xi1>
        tpu.vector_store %arg37[%swap3A_596], %add3A_595 masked %le3A_585 {strides = array<i32>} : memref<64xi32, #tpu.memory_space<vmem>>, vector<16xi32>, vector<16xi1>
        %add3A_598 = arith.addi %scan3A_531, %reduce_sum3A_590 : i32
        %mul3A_599 = arith.constant 4 : i32
        %mul3A_600 = arith.muli %scan3A_527, %mul3A_599 : i32
        %add3A_601 = arith.constant 1 : i32
        %add3A_602 = arith.addi %mul3A_600, %add3A_601 : i32
        %mul3A_603 = arith.constant 16 : i32
        %mul3A_604 = arith.muli %add3A_602, %mul3A_603 : i32
        %get3A_605 = arith.index_cast %mul3A_604 : i32 to index
        %get3A_606 = tpu.vector_load %arg10[%get3A_605] {strides = array<i32>} : memref<8192xf32, #tpu.memory_space<vmem>>, vector<16xf32>,
        %le3A_607 = arith.cmpf ole, %get3A_606, %get3A_443 : vector<16xf32>
        %convert_element_type3A_608 = arith.extui %le3A_607 : vector<16xi1> to vector<16xi32>
        %reduce_sum3A_609 = arith.constant true
        %reduce_sum3A_610 = vector.broadcast %reduce_sum3A_609 : i1 to vector<16xi1>
        %reduce_sum3A_611 = tpu.scan <sum>, %convert_element_type3A_608 masked %reduce_sum3A_610 : vector<16xi32>, vector<16xi1> -> vector<16xi32>
        %reduce_sum3A_612 = vector.extract %reduce_sum3A_611[15] : i32 from vector<16xi32>
        %min3A_613 = arith.minsi %add3A_550, %scan3A_69 : i32
        %swap3A_614 = arith.index_cast %min3A_613 : i32 to index
        %swap3A_615 = tpu.vector_load %arg26[%swap3A_614] masked %le3A_607 {strides = array<i32>} : memref<64xf32, #tpu.memory_space<vmem>>, vector<16xf32>, vector<16xi1>
        tpu.vector_store %arg26[%swap3A_614], %get3A_606 masked %le3A_607 {strides = array<i32>} : memref<64xf32, #tpu.memory_space<vmem>>, vector<16xf32>, vector<16xi1>
        %add3A_616 = vector.broadcast %mul3A_604 : i32 to vector<16xi32>
        %add3A_617 = arith.addi %iota3A, %add3A_616 : vector<16xi32>
        %swap3A_618 = arith.index_cast %min3A_613 : i32 to index
        %swap3A_619 = tpu.vector_load %arg34[%swap3A_618] masked %le3A_607 {strides = array<i32>} : memref<64xi32, #tpu.memory_space<vmem>>, vector<16xi32>, vector<16xi1>
        tpu.vector_store %arg34[%swap3A_618], %add3A_617 masked %le3A_607 {strides = array<i32>} : memref<64xi32, #tpu.memory_space<vmem>>, vector<16xi32>, vector<16xi1>
        %add3A_620 = arith.addi %add3A_550, %reduce_sum3A_612 : i32
        %get3A_621 = arith.index_cast %mul3A_604 : i32 to index
        %get3A_622 = tpu.vector_load %arg11[%get3A_621] {strides = array<i32>} : memref<8192xf32, #tpu.memory_space<vmem>>, vector<16xf32>,
        %le3A_623 = arith.cmpf ole, %get3A_622, %get3A_445 : vector<16xf32>
        %convert_element_type3A_624 = arith.extui %le3A_623 : vector<16xi1> to vector<16xi32>
        %reduce_sum3A_625 = arith.constant true
        %reduce_sum3A_626 = vector.broadcast %reduce_sum3A_625 : i1 to vector<16xi1>
        %reduce_sum3A_627 = tpu.scan <sum>, %convert_element_type3A_624 masked %reduce_sum3A_626 : vector<16xi32>, vector<16xi1> -> vector<16xi32>
        %reduce_sum3A_628 = vector.extract %reduce_sum3A_627[15] : i32 from vector<16xi32>
        %min3A_629 = arith.minsi %add3A_566, %scan3A_69 : i32
        %swap3A_630 = arith.index_cast %min3A_629 : i32 to index
        %swap3A_631 = tpu.vector_load %arg27[%swap3A_630] masked %le3A_623 {strides = array<i32>} : memref<64xf32, #tpu.memory_space<vmem>>, vector<16xf32>, vector<16xi1>
        tpu.vector_store %arg27[%swap3A_630], %get3A_622 masked %le3A_623 {strides = array<i32>} : memref<64xf32, #tpu.memory_space<vmem>>, vector<16xf32>, vector<16xi1>
        %add3A_632 = vector.broadcast %mul3A_604 : i32 to vector<16xi32>
        %add3A_633 = arith.addi %iota3A, %add3A_632 : vector<16xi32>
        %swap3A_634 = arith.index_cast %min3A_629 : i32 to index
        %swap3A_635 = tpu.vector_load %arg35[%swap3A_634] masked %le3A_623 {strides = array<i32>} : memref<64xi32, #tpu.memory_space<vmem>>, vector<16xi32>, vector<16xi1>
        tpu.vector_store %arg35[%swap3A_634], %add3A_633 masked %le3A_623 {strides = array<i32>} : memref<64xi32, #tpu.memory_space<vmem>>, vector<16xi32>, vector<16xi1>
        %add3A_636 = arith.addi %add3A_566, %reduce_sum3A_628 : i32
        %get3A_637 = arith.index_cast %mul3A_604 : i32 to index
        %get3A_638 = tpu.vector_load %arg12[%get3A_637] {strides = array<i32>} : memref<8192xf32, #tpu.memory_space<vmem>>, vector<16xf32>,
        %le3A_639 = arith.cmpf ole, %get3A_638, %get3A_447 : vector<16xf32>
        %convert_element_type3A_640 = arith.extui %le3A_639 : vector<16xi1> to vector<16xi32>
        %reduce_sum3A_641 = arith.constant true
        %reduce_sum3A_642 = vector.broadcast %reduce_sum3A_641 : i1 to vector<16xi1>
        %reduce_sum3A_643 = tpu.scan <sum>, %convert_element_type3A_640 masked %reduce_sum3A_642 : vector<16xi32>, vector<16xi1> -> vector<16xi32>
        %reduce_sum3A_644 = vector.extract %reduce_sum3A_643[15] : i32 from vector<16xi32>
        %min3A_645 = arith.minsi %add3A_582, %scan3A_69 : i32
        %swap3A_646 = arith.index_cast %min3A_645 : i32 to index
        %swap3A_647 = tpu.vector_load %arg28[%swap3A_646] masked %le3A_639 {strides = array<i32>} : memref<64xf32, #tpu.memory_space<vmem>>, vector<16xf32>, vector<16xi1>
        tpu.vector_store %arg28[%swap3A_646], %get3A_638 masked %le3A_639 {strides = array<i32>} : memref<64xf32, #tpu.memory_space<vmem>>, vector<16xf32>, vector<16xi1>
        %add3A_648 = vector.broadcast %mul3A_604 : i32 to vector<16xi32>
        %add3A_649 = arith.addi %iota3A, %add3A_648 : vector<16xi32>
        %swap3A_650 = arith.index_cast %min3A_645 : i32 to index
        %swap3A_651 = tpu.vector_load %arg36[%swap3A_650] masked %le3A_639 {strides = array<i32>} : memref<64xi32, #tpu.memory_space<vmem>>, vector<16xi32>, vector<16xi1>
        tpu.vector_store %arg36[%swap3A_650], %add3A_649 masked %le3A_639 {strides = array<i32>} : memref<64xi32, #tpu.memory_space<vmem>>, vector<16xi32>, vector<16xi1>
        %add3A_652 = arith.addi %add3A_582, %reduce_sum3A_644 : i32
        %get3A_653 = arith.index_cast %mul3A_604 : i32 to index
        %get3A_654 = tpu.vector_load %arg13[%get3A_653] {strides = array<i32>} : memref<8192xf32, #tpu.memory_space<vmem>>, vector<16xf32>,
        %le3A_655 = arith.cmpf ole, %get3A_654, %get3A_449 : vector<16xf32>
        %convert_element_type3A_656 = arith.extui %le3A_655 : vector<16xi1> to vector<16xi32>
        %reduce_sum3A_657 = arith.constant true
        %reduce_sum3A_658 = vector.broadcast %reduce_sum3A_657 : i1 to vector<16xi1>
        %reduce_sum3A_659 = tpu.scan <sum>, %convert_element_type3A_656 masked %reduce_sum3A_658 : vector<16xi32>, vector<16xi1> -> vector<16xi32>
        %reduce_sum3A_660 = vector.extract %reduce_sum3A_659[15] : i32 from vector<16xi32>
        %min3A_661 = arith.minsi %add3A_598, %scan3A_69 : i32
        %swap3A_662 = arith.index_cast %min3A_661 : i32 to index
        %swap3A_663 = tpu.vector_load %arg29[%swap3A_662] masked %le3A_655 {strides = array<i32>} : memref<64xf32, #tpu.memory_space<vmem>>, vector<16xf32>, vector<16xi1>
        tpu.vector_store %arg29[%swap3A_662], %get3A_654 masked %le3A_655 {strides = array<i32>} : memref<64xf32, #tpu.memory_space<vmem>>, vector<16xf32>, vector<16xi1>
        %add3A_664 = vector.broadcast %mul3A_604 : i32 to vector<16xi32>
        %add3A_665 = arith.addi %iota3A, %add3A_664 : vector<16xi32>
        %swap3A_666 = arith.index_cast %min3A_661 : i32 to index
        %swap3A_667 = tpu.vector_load %arg37[%swap3A_666] masked %le3A_655 {strides = array<i32>} : memref<64xi32, #tpu.memory_space<vmem>>, vector<16xi32>, vector<16xi1>
        tpu.vector_store %arg37[%swap3A_666], %add3A_665 masked %le3A_655 {strides = array<i32>} : memref<64xi32, #tpu.memory_space<vmem>>, vector<16xi32>, vector<16xi1>
        %add3A_668 = arith.addi %add3A_598, %reduce_sum3A_660 : i32
        %mul3A_669 = arith.constant 4 : i32
        %mul3A_670 = arith.muli %scan3A_527, %mul3A_669 : i32
        %add3A_671 = arith.constant 2 : i32
        %add3A_672 = arith.addi %mul3A_670, %add3A_671 : i32
        %mul3A_673 = arith.constant 16 : i32
        %mul3A_674 = arith.muli %add3A_672, %mul3A_673 : i32
        %get3A_675 = arith.index_cast %mul3A_674 : i32 to index
        %get3A_676 = tpu.vector_load %arg10[%get3A_675] {strides = array<i32>} : memref<8192xf32, #tpu.memory_space<vmem>>, vector<16xf32>,
        %le3A_677 = arith.cmpf ole, %get3A_676, %get3A_443 : vector<16xf32>
        %convert_element_type3A_678 = arith.extui %le3A_677 : vector<16xi1> to vector<16xi32>
        %reduce_sum3A_679 = arith.constant true
        %reduce_sum3A_680 = vector.broadcast %reduce_sum3A_679 : i1 to vector<16xi1>
        %reduce_sum3A_681 = tpu.scan <sum>, %convert_element_type3A_678 masked %reduce_sum3A_680 : vector<16xi32>, vector<16xi1> -> vector<16xi32>
        %reduce_sum3A_682 = vector.extract %reduce_sum3A_681[15] : i32 from vector<16xi32>
        %min3A_683 = arith.minsi %add3A_620, %scan3A_69 : i32
        %swap3A_684 = arith.index_cast %min3A_683 : i32 to index
        %swap3A_685 = tpu.vector_load %arg26[%swap3A_684] masked %le3A_677 {strides = array<i32>} : memref<64xf32, #tpu.memory_space<vmem>>, vector<16xf32>, vector<16xi1>
        tpu.vector_store %arg26[%swap3A_684], %get3A_676 masked %le3A_677 {strides = array<i32>} : memref<64xf32, #tpu.memory_space<vmem>>, vector<16xf32>, vector<16xi1>
        %add3A_686 = vector.broadcast %mul3A_674 : i32 to vector<16xi32>
        %add3A_687 = arith.addi %iota3A, %add3A_686 : vector<16xi32>
        %swap3A_688 = arith.index_cast %min3A_683 : i32 to index
        %swap3A_689 = tpu.vector_load %arg34[%swap3A_688] masked %le3A_677 {strides = array<i32>} : memref<64xi32, #tpu.memory_space<vmem>>, vector<16xi32>, vector<16xi1>
        tpu.vector_store %arg34[%swap3A_688], %add3A_687 masked %le3A_677 {strides = array<i32>} : memref<64xi32, #tpu.memory_space<vmem>>, vector<16xi32>, vector<16xi1>
        %add3A_690 = arith.addi %add3A_620, %reduce_sum3A_682 : i32
        %get3A_691 = arith.index_cast %mul3A_674 : i32 to index
        %get3A_692 = tpu.vector_load %arg11[%get3A_691] {strides = array<i32>} : memref<8192xf32, #tpu.memory_space<vmem>>, vector<16xf32>,
        %le3A_693 = arith.cmpf ole, %get3A_692, %get3A_445 : vector<16xf32>
        %convert_element_type3A_694 = arith.extui %le3A_693 : vector<16xi1> to vector<16xi32>
        %reduce_sum3A_695 = arith.constant true
        %reduce_sum3A_696 = vector.broadcast %reduce_sum3A_695 : i1 to vector<16xi1>
        %reduce_sum3A_697 = tpu.scan <sum>, %convert_element_type3A_694 masked %reduce_sum3A_696 : vector<16xi32>, vector<16xi1> -> vector<16xi32>
        %reduce_sum3A_698 = vector.extract %reduce_sum3A_697[15] : i32 from vector<16xi32>
        %min3A_699 = arith.minsi %add3A_636, %scan3A_69 : i32
        %swap3A_700 = arith.index_cast %min3A_699 : i32 to index
        %swap3A_701 = tpu.vector_load %arg27[%swap3A_700] masked %le3A_693 {strides = array<i32>} : memref<64xf32, #tpu.memory_space<vmem>>, vector<16xf32>, vector<16xi1>
        tpu.vector_store %arg27[%swap3A_700], %get3A_692 masked %le3A_693 {strides = array<i32>} : memref<64xf32, #tpu.memory_space<vmem>>, vector<16xf32>, vector<16xi1>
        %add3A_702 = vector.broadcast %mul3A_674 : i32 to vector<16xi32>
        %add3A_703 = arith.addi %iota3A, %add3A_702 : vector<16xi32>
        %swap3A_704 = arith.index_cast %min3A_699 : i32 to index
        %swap3A_705 = tpu.vector_load %arg35[%swap3A_704] masked %le3A_693 {strides = array<i32>} : memref<64xi32, #tpu.memory_space<vmem>>, vector<16xi32>, vector<16xi1>
        tpu.vector_store %arg35[%swap3A_704], %add3A_703 masked %le3A_693 {strides = array<i32>} : memref<64xi32, #tpu.memory_space<vmem>>, vector<16xi32>, vector<16xi1>
        %add3A_706 = arith.addi %add3A_636, %reduce_sum3A_698 : i32
        %get3A_707 = arith.index_cast %mul3A_674 : i32 to index
        %get3A_708 = tpu.vector_load %arg12[%get3A_707] {strides = array<i32>} : memref<8192xf32, #tpu.memory_space<vmem>>, vector<16xf32>,
        %le3A_709 = arith.cmpf ole, %get3A_708, %get3A_447 : vector<16xf32>
        %convert_element_type3A_710 = arith.extui %le3A_709 : vector<16xi1> to vector<16xi32>
        %reduce_sum3A_711 = arith.constant true
        %reduce_sum3A_712 = vector.broadcast %reduce_sum3A_711 : i1 to vector<16xi1>
        %reduce_sum3A_713 = tpu.scan <sum>, %convert_element_type3A_710 masked %reduce_sum3A_712 : vector<16xi32>, vector<16xi1> -> vector<16xi32>
        %reduce_sum3A_714 = vector.extract %reduce_sum3A_713[15] : i32 from vector<16xi32>
        %min3A_715 = arith.minsi %add3A_652, %scan3A_69 : i32
        %swap3A_716 = arith.index_cast %min3A_715 : i32 to index
        %swap3A_717 = tpu.vector_load %arg28[%swap3A_716] masked %le3A_709 {strides = array<i32>} : memref<64xf32, #tpu.memory_space<vmem>>, vector<16xf32>, vector<16xi1>
        tpu.vector_store %arg28[%swap3A_716], %get3A_708 masked %le3A_709 {strides = array<i32>} : memref<64xf32, #tpu.memory_space<vmem>>, vector<16xf32>, vector<16xi1>
        %add3A_718 = vector.broadcast %mul3A_674 : i32 to vector<16xi32>
        %add3A_719 = arith.addi %iota3A, %add3A_718 : vector<16xi32>
        %swap3A_720 = arith.index_cast %min3A_715 : i32 to index
        %swap3A_721 = tpu.vector_load %arg36[%swap3A_720] masked %le3A_709 {strides = array<i32>} : memref<64xi32, #tpu.memory_space<vmem>>, vector<16xi32>, vector<16xi1>
        tpu.vector_store %arg36[%swap3A_720], %add3A_719 masked %le3A_709 {strides = array<i32>} : memref<64xi32, #tpu.memory_space<vmem>>, vector<16xi32>, vector<16xi1>
        %add3A_722 = arith.addi %add3A_652, %reduce_sum3A_714 : i32
        %get3A_723 = arith.index_cast %mul3A_674 : i32 to index
        %get3A_724 = tpu.vector_load %arg13[%get3A_723] {strides = array<i32>} : memref<8192xf32, #tpu.memory_space<vmem>>, vector<16xf32>,
        %le3A_725 = arith.cmpf ole, %get3A_724, %get3A_449 : vector<16xf32>
        %convert_element_type3A_726 = arith.extui %le3A_725 : vector<16xi1> to vector<16xi32>
        %reduce_sum3A_727 = arith.constant true
        %reduce_sum3A_728 = vector.broadcast %reduce_sum3A_727 : i1 to vector<16xi1>
        %reduce_sum3A_729 = tpu.scan <sum>, %convert_element_type3A_726 masked %reduce_sum3A_728 : vector<16xi32>, vector<16xi1> -> vector<16xi32>
        %reduce_sum3A_730 = vector.extract %reduce_sum3A_729[15] : i32 from vector<16xi32>
        %min3A_731 = arith.minsi %add3A_668, %scan3A_69 : i32
        %swap3A_732 = arith.index_cast %min3A_731 : i32 to index
        %swap3A_733 = tpu.vector_load %arg29[%swap3A_732] masked %le3A_725 {strides = array<i32>} : memref<64xf32, #tpu.memory_space<vmem>>, vector<16xf32>, vector<16xi1>
        tpu.vector_store %arg29[%swap3A_732], %get3A_724 masked %le3A_725 {strides = array<i32>} : memref<64xf32, #tpu.memory_space<vmem>>, vector<16xf32>, vector<16xi1>
        %add3A_734 = vector.broadcast %mul3A_674 : i32 to vector<16xi32>
        %add3A_735 = arith.addi %iota3A, %add3A_734 : vector<16xi32>
        %swap3A_736 = arith.index_cast %min3A_731 : i32 to index
        %swap3A_737 = tpu.vector_load %arg37[%swap3A_736] masked %le3A_725 {strides = array<i32>} : memref<64xi32, #tpu.memory_space<vmem>>, vector<16xi32>, vector<16xi1>
        tpu.vector_store %arg37[%swap3A_736], %add3A_735 masked %le3A_725 {strides = array<i32>} : memref<64xi32, #tpu.memory_space<vmem>>, vector<16xi32>, vector<16xi1>
        %add3A_738 = arith.addi %add3A_668, %reduce_sum3A_730 : i32
        %mul3A_739 = arith.constant 4 : i32
        %mul3A_740 = arith.muli %scan3A_527, %mul3A_739 : i32
        %add3A_741 = arith.constant 3 : i32
        %add3A_742 = arith.addi %mul3A_740, %add3A_741 : i32
        %mul3A_743 = arith.constant 16 : i32
        %mul3A_744 = arith.muli %add3A_742, %mul3A_743 : i32
        %get3A_745 = arith.index_cast %mul3A_744 : i32 to index
        %get3A_746 = tpu.vector_load %arg10[%get3A_745] {strides = array<i32>} : memref<8192xf32, #tpu.memory_space<vmem>>, vector<16xf32>,
        %le3A_747 = arith.cmpf ole, %get3A_746, %get3A_443 : vector<16xf32>
        %convert_element_type3A_748 = arith.extui %le3A_747 : vector<16xi1> to vector<16xi32>
        %reduce_sum3A_749 = arith.constant true
        %reduce_sum3A_750 = vector.broadcast %reduce_sum3A_749 : i1 to vector<16xi1>
        %reduce_sum3A_751 = tpu.scan <sum>, %convert_element_type3A_748 masked %reduce_sum3A_750 : vector<16xi32>, vector<16xi1> -> vector<16xi32>
        %reduce_sum3A_752 = vector.extract %reduce_sum3A_751[15] : i32 from vector<16xi32>
        %min3A_753 = arith.minsi %add3A_690, %scan3A_69 : i32
        %swap3A_754 = arith.index_cast %min3A_753 : i32 to index
        %swap3A_755 = tpu.vector_load %arg26[%swap3A_754] masked %le3A_747 {strides = array<i32>} : memref<64xf32, #tpu.memory_space<vmem>>, vector<16xf32>, vector<16xi1>
        tpu.vector_store %arg26[%swap3A_754], %get3A_746 masked %le3A_747 {strides = array<i32>} : memref<64xf32, #tpu.memory_space<vmem>>, vector<16xf32>, vector<16xi1>
        %add3A_756 = vector.broadcast %mul3A_744 : i32 to vector<16xi32>
        %add3A_757 = arith.addi %iota3A, %add3A_756 : vector<16xi32>
        %swap3A_758 = arith.index_cast %min3A_753 : i32 to index
        %swap3A_759 = tpu.vector_load %arg34[%swap3A_758] masked %le3A_747 {strides = array<i32>} : memref<64xi32, #tpu.memory_space<vmem>>, vector<16xi32>, vector<16xi1>
        tpu.vector_store %arg34[%swap3A_758], %add3A_757 masked %le3A_747 {strides = array<i32>} : memref<64xi32, #tpu.memory_space<vmem>>, vector<16xi32>, vector<16xi1>
        %add3A_760 = arith.addi %add3A_690, %reduce_sum3A_752 : i32
        %get3A_761 = arith.index_cast %mul3A_744 : i32 to index
        %get3A_762 = tpu.vector_load %arg11[%get3A_761] {strides = array<i32>} : memref<8192xf32, #tpu.memory_space<vmem>>, vector<16xf32>,
        %le3A_763 = arith.cmpf ole, %get3A_762, %get3A_445 : vector<16xf32>
        %convert_element_type3A_764 = arith.extui %le3A_763 : vector<16xi1> to vector<16xi32>
        %reduce_sum3A_765 = arith.constant true
        %reduce_sum3A_766 = vector.broadcast %reduce_sum3A_765 : i1 to vector<16xi1>
        %reduce_sum3A_767 = tpu.scan <sum>, %convert_element_type3A_764 masked %reduce_sum3A_766 : vector<16xi32>, vector<16xi1> -> vector<16xi32>
        %reduce_sum3A_768 = vector.extract %reduce_sum3A_767[15] : i32 from vector<16xi32>
        %min3A_769 = arith.minsi %add3A_706, %scan3A_69 : i32
        %swap3A_770 = arith.index_cast %min3A_769 : i32 to index
        %swap3A_771 = tpu.vector_load %arg27[%swap3A_770] masked %le3A_763 {strides = array<i32>} : memref<64xf32, #tpu.memory_space<vmem>>, vector<16xf32>, vector<16xi1>
        tpu.vector_store %arg27[%swap3A_770], %get3A_762 masked %le3A_763 {strides = array<i32>} : memref<64xf32, #tpu.memory_space<vmem>>, vector<16xf32>, vector<16xi1>
        %add3A_772 = vector.broadcast %mul3A_744 : i32 to vector<16xi32>
        %add3A_773 = arith.addi %iota3A, %add3A_772 : vector<16xi32>
        %swap3A_774 = arith.index_cast %min3A_769 : i32 to index
        %swap3A_775 = tpu.vector_load %arg35[%swap3A_774] masked %le3A_763 {strides = array<i32>} : memref<64xi32, #tpu.memory_space<vmem>>, vector<16xi32>, vector<16xi1>
        tpu.vector_store %arg35[%swap3A_774], %add3A_773 masked %le3A_763 {strides = array<i32>} : memref<64xi32, #tpu.memory_space<vmem>>, vector<16xi32>, vector<16xi1>
        %add3A_776 = arith.addi %add3A_706, %reduce_sum3A_768 : i32
        %get3A_777 = arith.index_cast %mul3A_744 : i32 to index
        %get3A_778 = tpu.vector_load %arg12[%get3A_777] {strides = array<i32>} : memref<8192xf32, #tpu.memory_space<vmem>>, vector<16xf32>,
        %le3A_779 = arith.cmpf ole, %get3A_778, %get3A_447 : vector<16xf32>
        %convert_element_type3A_780 = arith.extui %le3A_779 : vector<16xi1> to vector<16xi32>
        %reduce_sum3A_781 = arith.constant true
        %reduce_sum3A_782 = vector.broadcast %reduce_sum3A_781 : i1 to vector<16xi1>
        %reduce_sum3A_783 = tpu.scan <sum>, %convert_element_type3A_780 masked %reduce_sum3A_782 : vector<16xi32>, vector<16xi1> -> vector<16xi32>
        %reduce_sum3A_784 = vector.extract %reduce_sum3A_783[15] : i32 from vector<16xi32>
        %min3A_785 = arith.minsi %add3A_722, %scan3A_69 : i32
        %swap3A_786 = arith.index_cast %min3A_785 : i32 to index
        %swap3A_787 = tpu.vector_load %arg28[%swap3A_786] masked %le3A_779 {strides = array<i32>} : memref<64xf32, #tpu.memory_space<vmem>>, vector<16xf32>, vector<16xi1>
        tpu.vector_store %arg28[%swap3A_786], %get3A_778 masked %le3A_779 {strides = array<i32>} : memref<64xf32, #tpu.memory_space<vmem>>, vector<16xf32>, vector<16xi1>
        %add3A_788 = vector.broadcast %mul3A_744 : i32 to vector<16xi32>
        %add3A_789 = arith.addi %iota3A, %add3A_788 : vector<16xi32>
        %swap3A_790 = arith.index_cast %min3A_785 : i32 to index
        %swap3A_791 = tpu.vector_load %arg36[%swap3A_790] masked %le3A_779 {strides = array<i32>} : memref<64xi32, #tpu.memory_space<vmem>>, vector<16xi32>, vector<16xi1>
        tpu.vector_store %arg36[%swap3A_790], %add3A_789 masked %le3A_779 {strides = array<i32>} : memref<64xi32, #tpu.memory_space<vmem>>, vector<16xi32>, vector<16xi1>
        %add3A_792 = arith.addi %add3A_722, %reduce_sum3A_784 : i32
        %get3A_793 = arith.index_cast %mul3A_744 : i32 to index
        %get3A_794 = tpu.vector_load %arg13[%get3A_793] {strides = array<i32>} : memref<8192xf32, #tpu.memory_space<vmem>>, vector<16xf32>,
        %le3A_795 = arith.cmpf ole, %get3A_794, %get3A_449 : vector<16xf32>
        %convert_element_type3A_796 = arith.extui %le3A_795 : vector<16xi1> to vector<16xi32>
        %reduce_sum3A_797 = arith.constant true
        %reduce_sum3A_798 = vector.broadcast %reduce_sum3A_797 : i1 to vector<16xi1>
        %reduce_sum3A_799 = tpu.scan <sum>, %convert_element_type3A_796 masked %reduce_sum3A_798 : vector<16xi32>, vector<16xi1> -> vector<16xi32>
        %reduce_sum3A_800 = vector.extract %reduce_sum3A_799[15] : i32 from vector<16xi32>
        %min3A_801 = arith.minsi %add3A_738, %scan3A_69 : i32
        %swap3A_802 = arith.index_cast %min3A_801 : i32 to index
        %swap3A_803 = tpu.vector_load %arg29[%swap3A_802] masked %le3A_795 {strides = array<i32>} : memref<64xf32, #tpu.memory_space<vmem>>, vector<16xf32>, vector<16xi1>
        tpu.vector_store %arg29[%swap3A_802], %get3A_794 masked %le3A_795 {strides = array<i32>} : memref<64xf32, #tpu.memory_space<vmem>>, vector<16xf32>, vector<16xi1>
        %add3A_804 = vector.broadcast %mul3A_744 : i32 to vector<16xi32>
        %add3A_805 = arith.addi %iota3A, %add3A_804 : vector<16xi32>
        %swap3A_806 = arith.index_cast %min3A_801 : i32 to index
        %swap3A_807 = tpu.vector_load %arg37[%swap3A_806] masked %le3A_795 {strides = array<i32>} : memref<64xi32, #tpu.memory_space<vmem>>, vector<16xi32>, vector<16xi1>
        tpu.vector_store %arg37[%swap3A_806], %add3A_805 masked %le3A_795 {strides = array<i32>} : memref<64xi32, #tpu.memory_space<vmem>>, vector<16xi32>, vector<16xi1>
        %add3A_808 = arith.addi %add3A_738, %reduce_sum3A_800 : i32
        scf.yield %add3A_760, %add3A_776, %add3A_792, %add3A_808 : i32, i32, i32, i32
      }
      %scan3A_459 = arith.constant 128 : i32
      %mul3A_460 = arith.constant 4 : i32
      %mul3A_461 = arith.muli %add3A_349, %mul3A_460 : i32
      %add3A_462 = arith.addi %mul3A_2, %mul3A_461 : i32
      %add3A_463 = arith.constant 0 : i32
      %add3A_464 = arith.addi %add3A_462, %add3A_463 : i32
      %dma_start3A_465 = arith.constant 0 : i32
      %dma_start3A_466 = tpu.memref_slice %arg4[%add3A_464, %dma_start3A_465] : memref<8192x64xf32, #tpu.memory_space<hbm>> -> memref<1x64xf32, #tpu.memory_space<hbm>>
      %dma_start3A_467 = tpu.memref_squeeze %dma_start3A_466 : memref<1x64xf32, #tpu.memory_space<hbm>> -> memref<64xf32, #tpu.memory_space<hbm>>
      %dma_start3A_468 = arith.constant 0 : i32
      %dma_start3A_469 = tpu.memref_slice %arg4[%add3A_464, %dma_start3A_468] : memref<8192x64xf32, #tpu.memory_space<hbm>> -> memref<1x64xf32, #tpu.memory_space<hbm>>
      %dma_start3A_470 = tpu.memref_squeeze %dma_start3A_469 : memref<1x64xf32, #tpu.memory_space<hbm>> -> memref<64xf32, #tpu.memory_space<hbm>>
      tpu.enqueue_dma source(%arg26 : memref<64xf32, #tpu.memory_space<vmem>>) target(%dma_start3A_470 : memref<64xf32, #tpu.memory_space<hbm>>) target_semaphore(%arg41 : memref<!tpu.dma_semaphore, #tpu.memory_space<semaphore_mem>>)
      %add3A_471 = arith.constant 0 : i32
      %add3A_472 = arith.addi %add3A_462, %add3A_471 : i32
      %dma_start3A_473 = arith.constant 0 : i32
      %dma_start3A_474 = tpu.memref_slice %arg5[%add3A_472, %dma_start3A_473] : memref<8192x64xi32, #tpu.memory_space<hbm>> -> memref<1x64xi32, #tpu.memory_space<hbm>>
      %dma_start3A_475 = tpu.memref_squeeze %dma_start3A_474 : memref<1x64xi32, #tpu.memory_space<hbm>> -> memref<64xi32, #tpu.memory_space<hbm>>
      %dma_start3A_476 = arith.constant 0 : i32
      %dma_start3A_477 = tpu.memref_slice %arg5[%add3A_472, %dma_start3A_476] : memref<8192x64xi32, #tpu.memory_space<hbm>> -> memref<1x64xi32, #tpu.memory_space<hbm>>
      %dma_start3A_478 = tpu.memref_squeeze %dma_start3A_477 : memref<1x64xi32, #tpu.memory_space<hbm>> -> memref<64xi32, #tpu.memory_space<hbm>>
      tpu.enqueue_dma source(%arg34 : memref<64xi32, #tpu.memory_space<vmem>>) target(%dma_start3A_478 : memref<64xi32, #tpu.memory_space<hbm>>) target_semaphore(%arg41 : memref<!tpu.dma_semaphore, #tpu.memory_space<semaphore_mem>>)
      %add3A_479 = arith.constant 1 : i32
      %add3A_480 = arith.addi %add3A_462, %add3A_479 : i32
      %dma_start3A_481 = arith.constant 0 : i32
      %dma_start3A_482 = tpu.memref_slice %arg4[%add3A_480, %dma_start3A_481] : memref<8192x64xf32, #tpu.memory_space<hbm>> -> memref<1x64xf32, #tpu.memory_space<hbm>>
      %dma_start3A_483 = tpu.memref_squeeze %dma_start3A_482 : memref<1x64xf32, #tpu.memory_space<hbm>> -> memref<64xf32, #tpu.memory_space<hbm>>
      %dma_start3A_484 = arith.constant 0 : i32
      %dma_start3A_485 = tpu.memref_slice %arg4[%add3A_480, %dma_start3A_484] : memref<8192x64xf32, #tpu.memory_space<hbm>> -> memref<1x64xf32, #tpu.memory_space<hbm>>
      %dma_start3A_486 = tpu.memref_squeeze %dma_start3A_485 : memref<1x64xf32, #tpu.memory_space<hbm>> -> memref<64xf32, #tpu.memory_space<hbm>>
      tpu.enqueue_dma source(%arg27 : memref<64xf32, #tpu.memory_space<vmem>>) target(%dma_start3A_486 : memref<64xf32, #tpu.memory_space<hbm>>) target_semaphore(%arg41 : memref<!tpu.dma_semaphore, #tpu.memory_space<semaphore_mem>>)
      %add3A_487 = arith.constant 1 : i32
      %add3A_488 = arith.addi %add3A_462, %add3A_487 : i32
      %dma_start3A_489 = arith.constant 0 : i32
      %dma_start3A_490 = tpu.memref_slice %arg5[%add3A_488, %dma_start3A_489] : memref<8192x64xi32, #tpu.memory_space<hbm>> -> memref<1x64xi32, #tpu.memory_space<hbm>>
      %dma_start3A_491 = tpu.memref_squeeze %dma_start3A_490 : memref<1x64xi32, #tpu.memory_space<hbm>> -> memref<64xi32, #tpu.memory_space<hbm>>
      %dma_start3A_492 = arith.constant 0 : i32
      %dma_start3A_493 = tpu.memref_slice %arg5[%add3A_488, %dma_start3A_492] : memref<8192x64xi32, #tpu.memory_space<hbm>> -> memref<1x64xi32, #tpu.memory_space<hbm>>
      %dma_start3A_494 = tpu.memref_squeeze %dma_start3A_493 : memref<1x64xi32, #tpu.memory_space<hbm>> -> memref<64xi32, #tpu.memory_space<hbm>>
      tpu.enqueue_dma source(%arg35 : memref<64xi32, #tpu.memory_space<vmem>>) target(%dma_start3A_494 : memref<64xi32, #tpu.memory_space<hbm>>) target_semaphore(%arg41 : memref<!tpu.dma_semaphore, #tpu.memory_space<semaphore_mem>>)
      %add3A_495 = arith.constant 2 : i32
      %add3A_496 = arith.addi %add3A_462, %add3A_495 : i32
      %dma_start3A_497 = arith.constant 0 : i32
      %dma_start3A_498 = tpu.memref_slice %arg4[%add3A_496, %dma_start3A_497] : memref<8192x64xf32, #tpu.memory_space<hbm>> -> memref<1x64xf32, #tpu.memory_space<hbm>>
      %dma_start3A_499 = tpu.memref_squeeze %dma_start3A_498 : memref<1x64xf32, #tpu.memory_space<hbm>> -> memref<64xf32, #tpu.memory_space<hbm>>
      %dma_start3A_500 = arith.constant 0 : i32
      %dma_start3A_501 = tpu.memref_slice %arg4[%add3A_496, %dma_start3A_500] : memref<8192x64xf32, #tpu.memory_space<hbm>> -> memref<1x64xf32, #tpu.memory_space<hbm>>
      %dma_start3A_502 = tpu.memref_squeeze %dma_start3A_501 : memref<1x64xf32, #tpu.memory_space<hbm>> -> memref<64xf32, #tpu.memory_space<hbm>>
      tpu.enqueue_dma source(%arg28 : memref<64xf32, #tpu.memory_space<vmem>>) target(%dma_start3A_502 : memref<64xf32, #tpu.memory_space<hbm>>) target_semaphore(%arg41 : memref<!tpu.dma_semaphore, #tpu.memory_space<semaphore_mem>>)
      %add3A_503 = arith.constant 2 : i32
      %add3A_504 = arith.addi %add3A_462, %add3A_503 : i32
      %dma_start3A_505 = arith.constant 0 : i32
      %dma_start3A_506 = tpu.memref_slice %arg5[%add3A_504, %dma_start3A_505] : memref<8192x64xi32, #tpu.memory_space<hbm>> -> memref<1x64xi32, #tpu.memory_space<hbm>>
      %dma_start3A_507 = tpu.memref_squeeze %dma_start3A_506 : memref<1x64xi32, #tpu.memory_space<hbm>> -> memref<64xi32, #tpu.memory_space<hbm>>
      %dma_start3A_508 = arith.constant 0 : i32
      %dma_start3A_509 = tpu.memref_slice %arg5[%add3A_504, %dma_start3A_508] : memref<8192x64xi32, #tpu.memory_space<hbm>> -> memref<1x64xi32, #tpu.memory_space<hbm>>
      %dma_start3A_510 = tpu.memref_squeeze %dma_start3A_509 : memref<1x64xi32, #tpu.memory_space<hbm>> -> memref<64xi32, #tpu.memory_space<hbm>>
      tpu.enqueue_dma source(%arg36 : memref<64xi32, #tpu.memory_space<vmem>>) target(%dma_start3A_510 : memref<64xi32, #tpu.memory_space<hbm>>) target_semaphore(%arg41 : memref<!tpu.dma_semaphore, #tpu.memory_space<semaphore_mem>>)
      %add3A_511 = arith.constant 3 : i32
      %add3A_512 = arith.addi %add3A_462, %add3A_511 : i32
      %dma_start3A_513 = arith.constant 0 : i32
      %dma_start3A_514 = tpu.memref_slice %arg4[%add3A_512, %dma_start3A_513] : memref<8192x64xf32, #tpu.memory_space<hbm>> -> memref<1x64xf32, #tpu.memory_space<hbm>>
      %dma_start3A_515 = tpu.memref_squeeze %dma_start3A_514 : memref<1x64xf32, #tpu.memory_space<hbm>> -> memref<64xf32, #tpu.memory_space<hbm>>
      %dma_start3A_516 = arith.constant 0 : i32
      %dma_start3A_517 = tpu.memref_slice %arg4[%add3A_512, %dma_start3A_516] : memref<8192x64xf32, #tpu.memory_space<hbm>> -> memref<1x64xf32, #tpu.memory_space<hbm>>
      %dma_start3A_518 = tpu.memref_squeeze %dma_start3A_517 : memref<1x64xf32, #tpu.memory_space<hbm>> -> memref<64xf32, #tpu.memory_space<hbm>>
      tpu.enqueue_dma source(%arg29 : memref<64xf32, #tpu.memory_space<vmem>>) target(%dma_start3A_518 : memref<64xf32, #tpu.memory_space<hbm>>) target_semaphore(%arg41 : memref<!tpu.dma_semaphore, #tpu.memory_space<semaphore_mem>>)
      %add3A_519 = arith.constant 3 : i32
      %add3A_520 = arith.addi %add3A_462, %add3A_519 : i32
      %dma_start3A_521 = arith.constant 0 : i32
      %dma_start3A_522 = tpu.memref_slice %arg5[%add3A_520, %dma_start3A_521] : memref<8192x64xi32, #tpu.memory_space<hbm>> -> memref<1x64xi32, #tpu.memory_space<hbm>>
      %dma_start3A_523 = tpu.memref_squeeze %dma_start3A_522 : memref<1x64xi32, #tpu.memory_space<hbm>> -> memref<64xi32, #tpu.memory_space<hbm>>
      %dma_start3A_524 = arith.constant 0 : i32
      %dma_start3A_525 = tpu.memref_slice %arg5[%add3A_520, %dma_start3A_524] : memref<8192x64xi32, #tpu.memory_space<hbm>> -> memref<1x64xi32, #tpu.memory_space<hbm>>
      %dma_start3A_526 = tpu.memref_squeeze %dma_start3A_525 : memref<1x64xi32, #tpu.memory_space<hbm>> -> memref<64xi32, #tpu.memory_space<hbm>>
      tpu.enqueue_dma source(%arg37 : memref<64xi32, #tpu.memory_space<vmem>>) target(%dma_start3A_526 : memref<64xi32, #tpu.memory_space<hbm>>) target_semaphore(%arg41 : memref<!tpu.dma_semaphore, #tpu.memory_space<semaphore_mem>>)
    }
    %scan3A_74 = arith.constant 32 : i32
    %dma_wait3A = arith.constant 0 : i32
    %dma_wait3A_75 = tpu.memref_slice %arg4[%mul3A_2, %dma_wait3A] : memref<8192x64xf32, #tpu.memory_space<hbm>> -> memref<1x64xf32, #tpu.memory_space<hbm>>
    %dma_wait3A_76 = tpu.memref_squeeze %dma_wait3A_75 : memref<1x64xf32, #tpu.memory_space<hbm>> -> memref<64xf32, #tpu.memory_space<hbm>>
    %dma_wait3A_77 = arith.constant 0 : i32
    %dma_wait3A_78 = tpu.memref_slice %arg4[%mul3A_2, %dma_wait3A_77] : memref<8192x64xf32, #tpu.memory_space<hbm>> -> memref<1x64xf32, #tpu.memory_space<hbm>>
    %dma_wait3A_79 = tpu.memref_squeeze %dma_wait3A_78 : memref<1x64xf32, #tpu.memory_space<hbm>> -> memref<64xf32, #tpu.memory_space<hbm>>
    tpu.wait_dma2 semaphore(%arg40 : memref<!tpu.dma_semaphore, #tpu.memory_space<semaphore_mem>>) src(%arg22 : memref<64xf32, #tpu.memory_space<vmem>>) dst(%dma_wait3A_79 : memref<64xf32, #tpu.memory_space<hbm>>)
    %dma_wait3A_80 = arith.constant 0 : i32
    %dma_wait3A_81 = tpu.memref_slice %arg5[%mul3A_2, %dma_wait3A_80] : memref<8192x64xi32, #tpu.memory_space<hbm>> -> memref<1x64xi32, #tpu.memory_space<hbm>>
    %dma_wait3A_82 = tpu.memref_squeeze %dma_wait3A_81 : memref<1x64xi32, #tpu.memory_space<hbm>> -> memref<64xi32, #tpu.memory_space<hbm>>
    %dma_wait3A_83 = arith.constant 0 : i32
    %dma_wait3A_84 = tpu.memref_slice %arg5[%mul3A_2, %dma_wait3A_83] : memref<8192x64xi32, #tpu.memory_space<hbm>> -> memref<1x64xi32, #tpu.memory_space<hbm>>
    %dma_wait3A_85 = tpu.memref_squeeze %dma_wait3A_84 : memref<1x64xi32, #tpu.memory_space<hbm>> -> memref<64xi32, #tpu.memory_space<hbm>>
    tpu.wait_dma2 semaphore(%arg40 : memref<!tpu.dma_semaphore, #tpu.memory_space<semaphore_mem>>) src(%arg30 : memref<64xi32, #tpu.memory_space<vmem>>) dst(%dma_wait3A_85 : memref<64xi32, #tpu.memory_space<hbm>>)
    %dma_wait3A_86 = arith.constant 0 : i32
    %dma_wait3A_87 = tpu.memref_slice %arg4[%mul3A_2, %dma_wait3A_86] : memref<8192x64xf32, #tpu.memory_space<hbm>> -> memref<1x64xf32, #tpu.memory_space<hbm>>
    %dma_wait3A_88 = tpu.memref_squeeze %dma_wait3A_87 : memref<1x64xf32, #tpu.memory_space<hbm>> -> memref<64xf32, #tpu.memory_space<hbm>>
    %dma_wait3A_89 = arith.constant 0 : i32
    %dma_wait3A_90 = tpu.memref_slice %arg4[%mul3A_2, %dma_wait3A_89] : memref<8192x64xf32, #tpu.memory_space<hbm>> -> memref<1x64xf32, #tpu.memory_space<hbm>>
    %dma_wait3A_91 = tpu.memref_squeeze %dma_wait3A_90 : memref<1x64xf32, #tpu.memory_space<hbm>> -> memref<64xf32, #tpu.memory_space<hbm>>
    tpu.wait_dma2 semaphore(%arg40 : memref<!tpu.dma_semaphore, #tpu.memory_space<semaphore_mem>>) src(%arg23 : memref<64xf32, #tpu.memory_space<vmem>>) dst(%dma_wait3A_91 : memref<64xf32, #tpu.memory_space<hbm>>)
    %dma_wait3A_92 = arith.constant 0 : i32
    %dma_wait3A_93 = tpu.memref_slice %arg5[%mul3A_2, %dma_wait3A_92] : memref<8192x64xi32, #tpu.memory_space<hbm>> -> memref<1x64xi32, #tpu.memory_space<hbm>>
    %dma_wait3A_94 = tpu.memref_squeeze %dma_wait3A_93 : memref<1x64xi32, #tpu.memory_space<hbm>> -> memref<64xi32, #tpu.memory_space<hbm>>
    %dma_wait3A_95 = arith.constant 0 : i32
    %dma_wait3A_96 = tpu.memref_slice %arg5[%mul3A_2, %dma_wait3A_95] : memref<8192x64xi32, #tpu.memory_space<hbm>> -> memref<1x64xi32, #tpu.memory_space<hbm>>
    %dma_wait3A_97 = tpu.memref_squeeze %dma_wait3A_96 : memref<1x64xi32, #tpu.memory_space<hbm>> -> memref<64xi32, #tpu.memory_space<hbm>>
    tpu.wait_dma2 semaphore(%arg40 : memref<!tpu.dma_semaphore, #tpu.memory_space<semaphore_mem>>) src(%arg31 : memref<64xi32, #tpu.memory_space<vmem>>) dst(%dma_wait3A_97 : memref<64xi32, #tpu.memory_space<hbm>>)
    %dma_wait3A_98 = arith.constant 0 : i32
    %dma_wait3A_99 = tpu.memref_slice %arg4[%mul3A_2, %dma_wait3A_98] : memref<8192x64xf32, #tpu.memory_space<hbm>> -> memref<1x64xf32, #tpu.memory_space<hbm>>
    %dma_wait3A_100 = tpu.memref_squeeze %dma_wait3A_99 : memref<1x64xf32, #tpu.memory_space<hbm>> -> memref<64xf32, #tpu.memory_space<hbm>>
    %dma_wait3A_101 = arith.constant 0 : i32
    %dma_wait3A_102 = tpu.memref_slice %arg4[%mul3A_2, %dma_wait3A_101] : memref<8192x64xf32, #tpu.memory_space<hbm>> -> memref<1x64xf32, #tpu.memory_space<hbm>>
    %dma_wait3A_103 = tpu.memref_squeeze %dma_wait3A_102 : memref<1x64xf32, #tpu.memory_space<hbm>> -> memref<64xf32, #tpu.memory_space<hbm>>
    tpu.wait_dma2 semaphore(%arg40 : memref<!tpu.dma_semaphore, #tpu.memory_space<semaphore_mem>>) src(%arg24 : memref<64xf32, #tpu.memory_space<vmem>>) dst(%dma_wait3A_103 : memref<64xf32, #tpu.memory_space<hbm>>)
    %dma_wait3A_104 = arith.constant 0 : i32
    %dma_wait3A_105 = tpu.memref_slice %arg5[%mul3A_2, %dma_wait3A_104] : memref<8192x64xi32, #tpu.memory_space<hbm>> -> memref<1x64xi32, #tpu.memory_space<hbm>>
    %dma_wait3A_106 = tpu.memref_squeeze %dma_wait3A_105 : memref<1x64xi32, #tpu.memory_space<hbm>> -> memref<64xi32, #tpu.memory_space<hbm>>
    %dma_wait3A_107 = arith.constant 0 : i32
    %dma_wait3A_108 = tpu.memref_slice %arg5[%mul3A_2, %dma_wait3A_107] : memref<8192x64xi32, #tpu.memory_space<hbm>> -> memref<1x64xi32, #tpu.memory_space<hbm>>
    %dma_wait3A_109 = tpu.memref_squeeze %dma_wait3A_108 : memref<1x64xi32, #tpu.memory_space<hbm>> -> memref<64xi32, #tpu.memory_space<hbm>>
    tpu.wait_dma2 semaphore(%arg40 : memref<!tpu.dma_semaphore, #tpu.memory_space<semaphore_mem>>) src(%arg32 : memref<64xi32, #tpu.memory_space<vmem>>) dst(%dma_wait3A_109 : memref<64xi32, #tpu.memory_space<hbm>>)
    %dma_wait3A_110 = arith.constant 0 : i32
    %dma_wait3A_111 = tpu.memref_slice %arg4[%mul3A_2, %dma_wait3A_110] : memref<8192x64xf32, #tpu.memory_space<hbm>> -> memref<1x64xf32, #tpu.memory_space<hbm>>
    %dma_wait3A_112 = tpu.memref_squeeze %dma_wait3A_111 : memref<1x64xf32, #tpu.memory_space<hbm>> -> memref<64xf32, #tpu.memory_space<hbm>>
    %dma_wait3A_113 = arith.constant 0 : i32
    %dma_wait3A_114 = tpu.memref_slice %arg4[%mul3A_2, %dma_wait3A_113] : memref<8192x64xf32, #tpu.memory_space<hbm>> -> memref<1x64xf32, #tpu.memory_space<hbm>>
    %dma_wait3A_115 = tpu.memref_squeeze %dma_wait3A_114 : memref<1x64xf32, #tpu.memory_space<hbm>> -> memref<64xf32, #tpu.memory_space<hbm>>
    tpu.wait_dma2 semaphore(%arg40 : memref<!tpu.dma_semaphore, #tpu.memory_space<semaphore_mem>>) src(%arg25 : memref<64xf32, #tpu.memory_space<vmem>>) dst(%dma_wait3A_115 : memref<64xf32, #tpu.memory_space<hbm>>)
    %dma_wait3A_116 = arith.constant 0 : i32
    %dma_wait3A_117 = tpu.memref_slice %arg5[%mul3A_2, %dma_wait3A_116] : memref<8192x64xi32, #tpu.memory_space<hbm>> -> memref<1x64xi32, #tpu.memory_space<hbm>>
    %dma_wait3A_118 = tpu.memref_squeeze %dma_wait3A_117 : memref<1x64xi32, #tpu.memory_space<hbm>> -> memref<64xi32, #tpu.memory_space<hbm>>
    %dma_wait3A_119 = arith.constant 0 : i32
    %dma_wait3A_120 = tpu.memref_slice %arg5[%mul3A_2, %dma_wait3A_119] : memref<8192x64xi32, #tpu.memory_space<hbm>> -> memref<1x64xi32, #tpu.memory_space<hbm>>
    %dma_wait3A_121 = tpu.memref_squeeze %dma_wait3A_120 : memref<1x64xi32, #tpu.memory_space<hbm>> -> memref<64xi32, #tpu.memory_space<hbm>>
    tpu.wait_dma2 semaphore(%arg40 : memref<!tpu.dma_semaphore, #tpu.memory_space<semaphore_mem>>) src(%arg33 : memref<64xi32, #tpu.memory_space<vmem>>) dst(%dma_wait3A_121 : memref<64xi32, #tpu.memory_space<hbm>>)
    %dma_wait3A_122 = arith.constant 0 : i32
    %dma_wait3A_123 = tpu.memref_slice %arg4[%mul3A_2, %dma_wait3A_122] : memref<8192x64xf32, #tpu.memory_space<hbm>> -> memref<1x64xf32, #tpu.memory_space<hbm>>
    %dma_wait3A_124 = tpu.memref_squeeze %dma_wait3A_123 : memref<1x64xf32, #tpu.memory_space<hbm>> -> memref<64xf32, #tpu.memory_space<hbm>>
    %dma_wait3A_125 = arith.constant 0 : i32
    %dma_wait3A_126 = tpu.memref_slice %arg4[%mul3A_2, %dma_wait3A_125] : memref<8192x64xf32, #tpu.memory_space<hbm>> -> memref<1x64xf32, #tpu.memory_space<hbm>>
    %dma_wait3A_127 = tpu.memref_squeeze %dma_wait3A_126 : memref<1x64xf32, #tpu.memory_space<hbm>> -> memref<64xf32, #tpu.memory_space<hbm>>
    tpu.wait_dma2 semaphore(%arg41 : memref<!tpu.dma_semaphore, #tpu.memory_space<semaphore_mem>>) src(%arg26 : memref<64xf32, #tpu.memory_space<vmem>>) dst(%dma_wait3A_127 : memref<64xf32, #tpu.memory_space<hbm>>)
    %dma_wait3A_128 = arith.constant 0 : i32
    %dma_wait3A_129 = tpu.memref_slice %arg5[%mul3A_2, %dma_wait3A_128] : memref<8192x64xi32, #tpu.memory_space<hbm>> -> memref<1x64xi32, #tpu.memory_space<hbm>>
    %dma_wait3A_130 = tpu.memref_squeeze %dma_wait3A_129 : memref<1x64xi32, #tpu.memory_space<hbm>> -> memref<64xi32, #tpu.memory_space<hbm>>
    %dma_wait3A_131 = arith.constant 0 : i32
    %dma_wait3A_132 = tpu.memref_slice %arg5[%mul3A_2, %dma_wait3A_131] : memref<8192x64xi32, #tpu.memory_space<hbm>> -> memref<1x64xi32, #tpu.memory_space<hbm>>
    %dma_wait3A_133 = tpu.memref_squeeze %dma_wait3A_132 : memref<1x64xi32, #tpu.memory_space<hbm>> -> memref<64xi32, #tpu.memory_space<hbm>>
    tpu.wait_dma2 semaphore(%arg41 : memref<!tpu.dma_semaphore, #tpu.memory_space<semaphore_mem>>) src(%arg34 : memref<64xi32, #tpu.memory_space<vmem>>) dst(%dma_wait3A_133 : memref<64xi32, #tpu.memory_space<hbm>>)
    %dma_wait3A_134 = arith.constant 0 : i32
    %dma_wait3A_135 = tpu.memref_slice %arg4[%mul3A_2, %dma_wait3A_134] : memref<8192x64xf32, #tpu.memory_space<hbm>> -> memref<1x64xf32, #tpu.memory_space<hbm>>
    %dma_wait3A_136 = tpu.memref_squeeze %dma_wait3A_135 : memref<1x64xf32, #tpu.memory_space<hbm>> -> memref<64xf32, #tpu.memory_space<hbm>>
    %dma_wait3A_137 = arith.constant 0 : i32
    %dma_wait3A_138 = tpu.memref_slice %arg4[%mul3A_2, %dma_wait3A_137] : memref<8192x64xf32, #tpu.memory_space<hbm>> -> memref<1x64xf32, #tpu.memory_space<hbm>>
    %dma_wait3A_139 = tpu.memref_squeeze %dma_wait3A_138 : memref<1x64xf32, #tpu.memory_space<hbm>> -> memref<64xf32, #tpu.memory_space<hbm>>
    tpu.wait_dma2 semaphore(%arg41 : memref<!tpu.dma_semaphore, #tpu.memory_space<semaphore_mem>>) src(%arg27 : memref<64xf32, #tpu.memory_space<vmem>>) dst(%dma_wait3A_139 : memref<64xf32, #tpu.memory_space<hbm>>)
    %dma_wait3A_140 = arith.constant 0 : i32
    %dma_wait3A_141 = tpu.memref_slice %arg5[%mul3A_2, %dma_wait3A_140] : memref<8192x64xi32, #tpu.memory_space<hbm>> -> memref<1x64xi32, #tpu.memory_space<hbm>>
    %dma_wait3A_142 = tpu.memref_squeeze %dma_wait3A_141 : memref<1x64xi32, #tpu.memory_space<hbm>> -> memref<64xi32, #tpu.memory_space<hbm>>
    %dma_wait3A_143 = arith.constant 0 : i32
    %dma_wait3A_144 = tpu.memref_slice %arg5[%mul3A_2, %dma_wait3A_143] : memref<8192x64xi32, #tpu.memory_space<hbm>> -> memref<1x64xi32, #tpu.memory_space<hbm>>
    %dma_wait3A_145 = tpu.memref_squeeze %dma_wait3A_144 : memref<1x64xi32, #tpu.memory_space<hbm>> -> memref<64xi32, #tpu.memory_space<hbm>>
    tpu.wait_dma2 semaphore(%arg41 : memref<!tpu.dma_semaphore, #tpu.memory_space<semaphore_mem>>) src(%arg35 : memref<64xi32, #tpu.memory_space<vmem>>) dst(%dma_wait3A_145 : memref<64xi32, #tpu.memory_space<hbm>>)
    %dma_wait3A_146 = arith.constant 0 : i32
    %dma_wait3A_147 = tpu.memref_slice %arg4[%mul3A_2, %dma_wait3A_146] : memref<8192x64xf32, #tpu.memory_space<hbm>> -> memref<1x64xf32, #tpu.memory_space<hbm>>
    %dma_wait3A_148 = tpu.memref_squeeze %dma_wait3A_147 : memref<1x64xf32, #tpu.memory_space<hbm>> -> memref<64xf32, #tpu.memory_space<hbm>>
    %dma_wait3A_149 = arith.constant 0 : i32
    %dma_wait3A_150 = tpu.memref_slice %arg4[%mul3A_2, %dma_wait3A_149] : memref<8192x64xf32, #tpu.memory_space<hbm>> -> memref<1x64xf32, #tpu.memory_space<hbm>>
    %dma_wait3A_151 = tpu.memref_squeeze %dma_wait3A_150 : memref<1x64xf32, #tpu.memory_space<hbm>> -> memref<64xf32, #tpu.memory_space<hbm>>
    tpu.wait_dma2 semaphore(%arg41 : memref<!tpu.dma_semaphore, #tpu.memory_space<semaphore_mem>>) src(%arg28 : memref<64xf32, #tpu.memory_space<vmem>>) dst(%dma_wait3A_151 : memref<64xf32, #tpu.memory_space<hbm>>)
    %dma_wait3A_152 = arith.constant 0 : i32
    %dma_wait3A_153 = tpu.memref_slice %arg5[%mul3A_2, %dma_wait3A_152] : memref<8192x64xi32, #tpu.memory_space<hbm>> -> memref<1x64xi32, #tpu.memory_space<hbm>>
    %dma_wait3A_154 = tpu.memref_squeeze %dma_wait3A_153 : memref<1x64xi32, #tpu.memory_space<hbm>> -> memref<64xi32, #tpu.memory_space<hbm>>
    %dma_wait3A_155 = arith.constant 0 : i32
    %dma_wait3A_156 = tpu.memref_slice %arg5[%mul3A_2, %dma_wait3A_155] : memref<8192x64xi32, #tpu.memory_space<hbm>> -> memref<1x64xi32, #tpu.memory_space<hbm>>
    %dma_wait3A_157 = tpu.memref_squeeze %dma_wait3A_156 : memref<1x64xi32, #tpu.memory_space<hbm>> -> memref<64xi32, #tpu.memory_space<hbm>>
    tpu.wait_dma2 semaphore(%arg41 : memref<!tpu.dma_semaphore, #tpu.memory_space<semaphore_mem>>) src(%arg36 : memref<64xi32, #tpu.memory_space<vmem>>) dst(%dma_wait3A_157 : memref<64xi32, #tpu.memory_space<hbm>>)
    %dma_wait3A_158 = arith.constant 0 : i32
    %dma_wait3A_159 = tpu.memref_slice %arg4[%mul3A_2, %dma_wait3A_158] : memref<8192x64xf32, #tpu.memory_space<hbm>> -> memref<1x64xf32, #tpu.memory_space<hbm>>
    %dma_wait3A_160 = tpu.memref_squeeze %dma_wait3A_159 : memref<1x64xf32, #tpu.memory_space<hbm>> -> memref<64xf32, #tpu.memory_space<hbm>>
    %dma_wait3A_161 = arith.constant 0 : i32
    %dma_wait3A_162 = tpu.memref_slice %arg4[%mul3A_2, %dma_wait3A_161] : memref<8192x64xf32, #tpu.memory_space<hbm>> -> memref<1x64xf32, #tpu.memory_space<hbm>>
    %dma_wait3A_163 = tpu.memref_squeeze %dma_wait3A_162 : memref<1x64xf32, #tpu.memory_space<hbm>> -> memref<64xf32, #tpu.memory_space<hbm>>
    tpu.wait_dma2 semaphore(%arg41 : memref<!tpu.dma_semaphore, #tpu.memory_space<semaphore_mem>>) src(%arg29 : memref<64xf32, #tpu.memory_space<vmem>>) dst(%dma_wait3A_163 : memref<64xf32, #tpu.memory_space<hbm>>)
    %dma_wait3A_164 = arith.constant 0 : i32
    %dma_wait3A_165 = tpu.memref_slice %arg5[%mul3A_2, %dma_wait3A_164] : memref<8192x64xi32, #tpu.memory_space<hbm>> -> memref<1x64xi32, #tpu.memory_space<hbm>>
    %dma_wait3A_166 = tpu.memref_squeeze %dma_wait3A_165 : memref<1x64xi32, #tpu.memory_space<hbm>> -> memref<64xi32, #tpu.memory_space<hbm>>
    %dma_wait3A_167 = arith.constant 0 : i32
    %dma_wait3A_168 = tpu.memref_slice %arg5[%mul3A_2, %dma_wait3A_167] : memref<8192x64xi32, #tpu.memory_space<hbm>> -> memref<1x64xi32, #tpu.memory_space<hbm>>
    %dma_wait3A_169 = tpu.memref_squeeze %dma_wait3A_168 : memref<1x64xi32, #tpu.memory_space<hbm>> -> memref<64xi32, #tpu.memory_space<hbm>>
    tpu.wait_dma2 semaphore(%arg41 : memref<!tpu.dma_semaphore, #tpu.memory_space<semaphore_mem>>) src(%arg37 : memref<64xi32, #tpu.memory_space<vmem>>) dst(%dma_wait3A_169 : memref<64xi32, #tpu.memory_space<hbm>>)
    return
  }
}

module attributes {stable_mosaic.version = 14 : i64} {
  func.func @_final_body(%arg0: i32, %arg1: memref<1024x64xf32, #tpu.memory_space<vmem>>, %arg2: memref<1024x64xi32, #tpu.memory_space<vmem>>, %arg3: memref<1024x16xi32, #tpu.memory_space<vmem>>) attributes {dimension_semantics = [#tpu.dimension_semantics<arbitrary>], iteration_bounds = array<i64: 8>, scalar_prefetch = 0 : i64, scratch_operands = 0 : i64, tpu.core_type = #tpu.core_type<tc>, window_params = [{transform_indices = @transform_0, window_bounds = array<i64: 1024, 64>}, {transform_indices = @transform_1, window_bounds = array<i64: 1024, 64>}, {transform_indices = @transform_2, window_bounds = array<i64: 1024, 16>}]} {
    %get3A = arith.constant 0 : index
    %get3A_0 = arith.constant 0 : index
    %get3A_1 = vector.load %arg1[%get3A, %get3A_0] : memref<1024x64xf32, #tpu.memory_space<vmem>>, vector<1024x64xf32>
    %broadcast_in_dim3A = arith.constant 0x7F800000 : f32
    %broadcast_in_dim3A_2 = vector.broadcast %broadcast_in_dim3A : f32 to vector<1024x64xf32>
    %concatenate3A = tpu.concatenate %get3A_1, %broadcast_in_dim3A_2 in 1 : vector<1024x64xf32>, vector<1024x64xf32> -> vector<1024x128xf32>
    %get3A_3 = arith.constant 0 : index
    %get3A_4 = arith.constant 0 : index
    %get3A_5 = vector.load %arg2[%get3A_3, %get3A_4] : memref<1024x64xi32, #tpu.memory_space<vmem>>, vector<1024x64xi32>
    %broadcast_in_dim3A_6 = arith.constant 1073741824 : i32
    %broadcast_in_dim3A_7 = vector.broadcast %broadcast_in_dim3A_6 : i32 to vector<1024x64xi32>
    %concatenate3A_8 = tpu.concatenate %get3A_5, %broadcast_in_dim3A_7 in 1 : vector<1024x64xi32>, vector<1024x64xi32> -> vector<1024x128xi32>
    %iota3A = tpu.iota {dimensions = array<i32: 1>} : vector<1024x128xi32>
    %broadcast_in_dim3A_9 = arith.constant 0 : i32
    %broadcast_in_dim3A_10 = vector.broadcast %broadcast_in_dim3A_9 : i32 to vector<1024x128xi32>
    %reduce_min3A = arith.constant dense<0x7F800000> : vector<1024xf32>
    %reduce_min3A_11 = vector.multi_reduction <minimumf>, %concatenate3A, %reduce_min3A [1] : vector<1024x128xf32> to vector<1024xf32>
    %broadcast_in_dim3A_12 = vector.shape_cast %reduce_min3A_11 : vector<1024xf32> to vector<1024x1xf32>
    %eq3A = vector.broadcast %broadcast_in_dim3A_12 : vector<1024x1xf32> to vector<1024x128xf32>
    %eq3A_13 = arith.cmpf oeq, %concatenate3A, %eq3A : vector<1024x128xf32>
    %jit3A = arith.constant 1073741824 : i32
    %broadcast_in_dim3A_14 = vector.broadcast %jit3A : i32 to vector<1024x128xi32>
    %select_n3A = arith.select %eq3A_13, %concatenate3A_8, %broadcast_in_dim3A_14 : vector<1024x128xi1>, vector<1024x128xi32>
    %reduce_min3A_15 = arith.constant dense<2147483647> : vector<1024xi32>
    %reduce_min3A_16 = vector.multi_reduction <minsi>, %select_n3A, %reduce_min3A_15 [1] : vector<1024x128xi32> to vector<1024xi32>
    %eq3A_17 = arith.constant 0 : i32
    %eq3A_18 = vector.broadcast %eq3A_17 : i32 to vector<1024x128xi32>
    %eq3A_19 = arith.cmpi eq, %iota3A, %eq3A_18 : vector<1024x128xi32>
    %broadcast_in_dim3A_20 = vector.shape_cast %reduce_min3A_16 : vector<1024xi32> to vector<1024x1xi32>
    %jit3A_21 = arith.constant 0 : i32
    %broadcast_in_dim3A_22 = vector.shape_cast %broadcast_in_dim3A_20 : vector<1024x1xi32> to vector<1024x1xi32>
    %broadcast_in_dim3A_23 = vector.broadcast %broadcast_in_dim3A_22 : vector<1024x1xi32> to vector<1024x128xi32>
    %broadcast_in_dim3A_24 = vector.broadcast %jit3A_21 : i32 to vector<1024x128xi32>
    %select_n3A_25 = arith.select %eq3A_19, %broadcast_in_dim3A_23, %broadcast_in_dim3A_24 : vector<1024x128xi1>, vector<1024x128xi32>
    %add3A = arith.addi %broadcast_in_dim3A_10, %select_n3A_25 : vector<1024x128xi32>
    %broadcast_in_dim3A_26 = vector.shape_cast %reduce_min3A_16 : vector<1024xi32> to vector<1024x1xi32>
    %eq3A_27 = vector.broadcast %broadcast_in_dim3A_26 : vector<1024x1xi32> to vector<1024x128xi32>
    %eq3A_28 = arith.cmpi eq, %concatenate3A_8, %eq3A_27 : vector<1024x128xi32>
    %and3A = arith.andi %eq3A_13, %eq3A_28 : vector<1024x128xi1>
    %jit3A_29 = arith.constant 0x7F800000 : f32
    %broadcast_in_dim3A_30 = vector.broadcast %jit3A_29 : f32 to vector<1024x128xf32>
    %select_n3A_31 = arith.select %and3A, %broadcast_in_dim3A_30, %concatenate3A : vector<1024x128xi1>, vector<1024x128xf32>
    %reduce_min3A_32 = arith.constant dense<0x7F800000> : vector<1024xf32>
    %reduce_min3A_33 = vector.multi_reduction <minimumf>, %select_n3A_31, %reduce_min3A_32 [1] : vector<1024x128xf32> to vector<1024xf32>
    %broadcast_in_dim3A_34 = vector.shape_cast %reduce_min3A_33 : vector<1024xf32> to vector<1024x1xf32>
    %eq3A_35 = vector.broadcast %broadcast_in_dim3A_34 : vector<1024x1xf32> to vector<1024x128xf32>
    %eq3A_36 = arith.cmpf oeq, %select_n3A_31, %eq3A_35 : vector<1024x128xf32>
    %jit3A_37 = arith.constant 1073741824 : i32
    %broadcast_in_dim3A_38 = vector.broadcast %jit3A_37 : i32 to vector<1024x128xi32>
    %select_n3A_39 = arith.select %eq3A_36, %concatenate3A_8, %broadcast_in_dim3A_38 : vector<1024x128xi1>, vector<1024x128xi32>
    %reduce_min3A_40 = arith.constant dense<2147483647> : vector<1024xi32>
    %reduce_min3A_41 = vector.multi_reduction <minsi>, %select_n3A_39, %reduce_min3A_40 [1] : vector<1024x128xi32> to vector<1024xi32>
    %eq3A_42 = arith.constant 1 : i32
    %eq3A_43 = vector.broadcast %eq3A_42 : i32 to vector<1024x128xi32>
    %eq3A_44 = arith.cmpi eq, %iota3A, %eq3A_43 : vector<1024x128xi32>
    %broadcast_in_dim3A_45 = vector.shape_cast %reduce_min3A_41 : vector<1024xi32> to vector<1024x1xi32>
    %jit3A_46 = arith.constant 0 : i32
    %broadcast_in_dim3A_47 = vector.shape_cast %broadcast_in_dim3A_45 : vector<1024x1xi32> to vector<1024x1xi32>
    %broadcast_in_dim3A_48 = vector.broadcast %broadcast_in_dim3A_47 : vector<1024x1xi32> to vector<1024x128xi32>
    %broadcast_in_dim3A_49 = vector.broadcast %jit3A_46 : i32 to vector<1024x128xi32>
    %select_n3A_50 = arith.select %eq3A_44, %broadcast_in_dim3A_48, %broadcast_in_dim3A_49 : vector<1024x128xi1>, vector<1024x128xi32>
    %add3A_51 = arith.addi %add3A, %select_n3A_50 : vector<1024x128xi32>
    %broadcast_in_dim3A_52 = vector.shape_cast %reduce_min3A_41 : vector<1024xi32> to vector<1024x1xi32>
    %eq3A_53 = vector.broadcast %broadcast_in_dim3A_52 : vector<1024x1xi32> to vector<1024x128xi32>
    %eq3A_54 = arith.cmpi eq, %concatenate3A_8, %eq3A_53 : vector<1024x128xi32>
    %and3A_55 = arith.andi %eq3A_36, %eq3A_54 : vector<1024x128xi1>
    %jit3A_56 = arith.constant 0x7F800000 : f32
    %broadcast_in_dim3A_57 = vector.broadcast %jit3A_56 : f32 to vector<1024x128xf32>
    %select_n3A_58 = arith.select %and3A_55, %broadcast_in_dim3A_57, %select_n3A_31 : vector<1024x128xi1>, vector<1024x128xf32>
    %reduce_min3A_59 = arith.constant dense<0x7F800000> : vector<1024xf32>
    %reduce_min3A_60 = vector.multi_reduction <minimumf>, %select_n3A_58, %reduce_min3A_59 [1] : vector<1024x128xf32> to vector<1024xf32>
    %broadcast_in_dim3A_61 = vector.shape_cast %reduce_min3A_60 : vector<1024xf32> to vector<1024x1xf32>
    %eq3A_62 = vector.broadcast %broadcast_in_dim3A_61 : vector<1024x1xf32> to vector<1024x128xf32>
    %eq3A_63 = arith.cmpf oeq, %select_n3A_58, %eq3A_62 : vector<1024x128xf32>
    %jit3A_64 = arith.constant 1073741824 : i32
    %broadcast_in_dim3A_65 = vector.broadcast %jit3A_64 : i32 to vector<1024x128xi32>
    %select_n3A_66 = arith.select %eq3A_63, %concatenate3A_8, %broadcast_in_dim3A_65 : vector<1024x128xi1>, vector<1024x128xi32>
    %reduce_min3A_67 = arith.constant dense<2147483647> : vector<1024xi32>
    %reduce_min3A_68 = vector.multi_reduction <minsi>, %select_n3A_66, %reduce_min3A_67 [1] : vector<1024x128xi32> to vector<1024xi32>
    %eq3A_69 = arith.constant 2 : i32
    %eq3A_70 = vector.broadcast %eq3A_69 : i32 to vector<1024x128xi32>
    %eq3A_71 = arith.cmpi eq, %iota3A, %eq3A_70 : vector<1024x128xi32>
    %broadcast_in_dim3A_72 = vector.shape_cast %reduce_min3A_68 : vector<1024xi32> to vector<1024x1xi32>
    %jit3A_73 = arith.constant 0 : i32
    %broadcast_in_dim3A_74 = vector.shape_cast %broadcast_in_dim3A_72 : vector<1024x1xi32> to vector<1024x1xi32>
    %broadcast_in_dim3A_75 = vector.broadcast %broadcast_in_dim3A_74 : vector<1024x1xi32> to vector<1024x128xi32>
    %broadcast_in_dim3A_76 = vector.broadcast %jit3A_73 : i32 to vector<1024x128xi32>
    %select_n3A_77 = arith.select %eq3A_71, %broadcast_in_dim3A_75, %broadcast_in_dim3A_76 : vector<1024x128xi1>, vector<1024x128xi32>
    %add3A_78 = arith.addi %add3A_51, %select_n3A_77 : vector<1024x128xi32>
    %broadcast_in_dim3A_79 = vector.shape_cast %reduce_min3A_68 : vector<1024xi32> to vector<1024x1xi32>
    %eq3A_80 = vector.broadcast %broadcast_in_dim3A_79 : vector<1024x1xi32> to vector<1024x128xi32>
    %eq3A_81 = arith.cmpi eq, %concatenate3A_8, %eq3A_80 : vector<1024x128xi32>
    %and3A_82 = arith.andi %eq3A_63, %eq3A_81 : vector<1024x128xi1>
    %jit3A_83 = arith.constant 0x7F800000 : f32
    %broadcast_in_dim3A_84 = vector.broadcast %jit3A_83 : f32 to vector<1024x128xf32>
    %select_n3A_85 = arith.select %and3A_82, %broadcast_in_dim3A_84, %select_n3A_58 : vector<1024x128xi1>, vector<1024x128xf32>
    %reduce_min3A_86 = arith.constant dense<0x7F800000> : vector<1024xf32>
    %reduce_min3A_87 = vector.multi_reduction <minimumf>, %select_n3A_85, %reduce_min3A_86 [1] : vector<1024x128xf32> to vector<1024xf32>
    %broadcast_in_dim3A_88 = vector.shape_cast %reduce_min3A_87 : vector<1024xf32> to vector<1024x1xf32>
    %eq3A_89 = vector.broadcast %broadcast_in_dim3A_88 : vector<1024x1xf32> to vector<1024x128xf32>
    %eq3A_90 = arith.cmpf oeq, %select_n3A_85, %eq3A_89 : vector<1024x128xf32>
    %jit3A_91 = arith.constant 1073741824 : i32
    %broadcast_in_dim3A_92 = vector.broadcast %jit3A_91 : i32 to vector<1024x128xi32>
    %select_n3A_93 = arith.select %eq3A_90, %concatenate3A_8, %broadcast_in_dim3A_92 : vector<1024x128xi1>, vector<1024x128xi32>
    %reduce_min3A_94 = arith.constant dense<2147483647> : vector<1024xi32>
    %reduce_min3A_95 = vector.multi_reduction <minsi>, %select_n3A_93, %reduce_min3A_94 [1] : vector<1024x128xi32> to vector<1024xi32>
    %eq3A_96 = arith.constant 3 : i32
    %eq3A_97 = vector.broadcast %eq3A_96 : i32 to vector<1024x128xi32>
    %eq3A_98 = arith.cmpi eq, %iota3A, %eq3A_97 : vector<1024x128xi32>
    %broadcast_in_dim3A_99 = vector.shape_cast %reduce_min3A_95 : vector<1024xi32> to vector<1024x1xi32>
    %jit3A_100 = arith.constant 0 : i32
    %broadcast_in_dim3A_101 = vector.shape_cast %broadcast_in_dim3A_99 : vector<1024x1xi32> to vector<1024x1xi32>
    %broadcast_in_dim3A_102 = vector.broadcast %broadcast_in_dim3A_101 : vector<1024x1xi32> to vector<1024x128xi32>
    %broadcast_in_dim3A_103 = vector.broadcast %jit3A_100 : i32 to vector<1024x128xi32>
    %select_n3A_104 = arith.select %eq3A_98, %broadcast_in_dim3A_102, %broadcast_in_dim3A_103 : vector<1024x128xi1>, vector<1024x128xi32>
    %add3A_105 = arith.addi %add3A_78, %select_n3A_104 : vector<1024x128xi32>
    %broadcast_in_dim3A_106 = vector.shape_cast %reduce_min3A_95 : vector<1024xi32> to vector<1024x1xi32>
    %eq3A_107 = vector.broadcast %broadcast_in_dim3A_106 : vector<1024x1xi32> to vector<1024x128xi32>
    %eq3A_108 = arith.cmpi eq, %concatenate3A_8, %eq3A_107 : vector<1024x128xi32>
    %and3A_109 = arith.andi %eq3A_90, %eq3A_108 : vector<1024x128xi1>
    %jit3A_110 = arith.constant 0x7F800000 : f32
    %broadcast_in_dim3A_111 = vector.broadcast %jit3A_110 : f32 to vector<1024x128xf32>
    %select_n3A_112 = arith.select %and3A_109, %broadcast_in_dim3A_111, %select_n3A_85 : vector<1024x128xi1>, vector<1024x128xf32>
    %reduce_min3A_113 = arith.constant dense<0x7F800000> : vector<1024xf32>
    %reduce_min3A_114 = vector.multi_reduction <minimumf>, %select_n3A_112, %reduce_min3A_113 [1] : vector<1024x128xf32> to vector<1024xf32>
    %broadcast_in_dim3A_115 = vector.shape_cast %reduce_min3A_114 : vector<1024xf32> to vector<1024x1xf32>
    %eq3A_116 = vector.broadcast %broadcast_in_dim3A_115 : vector<1024x1xf32> to vector<1024x128xf32>
    %eq3A_117 = arith.cmpf oeq, %select_n3A_112, %eq3A_116 : vector<1024x128xf32>
    %jit3A_118 = arith.constant 1073741824 : i32
    %broadcast_in_dim3A_119 = vector.broadcast %jit3A_118 : i32 to vector<1024x128xi32>
    %select_n3A_120 = arith.select %eq3A_117, %concatenate3A_8, %broadcast_in_dim3A_119 : vector<1024x128xi1>, vector<1024x128xi32>
    %reduce_min3A_121 = arith.constant dense<2147483647> : vector<1024xi32>
    %reduce_min3A_122 = vector.multi_reduction <minsi>, %select_n3A_120, %reduce_min3A_121 [1] : vector<1024x128xi32> to vector<1024xi32>
    %eq3A_123 = arith.constant 4 : i32
    %eq3A_124 = vector.broadcast %eq3A_123 : i32 to vector<1024x128xi32>
    %eq3A_125 = arith.cmpi eq, %iota3A, %eq3A_124 : vector<1024x128xi32>
    %broadcast_in_dim3A_126 = vector.shape_cast %reduce_min3A_122 : vector<1024xi32> to vector<1024x1xi32>
    %jit3A_127 = arith.constant 0 : i32
    %broadcast_in_dim3A_128 = vector.shape_cast %broadcast_in_dim3A_126 : vector<1024x1xi32> to vector<1024x1xi32>
    %broadcast_in_dim3A_129 = vector.broadcast %broadcast_in_dim3A_128 : vector<1024x1xi32> to vector<1024x128xi32>
    %broadcast_in_dim3A_130 = vector.broadcast %jit3A_127 : i32 to vector<1024x128xi32>
    %select_n3A_131 = arith.select %eq3A_125, %broadcast_in_dim3A_129, %broadcast_in_dim3A_130 : vector<1024x128xi1>, vector<1024x128xi32>
    %add3A_132 = arith.addi %add3A_105, %select_n3A_131 : vector<1024x128xi32>
    %broadcast_in_dim3A_133 = vector.shape_cast %reduce_min3A_122 : vector<1024xi32> to vector<1024x1xi32>
    %eq3A_134 = vector.broadcast %broadcast_in_dim3A_133 : vector<1024x1xi32> to vector<1024x128xi32>
    %eq3A_135 = arith.cmpi eq, %concatenate3A_8, %eq3A_134 : vector<1024x128xi32>
    %and3A_136 = arith.andi %eq3A_117, %eq3A_135 : vector<1024x128xi1>
    %jit3A_137 = arith.constant 0x7F800000 : f32
    %broadcast_in_dim3A_138 = vector.broadcast %jit3A_137 : f32 to vector<1024x128xf32>
    %select_n3A_139 = arith.select %and3A_136, %broadcast_in_dim3A_138, %select_n3A_112 : vector<1024x128xi1>, vector<1024x128xf32>
    %reduce_min3A_140 = arith.constant dense<0x7F800000> : vector<1024xf32>
    %reduce_min3A_141 = vector.multi_reduction <minimumf>, %select_n3A_139, %reduce_min3A_140 [1] : vector<1024x128xf32> to vector<1024xf32>
    %broadcast_in_dim3A_142 = vector.shape_cast %reduce_min3A_141 : vector<1024xf32> to vector<1024x1xf32>
    %eq3A_143 = vector.broadcast %broadcast_in_dim3A_142 : vector<1024x1xf32> to vector<1024x128xf32>
    %eq3A_144 = arith.cmpf oeq, %select_n3A_139, %eq3A_143 : vector<1024x128xf32>
    %jit3A_145 = arith.constant 1073741824 : i32
    %broadcast_in_dim3A_146 = vector.broadcast %jit3A_145 : i32 to vector<1024x128xi32>
    %select_n3A_147 = arith.select %eq3A_144, %concatenate3A_8, %broadcast_in_dim3A_146 : vector<1024x128xi1>, vector<1024x128xi32>
    %reduce_min3A_148 = arith.constant dense<2147483647> : vector<1024xi32>
    %reduce_min3A_149 = vector.multi_reduction <minsi>, %select_n3A_147, %reduce_min3A_148 [1] : vector<1024x128xi32> to vector<1024xi32>
    %eq3A_150 = arith.constant 5 : i32
    %eq3A_151 = vector.broadcast %eq3A_150 : i32 to vector<1024x128xi32>
    %eq3A_152 = arith.cmpi eq, %iota3A, %eq3A_151 : vector<1024x128xi32>
    %broadcast_in_dim3A_153 = vector.shape_cast %reduce_min3A_149 : vector<1024xi32> to vector<1024x1xi32>
    %jit3A_154 = arith.constant 0 : i32
    %broadcast_in_dim3A_155 = vector.shape_cast %broadcast_in_dim3A_153 : vector<1024x1xi32> to vector<1024x1xi32>
    %broadcast_in_dim3A_156 = vector.broadcast %broadcast_in_dim3A_155 : vector<1024x1xi32> to vector<1024x128xi32>
    %broadcast_in_dim3A_157 = vector.broadcast %jit3A_154 : i32 to vector<1024x128xi32>
    %select_n3A_158 = arith.select %eq3A_152, %broadcast_in_dim3A_156, %broadcast_in_dim3A_157 : vector<1024x128xi1>, vector<1024x128xi32>
    %add3A_159 = arith.addi %add3A_132, %select_n3A_158 : vector<1024x128xi32>
    %broadcast_in_dim3A_160 = vector.shape_cast %reduce_min3A_149 : vector<1024xi32> to vector<1024x1xi32>
    %eq3A_161 = vector.broadcast %broadcast_in_dim3A_160 : vector<1024x1xi32> to vector<1024x128xi32>
    %eq3A_162 = arith.cmpi eq, %concatenate3A_8, %eq3A_161 : vector<1024x128xi32>
    %and3A_163 = arith.andi %eq3A_144, %eq3A_162 : vector<1024x128xi1>
    %jit3A_164 = arith.constant 0x7F800000 : f32
    %broadcast_in_dim3A_165 = vector.broadcast %jit3A_164 : f32 to vector<1024x128xf32>
    %select_n3A_166 = arith.select %and3A_163, %broadcast_in_dim3A_165, %select_n3A_139 : vector<1024x128xi1>, vector<1024x128xf32>
    %reduce_min3A_167 = arith.constant dense<0x7F800000> : vector<1024xf32>
    %reduce_min3A_168 = vector.multi_reduction <minimumf>, %select_n3A_166, %reduce_min3A_167 [1] : vector<1024x128xf32> to vector<1024xf32>
    %broadcast_in_dim3A_169 = vector.shape_cast %reduce_min3A_168 : vector<1024xf32> to vector<1024x1xf32>
    %eq3A_170 = vector.broadcast %broadcast_in_dim3A_169 : vector<1024x1xf32> to vector<1024x128xf32>
    %eq3A_171 = arith.cmpf oeq, %select_n3A_166, %eq3A_170 : vector<1024x128xf32>
    %jit3A_172 = arith.constant 1073741824 : i32
    %broadcast_in_dim3A_173 = vector.broadcast %jit3A_172 : i32 to vector<1024x128xi32>
    %select_n3A_174 = arith.select %eq3A_171, %concatenate3A_8, %broadcast_in_dim3A_173 : vector<1024x128xi1>, vector<1024x128xi32>
    %reduce_min3A_175 = arith.constant dense<2147483647> : vector<1024xi32>
    %reduce_min3A_176 = vector.multi_reduction <minsi>, %select_n3A_174, %reduce_min3A_175 [1] : vector<1024x128xi32> to vector<1024xi32>
    %eq3A_177 = arith.constant 6 : i32
    %eq3A_178 = vector.broadcast %eq3A_177 : i32 to vector<1024x128xi32>
    %eq3A_179 = arith.cmpi eq, %iota3A, %eq3A_178 : vector<1024x128xi32>
    %broadcast_in_dim3A_180 = vector.shape_cast %reduce_min3A_176 : vector<1024xi32> to vector<1024x1xi32>
    %jit3A_181 = arith.constant 0 : i32
    %broadcast_in_dim3A_182 = vector.shape_cast %broadcast_in_dim3A_180 : vector<1024x1xi32> to vector<1024x1xi32>
    %broadcast_in_dim3A_183 = vector.broadcast %broadcast_in_dim3A_182 : vector<1024x1xi32> to vector<1024x128xi32>
    %broadcast_in_dim3A_184 = vector.broadcast %jit3A_181 : i32 to vector<1024x128xi32>
    %select_n3A_185 = arith.select %eq3A_179, %broadcast_in_dim3A_183, %broadcast_in_dim3A_184 : vector<1024x128xi1>, vector<1024x128xi32>
    %add3A_186 = arith.addi %add3A_159, %select_n3A_185 : vector<1024x128xi32>
    %broadcast_in_dim3A_187 = vector.shape_cast %reduce_min3A_176 : vector<1024xi32> to vector<1024x1xi32>
    %eq3A_188 = vector.broadcast %broadcast_in_dim3A_187 : vector<1024x1xi32> to vector<1024x128xi32>
    %eq3A_189 = arith.cmpi eq, %concatenate3A_8, %eq3A_188 : vector<1024x128xi32>
    %and3A_190 = arith.andi %eq3A_171, %eq3A_189 : vector<1024x128xi1>
    %jit3A_191 = arith.constant 0x7F800000 : f32
    %broadcast_in_dim3A_192 = vector.broadcast %jit3A_191 : f32 to vector<1024x128xf32>
    %select_n3A_193 = arith.select %and3A_190, %broadcast_in_dim3A_192, %select_n3A_166 : vector<1024x128xi1>, vector<1024x128xf32>
    %reduce_min3A_194 = arith.constant dense<0x7F800000> : vector<1024xf32>
    %reduce_min3A_195 = vector.multi_reduction <minimumf>, %select_n3A_193, %reduce_min3A_194 [1] : vector<1024x128xf32> to vector<1024xf32>
    %broadcast_in_dim3A_196 = vector.shape_cast %reduce_min3A_195 : vector<1024xf32> to vector<1024x1xf32>
    %eq3A_197 = vector.broadcast %broadcast_in_dim3A_196 : vector<1024x1xf32> to vector<1024x128xf32>
    %eq3A_198 = arith.cmpf oeq, %select_n3A_193, %eq3A_197 : vector<1024x128xf32>
    %jit3A_199 = arith.constant 1073741824 : i32
    %broadcast_in_dim3A_200 = vector.broadcast %jit3A_199 : i32 to vector<1024x128xi32>
    %select_n3A_201 = arith.select %eq3A_198, %concatenate3A_8, %broadcast_in_dim3A_200 : vector<1024x128xi1>, vector<1024x128xi32>
    %reduce_min3A_202 = arith.constant dense<2147483647> : vector<1024xi32>
    %reduce_min3A_203 = vector.multi_reduction <minsi>, %select_n3A_201, %reduce_min3A_202 [1] : vector<1024x128xi32> to vector<1024xi32>
    %eq3A_204 = arith.constant 7 : i32
    %eq3A_205 = vector.broadcast %eq3A_204 : i32 to vector<1024x128xi32>
    %eq3A_206 = arith.cmpi eq, %iota3A, %eq3A_205 : vector<1024x128xi32>
    %broadcast_in_dim3A_207 = vector.shape_cast %reduce_min3A_203 : vector<1024xi32> to vector<1024x1xi32>
    %jit3A_208 = arith.constant 0 : i32
    %broadcast_in_dim3A_209 = vector.shape_cast %broadcast_in_dim3A_207 : vector<1024x1xi32> to vector<1024x1xi32>
    %broadcast_in_dim3A_210 = vector.broadcast %broadcast_in_dim3A_209 : vector<1024x1xi32> to vector<1024x128xi32>
    %broadcast_in_dim3A_211 = vector.broadcast %jit3A_208 : i32 to vector<1024x128xi32>
    %select_n3A_212 = arith.select %eq3A_206, %broadcast_in_dim3A_210, %broadcast_in_dim3A_211 : vector<1024x128xi1>, vector<1024x128xi32>
    %add3A_213 = arith.addi %add3A_186, %select_n3A_212 : vector<1024x128xi32>
    %broadcast_in_dim3A_214 = vector.shape_cast %reduce_min3A_203 : vector<1024xi32> to vector<1024x1xi32>
    %eq3A_215 = vector.broadcast %broadcast_in_dim3A_214 : vector<1024x1xi32> to vector<1024x128xi32>
    %eq3A_216 = arith.cmpi eq, %concatenate3A_8, %eq3A_215 : vector<1024x128xi32>
    %and3A_217 = arith.andi %eq3A_198, %eq3A_216 : vector<1024x128xi1>
    %jit3A_218 = arith.constant 0x7F800000 : f32
    %broadcast_in_dim3A_219 = vector.broadcast %jit3A_218 : f32 to vector<1024x128xf32>
    %select_n3A_220 = arith.select %and3A_217, %broadcast_in_dim3A_219, %select_n3A_193 : vector<1024x128xi1>, vector<1024x128xf32>
    %reduce_min3A_221 = arith.constant dense<0x7F800000> : vector<1024xf32>
    %reduce_min3A_222 = vector.multi_reduction <minimumf>, %select_n3A_220, %reduce_min3A_221 [1] : vector<1024x128xf32> to vector<1024xf32>
    %broadcast_in_dim3A_223 = vector.shape_cast %reduce_min3A_222 : vector<1024xf32> to vector<1024x1xf32>
    %eq3A_224 = vector.broadcast %broadcast_in_dim3A_223 : vector<1024x1xf32> to vector<1024x128xf32>
    %eq3A_225 = arith.cmpf oeq, %select_n3A_220, %eq3A_224 : vector<1024x128xf32>
    %jit3A_226 = arith.constant 1073741824 : i32
    %broadcast_in_dim3A_227 = vector.broadcast %jit3A_226 : i32 to vector<1024x128xi32>
    %select_n3A_228 = arith.select %eq3A_225, %concatenate3A_8, %broadcast_in_dim3A_227 : vector<1024x128xi1>, vector<1024x128xi32>
    %reduce_min3A_229 = arith.constant dense<2147483647> : vector<1024xi32>
    %reduce_min3A_230 = vector.multi_reduction <minsi>, %select_n3A_228, %reduce_min3A_229 [1] : vector<1024x128xi32> to vector<1024xi32>
    %eq3A_231 = arith.constant 8 : i32
    %eq3A_232 = vector.broadcast %eq3A_231 : i32 to vector<1024x128xi32>
    %eq3A_233 = arith.cmpi eq, %iota3A, %eq3A_232 : vector<1024x128xi32>
    %broadcast_in_dim3A_234 = vector.shape_cast %reduce_min3A_230 : vector<1024xi32> to vector<1024x1xi32>
    %jit3A_235 = arith.constant 0 : i32
    %broadcast_in_dim3A_236 = vector.shape_cast %broadcast_in_dim3A_234 : vector<1024x1xi32> to vector<1024x1xi32>
    %broadcast_in_dim3A_237 = vector.broadcast %broadcast_in_dim3A_236 : vector<1024x1xi32> to vector<1024x128xi32>
    %broadcast_in_dim3A_238 = vector.broadcast %jit3A_235 : i32 to vector<1024x128xi32>
    %select_n3A_239 = arith.select %eq3A_233, %broadcast_in_dim3A_237, %broadcast_in_dim3A_238 : vector<1024x128xi1>, vector<1024x128xi32>
    %add3A_240 = arith.addi %add3A_213, %select_n3A_239 : vector<1024x128xi32>
    %broadcast_in_dim3A_241 = vector.shape_cast %reduce_min3A_230 : vector<1024xi32> to vector<1024x1xi32>
    %eq3A_242 = vector.broadcast %broadcast_in_dim3A_241 : vector<1024x1xi32> to vector<1024x128xi32>
    %eq3A_243 = arith.cmpi eq, %concatenate3A_8, %eq3A_242 : vector<1024x128xi32>
    %and3A_244 = arith.andi %eq3A_225, %eq3A_243 : vector<1024x128xi1>
    %jit3A_245 = arith.constant 0x7F800000 : f32
    %broadcast_in_dim3A_246 = vector.broadcast %jit3A_245 : f32 to vector<1024x128xf32>
    %select_n3A_247 = arith.select %and3A_244, %broadcast_in_dim3A_246, %select_n3A_220 : vector<1024x128xi1>, vector<1024x128xf32>
    %reduce_min3A_248 = arith.constant dense<0x7F800000> : vector<1024xf32>
    %reduce_min3A_249 = vector.multi_reduction <minimumf>, %select_n3A_247, %reduce_min3A_248 [1] : vector<1024x128xf32> to vector<1024xf32>
    %broadcast_in_dim3A_250 = vector.shape_cast %reduce_min3A_249 : vector<1024xf32> to vector<1024x1xf32>
    %eq3A_251 = vector.broadcast %broadcast_in_dim3A_250 : vector<1024x1xf32> to vector<1024x128xf32>
    %eq3A_252 = arith.cmpf oeq, %select_n3A_247, %eq3A_251 : vector<1024x128xf32>
    %jit3A_253 = arith.constant 1073741824 : i32
    %broadcast_in_dim3A_254 = vector.broadcast %jit3A_253 : i32 to vector<1024x128xi32>
    %select_n3A_255 = arith.select %eq3A_252, %concatenate3A_8, %broadcast_in_dim3A_254 : vector<1024x128xi1>, vector<1024x128xi32>
    %reduce_min3A_256 = arith.constant dense<2147483647> : vector<1024xi32>
    %reduce_min3A_257 = vector.multi_reduction <minsi>, %select_n3A_255, %reduce_min3A_256 [1] : vector<1024x128xi32> to vector<1024xi32>
    %eq3A_258 = arith.constant 9 : i32
    %eq3A_259 = vector.broadcast %eq3A_258 : i32 to vector<1024x128xi32>
    %eq3A_260 = arith.cmpi eq, %iota3A, %eq3A_259 : vector<1024x128xi32>
    %broadcast_in_dim3A_261 = vector.shape_cast %reduce_min3A_257 : vector<1024xi32> to vector<1024x1xi32>
    %jit3A_262 = arith.constant 0 : i32
    %broadcast_in_dim3A_263 = vector.shape_cast %broadcast_in_dim3A_261 : vector<1024x1xi32> to vector<1024x1xi32>
    %broadcast_in_dim3A_264 = vector.broadcast %broadcast_in_dim3A_263 : vector<1024x1xi32> to vector<1024x128xi32>
    %broadcast_in_dim3A_265 = vector.broadcast %jit3A_262 : i32 to vector<1024x128xi32>
    %select_n3A_266 = arith.select %eq3A_260, %broadcast_in_dim3A_264, %broadcast_in_dim3A_265 : vector<1024x128xi1>, vector<1024x128xi32>
    %add3A_267 = arith.addi %add3A_240, %select_n3A_266 : vector<1024x128xi32>
    %broadcast_in_dim3A_268 = vector.shape_cast %reduce_min3A_257 : vector<1024xi32> to vector<1024x1xi32>
    %eq3A_269 = vector.broadcast %broadcast_in_dim3A_268 : vector<1024x1xi32> to vector<1024x128xi32>
    %eq3A_270 = arith.cmpi eq, %concatenate3A_8, %eq3A_269 : vector<1024x128xi32>
    %and3A_271 = arith.andi %eq3A_252, %eq3A_270 : vector<1024x128xi1>
    %jit3A_272 = arith.constant 0x7F800000 : f32
    %broadcast_in_dim3A_273 = vector.broadcast %jit3A_272 : f32 to vector<1024x128xf32>
    %select_n3A_274 = arith.select %and3A_271, %broadcast_in_dim3A_273, %select_n3A_247 : vector<1024x128xi1>, vector<1024x128xf32>
    %reduce_min3A_275 = arith.constant dense<0x7F800000> : vector<1024xf32>
    %reduce_min3A_276 = vector.multi_reduction <minimumf>, %select_n3A_274, %reduce_min3A_275 [1] : vector<1024x128xf32> to vector<1024xf32>
    %broadcast_in_dim3A_277 = vector.shape_cast %reduce_min3A_276 : vector<1024xf32> to vector<1024x1xf32>
    %eq3A_278 = vector.broadcast %broadcast_in_dim3A_277 : vector<1024x1xf32> to vector<1024x128xf32>
    %eq3A_279 = arith.cmpf oeq, %select_n3A_274, %eq3A_278 : vector<1024x128xf32>
    %jit3A_280 = arith.constant 1073741824 : i32
    %broadcast_in_dim3A_281 = vector.broadcast %jit3A_280 : i32 to vector<1024x128xi32>
    %select_n3A_282 = arith.select %eq3A_279, %concatenate3A_8, %broadcast_in_dim3A_281 : vector<1024x128xi1>, vector<1024x128xi32>
    %reduce_min3A_283 = arith.constant dense<2147483647> : vector<1024xi32>
    %reduce_min3A_284 = vector.multi_reduction <minsi>, %select_n3A_282, %reduce_min3A_283 [1] : vector<1024x128xi32> to vector<1024xi32>
    %eq3A_285 = arith.constant 10 : i32
    %eq3A_286 = vector.broadcast %eq3A_285 : i32 to vector<1024x128xi32>
    %eq3A_287 = arith.cmpi eq, %iota3A, %eq3A_286 : vector<1024x128xi32>
    %broadcast_in_dim3A_288 = vector.shape_cast %reduce_min3A_284 : vector<1024xi32> to vector<1024x1xi32>
    %jit3A_289 = arith.constant 0 : i32
    %broadcast_in_dim3A_290 = vector.shape_cast %broadcast_in_dim3A_288 : vector<1024x1xi32> to vector<1024x1xi32>
    %broadcast_in_dim3A_291 = vector.broadcast %broadcast_in_dim3A_290 : vector<1024x1xi32> to vector<1024x128xi32>
    %broadcast_in_dim3A_292 = vector.broadcast %jit3A_289 : i32 to vector<1024x128xi32>
    %select_n3A_293 = arith.select %eq3A_287, %broadcast_in_dim3A_291, %broadcast_in_dim3A_292 : vector<1024x128xi1>, vector<1024x128xi32>
    %add3A_294 = arith.addi %add3A_267, %select_n3A_293 : vector<1024x128xi32>
    %broadcast_in_dim3A_295 = vector.shape_cast %reduce_min3A_284 : vector<1024xi32> to vector<1024x1xi32>
    %eq3A_296 = vector.broadcast %broadcast_in_dim3A_295 : vector<1024x1xi32> to vector<1024x128xi32>
    %eq3A_297 = arith.cmpi eq, %concatenate3A_8, %eq3A_296 : vector<1024x128xi32>
    %and3A_298 = arith.andi %eq3A_279, %eq3A_297 : vector<1024x128xi1>
    %jit3A_299 = arith.constant 0x7F800000 : f32
    %broadcast_in_dim3A_300 = vector.broadcast %jit3A_299 : f32 to vector<1024x128xf32>
    %select_n3A_301 = arith.select %and3A_298, %broadcast_in_dim3A_300, %select_n3A_274 : vector<1024x128xi1>, vector<1024x128xf32>
    %reduce_min3A_302 = arith.constant dense<0x7F800000> : vector<1024xf32>
    %reduce_min3A_303 = vector.multi_reduction <minimumf>, %select_n3A_301, %reduce_min3A_302 [1] : vector<1024x128xf32> to vector<1024xf32>
    %broadcast_in_dim3A_304 = vector.shape_cast %reduce_min3A_303 : vector<1024xf32> to vector<1024x1xf32>
    %eq3A_305 = vector.broadcast %broadcast_in_dim3A_304 : vector<1024x1xf32> to vector<1024x128xf32>
    %eq3A_306 = arith.cmpf oeq, %select_n3A_301, %eq3A_305 : vector<1024x128xf32>
    %jit3A_307 = arith.constant 1073741824 : i32
    %broadcast_in_dim3A_308 = vector.broadcast %jit3A_307 : i32 to vector<1024x128xi32>
    %select_n3A_309 = arith.select %eq3A_306, %concatenate3A_8, %broadcast_in_dim3A_308 : vector<1024x128xi1>, vector<1024x128xi32>
    %reduce_min3A_310 = arith.constant dense<2147483647> : vector<1024xi32>
    %reduce_min3A_311 = vector.multi_reduction <minsi>, %select_n3A_309, %reduce_min3A_310 [1] : vector<1024x128xi32> to vector<1024xi32>
    %eq3A_312 = arith.constant 11 : i32
    %eq3A_313 = vector.broadcast %eq3A_312 : i32 to vector<1024x128xi32>
    %eq3A_314 = arith.cmpi eq, %iota3A, %eq3A_313 : vector<1024x128xi32>
    %broadcast_in_dim3A_315 = vector.shape_cast %reduce_min3A_311 : vector<1024xi32> to vector<1024x1xi32>
    %jit3A_316 = arith.constant 0 : i32
    %broadcast_in_dim3A_317 = vector.shape_cast %broadcast_in_dim3A_315 : vector<1024x1xi32> to vector<1024x1xi32>
    %broadcast_in_dim3A_318 = vector.broadcast %broadcast_in_dim3A_317 : vector<1024x1xi32> to vector<1024x128xi32>
    %broadcast_in_dim3A_319 = vector.broadcast %jit3A_316 : i32 to vector<1024x128xi32>
    %select_n3A_320 = arith.select %eq3A_314, %broadcast_in_dim3A_318, %broadcast_in_dim3A_319 : vector<1024x128xi1>, vector<1024x128xi32>
    %add3A_321 = arith.addi %add3A_294, %select_n3A_320 : vector<1024x128xi32>
    %broadcast_in_dim3A_322 = vector.shape_cast %reduce_min3A_311 : vector<1024xi32> to vector<1024x1xi32>
    %eq3A_323 = vector.broadcast %broadcast_in_dim3A_322 : vector<1024x1xi32> to vector<1024x128xi32>
    %eq3A_324 = arith.cmpi eq, %concatenate3A_8, %eq3A_323 : vector<1024x128xi32>
    %and3A_325 = arith.andi %eq3A_306, %eq3A_324 : vector<1024x128xi1>
    %jit3A_326 = arith.constant 0x7F800000 : f32
    %broadcast_in_dim3A_327 = vector.broadcast %jit3A_326 : f32 to vector<1024x128xf32>
    %select_n3A_328 = arith.select %and3A_325, %broadcast_in_dim3A_327, %select_n3A_301 : vector<1024x128xi1>, vector<1024x128xf32>
    %reduce_min3A_329 = arith.constant dense<0x7F800000> : vector<1024xf32>
    %reduce_min3A_330 = vector.multi_reduction <minimumf>, %select_n3A_328, %reduce_min3A_329 [1] : vector<1024x128xf32> to vector<1024xf32>
    %broadcast_in_dim3A_331 = vector.shape_cast %reduce_min3A_330 : vector<1024xf32> to vector<1024x1xf32>
    %eq3A_332 = vector.broadcast %broadcast_in_dim3A_331 : vector<1024x1xf32> to vector<1024x128xf32>
    %eq3A_333 = arith.cmpf oeq, %select_n3A_328, %eq3A_332 : vector<1024x128xf32>
    %jit3A_334 = arith.constant 1073741824 : i32
    %broadcast_in_dim3A_335 = vector.broadcast %jit3A_334 : i32 to vector<1024x128xi32>
    %select_n3A_336 = arith.select %eq3A_333, %concatenate3A_8, %broadcast_in_dim3A_335 : vector<1024x128xi1>, vector<1024x128xi32>
    %reduce_min3A_337 = arith.constant dense<2147483647> : vector<1024xi32>
    %reduce_min3A_338 = vector.multi_reduction <minsi>, %select_n3A_336, %reduce_min3A_337 [1] : vector<1024x128xi32> to vector<1024xi32>
    %eq3A_339 = arith.constant 12 : i32
    %eq3A_340 = vector.broadcast %eq3A_339 : i32 to vector<1024x128xi32>
    %eq3A_341 = arith.cmpi eq, %iota3A, %eq3A_340 : vector<1024x128xi32>
    %broadcast_in_dim3A_342 = vector.shape_cast %reduce_min3A_338 : vector<1024xi32> to vector<1024x1xi32>
    %jit3A_343 = arith.constant 0 : i32
    %broadcast_in_dim3A_344 = vector.shape_cast %broadcast_in_dim3A_342 : vector<1024x1xi32> to vector<1024x1xi32>
    %broadcast_in_dim3A_345 = vector.broadcast %broadcast_in_dim3A_344 : vector<1024x1xi32> to vector<1024x128xi32>
    %broadcast_in_dim3A_346 = vector.broadcast %jit3A_343 : i32 to vector<1024x128xi32>
    %select_n3A_347 = arith.select %eq3A_341, %broadcast_in_dim3A_345, %broadcast_in_dim3A_346 : vector<1024x128xi1>, vector<1024x128xi32>
    %add3A_348 = arith.addi %add3A_321, %select_n3A_347 : vector<1024x128xi32>
    %broadcast_in_dim3A_349 = vector.shape_cast %reduce_min3A_338 : vector<1024xi32> to vector<1024x1xi32>
    %eq3A_350 = vector.broadcast %broadcast_in_dim3A_349 : vector<1024x1xi32> to vector<1024x128xi32>
    %eq3A_351 = arith.cmpi eq, %concatenate3A_8, %eq3A_350 : vector<1024x128xi32>
    %and3A_352 = arith.andi %eq3A_333, %eq3A_351 : vector<1024x128xi1>
    %jit3A_353 = arith.constant 0x7F800000 : f32
    %broadcast_in_dim3A_354 = vector.broadcast %jit3A_353 : f32 to vector<1024x128xf32>
    %select_n3A_355 = arith.select %and3A_352, %broadcast_in_dim3A_354, %select_n3A_328 : vector<1024x128xi1>, vector<1024x128xf32>
    %reduce_min3A_356 = arith.constant dense<0x7F800000> : vector<1024xf32>
    %reduce_min3A_357 = vector.multi_reduction <minimumf>, %select_n3A_355, %reduce_min3A_356 [1] : vector<1024x128xf32> to vector<1024xf32>
    %broadcast_in_dim3A_358 = vector.shape_cast %reduce_min3A_357 : vector<1024xf32> to vector<1024x1xf32>
    %eq3A_359 = vector.broadcast %broadcast_in_dim3A_358 : vector<1024x1xf32> to vector<1024x128xf32>
    %eq3A_360 = arith.cmpf oeq, %select_n3A_355, %eq3A_359 : vector<1024x128xf32>
    %jit3A_361 = arith.constant 1073741824 : i32
    %broadcast_in_dim3A_362 = vector.broadcast %jit3A_361 : i32 to vector<1024x128xi32>
    %select_n3A_363 = arith.select %eq3A_360, %concatenate3A_8, %broadcast_in_dim3A_362 : vector<1024x128xi1>, vector<1024x128xi32>
    %reduce_min3A_364 = arith.constant dense<2147483647> : vector<1024xi32>
    %reduce_min3A_365 = vector.multi_reduction <minsi>, %select_n3A_363, %reduce_min3A_364 [1] : vector<1024x128xi32> to vector<1024xi32>
    %eq3A_366 = arith.constant 13 : i32
    %eq3A_367 = vector.broadcast %eq3A_366 : i32 to vector<1024x128xi32>
    %eq3A_368 = arith.cmpi eq, %iota3A, %eq3A_367 : vector<1024x128xi32>
    %broadcast_in_dim3A_369 = vector.shape_cast %reduce_min3A_365 : vector<1024xi32> to vector<1024x1xi32>
    %jit3A_370 = arith.constant 0 : i32
    %broadcast_in_dim3A_371 = vector.shape_cast %broadcast_in_dim3A_369 : vector<1024x1xi32> to vector<1024x1xi32>
    %broadcast_in_dim3A_372 = vector.broadcast %broadcast_in_dim3A_371 : vector<1024x1xi32> to vector<1024x128xi32>
    %broadcast_in_dim3A_373 = vector.broadcast %jit3A_370 : i32 to vector<1024x128xi32>
    %select_n3A_374 = arith.select %eq3A_368, %broadcast_in_dim3A_372, %broadcast_in_dim3A_373 : vector<1024x128xi1>, vector<1024x128xi32>
    %add3A_375 = arith.addi %add3A_348, %select_n3A_374 : vector<1024x128xi32>
    %broadcast_in_dim3A_376 = vector.shape_cast %reduce_min3A_365 : vector<1024xi32> to vector<1024x1xi32>
    %eq3A_377 = vector.broadcast %broadcast_in_dim3A_376 : vector<1024x1xi32> to vector<1024x128xi32>
    %eq3A_378 = arith.cmpi eq, %concatenate3A_8, %eq3A_377 : vector<1024x128xi32>
    %and3A_379 = arith.andi %eq3A_360, %eq3A_378 : vector<1024x128xi1>
    %jit3A_380 = arith.constant 0x7F800000 : f32
    %broadcast_in_dim3A_381 = vector.broadcast %jit3A_380 : f32 to vector<1024x128xf32>
    %select_n3A_382 = arith.select %and3A_379, %broadcast_in_dim3A_381, %select_n3A_355 : vector<1024x128xi1>, vector<1024x128xf32>
    %reduce_min3A_383 = arith.constant dense<0x7F800000> : vector<1024xf32>
    %reduce_min3A_384 = vector.multi_reduction <minimumf>, %select_n3A_382, %reduce_min3A_383 [1] : vector<1024x128xf32> to vector<1024xf32>
    %broadcast_in_dim3A_385 = vector.shape_cast %reduce_min3A_384 : vector<1024xf32> to vector<1024x1xf32>
    %eq3A_386 = vector.broadcast %broadcast_in_dim3A_385 : vector<1024x1xf32> to vector<1024x128xf32>
    %eq3A_387 = arith.cmpf oeq, %select_n3A_382, %eq3A_386 : vector<1024x128xf32>
    %jit3A_388 = arith.constant 1073741824 : i32
    %broadcast_in_dim3A_389 = vector.broadcast %jit3A_388 : i32 to vector<1024x128xi32>
    %select_n3A_390 = arith.select %eq3A_387, %concatenate3A_8, %broadcast_in_dim3A_389 : vector<1024x128xi1>, vector<1024x128xi32>
    %reduce_min3A_391 = arith.constant dense<2147483647> : vector<1024xi32>
    %reduce_min3A_392 = vector.multi_reduction <minsi>, %select_n3A_390, %reduce_min3A_391 [1] : vector<1024x128xi32> to vector<1024xi32>
    %eq3A_393 = arith.constant 14 : i32
    %eq3A_394 = vector.broadcast %eq3A_393 : i32 to vector<1024x128xi32>
    %eq3A_395 = arith.cmpi eq, %iota3A, %eq3A_394 : vector<1024x128xi32>
    %broadcast_in_dim3A_396 = vector.shape_cast %reduce_min3A_392 : vector<1024xi32> to vector<1024x1xi32>
    %jit3A_397 = arith.constant 0 : i32
    %broadcast_in_dim3A_398 = vector.shape_cast %broadcast_in_dim3A_396 : vector<1024x1xi32> to vector<1024x1xi32>
    %broadcast_in_dim3A_399 = vector.broadcast %broadcast_in_dim3A_398 : vector<1024x1xi32> to vector<1024x128xi32>
    %broadcast_in_dim3A_400 = vector.broadcast %jit3A_397 : i32 to vector<1024x128xi32>
    %select_n3A_401 = arith.select %eq3A_395, %broadcast_in_dim3A_399, %broadcast_in_dim3A_400 : vector<1024x128xi1>, vector<1024x128xi32>
    %add3A_402 = arith.addi %add3A_375, %select_n3A_401 : vector<1024x128xi32>
    %broadcast_in_dim3A_403 = vector.shape_cast %reduce_min3A_392 : vector<1024xi32> to vector<1024x1xi32>
    %eq3A_404 = vector.broadcast %broadcast_in_dim3A_403 : vector<1024x1xi32> to vector<1024x128xi32>
    %eq3A_405 = arith.cmpi eq, %concatenate3A_8, %eq3A_404 : vector<1024x128xi32>
    %and3A_406 = arith.andi %eq3A_387, %eq3A_405 : vector<1024x128xi1>
    %jit3A_407 = arith.constant 0x7F800000 : f32
    %broadcast_in_dim3A_408 = vector.broadcast %jit3A_407 : f32 to vector<1024x128xf32>
    %select_n3A_409 = arith.select %and3A_406, %broadcast_in_dim3A_408, %select_n3A_382 : vector<1024x128xi1>, vector<1024x128xf32>
    %reduce_min3A_410 = arith.constant dense<0x7F800000> : vector<1024xf32>
    %reduce_min3A_411 = vector.multi_reduction <minimumf>, %select_n3A_409, %reduce_min3A_410 [1] : vector<1024x128xf32> to vector<1024xf32>
    %broadcast_in_dim3A_412 = vector.shape_cast %reduce_min3A_411 : vector<1024xf32> to vector<1024x1xf32>
    %eq3A_413 = vector.broadcast %broadcast_in_dim3A_412 : vector<1024x1xf32> to vector<1024x128xf32>
    %eq3A_414 = arith.cmpf oeq, %select_n3A_409, %eq3A_413 : vector<1024x128xf32>
    %jit3A_415 = arith.constant 1073741824 : i32
    %broadcast_in_dim3A_416 = vector.broadcast %jit3A_415 : i32 to vector<1024x128xi32>
    %select_n3A_417 = arith.select %eq3A_414, %concatenate3A_8, %broadcast_in_dim3A_416 : vector<1024x128xi1>, vector<1024x128xi32>
    %reduce_min3A_418 = arith.constant dense<2147483647> : vector<1024xi32>
    %reduce_min3A_419 = vector.multi_reduction <minsi>, %select_n3A_417, %reduce_min3A_418 [1] : vector<1024x128xi32> to vector<1024xi32>
    %eq3A_420 = arith.constant 15 : i32
    %eq3A_421 = vector.broadcast %eq3A_420 : i32 to vector<1024x128xi32>
    %eq3A_422 = arith.cmpi eq, %iota3A, %eq3A_421 : vector<1024x128xi32>
    %broadcast_in_dim3A_423 = vector.shape_cast %reduce_min3A_419 : vector<1024xi32> to vector<1024x1xi32>
    %jit3A_424 = arith.constant 0 : i32
    %broadcast_in_dim3A_425 = vector.shape_cast %broadcast_in_dim3A_423 : vector<1024x1xi32> to vector<1024x1xi32>
    %broadcast_in_dim3A_426 = vector.broadcast %broadcast_in_dim3A_425 : vector<1024x1xi32> to vector<1024x128xi32>
    %broadcast_in_dim3A_427 = vector.broadcast %jit3A_424 : i32 to vector<1024x128xi32>
    %select_n3A_428 = arith.select %eq3A_422, %broadcast_in_dim3A_426, %broadcast_in_dim3A_427 : vector<1024x128xi1>, vector<1024x128xi32>
    %add3A_429 = arith.addi %add3A_402, %select_n3A_428 : vector<1024x128xi32>
    %slice3A = vector.extract_strided_slice %add3A_429 {offsets = [0, 0], sizes = [1024, 16], strides = [1, 1]} : vector<1024x128xi32> to vector<1024x16xi32>
    %swap3A = arith.constant 0 : index
    %swap3A_430 = arith.constant 0 : index
    %swap3A_431 = vector.load %arg3[%swap3A, %swap3A_430] : memref<1024x16xi32, #tpu.memory_space<vmem>>, vector<1024x16xi32>
    tpu.vector_store %arg3[%swap3A, %swap3A_430], %slice3A {strides = array<i32>} : memref<1024x16xi32, #tpu.memory_space<vmem>>, vector<1024x16xi32>,
    return
  }
  func.func @transform_0(%arg0: i32) -> (i32, i32) {
    %c0_i32 = arith.constant 0 : i32
    %c0_i32_0 = arith.constant 0 : i32
    return %arg0, %c0_i32 : i32, i32
  }
  func.func @transform_1(%arg0: i32) -> (i32, i32) {
    %c0_i32 = arith.constant 0 : i32
    %c0_i32_0 = arith.constant 0 : i32
    return %arg0, %c0_i32 : i32, i32
  }
  func.func @transform_2(%arg0: i32) -> (i32, i32) {
    %c0_i32 = arith.constant 0 : i32
    %c0_i32_0 = arith.constant 0 : i32
    return %arg0, %c0_i32 : i32, i32
  }
}

module attributes {stable_mosaic.version = 14 : i64} {
  func.func @_d2_body(%arg0: i32, %arg1: memref<256x64xf32, #tpu.memory_space<vmem>>, %arg2: memref<8192x64xf32, #tpu.memory_space<vmem>>, %arg3: memref<256x8192xf32, #tpu.memory_space<vmem>>, %arg4: memref<256x128xf32, #tpu.memory_space<vmem>>) attributes {dimension_semantics = [#tpu.dimension_semantics<arbitrary>], iteration_bounds = array<i64: 32>, scalar_prefetch = 0 : i64, scratch_operands = 0 : i64, tpu.core_type = #tpu.core_type<tc>, window_params = [{transform_indices = @transform_0, window_bounds = array<i64: 256, 64>}, {pipeline_mode = #tpu.pipeline_mode<synchronous>, transform_indices = @transform_1, window_bounds = array<i64: 8192, 64>}, {transform_indices = @transform_2, window_bounds = array<i64: 256, 8192>}, {transform_indices = @transform_3, window_bounds = array<i64: 256, 128>}]} {
    %get3A = arith.constant 0 : index
    %get3A_0 = arith.constant 0 : index
    %get3A_1 = vector.load %arg1[%get3A, %get3A_0] : memref<256x64xf32, #tpu.memory_space<vmem>>, vector<256x64xf32>
    %get3A_2 = arith.constant 0 : index
    %get3A_3 = arith.constant 0 : index
    %get3A_4 = vector.load %arg2[%get3A_2, %get3A_3] : memref<8192x64xf32, #tpu.memory_space<vmem>>, vector<8192x64xf32>
    %dot_general3A = arith.constant dense<0.000000e+00> : vector<256x8192xf32>
    %dot_general3A_5 = tpu.matmul %get3A_1, %get3A_4, %dot_general3A {dimension_numbers = #tpu.dot_dimension_numbers<[1], [1], [0], [0], [0, 0, 1, 0], [], []>, transpose_lhs_hint = false} : vector<256x64xf32>, vector<8192x64xf32>, vector<256x8192xf32> -> vector<256x8192xf32>
    %mul3A = arith.mulf %get3A_1, %get3A_1 : vector<256x64xf32>
    %reduce_sum3A = arith.constant dense<0.000000e+00> : vector<256xf32>
    %reduce_sum3A_6 = vector.multi_reduction <add>, %mul3A, %reduce_sum3A [1] : vector<256x64xf32> to vector<256xf32>
    %mul3A_7 = arith.mulf %get3A_4, %get3A_4 : vector<8192x64xf32>
    %reduce_sum3A_8 = arith.constant dense<0.000000e+00> : vector<8192xf32>
    %reduce_sum3A_9 = vector.multi_reduction <add>, %mul3A_7, %reduce_sum3A_8 [1] : vector<8192x64xf32> to vector<8192xf32>
    %broadcast_in_dim3A = vector.shape_cast %reduce_sum3A_6 : vector<256xf32> to vector<256x1xf32>
    %broadcast_in_dim3A_10 = vector.shape_cast %reduce_sum3A_9 : vector<8192xf32> to vector<1x8192xf32>
    %add3A = vector.broadcast %broadcast_in_dim3A : vector<256x1xf32> to vector<256x8192xf32>
    %add3A_11 = vector.broadcast %broadcast_in_dim3A_10 : vector<1x8192xf32> to vector<256x8192xf32>
    %add3A_12 = arith.addf %add3A, %add3A_11 : vector<256x8192xf32>
    %mul3A_13 = arith.constant 2.000000e+00 : f32
    %mul3A_14 = vector.broadcast %mul3A_13 : f32 to vector<256x8192xf32>
    %mul3A_15 = arith.mulf %mul3A_14, %dot_general3A_5 : vector<256x8192xf32>
    %sub3A = arith.subf %add3A_12, %mul3A_15 : vector<256x8192xf32>
    %iota3A = tpu.iota {dimensions = array<i32: 1>} : vector<256x8192xi32>
    %mul3A_16 = arith.constant 256 : i32
    %mul3A_17 = arith.muli %arg0, %mul3A_16 : i32
    %iota3A_18 = tpu.iota {dimensions = array<i32: 0>} : vector<256x8192xi32>
    %add3A_19 = vector.broadcast %mul3A_17 : i32 to vector<256x8192xi32>
    %add3A_20 = arith.addi %add3A_19, %iota3A_18 : vector<256x8192xi32>
    %max3A = arith.constant 0.000000e+00 : f32
    %max3A_21 = vector.broadcast %max3A : f32 to vector<256x8192xf32>
    %max3A_22 = arith.maximumf %sub3A, %max3A_21 : vector<256x8192xf32>
    %sqrt3A = math.sqrt %max3A_22 : vector<256x8192xf32>
    %eq3A = arith.cmpi eq, %iota3A, %add3A_20 : vector<256x8192xi32>
    %jit3A = arith.constant 0x7F800000 : f32
    %broadcast_in_dim3A_23 = vector.broadcast %jit3A : f32 to vector<256x8192xf32>
    %select_n3A = arith.select %eq3A, %broadcast_in_dim3A_23, %sqrt3A : vector<256x8192xi1>, vector<256x8192xf32>
    %swap3A = arith.constant 0 : index
    %swap3A_24 = arith.constant 0 : index
    %swap3A_25 = vector.load %arg3[%swap3A, %swap3A_24] : memref<256x8192xf32, #tpu.memory_space<vmem>>, vector<256x8192xf32>
    tpu.vector_store %arg3[%swap3A, %swap3A_24], %select_n3A {strides = array<i32>} : memref<256x8192xf32, #tpu.memory_space<vmem>>, vector<256x8192xf32>,
    %reshape3A = vector.shape_cast %select_n3A : vector<256x8192xf32> to vector<256x64x128xf32>
    %reduce_min3A = arith.constant dense<0x7F800000> : vector<256x64xf32>
    %reduce_min3A_26 = vector.multi_reduction <minimumf>, %reshape3A, %reduce_min3A [2] : vector<256x64x128xf32> to vector<256x64xf32>
    %broadcast_in_dim3A_27 = arith.constant 0x7F800000 : f32
    %broadcast_in_dim3A_28 = vector.broadcast %broadcast_in_dim3A_27 : f32 to vector<256x64xf32>
    %concatenate3A = tpu.concatenate %reduce_min3A_26, %broadcast_in_dim3A_28 in 1 : vector<256x64xf32>, vector<256x64xf32> -> vector<256x128xf32>
    %iota3A_29 = tpu.iota {dimensions = array<i32: 1>} : vector<256x128xi32>
    %reduce_min3A_30 = arith.constant dense<0x7F800000> : vector<256xf32>
    %reduce_min3A_31 = vector.multi_reduction <minimumf>, %concatenate3A, %reduce_min3A_30 [1] : vector<256x128xf32> to vector<256xf32>
    %broadcast_in_dim3A_32 = vector.shape_cast %reduce_min3A_31 : vector<256xf32> to vector<256x1xf32>
    %eq3A_33 = vector.broadcast %broadcast_in_dim3A_32 : vector<256x1xf32> to vector<256x128xf32>
    %eq3A_34 = arith.cmpf oeq, %concatenate3A, %eq3A_33 : vector<256x128xf32>
    %jit3A_35 = arith.constant 128 : i32
    %broadcast_in_dim3A_36 = vector.broadcast %jit3A_35 : i32 to vector<256x128xi32>
    %select_n3A_37 = arith.select %eq3A_34, %iota3A_29, %broadcast_in_dim3A_36 : vector<256x128xi1>, vector<256x128xi32>
    %reduce_min3A_38 = arith.constant dense<2147483647> : vector<256xi32>
    %reduce_min3A_39 = vector.multi_reduction <minsi>, %select_n3A_37, %reduce_min3A_38 [1] : vector<256x128xi32> to vector<256xi32>
    %broadcast_in_dim3A_40 = vector.shape_cast %reduce_min3A_39 : vector<256xi32> to vector<256x1xi32>
    %eq3A_41 = vector.broadcast %broadcast_in_dim3A_40 : vector<256x1xi32> to vector<256x128xi32>
    %eq3A_42 = arith.cmpi eq, %iota3A_29, %eq3A_41 : vector<256x128xi32>
    %and3A = arith.andi %eq3A_34, %eq3A_42 : vector<256x128xi1>
    %jit3A_43 = arith.constant 0x7F800000 : f32
    %broadcast_in_dim3A_44 = vector.broadcast %jit3A_43 : f32 to vector<256x128xf32>
    %select_n3A_45 = arith.select %and3A, %broadcast_in_dim3A_44, %concatenate3A : vector<256x128xi1>, vector<256x128xf32>
    %reduce_min3A_46 = arith.constant dense<0x7F800000> : vector<256xf32>
    %reduce_min3A_47 = vector.multi_reduction <minimumf>, %select_n3A_45, %reduce_min3A_46 [1] : vector<256x128xf32> to vector<256xf32>
    %broadcast_in_dim3A_48 = vector.shape_cast %reduce_min3A_47 : vector<256xf32> to vector<256x1xf32>
    %eq3A_49 = vector.broadcast %broadcast_in_dim3A_48 : vector<256x1xf32> to vector<256x128xf32>
    %eq3A_50 = arith.cmpf oeq, %select_n3A_45, %eq3A_49 : vector<256x128xf32>
    %jit3A_51 = arith.constant 128 : i32
    %broadcast_in_dim3A_52 = vector.broadcast %jit3A_51 : i32 to vector<256x128xi32>
    %select_n3A_53 = arith.select %eq3A_50, %iota3A_29, %broadcast_in_dim3A_52 : vector<256x128xi1>, vector<256x128xi32>
    %reduce_min3A_54 = arith.constant dense<2147483647> : vector<256xi32>
    %reduce_min3A_55 = vector.multi_reduction <minsi>, %select_n3A_53, %reduce_min3A_54 [1] : vector<256x128xi32> to vector<256xi32>
    %broadcast_in_dim3A_56 = vector.shape_cast %reduce_min3A_55 : vector<256xi32> to vector<256x1xi32>
    %eq3A_57 = vector.broadcast %broadcast_in_dim3A_56 : vector<256x1xi32> to vector<256x128xi32>
    %eq3A_58 = arith.cmpi eq, %iota3A_29, %eq3A_57 : vector<256x128xi32>
    %and3A_59 = arith.andi %eq3A_50, %eq3A_58 : vector<256x128xi1>
    %jit3A_60 = arith.constant 0x7F800000 : f32
    %broadcast_in_dim3A_61 = vector.broadcast %jit3A_60 : f32 to vector<256x128xf32>
    %select_n3A_62 = arith.select %and3A_59, %broadcast_in_dim3A_61, %select_n3A_45 : vector<256x128xi1>, vector<256x128xf32>
    %reduce_min3A_63 = arith.constant dense<0x7F800000> : vector<256xf32>
    %reduce_min3A_64 = vector.multi_reduction <minimumf>, %select_n3A_62, %reduce_min3A_63 [1] : vector<256x128xf32> to vector<256xf32>
    %broadcast_in_dim3A_65 = vector.shape_cast %reduce_min3A_64 : vector<256xf32> to vector<256x1xf32>
    %eq3A_66 = vector.broadcast %broadcast_in_dim3A_65 : vector<256x1xf32> to vector<256x128xf32>
    %eq3A_67 = arith.cmpf oeq, %select_n3A_62, %eq3A_66 : vector<256x128xf32>
    %jit3A_68 = arith.constant 128 : i32
    %broadcast_in_dim3A_69 = vector.broadcast %jit3A_68 : i32 to vector<256x128xi32>
    %select_n3A_70 = arith.select %eq3A_67, %iota3A_29, %broadcast_in_dim3A_69 : vector<256x128xi1>, vector<256x128xi32>
    %reduce_min3A_71 = arith.constant dense<2147483647> : vector<256xi32>
    %reduce_min3A_72 = vector.multi_reduction <minsi>, %select_n3A_70, %reduce_min3A_71 [1] : vector<256x128xi32> to vector<256xi32>
    %broadcast_in_dim3A_73 = vector.shape_cast %reduce_min3A_72 : vector<256xi32> to vector<256x1xi32>
    %eq3A_74 = vector.broadcast %broadcast_in_dim3A_73 : vector<256x1xi32> to vector<256x128xi32>
    %eq3A_75 = arith.cmpi eq, %iota3A_29, %eq3A_74 : vector<256x128xi32>
    %and3A_76 = arith.andi %eq3A_67, %eq3A_75 : vector<256x128xi1>
    %jit3A_77 = arith.constant 0x7F800000 : f32
    %broadcast_in_dim3A_78 = vector.broadcast %jit3A_77 : f32 to vector<256x128xf32>
    %select_n3A_79 = arith.select %and3A_76, %broadcast_in_dim3A_78, %select_n3A_62 : vector<256x128xi1>, vector<256x128xf32>
    %reduce_min3A_80 = arith.constant dense<0x7F800000> : vector<256xf32>
    %reduce_min3A_81 = vector.multi_reduction <minimumf>, %select_n3A_79, %reduce_min3A_80 [1] : vector<256x128xf32> to vector<256xf32>
    %broadcast_in_dim3A_82 = vector.shape_cast %reduce_min3A_81 : vector<256xf32> to vector<256x1xf32>
    %eq3A_83 = vector.broadcast %broadcast_in_dim3A_82 : vector<256x1xf32> to vector<256x128xf32>
    %eq3A_84 = arith.cmpf oeq, %select_n3A_79, %eq3A_83 : vector<256x128xf32>
    %jit3A_85 = arith.constant 128 : i32
    %broadcast_in_dim3A_86 = vector.broadcast %jit3A_85 : i32 to vector<256x128xi32>
    %select_n3A_87 = arith.select %eq3A_84, %iota3A_29, %broadcast_in_dim3A_86 : vector<256x128xi1>, vector<256x128xi32>
    %reduce_min3A_88 = arith.constant dense<2147483647> : vector<256xi32>
    %reduce_min3A_89 = vector.multi_reduction <minsi>, %select_n3A_87, %reduce_min3A_88 [1] : vector<256x128xi32> to vector<256xi32>
    %broadcast_in_dim3A_90 = vector.shape_cast %reduce_min3A_89 : vector<256xi32> to vector<256x1xi32>
    %eq3A_91 = vector.broadcast %broadcast_in_dim3A_90 : vector<256x1xi32> to vector<256x128xi32>
    %eq3A_92 = arith.cmpi eq, %iota3A_29, %eq3A_91 : vector<256x128xi32>
    %and3A_93 = arith.andi %eq3A_84, %eq3A_92 : vector<256x128xi1>
    %jit3A_94 = arith.constant 0x7F800000 : f32
    %broadcast_in_dim3A_95 = vector.broadcast %jit3A_94 : f32 to vector<256x128xf32>
    %select_n3A_96 = arith.select %and3A_93, %broadcast_in_dim3A_95, %select_n3A_79 : vector<256x128xi1>, vector<256x128xf32>
    %reduce_min3A_97 = arith.constant dense<0x7F800000> : vector<256xf32>
    %reduce_min3A_98 = vector.multi_reduction <minimumf>, %select_n3A_96, %reduce_min3A_97 [1] : vector<256x128xf32> to vector<256xf32>
    %broadcast_in_dim3A_99 = vector.shape_cast %reduce_min3A_98 : vector<256xf32> to vector<256x1xf32>
    %eq3A_100 = vector.broadcast %broadcast_in_dim3A_99 : vector<256x1xf32> to vector<256x128xf32>
    %eq3A_101 = arith.cmpf oeq, %select_n3A_96, %eq3A_100 : vector<256x128xf32>
    %jit3A_102 = arith.constant 128 : i32
    %broadcast_in_dim3A_103 = vector.broadcast %jit3A_102 : i32 to vector<256x128xi32>
    %select_n3A_104 = arith.select %eq3A_101, %iota3A_29, %broadcast_in_dim3A_103 : vector<256x128xi1>, vector<256x128xi32>
    %reduce_min3A_105 = arith.constant dense<2147483647> : vector<256xi32>
    %reduce_min3A_106 = vector.multi_reduction <minsi>, %select_n3A_104, %reduce_min3A_105 [1] : vector<256x128xi32> to vector<256xi32>
    %broadcast_in_dim3A_107 = vector.shape_cast %reduce_min3A_106 : vector<256xi32> to vector<256x1xi32>
    %eq3A_108 = vector.broadcast %broadcast_in_dim3A_107 : vector<256x1xi32> to vector<256x128xi32>
    %eq3A_109 = arith.cmpi eq, %iota3A_29, %eq3A_108 : vector<256x128xi32>
    %and3A_110 = arith.andi %eq3A_101, %eq3A_109 : vector<256x128xi1>
    %jit3A_111 = arith.constant 0x7F800000 : f32
    %broadcast_in_dim3A_112 = vector.broadcast %jit3A_111 : f32 to vector<256x128xf32>
    %select_n3A_113 = arith.select %and3A_110, %broadcast_in_dim3A_112, %select_n3A_96 : vector<256x128xi1>, vector<256x128xf32>
    %reduce_min3A_114 = arith.constant dense<0x7F800000> : vector<256xf32>
    %reduce_min3A_115 = vector.multi_reduction <minimumf>, %select_n3A_113, %reduce_min3A_114 [1] : vector<256x128xf32> to vector<256xf32>
    %broadcast_in_dim3A_116 = vector.shape_cast %reduce_min3A_115 : vector<256xf32> to vector<256x1xf32>
    %eq3A_117 = vector.broadcast %broadcast_in_dim3A_116 : vector<256x1xf32> to vector<256x128xf32>
    %eq3A_118 = arith.cmpf oeq, %select_n3A_113, %eq3A_117 : vector<256x128xf32>
    %jit3A_119 = arith.constant 128 : i32
    %broadcast_in_dim3A_120 = vector.broadcast %jit3A_119 : i32 to vector<256x128xi32>
    %select_n3A_121 = arith.select %eq3A_118, %iota3A_29, %broadcast_in_dim3A_120 : vector<256x128xi1>, vector<256x128xi32>
    %reduce_min3A_122 = arith.constant dense<2147483647> : vector<256xi32>
    %reduce_min3A_123 = vector.multi_reduction <minsi>, %select_n3A_121, %reduce_min3A_122 [1] : vector<256x128xi32> to vector<256xi32>
    %broadcast_in_dim3A_124 = vector.shape_cast %reduce_min3A_123 : vector<256xi32> to vector<256x1xi32>
    %eq3A_125 = vector.broadcast %broadcast_in_dim3A_124 : vector<256x1xi32> to vector<256x128xi32>
    %eq3A_126 = arith.cmpi eq, %iota3A_29, %eq3A_125 : vector<256x128xi32>
    %and3A_127 = arith.andi %eq3A_118, %eq3A_126 : vector<256x128xi1>
    %jit3A_128 = arith.constant 0x7F800000 : f32
    %broadcast_in_dim3A_129 = vector.broadcast %jit3A_128 : f32 to vector<256x128xf32>
    %select_n3A_130 = arith.select %and3A_127, %broadcast_in_dim3A_129, %select_n3A_113 : vector<256x128xi1>, vector<256x128xf32>
    %reduce_min3A_131 = arith.constant dense<0x7F800000> : vector<256xf32>
    %reduce_min3A_132 = vector.multi_reduction <minimumf>, %select_n3A_130, %reduce_min3A_131 [1] : vector<256x128xf32> to vector<256xf32>
    %broadcast_in_dim3A_133 = vector.shape_cast %reduce_min3A_132 : vector<256xf32> to vector<256x1xf32>
    %eq3A_134 = vector.broadcast %broadcast_in_dim3A_133 : vector<256x1xf32> to vector<256x128xf32>
    %eq3A_135 = arith.cmpf oeq, %select_n3A_130, %eq3A_134 : vector<256x128xf32>
    %jit3A_136 = arith.constant 128 : i32
    %broadcast_in_dim3A_137 = vector.broadcast %jit3A_136 : i32 to vector<256x128xi32>
    %select_n3A_138 = arith.select %eq3A_135, %iota3A_29, %broadcast_in_dim3A_137 : vector<256x128xi1>, vector<256x128xi32>
    %reduce_min3A_139 = arith.constant dense<2147483647> : vector<256xi32>
    %reduce_min3A_140 = vector.multi_reduction <minsi>, %select_n3A_138, %reduce_min3A_139 [1] : vector<256x128xi32> to vector<256xi32>
    %broadcast_in_dim3A_141 = vector.shape_cast %reduce_min3A_140 : vector<256xi32> to vector<256x1xi32>
    %eq3A_142 = vector.broadcast %broadcast_in_dim3A_141 : vector<256x1xi32> to vector<256x128xi32>
    %eq3A_143 = arith.cmpi eq, %iota3A_29, %eq3A_142 : vector<256x128xi32>
    %and3A_144 = arith.andi %eq3A_135, %eq3A_143 : vector<256x128xi1>
    %jit3A_145 = arith.constant 0x7F800000 : f32
    %broadcast_in_dim3A_146 = vector.broadcast %jit3A_145 : f32 to vector<256x128xf32>
    %select_n3A_147 = arith.select %and3A_144, %broadcast_in_dim3A_146, %select_n3A_130 : vector<256x128xi1>, vector<256x128xf32>
    %reduce_min3A_148 = arith.constant dense<0x7F800000> : vector<256xf32>
    %reduce_min3A_149 = vector.multi_reduction <minimumf>, %select_n3A_147, %reduce_min3A_148 [1] : vector<256x128xf32> to vector<256xf32>
    %broadcast_in_dim3A_150 = vector.shape_cast %reduce_min3A_149 : vector<256xf32> to vector<256x1xf32>
    %eq3A_151 = vector.broadcast %broadcast_in_dim3A_150 : vector<256x1xf32> to vector<256x128xf32>
    %eq3A_152 = arith.cmpf oeq, %select_n3A_147, %eq3A_151 : vector<256x128xf32>
    %jit3A_153 = arith.constant 128 : i32
    %broadcast_in_dim3A_154 = vector.broadcast %jit3A_153 : i32 to vector<256x128xi32>
    %select_n3A_155 = arith.select %eq3A_152, %iota3A_29, %broadcast_in_dim3A_154 : vector<256x128xi1>, vector<256x128xi32>
    %reduce_min3A_156 = arith.constant dense<2147483647> : vector<256xi32>
    %reduce_min3A_157 = vector.multi_reduction <minsi>, %select_n3A_155, %reduce_min3A_156 [1] : vector<256x128xi32> to vector<256xi32>
    %broadcast_in_dim3A_158 = vector.shape_cast %reduce_min3A_157 : vector<256xi32> to vector<256x1xi32>
    %eq3A_159 = vector.broadcast %broadcast_in_dim3A_158 : vector<256x1xi32> to vector<256x128xi32>
    %eq3A_160 = arith.cmpi eq, %iota3A_29, %eq3A_159 : vector<256x128xi32>
    %and3A_161 = arith.andi %eq3A_152, %eq3A_160 : vector<256x128xi1>
    %jit3A_162 = arith.constant 0x7F800000 : f32
    %broadcast_in_dim3A_163 = vector.broadcast %jit3A_162 : f32 to vector<256x128xf32>
    %select_n3A_164 = arith.select %and3A_161, %broadcast_in_dim3A_163, %select_n3A_147 : vector<256x128xi1>, vector<256x128xf32>
    %reduce_min3A_165 = arith.constant dense<0x7F800000> : vector<256xf32>
    %reduce_min3A_166 = vector.multi_reduction <minimumf>, %select_n3A_164, %reduce_min3A_165 [1] : vector<256x128xf32> to vector<256xf32>
    %broadcast_in_dim3A_167 = vector.shape_cast %reduce_min3A_166 : vector<256xf32> to vector<256x1xf32>
    %eq3A_168 = vector.broadcast %broadcast_in_dim3A_167 : vector<256x1xf32> to vector<256x128xf32>
    %eq3A_169 = arith.cmpf oeq, %select_n3A_164, %eq3A_168 : vector<256x128xf32>
    %jit3A_170 = arith.constant 128 : i32
    %broadcast_in_dim3A_171 = vector.broadcast %jit3A_170 : i32 to vector<256x128xi32>
    %select_n3A_172 = arith.select %eq3A_169, %iota3A_29, %broadcast_in_dim3A_171 : vector<256x128xi1>, vector<256x128xi32>
    %reduce_min3A_173 = arith.constant dense<2147483647> : vector<256xi32>
    %reduce_min3A_174 = vector.multi_reduction <minsi>, %select_n3A_172, %reduce_min3A_173 [1] : vector<256x128xi32> to vector<256xi32>
    %broadcast_in_dim3A_175 = vector.shape_cast %reduce_min3A_174 : vector<256xi32> to vector<256x1xi32>
    %eq3A_176 = vector.broadcast %broadcast_in_dim3A_175 : vector<256x1xi32> to vector<256x128xi32>
    %eq3A_177 = arith.cmpi eq, %iota3A_29, %eq3A_176 : vector<256x128xi32>
    %and3A_178 = arith.andi %eq3A_169, %eq3A_177 : vector<256x128xi1>
    %jit3A_179 = arith.constant 0x7F800000 : f32
    %broadcast_in_dim3A_180 = vector.broadcast %jit3A_179 : f32 to vector<256x128xf32>
    %select_n3A_181 = arith.select %and3A_178, %broadcast_in_dim3A_180, %select_n3A_164 : vector<256x128xi1>, vector<256x128xf32>
    %reduce_min3A_182 = arith.constant dense<0x7F800000> : vector<256xf32>
    %reduce_min3A_183 = vector.multi_reduction <minimumf>, %select_n3A_181, %reduce_min3A_182 [1] : vector<256x128xf32> to vector<256xf32>
    %broadcast_in_dim3A_184 = vector.shape_cast %reduce_min3A_183 : vector<256xf32> to vector<256x1xf32>
    %eq3A_185 = vector.broadcast %broadcast_in_dim3A_184 : vector<256x1xf32> to vector<256x128xf32>
    %eq3A_186 = arith.cmpf oeq, %select_n3A_181, %eq3A_185 : vector<256x128xf32>
    %jit3A_187 = arith.constant 128 : i32
    %broadcast_in_dim3A_188 = vector.broadcast %jit3A_187 : i32 to vector<256x128xi32>
    %select_n3A_189 = arith.select %eq3A_186, %iota3A_29, %broadcast_in_dim3A_188 : vector<256x128xi1>, vector<256x128xi32>
    %reduce_min3A_190 = arith.constant dense<2147483647> : vector<256xi32>
    %reduce_min3A_191 = vector.multi_reduction <minsi>, %select_n3A_189, %reduce_min3A_190 [1] : vector<256x128xi32> to vector<256xi32>
    %broadcast_in_dim3A_192 = vector.shape_cast %reduce_min3A_191 : vector<256xi32> to vector<256x1xi32>
    %eq3A_193 = vector.broadcast %broadcast_in_dim3A_192 : vector<256x1xi32> to vector<256x128xi32>
    %eq3A_194 = arith.cmpi eq, %iota3A_29, %eq3A_193 : vector<256x128xi32>
    %and3A_195 = arith.andi %eq3A_186, %eq3A_194 : vector<256x128xi1>
    %jit3A_196 = arith.constant 0x7F800000 : f32
    %broadcast_in_dim3A_197 = vector.broadcast %jit3A_196 : f32 to vector<256x128xf32>
    %select_n3A_198 = arith.select %and3A_195, %broadcast_in_dim3A_197, %select_n3A_181 : vector<256x128xi1>, vector<256x128xf32>
    %reduce_min3A_199 = arith.constant dense<0x7F800000> : vector<256xf32>
    %reduce_min3A_200 = vector.multi_reduction <minimumf>, %select_n3A_198, %reduce_min3A_199 [1] : vector<256x128xf32> to vector<256xf32>
    %broadcast_in_dim3A_201 = vector.shape_cast %reduce_min3A_200 : vector<256xf32> to vector<256x1xf32>
    %eq3A_202 = vector.broadcast %broadcast_in_dim3A_201 : vector<256x1xf32> to vector<256x128xf32>
    %eq3A_203 = arith.cmpf oeq, %select_n3A_198, %eq3A_202 : vector<256x128xf32>
    %jit3A_204 = arith.constant 128 : i32
    %broadcast_in_dim3A_205 = vector.broadcast %jit3A_204 : i32 to vector<256x128xi32>
    %select_n3A_206 = arith.select %eq3A_203, %iota3A_29, %broadcast_in_dim3A_205 : vector<256x128xi1>, vector<256x128xi32>
    %reduce_min3A_207 = arith.constant dense<2147483647> : vector<256xi32>
    %reduce_min3A_208 = vector.multi_reduction <minsi>, %select_n3A_206, %reduce_min3A_207 [1] : vector<256x128xi32> to vector<256xi32>
    %broadcast_in_dim3A_209 = vector.shape_cast %reduce_min3A_208 : vector<256xi32> to vector<256x1xi32>
    %eq3A_210 = vector.broadcast %broadcast_in_dim3A_209 : vector<256x1xi32> to vector<256x128xi32>
    %eq3A_211 = arith.cmpi eq, %iota3A_29, %eq3A_210 : vector<256x128xi32>
    %and3A_212 = arith.andi %eq3A_203, %eq3A_211 : vector<256x128xi1>
    %jit3A_213 = arith.constant 0x7F800000 : f32
    %broadcast_in_dim3A_214 = vector.broadcast %jit3A_213 : f32 to vector<256x128xf32>
    %select_n3A_215 = arith.select %and3A_212, %broadcast_in_dim3A_214, %select_n3A_198 : vector<256x128xi1>, vector<256x128xf32>
    %reduce_min3A_216 = arith.constant dense<0x7F800000> : vector<256xf32>
    %reduce_min3A_217 = vector.multi_reduction <minimumf>, %select_n3A_215, %reduce_min3A_216 [1] : vector<256x128xf32> to vector<256xf32>
    %broadcast_in_dim3A_218 = vector.shape_cast %reduce_min3A_217 : vector<256xf32> to vector<256x1xf32>
    %eq3A_219 = vector.broadcast %broadcast_in_dim3A_218 : vector<256x1xf32> to vector<256x128xf32>
    %eq3A_220 = arith.cmpf oeq, %select_n3A_215, %eq3A_219 : vector<256x128xf32>
    %jit3A_221 = arith.constant 128 : i32
    %broadcast_in_dim3A_222 = vector.broadcast %jit3A_221 : i32 to vector<256x128xi32>
    %select_n3A_223 = arith.select %eq3A_220, %iota3A_29, %broadcast_in_dim3A_222 : vector<256x128xi1>, vector<256x128xi32>
    %reduce_min3A_224 = arith.constant dense<2147483647> : vector<256xi32>
    %reduce_min3A_225 = vector.multi_reduction <minsi>, %select_n3A_223, %reduce_min3A_224 [1] : vector<256x128xi32> to vector<256xi32>
    %broadcast_in_dim3A_226 = vector.shape_cast %reduce_min3A_225 : vector<256xi32> to vector<256x1xi32>
    %eq3A_227 = vector.broadcast %broadcast_in_dim3A_226 : vector<256x1xi32> to vector<256x128xi32>
    %eq3A_228 = arith.cmpi eq, %iota3A_29, %eq3A_227 : vector<256x128xi32>
    %and3A_229 = arith.andi %eq3A_220, %eq3A_228 : vector<256x128xi1>
    %jit3A_230 = arith.constant 0x7F800000 : f32
    %broadcast_in_dim3A_231 = vector.broadcast %jit3A_230 : f32 to vector<256x128xf32>
    %select_n3A_232 = arith.select %and3A_229, %broadcast_in_dim3A_231, %select_n3A_215 : vector<256x128xi1>, vector<256x128xf32>
    %reduce_min3A_233 = arith.constant dense<0x7F800000> : vector<256xf32>
    %reduce_min3A_234 = vector.multi_reduction <minimumf>, %select_n3A_232, %reduce_min3A_233 [1] : vector<256x128xf32> to vector<256xf32>
    %broadcast_in_dim3A_235 = vector.shape_cast %reduce_min3A_234 : vector<256xf32> to vector<256x1xf32>
    %eq3A_236 = vector.broadcast %broadcast_in_dim3A_235 : vector<256x1xf32> to vector<256x128xf32>
    %eq3A_237 = arith.cmpf oeq, %select_n3A_232, %eq3A_236 : vector<256x128xf32>
    %jit3A_238 = arith.constant 128 : i32
    %broadcast_in_dim3A_239 = vector.broadcast %jit3A_238 : i32 to vector<256x128xi32>
    %select_n3A_240 = arith.select %eq3A_237, %iota3A_29, %broadcast_in_dim3A_239 : vector<256x128xi1>, vector<256x128xi32>
    %reduce_min3A_241 = arith.constant dense<2147483647> : vector<256xi32>
    %reduce_min3A_242 = vector.multi_reduction <minsi>, %select_n3A_240, %reduce_min3A_241 [1] : vector<256x128xi32> to vector<256xi32>
    %broadcast_in_dim3A_243 = vector.shape_cast %reduce_min3A_242 : vector<256xi32> to vector<256x1xi32>
    %eq3A_244 = vector.broadcast %broadcast_in_dim3A_243 : vector<256x1xi32> to vector<256x128xi32>
    %eq3A_245 = arith.cmpi eq, %iota3A_29, %eq3A_244 : vector<256x128xi32>
    %and3A_246 = arith.andi %eq3A_237, %eq3A_245 : vector<256x128xi1>
    %jit3A_247 = arith.constant 0x7F800000 : f32
    %broadcast_in_dim3A_248 = vector.broadcast %jit3A_247 : f32 to vector<256x128xf32>
    %select_n3A_249 = arith.select %and3A_246, %broadcast_in_dim3A_248, %select_n3A_232 : vector<256x128xi1>, vector<256x128xf32>
    %reduce_min3A_250 = arith.constant dense<0x7F800000> : vector<256xf32>
    %reduce_min3A_251 = vector.multi_reduction <minimumf>, %select_n3A_249, %reduce_min3A_250 [1] : vector<256x128xf32> to vector<256xf32>
    %broadcast_in_dim3A_252 = vector.shape_cast %reduce_min3A_251 : vector<256xf32> to vector<256x1xf32>
    %eq3A_253 = vector.broadcast %broadcast_in_dim3A_252 : vector<256x1xf32> to vector<256x128xf32>
    %eq3A_254 = arith.cmpf oeq, %select_n3A_249, %eq3A_253 : vector<256x128xf32>
    %jit3A_255 = arith.constant 128 : i32
    %broadcast_in_dim3A_256 = vector.broadcast %jit3A_255 : i32 to vector<256x128xi32>
    %select_n3A_257 = arith.select %eq3A_254, %iota3A_29, %broadcast_in_dim3A_256 : vector<256x128xi1>, vector<256x128xi32>
    %reduce_min3A_258 = arith.constant dense<2147483647> : vector<256xi32>
    %reduce_min3A_259 = vector.multi_reduction <minsi>, %select_n3A_257, %reduce_min3A_258 [1] : vector<256x128xi32> to vector<256xi32>
    %broadcast_in_dim3A_260 = vector.shape_cast %reduce_min3A_259 : vector<256xi32> to vector<256x1xi32>
    %eq3A_261 = vector.broadcast %broadcast_in_dim3A_260 : vector<256x1xi32> to vector<256x128xi32>
    %eq3A_262 = arith.cmpi eq, %iota3A_29, %eq3A_261 : vector<256x128xi32>
    %and3A_263 = arith.andi %eq3A_254, %eq3A_262 : vector<256x128xi1>
    %jit3A_264 = arith.constant 0x7F800000 : f32
    %broadcast_in_dim3A_265 = vector.broadcast %jit3A_264 : f32 to vector<256x128xf32>
    %select_n3A_266 = arith.select %and3A_263, %broadcast_in_dim3A_265, %select_n3A_249 : vector<256x128xi1>, vector<256x128xf32>
    %reduce_min3A_267 = arith.constant dense<0x7F800000> : vector<256xf32>
    %reduce_min3A_268 = vector.multi_reduction <minimumf>, %select_n3A_266, %reduce_min3A_267 [1] : vector<256x128xf32> to vector<256xf32>
    %broadcast_in_dim3A_269 = vector.shape_cast %reduce_min3A_268 : vector<256xf32> to vector<256x1xf32>
    %eq3A_270 = vector.broadcast %broadcast_in_dim3A_269 : vector<256x1xf32> to vector<256x128xf32>
    %eq3A_271 = arith.cmpf oeq, %select_n3A_266, %eq3A_270 : vector<256x128xf32>
    %jit3A_272 = arith.constant 128 : i32
    %broadcast_in_dim3A_273 = vector.broadcast %jit3A_272 : i32 to vector<256x128xi32>
    %select_n3A_274 = arith.select %eq3A_271, %iota3A_29, %broadcast_in_dim3A_273 : vector<256x128xi1>, vector<256x128xi32>
    %reduce_min3A_275 = arith.constant dense<2147483647> : vector<256xi32>
    %reduce_min3A_276 = vector.multi_reduction <minsi>, %select_n3A_274, %reduce_min3A_275 [1] : vector<256x128xi32> to vector<256xi32>
    %broadcast_in_dim3A_277 = vector.shape_cast %reduce_min3A_276 : vector<256xi32> to vector<256x1xi32>
    %eq3A_278 = vector.broadcast %broadcast_in_dim3A_277 : vector<256x1xi32> to vector<256x128xi32>
    %eq3A_279 = arith.cmpi eq, %iota3A_29, %eq3A_278 : vector<256x128xi32>
    %and3A_280 = arith.andi %eq3A_271, %eq3A_279 : vector<256x128xi1>
    %jit3A_281 = arith.constant 0x7F800000 : f32
    %broadcast_in_dim3A_282 = vector.broadcast %jit3A_281 : f32 to vector<256x128xf32>
    %select_n3A_283 = arith.select %and3A_280, %broadcast_in_dim3A_282, %select_n3A_266 : vector<256x128xi1>, vector<256x128xf32>
    %reduce_min3A_284 = arith.constant dense<0x7F800000> : vector<256xf32>
    %reduce_min3A_285 = vector.multi_reduction <minimumf>, %select_n3A_283, %reduce_min3A_284 [1] : vector<256x128xf32> to vector<256xf32>
    %broadcast_in_dim3A_286 = vector.shape_cast %reduce_min3A_285 : vector<256xf32> to vector<256x1xf32>
    %broadcast_in_dim3A_287 = vector.shape_cast %broadcast_in_dim3A_286 : vector<256x1xf32> to vector<256x1xf32>
    %broadcast_in_dim3A_288 = vector.broadcast %broadcast_in_dim3A_287 : vector<256x1xf32> to vector<256x128xf32>
    %swap3A_289 = arith.constant 0 : index
    %swap3A_290 = arith.constant 0 : index
    %swap3A_291 = vector.load %arg4[%swap3A_289, %swap3A_290] : memref<256x128xf32, #tpu.memory_space<vmem>>, vector<256x128xf32>
    tpu.vector_store %arg4[%swap3A_289, %swap3A_290], %broadcast_in_dim3A_288 {strides = array<i32>} : memref<256x128xf32, #tpu.memory_space<vmem>>, vector<256x128xf32>,
    return
  }
  func.func @transform_0(%arg0: i32) -> (i32, i32) {
    %c0_i32 = arith.constant 0 : i32
    %c0_i32_0 = arith.constant 0 : i32
    return %arg0, %c0_i32 : i32, i32
  }
  func.func @transform_1(%arg0: i32) -> (i32, i32) {
    %c0_i32 = arith.constant 0 : i32
    %c0_i32_0 = arith.constant 0 : i32
    %c0_i32_1 = arith.constant 0 : i32
    return %c0_i32, %c0_i32_0 : i32, i32
  }
  func.func @transform_2(%arg0: i32) -> (i32, i32) {
    %c0_i32 = arith.constant 0 : i32
    %c0_i32_0 = arith.constant 0 : i32
    return %arg0, %c0_i32 : i32, i32
  }
  func.func @transform_3(%arg0: i32) -> (i32, i32) {
    %c0_i32 = arith.constant 0 : i32
    %c0_i32_0 = arith.constant 0 : i32
    return %arg0, %c0_i32 : i32, i32
  }
}

</mosaic_0001>

<sc_bundles>
// kernel: kernel.5.cloned.1.call-start
scs
__scs_entry_jumppad:
0x0: {  	(pc) =	sbr.rel $0x88, $3  }
0x1: {  	(tag) =	ssettag $0x0;
	lr =	simm.s32 $0x1  }
0x2: {  	[smem:$0x3FA0] =	sst lr;
	_ =	strace $0xD0000000  }
0x3: {  	_ = 	snop  }
0x4: {  	_ = 	snop  }
0x5: {  	_ = 	snop  }
0x6: {  	_ = 	snop  }
0x7: {  	_ = 	snop  }
__scs_overlays_trampoline_lowered:
0x8: {  	[smem:$0x3FAF] =	sst s0  }
0x9: {  	[smem:$0x3FB0] =	sst s1  }
0xa: {  	[smem:$0x3FB1] =	sst s2  }
0xb: {  	[smem:$0x3FB2] =	sst s3  }
0xc: {  	[smem:$0x3FB3] =	sst s4  }
0xd: {  	[smem:$0x3FB4] =	sst s5  }
0xe: {  	[smem:$0x3FB5] =	sst s6  }
0xf: {  	[smem:$0x3FB6] =	sst s7  }
0x10: {  	[smem:$0x3FB7] =	sst s8  }
0x11: {  	[smem:$0x3FB8] =	sst s9;
	s0 =	simm.s32 @!p0 $0x0  }
0x12: {  	s1 =	sld [smem:$0x3F9E];
	s0 =	simm.s32 @p0 $0x1  }
0x13: {  	[smem:$0x3FB9] =	sst s0;
	s0 =	simm.s32 @!p1 $0x0  }
0x14: {  	s2 =	sld [smem:$0x3F9D];
	s0 =	simm.s32 @p1 $0x1  }
0x15: {  	[smem:$0x3FBA] =	sst s0;
	s0 =	simm.s32 @!p2 $0x0  }
0x16: {  	s3 =	sld [smem:$0x3FDB];
	s0 =	simm.s32 @p2 $0x1  }
0x17: {  	s4 =	simm.s32 $0x1BF5;
	[smem:$0x3FBC] =	sst s0  }
0x18: {  	s0 =	sld [smem:$0x3F9F];
	_ =	swait.ge [sflag:s4], $0x0  }
0x19: {  	s7 =	sld [smem:$0x3FA0]  }
0x1a: {  	s8 =	sadd.s32 $0xFFFFE003, lr  }
0x1b: {  	s9 =	sadd.s32 $0xFFFFFEF7, lr;
	s5 =	simm.s32 $0xFFFFFFFF;
	p2 =	slt.u32 s8, $0xFFFFF086  }
0x1c: {  	p1 =	slt.u32 s9, $0xF7A;
	s5 =	simm.s32 @!p2 $0x0  }
0x1d: {  	s5 =	simm.s32 @p1 $0x1;
	p0 =	seq.s32 s7, s2  }
0x1e: {  	s7 =	smul.u32 @!p0 $0xF7A, s2;
	p2 =	seq.s32 @!p0 s5, $0x0  }
0x1f: {  	s9 =	smul.u32 $0xF7A, s1;
	s8 =	simm.s32 @!p0 $0x1BF5;
	p2 =	por !p2, p0  }
0x20: {  	[sflag:s8] =	ssyncset.s32 @!p0 $0xFFFFF086;
	s6 =	sadd.s32 @!p0 s3, s7;
	s7 =	simm.s32 @!p0 $0x108  }
0x21: {  	s3 =	sadd.s32 s3, s9;
	s6 =	sadd.s32 @!p0 $0x88, s6;
	s7 =	simm.s32 @p2 $0x1082  }
0x22: {  	[simem:s7], [sflag:s8] =	dma.local @!p0 [hbm:s6], $0xF7A  }
0x23: {  	s9 =	sor.u32 $0xD0000000, s2;
	s6 =	simm.s32 $0x108;
	_ =	swait.ge @!p0 [sflag:s8], $0x0  }
0x24: {  	s3 =	sadd.s32 $0x88, s3;
	s6 =	simm.s32 @!p1 $0x1082;
	[sflag:s4] =	ssyncset.s32 $0xFFFFF086  }
0x25: {  	[simem:s6], [sflag:s4] =	dma.local [hbm:s3], $0xF7A  }
0x26: {  	[smem:$0x3FA0] =	sst s1;
	(tag) =	ssettag s2;
	_ =	strace s9  }
0x27: {  	s1 =	sld [smem:$0x3FB0]  }
0x28: {  	s2 =	sld [smem:$0x3FB1]  }
0x29: {  	s4 =	sld [smem:$0x3FB3]  }
0x2a: {  	p0 =	seq.s32 s5, $0x0;
	s5 =	sld [smem:$0x3FB4]  }
0x2b: {  	s6 =	sld [smem:$0x3FB5]  }
0x2c: {  	s7 =	sld [smem:$0x3FB6]  }
0x2d: {  	s3 =	simm.s32 $0x108;
	s8 =	sld [smem:$0x3FB7]  }
0x2e: {  	s3 =	simm.s32 @!p0 $0x1082;
	s9 =	sld [smem:$0x3FB8]  }
0x2f: {  	lr =	sadd.s32 s0, s3;
	s0 =	sld [smem:$0x3FAF]  }
0x30: {  	s3 =	sld [smem:$0x3FB2]  }
0x31: {  	[smem:$0x3FBB] =	sst s10  }
0x32: {  	s10 =	sld [smem:$0x3FB9];
	_ =	sdelay $0x3  }
0x33: {  	p0 =	seq.s32 s10, $0x1;
	s10 =	sld [smem:$0x3FBB];
	_ =	sdelay $0x3  }
0x34: {  	[smem:$0x3FBB] =	sst s10  }
0x35: {  	s10 =	sld [smem:$0x3FBA];
	_ =	sdelay $0x3  }
0x36: {  	p1 =	seq.s32 s10, $0x1;
	s10 =	sld [smem:$0x3FBB];
	_ =	sdelay $0x3  }
0x37: {  	[smem:$0x3FBB] =	sst s10  }
0x38: {  	s10 =	sld [smem:$0x3FBC]  }
0x39: {  	_ = 	snop;
	(pc) =	sbr.ind lr, $3  }
0x3a: {  	_ = 	snop  }
0x3b: {  	_ = 	snop  }
0x3c: {  	p2 =	seq.s32 s10, $0x1;
	s10 =	sld [smem:$0x3FBB]  }
0x3d: {  	_ =	shalt  }
0x3e: {  	_ =	shalt  }
0x3f: {  	_ =	shalt  }
0x40: {  	_ =	shalt  }
0x41: {  	_ =	shalt  }
0x42: {  	_ =	shalt  }
0x43: {  	_ =	shalt  }
0x44: {  	_ =	shalt  }
0x45: {  	_ =	shalt  }
0x46: {  	_ =	shalt  }
0x47: {  	_ =	shalt  }
0x48: {  	_ =	shalt  }
0x49: {  	_ =	shalt  }
0x4a: {  	_ =	shalt  }
0x4b: {  	_ =	shalt  }
0x4c: {  	_ =	shalt  }
0x4d: {  	_ =	shalt  }
0x4e: {  	_ =	shalt  }
0x4f: {  	_ =	shalt  }
0x50: {  	_ =	shalt  }
0x51: {  	_ =	shalt  }
0x52: {  	_ =	shalt  }
0x53: {  	_ =	shalt  }
0x54: {  	_ =	shalt  }
0x55: {  	_ =	shalt  }
0x56: {  	_ =	shalt  }
0x57: {  	_ =	shalt  }
0x58: {  	_ =	shalt  }
0x59: {  	_ =	shalt  }
0x5a: {  	_ =	shalt  }
0x5b: {  	_ =	shalt  }
0x5c: {  	_ =	shalt  }
0x5d: {  	_ =	shalt  }
0x5e: {  	_ =	shalt  }
0x5f: {  	_ =	shalt  }
0x60: {  	_ =	shalt  }
0x61: {  	_ =	shalt  }
0x62: {  	_ =	shalt  }
0x63: {  	_ =	shalt  }
0x64: {  	_ =	shalt  }
0x65: {  	_ =	shalt  }
0x66: {  	_ =	shalt  }
0x67: {  	_ =	shalt  }
0x68: {  	_ =	shalt  }
0x69: {  	_ =	shalt  }
0x6a: {  	_ =	shalt  }
0x6b: {  	_ =	shalt  }
0x6c: {  	_ =	shalt  }
0x6d: {  	_ =	shalt  }
0x6e: {  	_ =	shalt  }
0x6f: {  	_ =	shalt  }
0x70: {  	_ =	shalt  }
0x71: {  	_ =	shalt  }
0x72: {  	_ =	shalt  }
0x73: {  	_ =	shalt  }
0x74: {  	_ =	shalt  }
0x75: {  	_ =	shalt  }
0x76: {  	_ =	shalt  }
0x77: {  	_ =	shalt  }
0x78: {  	_ =	shalt  }
0x79: {  	_ =	shalt  }
0x7a: {  	_ =	shalt  }
0x7b: {  	_ =	shalt  }
0x7c: {  	_ =	shalt  }
0x7d: {  	_ =	shalt  }
0x7e: {  	_ =	shalt  }
0x7f: {  	_ =	shalt  }
0x80: {  	_ =	shalt  }
0x81: {  	_ =	shalt  }
0x82: {  	_ =	shalt  }
0x83: {  	_ =	shalt  }
0x84: {  	_ =	shalt  }
0x85: {  	_ =	shalt  }
0x86: {  	_ =	shalt  }
0x87: {  	_ =	shalt  }
.Lfunc_end0:
.L_simem_size_0:
called_computation_lowered:
.L_overlay_start_0:
0x88: {  	s2 =	sld [smem:$0x3FD9]  }
0x89: {  	s3 =	sld [smem:$0x3FFE];
	_ =	sdelay $0x1  }
0x8a: {  	s1 =	srdreg.scid  }
0x8b: {  	s0 =	sand.u32 $0x1, s1  }
0x8c: {  	s16 =	sshll.u32 s0, $0xA;
	s2 =	sadd.s32 s3, s2  }
0x8d: {  	s2 =	sadd.s32 s2, s16  }
0x8e: {  	[smem:$0x3FC7] =	sst s2  }
0x8f: {  	_ = 	snop  }
0x90: {  	(tm) =	ssettm $0x1  }
0x91: {  	s17 =	sld [smem:$0x3FFB];
	_ =	sdelay $0x3  }
0x92: {  	_ =	strace s17  }
0x93: {  	s2 =	sld [smem:$0x3FFC];
	_ =	sdelay $0x3  }
0x94: {  	_ =	strace s2  }
0x95: {  	s2 =	sld [smem:$0x3FFD];
	_ =	sdelay $0x3  }
0x96: {  	_ =	strace s2  }
0x97: {  	_ =	strace $0x8FFFFFFF  }
0x98: {  	s18 =	sld [smem:$0x3FDB];
	_ =	sdelay $0x1  }
0x99: {  	s19 =	simm.s32 $_scs_section_size  }
0x9a: {  	s4 =	simm.s32 $_size__tile_overlayer_lowered;
	s5 =	simm.s32 $_tile_overlayer_lowered  }
0x9b: {  	s22 =	simm.s32 $0x1BFF;
	s21 =	sshll.u32 s5, $0x1;
	s2 =	sadd.s32 s19, s18  }
0x9c: {  	s6 =	simm.s32 $0x0;
	s20 =	sshll.u32 s4, $0x1;
	s4 =	sadd.s32 s21, s2  }
0x9d: {  	[timem:s6], [sflag:s22] =	dma.local [hbm:s4], s20  }
0x9e: {  	_ =	swait.ge [sflag:s22], s20  }
0x9f: {  	s3 =	ssub.s32 $0x0, s20;
	[sflag:s22] =	ssyncset.done $0x0  }
0xa0: {  	[sflag:s22] =	ssyncadd.s32 s3;
	_ =	sdelay $0x1  }
0xa1: {  	s23 =	simm.s32 $0x1B8B  }
0xa2: {  	_ =	swait.ge [sflag:s23], $0x1  }
0xa3: {  	[sflag:s23] =	ssyncset.done $0x0  }
0xa4: {  	s25 =	simm.s32 $0x1B8E;
	s24 =	sld [smem:$0x3FFE];
	[sflag:s23] =	ssyncadd.s32 $0xFFFFFFFF  }
0xa5: {  	s26 =	simm.s32 $execute0_lowered;
	[smem:$0x3FD2] =	sst s25  }
0xa6: {  	s4 =	sshll.u32 s26, $0x1;
	_ =	strace $0x80000046;
	[dreg:$0x1] =	wrdreg $0xFFFFFFFF  }
0xa7: {  	s28 =	simm.s32 $_size_execute0_lowered;
	s2 =	sadd.s32 s2, s4;
	[dreg:$0x0] =	wrdreg $0x0  }
0xa8: {  	s4 =	sshll.u32 s28, $0x1;
	[dreg:$0x2] =	wrdreg s2  }
0xa9: {  	[dreg:$0x3] =	wrdreg s4  }
0xaa: {  	[dreg:$0x4] =	wrdreg $0xC0  }
0xab: {  	_ =	task [dreg:s6], $0x5FFFF  }
0xac: {  	[dreg:$0x1] =	wrdreg $0xFFFFFFFF  }
0xad: {  	[dreg:$0x0] =	wrdreg $0x60  }
0xae: {  	[dreg:$0x2] =	wrdreg s24  }
0xaf: {  	[dreg:$0x3] =	wrdreg $0x9  }
0xb0: {  	_ =	task.clear_ibuf [dreg:s6], $0x4FFFF;
	_ =	strace $0x90000046  }
0xb1: {  	s29 =	simm.s32 $0x9;
	_ =	strace $0x80000048  }
0xb2: {  	_ =	swait.ge [sflag:s29], $0x1  }
0xb3: {  	[sflag:s29] =	ssyncadd.s32 $0xFFFFFFFF  }
0xb4: {  	_ =	strace $0x90000048  }
0xb5: {  	_ =	sfence  }
0xb6: {  	s30 =	sld [smem:$0x0];
	_ =	sdelay $0x2  }
0xb7: {  	s31 =	sshll.u32 s1, $0xD;
	s1 =	sshrl.u32 s1, $0x2  }
0xb8: {  	s3 =	sand.u32 $0x4000, s31;
	s1 =	sadd.s32 s1, s30  }
0xb9: {  	s0 =	sor.u32 s3, s0;
	s1 =	sshll.u32 s1, $0x11  }
0xba: {  	s0 =	sor.u32 s1, s0  }
0xbb: {  	s0 =	sadd.s32 $0x8F2B, s0  }
0xbc: {  	[sflag:s0] =	ssyncadd.remote.s32 $0x1  }
0xbd: {  	_ =	sfence.sel $0xFFFF  }
0xbe: {  	[dreg:$0x0] =	wrdreg $0xFFFFFFFF;
	(pc) =	sbr.abs _section_cstart, $3  }
0xbf: {  	[dreg:$0x1] =	wrdreg $0xFFFFFFFF  }
0xc0: {  	_ =	task.clear_ibuf [dreg:s6], $0x2FFFF;
	_ =	strace $0x9FFFFFFF  }
0xc1: {  	(tm) =	ssettm $0x7FFFFFFF  }
tec
execute0_lowered:
.L_overlay_start_1:
0x0: {  	(tag) =	ssettag $0x1  }
0x1: {  	s11 =	rddreg [dreg:$0x0]  }
0x2: {  	s1 =	simm.s32 $0x0;
	s2 =	srdreg.scid;
	s4 =	stileid.u32  }
0x3: {  	[smem:$0x7FF] =	sst s1;
	s8 =	sadd.s32 $0x1000, s11;
	s9 =	sadd.s32 $0x801000, s11  }
0x4: {  	s5 =	sadd.s32 $0x821000, s11;
	s2 =	sand.u32 $0x1, s2;
	s4 =	sshll.u32 s4, $0x9  }
0x5: {  	s6 =	sadd.s32 $0x841000, s11;
	s12 =	sadd.s32 $0x1020, s11;
	s14 =	sadd.s32 $0x801020, s11  }
0x6: {  	s15 =	sadd.s32 $0x1030, s11;
	_ =	strace $0x80000047;
	[dreg:$0x2] =	wrdreg s8  }
0x7: {  	s16 =	sadd.s32 $0x801030, s11;
	s18 =	sadd.s32 $0x1040, s11;
	[dreg:$0x6] =	wrdreg s9  }
0x8: {  	s19 =	sadd.s32 $0x801040, s11;
	s20 =	sadd.s32 $0x1050, s11;
	[dreg:$0xd] =	wrdreg s18  }
0x9: {  	s21 =	sadd.s32 $0x801050, s11;
	s22 =	sadd.s32 $0x1060, s11;
	[dreg:$0xe] =	wrdreg s19  }
0xa: {  	s23 =	sadd.s32 $0x801060, s11;
	s24 =	sadd.s32 $0x1070, s11;
	[dreg:$0xf] =	wrdreg s20  }
0xb: {  	s3 =	ssub.s32 $0x2, s2;
	s2 =	sshll.u32 s2, $0x8;
	[dreg:$0x10] =	wrdreg s21  }
0xc: {  	s29 =	smov.u32 s12;
	[dreg:$0x11] =	wrdreg s22;
	s10 =	sor.u32 s2, s4  }
0xd: {  	s30 =	smov.u32 s14;
	[dreg:$0x12] =	wrdreg s23;
	s25 =	sshll.u32 s10, $0xA  }
0xe: {  	[dreg:$0x13] =	wrdreg s24;
	s4 =	sshll.u32 s10, $0x4;
	s31 =	sadd.s32 s8, s25  }
0xf: {  	s28 =	smov.u32 s15;
	s0 =	sadd.s32 s9, s4;
	[dreg:$0x3] =	wrdreg s31  }
0x10: {  	s20 =	simm.s32 $0x2;
	s8 =	sadd.s32 $0x1010, s11;
	[dreg:$0x4] =	wrdreg s0  }
0x11: {  	s7 =	sshrl.u32 s3, $0x1;
	s13 =	sadd.s32 s25, s12;
	[dreg:$0xa] =	wrdreg s8  }
0x12: {  	s2 =	ssub.s32 s3, s7;
	s17 =	sadd.s32 s4, s16;
	[dreg:$0x8] =	wrdreg s13  }
0x13: {  	s9 =	sadd.s32 $0x801010, s11;
	s2 =	smax.u32 s2, $0x1;
	[dreg:$0xc] =	wrdreg s17  }
0x14: {  	s7 =	sadd.s32 s25, s8;
	s26 =	smov.u32 s9;
	[dreg:$0x15] =	wrdreg s2  }
0x15: {  	s0 =	sadd.s32 s25, s15;
	s25 =	sadd.s32 $0x801070, s11;
	[dreg:$0x5] =	wrdreg s7  }
0x16: {  	s31 =	sor.u32 $0x4, s10;
	s2 =	sor.u32 $0x8, s10;
	[dreg:$0xb] =	wrdreg s0  }
0x17: {  	s8 =	simm.s32 $0x80;
	s7 =	sadd.s32 s4, s9;
	[dreg:$0x14] =	wrdreg s25  }
0x18: {  	s0 =	smov.u32 s16;
	[dreg:$0x16] =	wrdreg s31;
	s25 =	smov.u32 s10  }
0x19: {  	s9 =	simm.s32 $0x400;
	[dreg:$0x7] =	wrdreg s7;
	s7 =	sadd.s32 s4, s14  }
0x1a: {  	v0 =	vimm.f32 $+Inf;
	v1 =	vimm.s32 $0x0;
	v2 =	vlaneseq.u32;
	s14 =	simm.s32 $0x1;
	[dreg:$0x9] =	wrdreg s7;
	s7 =	simm.s32 $0x0  }
.LBB2_1:
0x1b: {  	[dreg:$0x17] =	wrdreg s7  }
0x1c: {  	s3 =	rddreg [dreg:$0x3]  }
0x1d: {  	[tilespmem:s1], [sflag:$0x1] =	stream.strided.gather [hbm4b:s3+s8], $0x2000, s9, s8, $0x38;
	[tilespmem:$0x10C00] =	vst v63  }
0x1e: {  	s11 =	rddreg [dreg:$0x4];
	s4 =	simm.s32 $0x10000  }
0x1f: {  	[tilespmem:s4], [sflag:$0x1] =	stream.linear.gather [hbm4b:s11+s1], $0x80, $0x38;
	[tilespmem:$0x10C00] =	vst v63  }
0x20: {  	s12 =	rddreg [dreg:$0x5];
	s13 =	simm.s32 $0x2000  }
0x21: {  	[tilespmem:s13], [sflag:$0x1] =	stream.strided.gather [hbm4b:s12+s8], $0x2000, s9, s8, $0x38;
	[tilespmem:$0x10C00] =	vst v63  }
0x22: {  	s15 =	rddreg [dreg:$0x7];
	s16 =	simm.s32 $0x10080  }
0x23: {  	[tilespmem:s16], [sflag:$0x1] =	stream.linear.gather [hbm4b:s15+s1], $0x80, $0x38;
	[tilespmem:$0x10C00] =	vst v63  }
0x24: {  	s17 =	rddreg [dreg:$0x8];
	s18 =	simm.s32 $0x4000  }
0x25: {  	[tilespmem:s18], [sflag:$0x1] =	stream.strided.gather [hbm4b:s17+s8], $0x2000, s9, s8, $0x38;
	[tilespmem:$0x10C00] =	vst v63  }
0x26: {  	s19 =	rddreg [dreg:$0x9];
	s21 =	simm.s32 $0x10100  }
0x27: {  	[tilespmem:s21], [sflag:$0x1] =	stream.linear.gather [hbm4b:s19+s1], $0x80, $0x38;
	[tilespmem:$0x10C00] =	vst v63  }
0x28: {  	s22 =	rddreg [dreg:$0xb];
	s23 =	simm.s32 $0x6000  }
0x29: {  	[tilespmem:s23], [sflag:$0x1] =	stream.strided.gather [hbm4b:s22+s8], $0x2000, s9, s8, $0x38;
	[tilespmem:$0x10C00] =	vst v63  }
0x2a: {  	s24 =	rddreg [dreg:$0xc];
	s31 =	simm.s32 $0x10180;
	s15 =	simm.s32 $0x0  }
0x2b: {  	[tilespmem:s31], [sflag:$0x1] =	stream.linear.gather [hbm4b:s24+s1], $0x80, $0x38;
	[tilespmem:$0x10C00] =	vst v63  }
.LBB2_2:
0x2c: {  	s21 =	sshll.u32 s15, $0x3;
	s3 =	rddreg [dreg:$0x16]  }
0x2d: {  	s17 =	sadd.s32 s3, s21  }
0x2e: {  	s3 =	sshrl.u32 s17, $0x3  }
0x2f: {  	s7 =	rddreg [dreg:$0xd];
	s4 =	sshll.u32 s3, $0xD  }
0x30: {  	s10 =	simm.s32 $0x8000;
	s7 =	sadd.s32 s4, s7  }
0x31: {  	[tilespmem:s10], [sflag:$0x2] =	stream.strided.gather [hbm4b:s7+s8], $0x2000, s9, s8, $0x38;
	[tilespmem:$0x10C00] =	vst v63  }
0x32: {  	s3 =	sshll.u32 s3, $0x7;
	s10 =	rddreg [dreg:$0xe]  }
0x33: {  	s11 =	simm.s32 $0x10200;
	s12 =	rddreg [dreg:$0xf];
	s7 =	sadd.s32 s3, s10  }
0x34: {  	[tilespmem:s11], [sflag:$0x2] =	stream.linear.gather [hbm4b:s7+s1], $0x80, $0x38;
	[tilespmem:$0x10C00] =	vst v63  }
0x35: {  	s13 =	simm.s32 $0xA000;
	s16 =	rddreg [dreg:$0x10];
	s7 =	sadd.s32 s4, s12  }
0x36: {  	[tilespmem:s13], [sflag:$0x2] =	stream.strided.gather [hbm4b:s7+s8], $0x2000, s9, s8, $0x38;
	[tilespmem:$0x10C00] =	vst v63  }
0x37: {  	s18 =	simm.s32 $0x10280;
	s19 =	rddreg [dreg:$0x11];
	s7 =	sadd.s32 s3, s16  }
0x38: {  	[tilespmem:s18], [sflag:$0x2] =	stream.linear.gather [hbm4b:s7+s1], $0x80, $0x38;
	[tilespmem:$0x10C00] =	vst v63  }
0x39: {  	s22 =	simm.s32 $0xC000;
	s23 =	rddreg [dreg:$0x12];
	s7 =	sadd.s32 s4, s19  }
0x3a: {  	[tilespmem:s22], [sflag:$0x2] =	stream.strided.gather [hbm4b:s7+s8], $0x2000, s9, s8, $0x38;
	[tilespmem:$0x10C00] =	vst v63  }
0x3b: {  	s24 =	simm.s32 $0x10300;
	s10 =	rddreg [dreg:$0x13];
	s7 =	sadd.s32 s3, s23  }
0x3c: {  	[tilespmem:s24], [sflag:$0x2] =	stream.linear.gather [hbm4b:s7+s1], $0x80, $0x38;
	[tilespmem:$0x10C00] =	vst v63  }
0x3d: {  	s11 =	simm.s32 $0xE000;
	s12 =	rddreg [dreg:$0x14];
	s4 =	sadd.s32 s4, s10  }
0x3e: {  	[tilespmem:s11], [sflag:$0x2] =	stream.strided.gather [hbm4b:s4+s8], $0x2000, s9, s8, $0x38;
	[tilespmem:$0x10C00] =	vst v63  }
0x3f: {  	s13 =	simm.s32 $0x10380;
	s3 =	sadd.s32 s3, s12  }
0x40: {  	[tilespmem:s13], [sflag:$0x2] =	stream.linear.gather [hbm4b:s3+s1], $0x80, $0x38;
	[tilespmem:$0x10C00] =	vst v63  }
0x41: {  	_ =	swait.ge [sflag:s14], $0x2000  }
0x42: {  	[sflag:s14] =	ssyncset.done $0x0  }
0x43: {  	[sflag:s14] =	ssyncadd.s32 $0xFFFFE000  }
0x44: {  	_ =	swait.ge [sflag:s14], $0x80  }
0x45: {  	[sflag:s14] =	ssyncset.done $0x0  }
0x46: {  	[sflag:s14] =	ssyncadd.s32 $0xFFFFFF80  }
0x47: {  	_ =	swait.ge [sflag:s14], $0x2000  }
0x48: {  	[sflag:s14] =	ssyncset.done $0x0  }
0x49: {  	[sflag:s14] =	ssyncadd.s32 $0xFFFFE000  }
0x4a: {  	_ =	swait.ge [sflag:s14], $0x80  }
0x4b: {  	[sflag:s14] =	ssyncset.done $0x0  }
0x4c: {  	[sflag:s14] =	ssyncadd.s32 $0xFFFFFF80  }
0x4d: {  	_ =	swait.ge [sflag:s14], $0x2000  }
0x4e: {  	[sflag:s14] =	ssyncset.done $0x0  }
0x4f: {  	[sflag:s14] =	ssyncadd.s32 $0xFFFFE000  }
0x50: {  	_ =	swait.ge [sflag:s14], $0x80  }
0x51: {  	[sflag:s14] =	ssyncset.done $0x0  }
0x52: {  	[sflag:s14] =	ssyncadd.s32 $0xFFFFFF80  }
0x53: {  	_ =	swait.ge [sflag:s14], $0x2000  }
0x54: {  	[sflag:s14] =	ssyncset.done $0x0  }
0x55: {  	[sflag:s14] =	ssyncadd.s32 $0xFFFFE000  }
0x56: {  	_ =	swait.ge [sflag:s14], $0x80  }
0x57: {  	p0 =	seq.s32 s15, $0x0;
	[sflag:s14] =	ssyncset.done $0x0  }
0x58: {  	s3 =	simm.s32 @!p0 $0x3;
	[sflag:s14] =	ssyncadd.s32 $0xFFFFFF80  }
0x59: {  	_ =	swait.ge @!p0 [sflag:s3], $0x80  }
0x5a: {  	[sflag:s3] =	ssyncset.done @!p0 $0x0  }
0x5b: {  	[sflag:s3] =	ssyncadd.s32 @!p0 $0xFFFFFF80  }
0x5c: {  	_ =	swait.ge @!p0 [sflag:s3], $0x80  }
0x5d: {  	[sflag:s3] =	ssyncset.done @!p0 $0x0  }
0x5e: {  	[sflag:s3] =	ssyncadd.s32 @!p0 $0xFFFFFF80  }
0x5f: {  	_ =	swait.ge @!p0 [sflag:s3], $0x80  }
0x60: {  	[sflag:s3] =	ssyncset.done @!p0 $0x0  }
0x61: {  	[sflag:s3] =	ssyncadd.s32 @!p0 $0xFFFFFF80  }
0x62: {  	_ =	swait.ge @!p0 [sflag:s3], $0x80  }
0x63: {  	[sflag:s3] =	ssyncset.done @!p0 $0x0  }
0x64: {  	[sflag:s3] =	ssyncadd.s32 @!p0 $0xFFFFFF80  }
0x65: {  	_ =	swait.ge @!p0 [sflag:s3], $0x80  }
0x66: {  	[sflag:s3] =	ssyncset.done @!p0 $0x0  }
0x67: {  	[sflag:s3] =	ssyncadd.s32 @!p0 $0xFFFFFF80  }
0x68: {  	_ =	swait.ge @!p0 [sflag:s3], $0x80  }
0x69: {  	[sflag:s3] =	ssyncset.done @!p0 $0x0  }
0x6a: {  	[sflag:s3] =	ssyncadd.s32 @!p0 $0xFFFFFF80  }
0x6b: {  	_ =	swait.ge @!p0 [sflag:s3], $0x80  }
0x6c: {  	[sflag:s3] =	ssyncset.done @!p0 $0x0  }
0x6d: {  	[sflag:s3] =	ssyncadd.s32 @!p0 $0xFFFFFF80  }
0x6e: {  	_ =	swait.ge @!p0 [sflag:s3], $0x80  }
0x6f: {  	[sflag:s3] =	ssyncset.done @!p0 $0x0  }
0x70: {  	[sflag:s3] =	ssyncadd.s32 @!p0 $0xFFFFFF80  }
0x71: {  	[tilespmem:$0x10400] =	vst v0  }
0x72: {  	[tilespmem:$0x10410] =	vst v0  }
0x73: {  	[tilespmem:$0x10420] =	vst v0  }
0x74: {  	[tilespmem:$0x10430] =	vst v0  }
0x75: {  	[tilespmem:$0x10480] =	vst v0  }
0x76: {  	[tilespmem:$0x10490] =	vst v0  }
0x77: {  	[tilespmem:$0x104A0] =	vst v0  }
0x78: {  	[tilespmem:$0x104B0] =	vst v0  }
0x79: {  	[tilespmem:$0x10500] =	vst v0  }
0x7a: {  	[tilespmem:$0x10510] =	vst v0  }
0x7b: {  	[tilespmem:$0x10520] =	vst v0  }
0x7c: {  	[tilespmem:$0x10530] =	vst v0  }
0x7d: {  	[tilespmem:$0x10580] =	vst v0  }
0x7e: {  	[tilespmem:$0x10590] =	vst v0  }
0x7f: {  	[tilespmem:$0x105A0] =	vst v0  }
0x80: {  	s7 =	simm.s32 $0x20;
	[tilespmem:$0x105B0] =	vst v0;
	v6 =	vld [tilespmem:$0x10000]  }
0x81: {  	v7 =	vld [tilespmem:s7+$0xFFFFFFE0];
	_ =	sdelay $0x3  }
0x82: {  	p1 =	por $0x1, $0x1;
	s10 =	simm.s32 $0x0;
	v5 =	vld [tilespmem:$0x10080]  }
0x83: {  	s16 =	simm.s32 $0x0;
	s10 =	simm.s32 @!p1 $0x30;
	v4 =	vld [tilespmem:$0x10100];
	vm0 =	vle.f32 v7, v6  }
0x84: {  	v3 =	vld [tilespmem:$0x10180];
	[tilespmem:s10+$0x10400] =	vst.msk vm0, v7;
	v7 =	vor.u32 s16, v2  }
0x85: {  	s4 =	simm.s32 $0x2020;
	[tilespmem:s10+$0x10800] =	vst.msk vm0, v7  }
0x86: {  	v8 =	vld [tilespmem:s4+$0xFFFFFFE0];
	_ =	sdelay $0x2  }
0x87: {  	v9 =	vsel vm0, $0x1, v1  }
0x88: {  	(xrf0) =	vadd.scan.msk.s32 $0xffff, v9  }
0x89: {  	vm0 =	vle.f32 v8, v5  }
0x8a: {  	[tilespmem:s10+$0x10480] =	vst.msk vm0, v8  }
0x8b: {  	s3 =	simm.s32 $0x4020;
	[tilespmem:s10+$0x10880] =	vst.msk vm0, v7  }
0x8c: {  	v8 =	vld [tilespmem:s3+$0xFFFFFFE0];
	_ =	sdelay $0x1  }
0x8d: {  	v9, _, _ =	vpop (xrf0)  }
0x8e: {  	v10 =	vsel vm0, $0x1, v1;
	(v2sf) =	vpush v9, $0xF  }
0x8f: {  	(xrf0) =	vadd.scan.msk.s32 $0xffff, v10  }
0x90: {  	vm0 =	vle.f32 v8, v4  }
0x91: {  	[tilespmem:s10+$0x10500] =	vst.msk vm0, v8  }
0x92: {  	s31 =	simm.s32 $0x6020;
	[tilespmem:s10+$0x10900] =	vst.msk vm0, v7  }
0x93: {  	v8 =	vld [tilespmem:s31+$0xFFFFFFE0];
	_ =	sdelay $0x1  }
0x94: {  	v9, _, _ =	vpop (xrf0)  }
0x95: {  	v10 =	vsel vm0, $0x1, v1;
	(v2sf) =	vpush v9, $0xF  }
0x96: {  	(xrf0) =	vadd.scan.msk.s32 $0xffff, v10  }
0x97: {  	vm0 =	vle.f32 v8, v3  }
0x98: {  	[tilespmem:s10+$0x10580] =	vst.msk vm0, v8  }
0x99: {  	[tilespmem:s10+$0x10980] =	vst.msk vm0, v7  }
0x9a: {  	v7 =	vld [tilespmem:s7+$0xFFFFFFF0];
	_ =	sdelay $0x1  }
0x9b: {  	s18 =	spop (v2sf);
	v8, _, _ =	vpop (xrf0)  }
0x9c: {  	v9 =	vsel vm0, $0x1, v1;
	s10 =	sadd.s32 $0x0, s18;
	(v2sf) =	vpush v8, $0xF  }
0x9d: {  	(xrf0) =	vadd.scan.msk.s32 $0xffff, v9;
	p1 =	slt.s32 s10, $0x30;
	s11 =	smov.u32 s10  }
0x9e: {  	s12 =	simm.s32 $0x10;
	s11 =	simm.s32 @!p1 $0x30;
	vm0 =	vle.f32 v7, v6  }
0x9f: {  	[tilespmem:s11+$0x10400] =	vst.msk vm0, v7;
	v7 =	vor.u32 s12, v2  }
0xa0: {  	[tilespmem:s11+$0x10800] =	vst.msk vm0, v7  }
0xa1: {  	v8 =	vld [tilespmem:s4+$0xFFFFFFF0];
	_ =	sdelay $0x1  }
0xa2: {  	v9, _, _ =	vpop (xrf0);
	s19 =	spop (v2sf)  }
0xa3: {  	v10 =	vsel vm0, $0x1, v1;
	(v2sf) =	vpush v9, $0xF;
	s11 =	sadd.s32 $0x0, s19  }
0xa4: {  	(xrf0) =	vadd.scan.msk.s32 $0xffff, v10;
	p1 =	slt.s32 s11, $0x30;
	s12 =	smov.u32 s11  }
0xa5: {  	s12 =	simm.s32 @!p1 $0x30;
	vm0 =	vle.f32 v8, v5  }
0xa6: {  	[tilespmem:s12+$0x10480] =	vst.msk vm0, v8  }
0xa7: {  	[tilespmem:s12+$0x10880] =	vst.msk vm0, v7  }
0xa8: {  	v8 =	vld [tilespmem:s3+$0xFFFFFFF0];
	_ =	sdelay $0x1  }
0xa9: {  	v9, _, _ =	vpop (xrf0);
	s22 =	spop (v2sf)  }
0xaa: {  	v10 =	vsel vm0, $0x1, v1;
	(v2sf) =	vpush v9, $0xF;
	s12 =	sadd.s32 $0x0, s22  }
0xab: {  	(xrf0) =	vadd.scan.msk.s32 $0xffff, v10;
	p1 =	slt.s32 s12, $0x30;
	s13 =	smov.u32 s12  }
0xac: {  	s13 =	simm.s32 @!p1 $0x30;
	vm0 =	vle.f32 v8, v4  }
0xad: {  	[tilespmem:s13+$0x10500] =	vst.msk vm0, v8  }
0xae: {  	[tilespmem:s13+$0x10900] =	vst.msk vm0, v7  }
0xaf: {  	v8 =	vld [tilespmem:s31+$0xFFFFFFF0];
	_ =	sdelay $0x1  }
0xb0: {  	s23 =	spop (v2sf);
	v9, _, _ =	vpop (xrf0)  }
0xb1: {  	v10 =	vsel vm0, $0x1, v1;
	(v2sf) =	vpush v9, $0xF;
	s13 =	sadd.s32 $0x0, s23  }
0xb2: {  	(xrf0) =	vadd.scan.msk.s32 $0xffff, v10;
	p1 =	slt.s32 s13, $0x30;
	s16 =	smov.u32 s13  }
0xb3: {  	s16 =	simm.s32 @!p1 $0x30;
	vm0 =	vle.f32 v8, v3  }
0xb4: {  	[tilespmem:s16+$0x10580] =	vst.msk vm0, v8  }
0xb5: {  	[tilespmem:s16+$0x10980] =	vst.msk vm0, v7  }
0xb6: {  	v7 =	vld [tilespmem:s7+$0x0];
	_ =	sdelay $0x1  }
0xb7: {  	s24 =	spop (v2sf);
	v8, _, _ =	vpop (xrf0)  }
0xb8: {  	s10 =	sadd.s32 s10, s24;
	v9 =	vsel vm0, $0x1, v1;
	(v2sf) =	vpush v8, $0xF  }
0xb9: {  	p1 =	slt.s32 s10, $0x30;
	(xrf0) =	vadd.scan.msk.s32 $0xffff, v9;
	s16 =	smov.u32 s10  }
0xba: {  	s18 =	simm.s32 $0x20;
	s16 =	simm.s32 @!p1 $0x30;
	vm0 =	vle.f32 v7, v6  }
0xbb: {  	[tilespmem:s16+$0x10400] =	vst.msk vm0, v7;
	v7 =	vor.u32 s18, v2  }
0xbc: {  	[tilespmem:s16+$0x10800] =	vst.msk vm0, v7  }
0xbd: {  	v8 =	vld [tilespmem:s4+$0x0];
	_ =	sdelay $0x1  }
0xbe: {  	v9, _, _ =	vpop (xrf0);
	s18 =	spop (v2sf)  }
0xbf: {  	v10 =	vsel vm0, $0x1, v1;
	(v2sf) =	vpush v9, $0xF;
	s11 =	sadd.s32 s11, s18  }
0xc0: {  	(xrf0) =	vadd.scan.msk.s32 $0xffff, v10;
	p1 =	slt.s32 s11, $0x30;
	s16 =	smov.u32 s11  }
0xc1: {  	s16 =	simm.s32 @!p1 $0x30;
	vm0 =	vle.f32 v8, v5  }
0xc2: {  	[tilespmem:s16+$0x10480] =	vst.msk vm0, v8  }
0xc3: {  	[tilespmem:s16+$0x10880] =	vst.msk vm0, v7  }
0xc4: {  	v8 =	vld [tilespmem:s3+$0x0];
	_ =	sdelay $0x1  }
0xc5: {  	v9, _, _ =	vpop (xrf0);
	s19 =	spop (v2sf)  }
0xc6: {  	v10 =	vsel vm0, $0x1, v1;
	(v2sf) =	vpush v9, $0xF;
	s12 =	sadd.s32 s12, s19  }
0xc7: {  	(xrf0) =	vadd.scan.msk.s32 $0xffff, v10;
	p1 =	slt.s32 s12, $0x30;
	s16 =	smov.u32 s12  }
0xc8: {  	s16 =	simm.s32 @!p1 $0x30;
	vm0 =	vle.f32 v8, v4  }
0xc9: {  	[tilespmem:s16+$0x10500] =	vst.msk vm0, v8  }
0xca: {  	[tilespmem:s16+$0x10900] =	vst.msk vm0, v7  }
0xcb: {  	v8 =	vld [tilespmem:s31+$0x0];
	_ =	sdelay $0x1  }
0xcc: {  	s22 =	spop (v2sf);
	v9, _, _ =	vpop (xrf0)  }
0xcd: {  	s13 =	sadd.s32 s13, s22;
	v10 =	vsel vm0, $0x1, v1;
	(v2sf) =	vpush v9, $0xF  }
0xce: {  	p1 =	slt.s32 s13, $0x30;
	(xrf0) =	vadd.scan.msk.s32 $0xffff, v10;
	s16 =	smov.u32 s13  }
0xcf: {  	s16 =	simm.s32 @!p1 $0x30;
	vm0 =	vle.f32 v8, v3  }
0xd0: {  	[tilespmem:s16+$0x10580] =	vst.msk vm0, v8  }
0xd1: {  	[tilespmem:s16+$0x10980] =	vst.msk vm0, v7  }
0xd2: {  	v7 =	vld [tilespmem:s7+$0x10];
	_ =	sdelay $0x1  }
0xd3: {  	s23 =	spop (v2sf);
	v8, _, _ =	vpop (xrf0)  }
0xd4: {  	v9 =	vsel vm0, $0x1, v1;
	(v2sf) =	vpush v8, $0xF;
	s7 =	sadd.s32 s10, s23  }
0xd5: {  	(xrf0) =	vadd.scan.msk.s32 $0xffff, v9;
	p1 =	slt.s32 s7, $0x30;
	s10 =	smov.u32 s7  }
0xd6: {  	s24 =	simm.s32 $0x30;
	s10 =	simm.s32 @!p1 $0x30;
	vm0 =	vle.f32 v7, v6  }
0xd7: {  	[tilespmem:s10+$0x10400] =	vst.msk vm0, v7;
	v7 =	vor.u32 s24, v2  }
0xd8: {  	[tilespmem:s10+$0x10800] =	vst.msk vm0, v7  }
0xd9: {  	v8 =	vld [tilespmem:s4+$0x10];
	_ =	sdelay $0x1  }
0xda: {  	v9, _, _ =	vpop (xrf0);
	s10 =	spop (v2sf)  }
0xdb: {  	v10 =	vsel vm0, $0x1, v1;
	(v2sf) =	vpush v9, $0xF;
	s4 =	sadd.s32 s11, s10  }
0xdc: {  	(xrf0) =	vadd.scan.msk.s32 $0xffff, v10;
	p1 =	slt.s32 s4, $0x30;
	s10 =	smov.u32 s4  }
0xdd: {  	s10 =	simm.s32 @!p1 $0x30;
	vm0 =	vle.f32 v8, v5  }
0xde: {  	[tilespmem:s10+$0x10480] =	vst.msk vm0, v8  }
0xdf: {  	[tilespmem:s10+$0x10880] =	vst.msk vm0, v7  }
0xe0: {  	v8 =	vld [tilespmem:s3+$0x10];
	_ =	sdelay $0x1  }
0xe1: {  	v9, _, _ =	vpop (xrf0);
	s11 =	spop (v2sf)  }
0xe2: {  	v10 =	vsel vm0, $0x1, v1;
	(v2sf) =	vpush v9, $0xF;
	s16 =	sadd.s32 s12, s11  }
0xe3: {  	(xrf0) =	vadd.scan.msk.s32 $0xffff, v10;
	p1 =	slt.s32 s16, $0x30;
	s3 =	smov.u32 s16  }
0xe4: {  	s3 =	simm.s32 @!p1 $0x30;
	vm0 =	vle.f32 v8, v4  }
0xe5: {  	[tilespmem:s3+$0x10500] =	vst.msk vm0, v8  }
0xe6: {  	[tilespmem:s3+$0x10900] =	vst.msk vm0, v7  }
0xe7: {  	v10 =	vsel vm0, $0x1, v1;
	v8 =	vld [tilespmem:s31+$0x10]  }
0xe8: {  	(xrf0) =	vadd.scan.msk.s32 $0xffff, v10  }
0xe9: {  	v9, _, _ =	vpop (xrf0);
	s18 =	spop (v2sf)  }
0xea: {  	(v2sf) =	vpush v9, $0xF;
	s12 =	sadd.s32 s13, s18  }
0xeb: {  	p1 =	slt.s32 s12, $0x30;
	s3 =	smov.u32 s12  }
0xec: {  	s3 =	simm.s32 @!p1 $0x30;
	vm0 =	vle.f32 v8, v3  }
0xed: {  	v9 =	vsel vm0, $0x1, v1;
	[tilespmem:s3+$0x10580] =	vst.msk vm0, v8  }
0xee: {  	s11 =	simm.s32 $0x60;
	v8, _, _ =	vpop (xrf0);
	[tilespmem:s3+$0x10980] =	vst.msk vm0, v7;
	(xrf0) =	vadd.scan.msk.s32 $0xffff, v9  }
0xef: {  	(v2sf) =	vpush v8, $0xF;
	v7 =	vld [tilespmem:s11+$0xFFFFFFE0];
	_ =	sdelay $0x1  }
0xf0: {  	s19 =	spop (v2sf)  }
0xf1: {  	s18 =	sadd.s32 s7, s19  }
0xf2: {  	p1 =	slt.s32 s18, $0x30;
	s3 =	smov.u32 s18  }
0xf3: {  	s22 =	simm.s32 $0x40;
	s3 =	simm.s32 @!p1 $0x30;
	vm0 =	vle.f32 v7, v6;
	v8, _, _ =	vpop (xrf0)  }
0xf4: {  	[tilespmem:s3+$0x10400] =	vst.msk vm0, v7;
	v7 =	vor.u32 s22, v2;
	(v2sf) =	vpush v8, $0xF  }
0xf5: {  	v9 =	vsel vm0, $0x1, v1;
	[tilespmem:s3+$0x10800] =	vst.msk vm0, v7;
	s3 =	simm.s32 $0x2060  }
0xf6: {  	(xrf0) =	vadd.scan.msk.s32 $0xffff, v9;
	v8 =	vld [tilespmem:s3+$0xFFFFFFE0];
	_ =	sdelay $0x1  }
0xf7: {  	s23 =	spop (v2sf)  }
0xf8: {  	s13 =	sadd.s32 s4, s23  }
0xf9: {  	p1 =	slt.s32 s13, $0x30;
	s4 =	smov.u32 s13  }
0xfa: {  	s4 =	simm.s32 @!p1 $0x30;
	vm0 =	vle.f32 v8, v5  }
0xfb: {  	v9 =	vsel vm0, $0x1, v1;
	[tilespmem:s4+$0x10480] =	vst.msk vm0, v8;
	v8, _, _ =	vpop (xrf0)  }
0xfc: {  	s24 =	spop (v2sf);
	[tilespmem:s4+$0x10880] =	vst.msk vm0, v7;
	(xrf0) =	vadd.scan.msk.s32 $0xffff, v9;
	s4 =	simm.s32 $0x4060;
	(v2sf) =	vpush v8, $0xF  }
0xfd: {  	v9 =	vld [tilespmem:s4+$0xFFFFFFE0];
	_ =	sdelay $0x2  }
0xfe: {  	s16 =	sadd.s32 s16, s24  }
0xff: {  	s7 =	simm.s32 $0x70;
	p1 =	slt.s32 s16, $0x30;
	s22 =	smov.u32 s16  }
0x100: {  	s23 =	simm.s32 $0xB0;
	s22 =	simm.s32 @!p1 $0x30;
	vm0 =	vle.f32 v9, v4;
	v8, _, _ =	vpop (xrf0);
	s19 =	spop (v2sf)  }
.LBB2_3:
0x101: {  	s19 =	sadd.s32 s12, s19  }
0x102: {  	[tilespmem:s22+$0x10500] =	vst.msk vm0, v9;
	s31 =	sadd.s32 $0x40, s31;
	s12 =	smov.u32 s23;
	s10 =	sadd.s32 $0x40, s23  }
0x103: {  	p1 =	sne.s32 s23, $0x1FF0;
	[tilespmem:s22+$0x10900] =	vst.msk vm0, v7;
	p2 =	slt.s32 s19, $0x30  }
0x104: {  	v9 =	vld [tilespmem:s31+$0xFFFFFFE0];
	_ =	sdelay $0x2  }
0x105: {  	v10 =	vsel vm0, $0x1, v1;
	(v2sf) =	vpush v8, $0xF  }
0x106: {  	s22 =	smov.u32 s19;
	(xrf0) =	vadd.scan.msk.s32 $0xffff, v10  }
0x107: {  	s22 =	simm.s32 @!p2 $0x30;
	vm0 =	vle.f32 v9, v3;
	s23 =	spop (v2sf)  }
0x108: {  	s18 =	sadd.s32 s18, s23;
	v8 =	vsel vm0, $0x1, v1;
	[tilespmem:s22+$0x10580] =	vst.msk vm0, v9  }
0x109: {  	[tilespmem:s22+$0x10980] =	vst.msk vm0, v7;
	p2 =	slt.s32 s18, $0x30;
	(xrf0) =	vadd.scan.msk.s32 $0xffff, v8  }
0x10a: {  	v7 =	vld [tilespmem:s11+$0xFFFFFFF0];
	_ =	sdelay $0x1  }
0x10b: {  	v8, _, _ =	vpop (xrf0)  }
0x10c: {  	(v2sf) =	vpush v8, $0xF  }
0x10d: {  	s23 =	smov.u32 s18  }
0x10e: {  	s22 =	sadd.s32 $0xFFFFFFE0, s7;
	s23 =	simm.s32 @!p2 $0x30;
	vm0 =	vle.f32 v7, v6;
	v8, _, _ =	vpop (xrf0)  }
0x10f: {  	v9 =	vsel vm0, $0x1, v1;
	[tilespmem:s23+$0x10400] =	vst.msk vm0, v7;
	v7 =	vor.u32 s22, v2;
	(v2sf) =	vpush v8, $0xF  }
0x110: {  	[tilespmem:s23+$0x10800] =	vst.msk vm0, v7;
	(xrf0) =	vadd.scan.msk.s32 $0xffff, v9  }
0x111: {  	v8 =	vld [tilespmem:s3+$0xFFFFFFF0];
	_ =	sdelay $0x1  }
0x112: {  	s22 =	spop (v2sf)  }
0x113: {  	s23 =	sadd.s32 s13, s22  }
0x114: {  	p2 =	slt.s32 s23, $0x30;
	s13 =	smov.u32 s23  }
0x115: {  	vm0 =	vle.f32 v8, v5;
	s13 =	simm.s32 @!p2 $0x30;
	v9, _, _ =	vpop (xrf0)  }
0x116: {  	v10 =	vsel vm0, $0x1, v1;
	[tilespmem:s13+$0x10480] =	vst.msk vm0, v8;
	(v2sf) =	vpush v9, $0xF  }
0x117: {  	[tilespmem:s13+$0x10880] =	vst.msk vm0, v7;
	(xrf0) =	vadd.scan.msk.s32 $0xffff, v10  }
0x118: {  	v8 =	vld [tilespmem:s4+$0xFFFFFFF0];
	_ =	sdelay $0x1  }
0x119: {  	s13 =	spop (v2sf)  }
0x11a: {  	s22 =	sadd.s32 s16, s13  }
0x11b: {  	p2 =	slt.s32 s22, $0x30;
	s16 =	smov.u32 s22  }
0x11c: {  	vm0 =	vle.f32 v8, v4;
	s16 =	simm.s32 @!p2 $0x30;
	s13 =	spop (v2sf);
	v9, _, _ =	vpop (xrf0)  }
0x11d: {  	s13 =	sadd.s32 s19, s13;
	v10 =	vsel vm0, $0x1, v1;
	[tilespmem:s16+$0x10500] =	vst.msk vm0, v8;
	(v2sf) =	vpush v9, $0xF  }
0x11e: {  	[tilespmem:s16+$0x10900] =	vst.msk vm0, v7;
	p2 =	slt.s32 s13, $0x30;
	(xrf0) =	vadd.scan.msk.s32 $0xffff, v10  }
0x11f: {  	v8 =	vld [tilespmem:s31+$0xFFFFFFF0];
	_ =	sdelay $0x3  }
0x120: {  	s19 =	smov.u32 s13  }
0x121: {  	s19 =	simm.s32 @!p2 $0x30;
	vm0 =	vle.f32 v8, v3;
	s16 =	spop (v2sf);
	v9, _, _ =	vpop (xrf0)  }
0x122: {  	s16 =	sadd.s32 s18, s16;
	v10 =	vsel vm0, $0x1, v1;
	[tilespmem:s19+$0x10580] =	vst.msk vm0, v8;
	(v2sf) =	vpush v9, $0xF  }
0x123: {  	[tilespmem:s19+$0x10980] =	vst.msk vm0, v7;
	p2 =	slt.s32 s16, $0x30;
	(xrf0) =	vadd.scan.msk.s32 $0xffff, v10  }
0x124: {  	v7 =	vld [tilespmem:s11+$0x0];
	_ =	sdelay $0x3  }
0x125: {  	s19 =	smov.u32 s16  }
0x126: {  	s18 =	sadd.s32 $0xFFFFFFF0, s7;
	s19 =	simm.s32 @!p2 $0x30;
	vm0 =	vle.f32 v7, v6;
	s24 =	spop (v2sf);
	v8, _, _ =	vpop (xrf0)  }
0x127: {  	s23 =	sadd.s32 s23, s24;
	v9 =	vsel vm0, $0x1, v1;
	[tilespmem:s19+$0x10400] =	vst.msk vm0, v7;
	v7 =	vor.u32 s18, v2;
	(v2sf) =	vpush v8, $0xF  }
0x128: {  	[tilespmem:s19+$0x10800] =	vst.msk vm0, v7;
	p2 =	slt.s32 s23, $0x30;
	(xrf0) =	vadd.scan.msk.s32 $0xffff, v9  }
0x129: {  	v8 =	vld [tilespmem:s3+$0x0];
	_ =	sdelay $0x3  }
0x12a: {  	s19 =	smov.u32 s23  }
0x12b: {  	s19 =	simm.s32 @!p2 $0x30;
	vm0 =	vle.f32 v8, v5;
	s18 =	spop (v2sf);
	v9, _, _ =	vpop (xrf0)  }
0x12c: {  	s18 =	sadd.s32 s22, s18;
	v10 =	vsel vm0, $0x1, v1;
	[tilespmem:s19+$0x10480] =	vst.msk vm0, v8;
	(v2sf) =	vpush v9, $0xF  }
0x12d: {  	[tilespmem:s19+$0x10880] =	vst.msk vm0, v7;
	p2 =	slt.s32 s18, $0x30;
	(xrf0) =	vadd.scan.msk.s32 $0xffff, v10  }
0x12e: {  	v8 =	vld [tilespmem:s4+$0x0];
	_ =	sdelay $0x3  }
0x12f: {  	s22 =	smov.u32 s18  }
0x130: {  	s22 =	simm.s32 @!p2 $0x30;
	vm0 =	vle.f32 v8, v4;
	s19 =	spop (v2sf);
	v9, _, _ =	vpop (xrf0)  }
0x131: {  	s19 =	sadd.s32 s13, s19;
	v10 =	vsel vm0, $0x1, v1;
	[tilespmem:s22+$0x10500] =	vst.msk vm0, v8;
	(v2sf) =	vpush v9, $0xF  }
0x132: {  	[tilespmem:s22+$0x10900] =	vst.msk vm0, v7;
	p2 =	slt.s32 s19, $0x30;
	(xrf0) =	vadd.scan.msk.s32 $0xffff, v10  }
0x133: {  	v8 =	vld [tilespmem:s31+$0x0];
	_ =	sdelay $0x3  }
0x134: {  	s13 =	smov.u32 s19  }
0x135: {  	s13 =	simm.s32 @!p2 $0x30;
	vm0 =	vle.f32 v8, v3;
	s22 =	spop (v2sf);
	v9, _, _ =	vpop (xrf0)  }
0x136: {  	s22 =	sadd.s32 s16, s22;
	v10 =	vsel vm0, $0x1, v1;
	[tilespmem:s13+$0x10580] =	vst.msk vm0, v8;
	(v2sf) =	vpush v9, $0xF  }
0x137: {  	[tilespmem:s13+$0x10980] =	vst.msk vm0, v7;
	p2 =	slt.s32 s22, $0x30;
	(xrf0) =	vadd.scan.msk.s32 $0xffff, v10  }
0x138: {  	v7 =	vld [tilespmem:s11+$0x10];
	_ =	sdelay $0x3  }
0x139: {  	s16 =	smov.u32 s22  }
0x13a: {  	s16 =	simm.s32 @!p2 $0x30;
	vm0 =	vle.f32 v7, v6;
	s13 =	spop (v2sf);
	v8, _, _ =	vpop (xrf0)  }
0x13b: {  	s13 =	sadd.s32 s23, s13;
	v9 =	vsel vm0, $0x1, v1;
	[tilespmem:s16+$0x10400] =	vst.msk vm0, v7;
	v7 =	vor.u32 s7, v2;
	(v2sf) =	vpush v8, $0xF;
	s7 =	smov.u32 s12  }
0x13c: {  	[tilespmem:s16+$0x10800] =	vst.msk vm0, v7;
	p2 =	slt.s32 s13, $0x30;
	(xrf0) =	vadd.scan.msk.s32 $0xffff, v9  }
0x13d: {  	v8 =	vld [tilespmem:s3+$0x10];
	_ =	sdelay $0x3  }
0x13e: {  	s12 =	smov.u32 s13  }
0x13f: {  	s12 =	simm.s32 @!p2 $0x30;
	vm0 =	vle.f32 v8, v5;
	s16 =	spop (v2sf);
	v9, _, _ =	vpop (xrf0)  }
0x140: {  	s16 =	sadd.s32 s18, s16;
	v10 =	vsel vm0, $0x1, v1;
	[tilespmem:s12+$0x10480] =	vst.msk vm0, v8;
	(v2sf) =	vpush v9, $0xF  }
0x141: {  	[tilespmem:s12+$0x10880] =	vst.msk vm0, v7;
	p2 =	slt.s32 s16, $0x30;
	(xrf0) =	vadd.scan.msk.s32 $0xffff, v10  }
0x142: {  	v8 =	vld [tilespmem:s4+$0x10];
	_ =	sdelay $0x3  }
0x143: {  	s18 =	smov.u32 s16  }
0x144: {  	s18 =	simm.s32 @!p2 $0x30;
	vm0 =	vle.f32 v8, v4;
	s12 =	spop (v2sf);
	v9, _, _ =	vpop (xrf0)  }
0x145: {  	s12 =	sadd.s32 s19, s12;
	v10 =	vsel vm0, $0x1, v1;
	[tilespmem:s18+$0x10500] =	vst.msk vm0, v8;
	(v2sf) =	vpush v9, $0xF  }
0x146: {  	[tilespmem:s18+$0x10900] =	vst.msk vm0, v7;
	p2 =	slt.s32 s12, $0x30;
	(xrf0) =	vadd.scan.msk.s32 $0xffff, v10  }
0x147: {  	v8 =	vld [tilespmem:s31+$0x10];
	_ =	sdelay $0x3  }
0x148: {  	s19 =	smov.u32 s12  }
0x149: {  	s19 =	simm.s32 @!p2 $0x30;
	vm0 =	vle.f32 v8, v3;
	s18 =	spop (v2sf);
	v9, _, _ =	vpop (xrf0)  }
0x14a: {  	s18 =	sadd.s32 s22, s18;
	v10 =	vsel vm0, $0x1, v1;
	[tilespmem:s19+$0x10580] =	vst.msk vm0, v8;
	(v2sf) =	vpush v9, $0xF  }
0x14b: {  	s11 =	sadd.s32 $0x40, s11;
	p2 =	slt.s32 s18, $0x30;
	[tilespmem:s19+$0x10980] =	vst.msk vm0, v7;
	(xrf0) =	vadd.scan.msk.s32 $0xffff, v10  }
0x14c: {  	v7 =	vld [tilespmem:s11+$0xFFFFFFE0];
	_ =	sdelay $0x3  }
0x14d: {  	s22 =	smov.u32 s18  }
0x14e: {  	s19 =	sadd.s32 $0xFFFFFFD0, s7;
	s22 =	simm.s32 @!p2 $0x30;
	vm0 =	vle.f32 v7, v6;
	s23 =	spop (v2sf);
	v8, _, _ =	vpop (xrf0)  }
0x14f: {  	v9 =	vsel vm0, $0x1, v1;
	[tilespmem:s22+$0x10400] =	vst.msk vm0, v7;
	v7 =	vor.u32 s19, v2;
	s13 =	sadd.s32 s13, s23;
	(v2sf) =	vpush v8, $0xF  }
0x150: {  	s3 =	sadd.s32 $0x40, s3;
	[tilespmem:s22+$0x10800] =	vst.msk vm0, v7;
	p2 =	slt.s32 s13, $0x30;
	(xrf0) =	vadd.scan.msk.s32 $0xffff, v9  }
0x151: {  	v8 =	vld [tilespmem:s3+$0xFFFFFFE0];
	_ =	sdelay $0x3  }
0x152: {  	s19 =	smov.u32 s13  }
0x153: {  	s19 =	simm.s32 @!p2 $0x30;
	vm0 =	vle.f32 v8, v5;
	v9, _, _ =	vpop (xrf0);
	s22 =	spop (v2sf)  }
0x154: {  	v10 =	vsel vm0, $0x1, v1;
	[tilespmem:s19+$0x10480] =	vst.msk vm0, v8;
	(v2sf) =	vpush v9, $0xF;
	s16 =	sadd.s32 s16, s22  }
0x155: {  	s4 =	sadd.s32 $0x40, s4;
	[tilespmem:s19+$0x10880] =	vst.msk vm0, v7;
	p2 =	slt.s32 s16, $0x30;
	(xrf0) =	vadd.scan.msk.s32 $0xffff, v10  }
0x156: {  	v9 =	vld [tilespmem:s4+$0xFFFFFFE0]  }
.Ltmp0:
0x157: {  	(pc) =	sbr.rel @p1 .LBB2_3-.Ltmp0, $3  }
0x158: {  	_ =	sdelay $0x1  }
0x159: {  	s22 =	smov.u32 s16  }
0x15a: {  	s23 =	smov.u32 s10;
	s22 =	simm.s32 @!p2 $0x30;
	vm0 =	vle.f32 v9, v4;
	v8, _, _ =	vpop (xrf0);
	s19 =	spop (v2sf)  }
0x15b: {  	[tilespmem:s22+$0x10500] =	vst.msk vm0, v9  }
0x15c: {  	s10 =	sadd.s32 $0x40, s31;
	[tilespmem:s22+$0x10900] =	vst.msk vm0, v7  }
0x15d: {  	v9 =	vld [tilespmem:s10+$0xFFFFFFE0];
	_ =	sdelay $0x2  }
0x15e: {  	s12 =	sadd.s32 s12, s19;
	v10 =	vsel vm0, $0x1, v1;
	(v2sf) =	vpush v8, $0xF  }
0x15f: {  	p1 =	slt.s32 s12, $0x30;
	(xrf0) =	vadd.scan.msk.s32 $0xffff, v10;
	s19 =	smov.u32 s12  }
0x160: {  	s19 =	simm.s32 @!p1 $0x30;
	vm0 =	vle.f32 v9, v3  }
0x161: {  	[tilespmem:s19+$0x10580] =	vst.msk vm0, v9  }
0x162: {  	[tilespmem:s19+$0x10980] =	vst.msk vm0, v7  }
0x163: {  	v7 =	vld [tilespmem:s11+$0xFFFFFFF0];
	_ =	sdelay $0x1  }
0x164: {  	s22 =	spop (v2sf);
	v8, _, _ =	vpop (xrf0)  }
0x165: {  	s18 =	sadd.s32 s18, s22;
	v9 =	vsel vm0, $0x1, v1;
	(v2sf) =	vpush v8, $0xF  }
0x166: {  	p1 =	slt.s32 s18, $0x30;
	(xrf0) =	vadd.scan.msk.s32 $0xffff, v9;
	s19 =	smov.u32 s18  }
0x167: {  	s23 =	sadd.s32 $0xFFFFFFE0, s7;
	s19 =	simm.s32 @!p1 $0x30;
	vm0 =	vle.f32 v7, v6  }
0x168: {  	[tilespmem:s19+$0x10400] =	vst.msk vm0, v7;
	v7 =	vor.u32 s23, v2  }
0x169: {  	[tilespmem:s19+$0x10800] =	vst.msk vm0, v7  }
0x16a: {  	v8 =	vld [tilespmem:s3+$0xFFFFFFF0];
	_ =	sdelay $0x1  }
0x16b: {  	v9, _, _ =	vpop (xrf0);
	s24 =	spop (v2sf)  }
0x16c: {  	v10 =	vsel vm0, $0x1, v1;
	(v2sf) =	vpush v9, $0xF;
	s13 =	sadd.s32 s13, s24  }
0x16d: {  	(xrf0) =	vadd.scan.msk.s32 $0xffff, v10;
	p1 =	slt.s32 s13, $0x30;
	s19 =	smov.u32 s13  }
0x16e: {  	s19 =	simm.s32 @!p1 $0x30;
	vm0 =	vle.f32 v8, v5  }
0x16f: {  	[tilespmem:s19+$0x10480] =	vst.msk vm0, v8  }
0x170: {  	[tilespmem:s19+$0x10880] =	vst.msk vm0, v7  }
0x171: {  	v8 =	vld [tilespmem:s4+$0xFFFFFFF0];
	_ =	sdelay $0x1  }
0x172: {  	v9, _, _ =	vpop (xrf0);
	s31 =	spop (v2sf)  }
0x173: {  	v10 =	vsel vm0, $0x1, v1;
	(v2sf) =	vpush v9, $0xF;
	s16 =	sadd.s32 s16, s31  }
0x174: {  	(xrf0) =	vadd.scan.msk.s32 $0xffff, v10;
	p1 =	slt.s32 s16, $0x30;
	s19 =	smov.u32 s16  }
0x175: {  	s19 =	simm.s32 @!p1 $0x30;
	vm0 =	vle.f32 v8, v4  }
0x176: {  	[tilespmem:s19+$0x10500] =	vst.msk vm0, v8  }
0x177: {  	[tilespmem:s19+$0x10900] =	vst.msk vm0, v7  }
0x178: {  	v8 =	vld [tilespmem:s10+$0xFFFFFFF0];
	_ =	sdelay $0x1  }
0x179: {  	s22 =	spop (v2sf);
	v9, _, _ =	vpop (xrf0)  }
0x17a: {  	s12 =	sadd.s32 s12, s22;
	v10 =	vsel vm0, $0x1, v1;
	(v2sf) =	vpush v9, $0xF  }
0x17b: {  	p1 =	slt.s32 s12, $0x30;
	(xrf0) =	vadd.scan.msk.s32 $0xffff, v10;
	s19 =	smov.u32 s12  }
0x17c: {  	s19 =	simm.s32 @!p1 $0x30;
	vm0 =	vle.f32 v8, v3  }
0x17d: {  	[tilespmem:s19+$0x10580] =	vst.msk vm0, v8  }
0x17e: {  	[tilespmem:s19+$0x10980] =	vst.msk vm0, v7  }
0x17f: {  	v7 =	vld [tilespmem:s11+$0x0];
	_ =	sdelay $0x1  }
0x180: {  	s23 =	spop (v2sf);
	v8, _, _ =	vpop (xrf0)  }
0x181: {  	s18 =	sadd.s32 s18, s23;
	v9 =	vsel vm0, $0x1, v1;
	(v2sf) =	vpush v8, $0xF  }
0x182: {  	p1 =	slt.s32 s18, $0x30;
	(xrf0) =	vadd.scan.msk.s32 $0xffff, v9;
	s19 =	smov.u32 s18  }
0x183: {  	s24 =	sadd.s32 $0xFFFFFFF0, s7;
	s19 =	simm.s32 @!p1 $0x30;
	vm0 =	vle.f32 v7, v6  }
0x184: {  	[tilespmem:s19+$0x10400] =	vst.msk vm0, v7;
	v7 =	vor.u32 s24, v2  }
0x185: {  	[tilespmem:s19+$0x10800] =	vst.msk vm0, v7  }
0x186: {  	v8 =	vld [tilespmem:s3+$0x0];
	_ =	sdelay $0x1  }
0x187: {  	s31 =	spop (v2sf);
	v9, _, _ =	vpop (xrf0)  }
0x188: {  	s13 =	sadd.s32 s13, s31;
	v10 =	vsel vm0, $0x1, v1;
	(v2sf) =	vpush v9, $0xF  }
0x189: {  	p1 =	slt.s32 s13, $0x30;
	(xrf0) =	vadd.scan.msk.s32 $0xffff, v10;
	s19 =	smov.u32 s13  }
0x18a: {  	s19 =	simm.s32 @!p1 $0x30;
	vm0 =	vle.f32 v8, v5  }
0x18b: {  	[tilespmem:s19+$0x10480] =	vst.msk vm0, v8  }
0x18c: {  	[tilespmem:s19+$0x10880] =	vst.msk vm0, v7  }
0x18d: {  	v8 =	vld [tilespmem:s4+$0x0];
	_ =	sdelay $0x1  }
0x18e: {  	v9, _, _ =	vpop (xrf0);
	s22 =	spop (v2sf)  }
0x18f: {  	v10 =	vsel vm0, $0x1, v1;
	(v2sf) =	vpush v9, $0xF;
	s16 =	sadd.s32 s16, s22  }
0x190: {  	(xrf0) =	vadd.scan.msk.s32 $0xffff, v10;
	p1 =	slt.s32 s16, $0x30;
	s19 =	smov.u32 s16  }
0x191: {  	s19 =	simm.s32 @!p1 $0x30;
	vm0 =	vle.f32 v8, v4  }
0x192: {  	[tilespmem:s19+$0x10500] =	vst.msk vm0, v8  }
0x193: {  	[tilespmem:s19+$0x10900] =	vst.msk vm0, v7  }
0x194: {  	v8 =	vld [tilespmem:s10+$0x0];
	_ =	sdelay $0x1  }
0x195: {  	s23 =	spop (v2sf);
	v9, _, _ =	vpop (xrf0)  }
0x196: {  	s12 =	sadd.s32 s12, s23;
	v10 =	vsel vm0, $0x1, v1;
	(v2sf) =	vpush v9, $0xF  }
0x197: {  	p1 =	slt.s32 s12, $0x30;
	(xrf0) =	vadd.scan.msk.s32 $0xffff, v10;
	s19 =	smov.u32 s12  }
0x198: {  	s19 =	simm.s32 @!p1 $0x30;
	vm0 =	vle.f32 v8, v3  }
0x199: {  	[tilespmem:s19+$0x10580] =	vst.msk vm0, v8  }
0x19a: {  	[tilespmem:s19+$0x10980] =	vst.msk vm0, v7  }
0x19b: {  	v7 =	vld [tilespmem:s11+$0x10];
	_ =	sdelay $0x1  }
0x19c: {  	s24 =	spop (v2sf);
	v8, _, _ =	vpop (xrf0)  }
0x19d: {  	v9 =	vsel vm0, $0x1, v1;
	(v2sf) =	vpush v8, $0xF;
	s11 =	sadd.s32 s18, s24  }
0x19e: {  	(xrf0) =	vadd.scan.msk.s32 $0xffff, v9;
	p1 =	slt.s32 s11, $0x30  }
0x19f: {  	s11 =	simm.s32 @!p1 $0x30;
	vm0 =	vle.f32 v7, v6  }
0x1a0: {  	v6 =	vor.u32 s7, v2;
	[tilespmem:s11+$0x10400] =	vst.msk vm0, v7  }
0x1a1: {  	[tilespmem:s11+$0x10800] =	vst.msk vm0, v6  }
0x1a2: {  	v7 =	vld [tilespmem:s3+$0x10];
	_ =	sdelay $0x1  }
0x1a3: {  	s31 =	spop (v2sf);
	v8, _, _ =	vpop (xrf0)  }
0x1a4: {  	(v2sf) =	vpush v8, $0xF;
	s3 =	sadd.s32 s13, s31  }
0x1a5: {  	p1 =	slt.s32 s3, $0x30  }
0x1a6: {  	s3 =	simm.s32 @!p1 $0x30;
	vm1 =	vle.f32 v7, v5  }
0x1a7: {  	[tilespmem:s3+$0x10480] =	vst.msk vm1, v7  }
0x1a8: {  	[tilespmem:s3+$0x10880] =	vst.msk vm1, v6  }
0x1a9: {  	v5 =	vld [tilespmem:s4+$0x10];
	_ =	sdelay $0x1  }
0x1aa: {  	s7 =	spop (v2sf)  }
0x1ab: {  	s3 =	sadd.s32 s16, s7  }
0x1ac: {  	p1 =	slt.s32 s3, $0x30  }
0x1ad: {  	s3 =	simm.s32 @!p1 $0x30;
	vm2 =	vle.f32 v5, v4  }
0x1ae: {  	[tilespmem:s3+$0x10500] =	vst.msk vm2, v5  }
0x1af: {  	[tilespmem:s3+$0x10900] =	vst.msk vm2, v6  }
0x1b0: {  	v4 =	vld [tilespmem:s10+$0x10];
	_ =	sdelay $0x1  }
0x1b1: {  	s11 =	spop (v2sf)  }
0x1b2: {  	s3 =	sadd.s32 s12, s11  }
0x1b3: {  	p1 =	slt.s32 s3, $0x30  }
0x1b4: {  	s13 =	sor.u32 s25, s21;
	s3 =	simm.s32 @!p1 $0x30;
	vm3 =	vle.f32 v4, v3  }
0x1b5: {  	s4 =	sshll.u32 s13, $0x4;
	[tilespmem:s3+$0x10580] =	vst.msk vm3, v4  }
0x1b6: {  	s18 =	simm.s32 $0x10400;
	s16 =	sadd.s32 s5, s4;
	[tilespmem:s3+$0x10980] =	vst.msk vm3, v6  }
0x1b7: {  	[hbm4b:s16+s1] =	stream.linear.scatter [tilespmem:s18], [sflag:$0x3], $0x80, $0x38;
	[tilespmem:$0x10C00] =	vst v63  }
0x1b8: {  	s22 =	simm.s32 $0x10800;
	s19 =	sadd.s32 s6, s4;
	s23 =	sor.u32 $0x10, s4  }
0x1b9: {  	v3 =	vsel vm0, $0x1, v1;
	[hbm4b:s19+s1] =	stream.linear.scatter [tilespmem:s22], [sflag:$0x3], $0x80, $0x38;
	[tilespmem:$0x10C00] =	vst v63  }
0x1ba: {  	s31 =	simm.s32 $0x10480;
	s24 =	sadd.s32 s5, s23;
	(xrf0) =	vadd.scan.msk.s32 $0xffff, v3  }
0x1bb: {  	v3 =	vsel vm1, $0x1, v1;
	[hbm4b:s24+s1] =	stream.linear.scatter [tilespmem:s31], [sflag:$0x3], $0x80, $0x38;
	[tilespmem:$0x10C00] =	vst v63  }
0x1bc: {  	s11 =	sor.u32 $0x20, s4;
	s10 =	simm.s32 $0x10880;
	s3 =	sadd.s32 s6, s23;
	(xrf0) =	vadd.scan.msk.s32 $0xffff, v3  }
0x1bd: {  	v3 =	vsel vm2, $0x1, v1;
	[hbm4b:s3+s1] =	stream.linear.scatter [tilespmem:s10], [sflag:$0x3], $0x80, $0x38;
	[tilespmem:$0x10C00] =	vst v63  }
0x1be: {  	s13 =	simm.s32 $0x10500;
	s12 =	sadd.s32 s5, s11;
	(xrf0) =	vadd.scan.msk.s32 $0xffff, v3  }
0x1bf: {  	v3 =	vsel vm3, $0x1, v1;
	[hbm4b:s12+s1] =	stream.linear.scatter [tilespmem:s13], [sflag:$0x3], $0x80, $0x38;
	[tilespmem:$0x10C00] =	vst v63  }
0x1c0: {  	s16 =	simm.s32 $0x10900;
	s18 =	sor.u32 $0x30, s4;
	s3 =	sadd.s32 s6, s11  }
0x1c1: {  	[hbm4b:s3+s1] =	stream.linear.scatter [tilespmem:s16], [sflag:$0x3], $0x80, $0x38;
	[tilespmem:$0x10C00] =	vst v63  }
0x1c2: {  	(xrf0) =	vadd.scan.msk.s32 $0xffff, v3;
	s4 =	sadd.s32 s5, s18;
	s19 =	simm.s32 $0x10580;
	v3, _, _ =	vpop (xrf0)  }
0x1c3: {  	(v2sf) =	vpush v3, $0xF;
	[hbm4b:s4+s1] =	stream.linear.scatter [tilespmem:s19], [sflag:$0x3], $0x80, $0x38;
	[tilespmem:$0x10C00] =	vst v63  }
0x1c4: {  	p1 =	seq.s32 s15, $0x1F;
	s22 =	simm.s32 $0x10980;
	v3, _, _ =	vpop (xrf0);
	s3 =	sadd.s32 s6, s18  }
0x1c5: {  	(v2sf) =	vpush v3, $0xF;
	[hbm4b:s3+s1] =	stream.linear.scatter [tilespmem:s22], [sflag:$0x3], $0x80, $0x38;
	[tilespmem:$0x10C00] =	vst v63  }
0x1c6: {  	v3, _, _ =	vpop (xrf0);
	s3 =	sadd.s32 @!p1 s21, s2  }
0x1c7: {  	s7 =	rddreg [dreg:$0x2];
	s10 =	simm.s32 @!p1 $0x80;
	(v2sf) =	vpush v3, $0xF;
	s4 =	sshll.u32 @!p1 s3, $0xA  }
0x1c8: {  	s11 =	simm.s32 @!p1 $0x400;
	v3, _, _ =	vpop (xrf0);
	s12 =	simm.s32 @!p1 $0x0;
	s7 =	sadd.s32 @!p1 s7, s4  }
0x1c9: {  	(v2sf) =	vpush v3, $0xF;
	[tilespmem:s12], [sflag:$0x1] =	stream.strided.gather @!p1 [hbm4b:s7+s10], $0x2000, s11, s10, $0x38;
	[tilespmem:$0x10C00] =	vst v63  }
0x1ca: {  	s3 =	sshll.u32 @!p1 s3, $0x4;
	s7 =	rddreg [dreg:$0x6]  }
0x1cb: {  	s13 =	simm.s32 @!p1 $0x10000;
	s7 =	sadd.s32 @!p1 s7, s3  }
0x1cc: {  	[tilespmem:s13], [sflag:$0x1] =	stream.linear.gather @!p1 [hbm4b:s7+s12], $0x80, $0x38;
	[tilespmem:$0x10C00] =	vst v63  }
0x1cd: {  	s7 =	rddreg [dreg:$0xa]  }
0x1ce: {  	s13 =	simm.s32 @!p1 $0x2000;
	s7 =	sadd.s32 @!p1 s4, s7  }
0x1cf: {  	[tilespmem:s13], [sflag:$0x1] =	stream.strided.gather @!p1 [hbm4b:s7+s10], $0x2000, s11, s10, $0x38;
	[tilespmem:$0x10C00] =	vst v63  }
0x1d0: {  	s7 =	sadd.s32 @!p1 s3, s26;
	s13 =	simm.s32 @!p1 $0x10080  }
0x1d1: {  	[tilespmem:s13], [sflag:$0x1] =	stream.linear.gather @!p1 [hbm4b:s7+s12], $0x80, $0x38;
	[tilespmem:$0x10C00] =	vst v63  }
0x1d2: {  	s23 =	spop (v2sf);
	s7 =	sadd.s32 @!p1 s4, s29;
	s13 =	simm.s32 @!p1 $0x4000  }
0x1d3: {  	[tilespmem:s13], [sflag:$0x1] =	stream.strided.gather @!p1 [hbm4b:s7+s10], $0x2000, s11, s10, $0x38;
	[tilespmem:$0x10C00] =	vst v63  }
0x1d4: {  	s24 =	spop (v2sf);
	s7 =	sadd.s32 @!p1 s3, s30;
	s13 =	simm.s32 @!p1 $0x10100  }
0x1d5: {  	[tilespmem:s13], [sflag:$0x1] =	stream.linear.gather @!p1 [hbm4b:s7+s12], $0x80, $0x38;
	[tilespmem:$0x10C00] =	vst v63  }
0x1d6: {  	s31 =	spop (v2sf);
	s4 =	sadd.s32 @!p1 s4, s28;
	s7 =	simm.s32 @!p1 $0x6000  }
0x1d7: {  	[tilespmem:s7], [sflag:$0x1] =	stream.strided.gather @!p1 [hbm4b:s4+s10], $0x2000, s11, s10, $0x38;
	[tilespmem:$0x10C00] =	vst v63  }
0x1d8: {  	s3 =	sadd.s32 @!p1 s3, s0;
	s11 =	spop (v2sf);
	s4 =	simm.s32 @!p1 $0x10180  }
0x1d9: {  	[tilespmem:s4], [sflag:$0x1] =	stream.linear.gather @!p1 [hbm4b:s3+s12], $0x80, $0x38;
	[tilespmem:$0x10C00] =	vst v63  }
0x1da: {  	_ =	swait.ge [sflag:s20], $0x2000  }
0x1db: {  	[sflag:s20] =	ssyncset.done $0x0  }
0x1dc: {  	[sflag:s20] =	ssyncadd.s32 $0xFFFFE000  }
0x1dd: {  	_ =	swait.ge [sflag:s20], $0x80  }
0x1de: {  	[sflag:s20] =	ssyncset.done $0x0  }
0x1df: {  	[sflag:s20] =	ssyncadd.s32 $0xFFFFFF80  }
0x1e0: {  	_ =	swait.ge [sflag:s20], $0x2000  }
0x1e1: {  	[sflag:s20] =	ssyncset.done $0x0  }
0x1e2: {  	[sflag:s20] =	ssyncadd.s32 $0xFFFFE000  }
0x1e3: {  	_ =	swait.ge [sflag:s20], $0x80  }
0x1e4: {  	[sflag:s20] =	ssyncset.done $0x0  }
0x1e5: {  	[sflag:s20] =	ssyncadd.s32 $0xFFFFFF80  }
0x1e6: {  	_ =	swait.ge [sflag:s20], $0x2000  }
0x1e7: {  	[sflag:s20] =	ssyncset.done $0x0  }
0x1e8: {  	[sflag:s20] =	ssyncadd.s32 $0xFFFFE000  }
0x1e9: {  	_ =	swait.ge [sflag:s20], $0x80  }
0x1ea: {  	[sflag:s20] =	ssyncset.done $0x0  }
0x1eb: {  	[sflag:s20] =	ssyncadd.s32 $0xFFFFFF80  }
0x1ec: {  	_ =	swait.ge [sflag:s20], $0x2000  }
0x1ed: {  	[sflag:s20] =	ssyncset.done $0x0  }
0x1ee: {  	[sflag:s20] =	ssyncadd.s32 $0xFFFFE000  }
0x1ef: {  	_ =	swait.ge [sflag:s20], $0x80  }
0x1f0: {  	[sflag:s20] =	ssyncset.done $0x0  }
0x1f1: {  	s3 =	simm.s32 @!p0 $0x4;
	[sflag:s20] =	ssyncadd.s32 $0xFFFFFF80  }
0x1f2: {  	_ =	swait.ge @!p0 [sflag:s3], $0x80  }
0x1f3: {  	[sflag:s3] =	ssyncset.done @!p0 $0x0  }
0x1f4: {  	[sflag:s3] =	ssyncadd.s32 @!p0 $0xFFFFFF80  }
0x1f5: {  	_ =	swait.ge @!p0 [sflag:s3], $0x80  }
0x1f6: {  	[sflag:s3] =	ssyncset.done @!p0 $0x0  }
0x1f7: {  	[sflag:s3] =	ssyncadd.s32 @!p0 $0xFFFFFF80  }
0x1f8: {  	_ =	swait.ge @!p0 [sflag:s3], $0x80  }
0x1f9: {  	[sflag:s3] =	ssyncset.done @!p0 $0x0  }
0x1fa: {  	[sflag:s3] =	ssyncadd.s32 @!p0 $0xFFFFFF80  }
0x1fb: {  	_ =	swait.ge @!p0 [sflag:s3], $0x80  }
0x1fc: {  	[sflag:s3] =	ssyncset.done @!p0 $0x0  }
0x1fd: {  	[sflag:s3] =	ssyncadd.s32 @!p0 $0xFFFFFF80  }
0x1fe: {  	_ =	swait.ge @!p0 [sflag:s3], $0x80  }
0x1ff: {  	[sflag:s3] =	ssyncset.done @!p0 $0x0  }
0x200: {  	[sflag:s3] =	ssyncadd.s32 @!p0 $0xFFFFFF80  }
0x201: {  	_ =	swait.ge @!p0 [sflag:s3], $0x80  }
0x202: {  	[sflag:s3] =	ssyncset.done @!p0 $0x0  }
0x203: {  	[sflag:s3] =	ssyncadd.s32 @!p0 $0xFFFFFF80  }
0x204: {  	_ =	swait.ge @!p0 [sflag:s3], $0x80  }
0x205: {  	[sflag:s3] =	ssyncset.done @!p0 $0x0  }
0x206: {  	[sflag:s3] =	ssyncadd.s32 @!p0 $0xFFFFFF80  }
0x207: {  	_ =	swait.ge @!p0 [sflag:s3], $0x80  }
0x208: {  	[sflag:s3] =	ssyncset.done @!p0 $0x0  }
0x209: {  	[sflag:s3] =	ssyncadd.s32 @!p0 $0xFFFFFF80  }
0x20a: {  	[tilespmem:$0x10600] =	vst v0  }
0x20b: {  	[tilespmem:$0x10610] =	vst v0  }
0x20c: {  	[tilespmem:$0x10620] =	vst v0  }
0x20d: {  	[tilespmem:$0x10630] =	vst v0  }
0x20e: {  	[tilespmem:$0x10680] =	vst v0  }
0x20f: {  	[tilespmem:$0x10690] =	vst v0  }
0x210: {  	[tilespmem:$0x106A0] =	vst v0  }
0x211: {  	[tilespmem:$0x106B0] =	vst v0  }
0x212: {  	[tilespmem:$0x10700] =	vst v0  }
0x213: {  	[tilespmem:$0x10710] =	vst v0  }
0x214: {  	[tilespmem:$0x10720] =	vst v0  }
0x215: {  	[tilespmem:$0x10730] =	vst v0  }
0x216: {  	[tilespmem:$0x10780] =	vst v0  }
0x217: {  	[tilespmem:$0x10790] =	vst v0  }
0x218: {  	[tilespmem:$0x107A0] =	vst v0  }
0x219: {  	s7 =	simm.s32 $0x8020;
	[tilespmem:$0x107B0] =	vst v0;
	v6 =	vld [tilespmem:$0x10200]  }
0x21a: {  	v7 =	vld [tilespmem:s7+$0xFFFFFFE0];
	_ =	sdelay $0x3  }
0x21b: {  	s10 =	simm.s32 $0x0;
	p0 =	por $0x1, $0x1;
	v5 =	vld [tilespmem:$0x10280]  }
0x21c: {  	s13 =	simm.s32 $0x0;
	v4 =	vld [tilespmem:$0x10300];
	s10 =	simm.s32 @!p0 $0x30;
	vm0 =	vle.f32 v7, v6  }
0x21d: {  	v3 =	vld [tilespmem:$0x10380];
	[tilespmem:s10+$0x10600] =	vst.msk vm0, v7;
	v7 =	vor.u32 s13, v2  }
0x21e: {  	s4 =	simm.s32 $0xA020;
	[tilespmem:s10+$0x10A00] =	vst.msk vm0, v7  }
0x21f: {  	v8 =	vld [tilespmem:s4+$0xFFFFFFE0];
	_ =	sdelay $0x2  }
0x220: {  	v9 =	vsel vm0, $0x1, v1  }
0x221: {  	(xrf0) =	vadd.scan.msk.s32 $0xffff, v9  }
0x222: {  	vm0 =	vle.f32 v8, v5  }
0x223: {  	[tilespmem:s10+$0x10680] =	vst.msk vm0, v8  }
0x224: {  	s3 =	simm.s32 $0xC020;
	[tilespmem:s10+$0x10A80] =	vst.msk vm0, v7  }
0x225: {  	v8 =	vld [tilespmem:s3+$0xFFFFFFE0];
	_ =	sdelay $0x1  }
0x226: {  	v9, _, _ =	vpop (xrf0)  }
0x227: {  	v10 =	vsel vm0, $0x1, v1;
	(v2sf) =	vpush v9, $0xF  }
0x228: {  	(xrf0) =	vadd.scan.msk.s32 $0xffff, v10  }
0x229: {  	vm0 =	vle.f32 v8, v4  }
0x22a: {  	[tilespmem:s10+$0x10700] =	vst.msk vm0, v8  }
0x22b: {  	s21 =	simm.s32 $0xE020;
	[tilespmem:s10+$0x10B00] =	vst.msk vm0, v7  }
0x22c: {  	v8 =	vld [tilespmem:s21+$0xFFFFFFE0];
	_ =	sdelay $0x1  }
0x22d: {  	v9, _, _ =	vpop (xrf0)  }
0x22e: {  	v10 =	vsel vm0, $0x1, v1;
	(v2sf) =	vpush v9, $0xF  }
0x22f: {  	(xrf0) =	vadd.scan.msk.s32 $0xffff, v10  }
0x230: {  	vm0 =	vle.f32 v8, v3  }
0x231: {  	[tilespmem:s10+$0x10780] =	vst.msk vm0, v8  }
0x232: {  	[tilespmem:s10+$0x10B80] =	vst.msk vm0, v7  }
0x233: {  	v7 =	vld [tilespmem:s7+$0xFFFFFFF0];
	_ =	sdelay $0x1  }
0x234: {  	s16 =	spop (v2sf);
	v8, _, _ =	vpop (xrf0)  }
0x235: {  	v9 =	vsel vm0, $0x1, v1;
	s10 =	sadd.s32 $0x0, s16;
	(v2sf) =	vpush v8, $0xF  }
0x236: {  	(xrf0) =	vadd.scan.msk.s32 $0xffff, v9;
	p0 =	slt.s32 s10, $0x30;
	s11 =	smov.u32 s10  }
0x237: {  	s18 =	simm.s32 $0x10;
	s11 =	simm.s32 @!p0 $0x30;
	vm0 =	vle.f32 v7, v6  }
0x238: {  	[tilespmem:s11+$0x10600] =	vst.msk vm0, v7;
	v7 =	vor.u32 s18, v2  }
0x239: {  	[tilespmem:s11+$0x10A00] =	vst.msk vm0, v7  }
0x23a: {  	v8 =	vld [tilespmem:s4+$0xFFFFFFF0];
	_ =	sdelay $0x1  }
0x23b: {  	v9, _, _ =	vpop (xrf0);
	s19 =	spop (v2sf)  }
0x23c: {  	v10 =	vsel vm0, $0x1, v1;
	(v2sf) =	vpush v9, $0xF;
	s11 =	sadd.s32 $0x0, s19  }
0x23d: {  	(xrf0) =	vadd.scan.msk.s32 $0xffff, v10;
	p0 =	slt.s32 s11, $0x30;
	s12 =	smov.u32 s11  }
0x23e: {  	s12 =	simm.s32 @!p0 $0x30;
	vm0 =	vle.f32 v8, v5  }
0x23f: {  	[tilespmem:s12+$0x10680] =	vst.msk vm0, v8  }
0x240: {  	[tilespmem:s12+$0x10A80] =	vst.msk vm0, v7  }
0x241: {  	v8 =	vld [tilespmem:s3+$0xFFFFFFF0];
	_ =	sdelay $0x1  }
0x242: {  	v9, _, _ =	vpop (xrf0);
	s22 =	spop (v2sf)  }
0x243: {  	v10 =	vsel vm0, $0x1, v1;
	(v2sf) =	vpush v9, $0xF;
	s12 =	sadd.s32 $0x0, s22  }
0x244: {  	(xrf0) =	vadd.scan.msk.s32 $0xffff, v10;
	p0 =	slt.s32 s12, $0x30;
	s13 =	smov.u32 s12  }
0x245: {  	s13 =	simm.s32 @!p0 $0x30;
	vm0 =	vle.f32 v8, v4  }
0x246: {  	[tilespmem:s13+$0x10700] =	vst.msk vm0, v8  }
0x247: {  	[tilespmem:s13+$0x10B00] =	vst.msk vm0, v7  }
0x248: {  	v8 =	vld [tilespmem:s21+$0xFFFFFFF0];
	_ =	sdelay $0x1  }
0x249: {  	s23 =	spop (v2sf);
	v9, _, _ =	vpop (xrf0)  }
0x24a: {  	v10 =	vsel vm0, $0x1, v1;
	(v2sf) =	vpush v9, $0xF;
	s13 =	sadd.s32 $0x0, s23  }
0x24b: {  	(xrf0) =	vadd.scan.msk.s32 $0xffff, v10;
	p0 =	slt.s32 s13, $0x30;
	s16 =	smov.u32 s13  }
0x24c: {  	s16 =	simm.s32 @!p0 $0x30;
	vm0 =	vle.f32 v8, v3  }
0x24d: {  	[tilespmem:s16+$0x10780] =	vst.msk vm0, v8  }
0x24e: {  	[tilespmem:s16+$0x10B80] =	vst.msk vm0, v7  }
0x24f: {  	v7 =	vld [tilespmem:s7+$0x0];
	_ =	sdelay $0x1  }
0x250: {  	s24 =	spop (v2sf);
	v8, _, _ =	vpop (xrf0)  }
0x251: {  	s10 =	sadd.s32 s10, s24;
	v9 =	vsel vm0, $0x1, v1;
	(v2sf) =	vpush v8, $0xF  }
0x252: {  	p0 =	slt.s32 s10, $0x30;
	(xrf0) =	vadd.scan.msk.s32 $0xffff, v9;
	s16 =	smov.u32 s10  }
0x253: {  	s31 =	simm.s32 $0x20;
	s16 =	simm.s32 @!p0 $0x30;
	vm0 =	vle.f32 v7, v6  }
0x254: {  	[tilespmem:s16+$0x10600] =	vst.msk vm0, v7;
	v7 =	vor.u32 s31, v2  }
0x255: {  	[tilespmem:s16+$0x10A00] =	vst.msk vm0, v7  }
0x256: {  	v8 =	vld [tilespmem:s4+$0x0];
	_ =	sdelay $0x1  }
0x257: {  	s19 =	spop (v2sf);
	v9, _, _ =	vpop (xrf0)  }
0x258: {  	s11 =	sadd.s32 s11, s19;
	v10 =	vsel vm0, $0x1, v1;
	(v2sf) =	vpush v9, $0xF  }
0x259: {  	p0 =	slt.s32 s11, $0x30;
	(xrf0) =	vadd.scan.msk.s32 $0xffff, v10;
	s16 =	smov.u32 s11  }
0x25a: {  	s16 =	simm.s32 @!p0 $0x30;
	vm0 =	vle.f32 v8, v5  }
0x25b: {  	[tilespmem:s16+$0x10680] =	vst.msk vm0, v8  }
0x25c: {  	[tilespmem:s16+$0x10A80] =	vst.msk vm0, v7  }
0x25d: {  	v8 =	vld [tilespmem:s3+$0x0];
	_ =	sdelay $0x1  }
0x25e: {  	v9, _, _ =	vpop (xrf0);
	s22 =	spop (v2sf)  }
0x25f: {  	v10 =	vsel vm0, $0x1, v1;
	(v2sf) =	vpush v9, $0xF;
	s12 =	sadd.s32 s12, s22  }
0x260: {  	(xrf0) =	vadd.scan.msk.s32 $0xffff, v10;
	p0 =	slt.s32 s12, $0x30;
	s16 =	smov.u32 s12  }
0x261: {  	s16 =	simm.s32 @!p0 $0x30;
	vm0 =	vle.f32 v8, v4  }
0x262: {  	[tilespmem:s16+$0x10700] =	vst.msk vm0, v8  }
0x263: {  	[tilespmem:s16+$0x10B00] =	vst.msk vm0, v7  }
0x264: {  	v8 =	vld [tilespmem:s21+$0x0];
	_ =	sdelay $0x1  }
0x265: {  	s23 =	spop (v2sf);
	v9, _, _ =	vpop (xrf0)  }
0x266: {  	s13 =	sadd.s32 s13, s23;
	v10 =	vsel vm0, $0x1, v1;
	(v2sf) =	vpush v9, $0xF  }
0x267: {  	p0 =	slt.s32 s13, $0x30;
	(xrf0) =	vadd.scan.msk.s32 $0xffff, v10;
	s16 =	smov.u32 s13  }
0x268: {  	s16 =	simm.s32 @!p0 $0x30;
	vm0 =	vle.f32 v8, v3  }
0x269: {  	[tilespmem:s16+$0x10780] =	vst.msk vm0, v8  }
0x26a: {  	[tilespmem:s16+$0x10B80] =	vst.msk vm0, v7  }
0x26b: {  	v7 =	vld [tilespmem:s7+$0x10];
	_ =	sdelay $0x1  }
0x26c: {  	s24 =	spop (v2sf);
	v8, _, _ =	vpop (xrf0)  }
0x26d: {  	v9 =	vsel vm0, $0x1, v1;
	(v2sf) =	vpush v8, $0xF;
	s7 =	sadd.s32 s10, s24  }
0x26e: {  	(xrf0) =	vadd.scan.msk.s32 $0xffff, v9;
	p0 =	slt.s32 s7, $0x30;
	s10 =	smov.u32 s7  }
0x26f: {  	s31 =	simm.s32 $0x30;
	s10 =	simm.s32 @!p0 $0x30;
	vm0 =	vle.f32 v7, v6  }
0x270: {  	[tilespmem:s10+$0x10600] =	vst.msk vm0, v7;
	v7 =	vor.u32 s31, v2  }
0x271: {  	[tilespmem:s10+$0x10A00] =	vst.msk vm0, v7  }
0x272: {  	v8 =	vld [tilespmem:s4+$0x10];
	_ =	sdelay $0x1  }
0x273: {  	v9, _, _ =	vpop (xrf0);
	s10 =	spop (v2sf)  }
0x274: {  	v10 =	vsel vm0, $0x1, v1;
	(v2sf) =	vpush v9, $0xF;
	s4 =	sadd.s32 s11, s10  }
0x275: {  	(xrf0) =	vadd.scan.msk.s32 $0xffff, v10;
	p0 =	slt.s32 s4, $0x30;
	s10 =	smov.u32 s4  }
0x276: {  	s10 =	simm.s32 @!p0 $0x30;
	vm0 =	vle.f32 v8, v5  }
0x277: {  	[tilespmem:s10+$0x10680] =	vst.msk vm0, v8  }
0x278: {  	[tilespmem:s10+$0x10A80] =	vst.msk vm0, v7  }
0x279: {  	v8 =	vld [tilespmem:s3+$0x10];
	_ =	sdelay $0x1  }
0x27a: {  	v9, _, _ =	vpop (xrf0);
	s11 =	spop (v2sf)  }
0x27b: {  	v10 =	vsel vm0, $0x1, v1;
	(v2sf) =	vpush v9, $0xF;
	s16 =	sadd.s32 s12, s11  }
0x27c: {  	(xrf0) =	vadd.scan.msk.s32 $0xffff, v10;
	p0 =	slt.s32 s16, $0x30;
	s3 =	smov.u32 s16  }
0x27d: {  	s3 =	simm.s32 @!p0 $0x30;
	vm0 =	vle.f32 v8, v4  }
0x27e: {  	[tilespmem:s3+$0x10700] =	vst.msk vm0, v8  }
0x27f: {  	[tilespmem:s3+$0x10B00] =	vst.msk vm0, v7  }
0x280: {  	v10 =	vsel vm0, $0x1, v1;
	v8 =	vld [tilespmem:s21+$0x10]  }
0x281: {  	(xrf0) =	vadd.scan.msk.s32 $0xffff, v10  }
0x282: {  	v9, _, _ =	vpop (xrf0);
	s19 =	spop (v2sf)  }
0x283: {  	(v2sf) =	vpush v9, $0xF;
	s12 =	sadd.s32 s13, s19  }
0x284: {  	p0 =	slt.s32 s12, $0x30;
	s3 =	smov.u32 s12  }
0x285: {  	s3 =	simm.s32 @!p0 $0x30;
	vm0 =	vle.f32 v8, v3  }
0x286: {  	v9 =	vsel vm0, $0x1, v1;
	[tilespmem:s3+$0x10780] =	vst.msk vm0, v8  }
0x287: {  	s11 =	simm.s32 $0x8060;
	v8, _, _ =	vpop (xrf0);
	[tilespmem:s3+$0x10B80] =	vst.msk vm0, v7;
	(xrf0) =	vadd.scan.msk.s32 $0xffff, v9  }
0x288: {  	(v2sf) =	vpush v8, $0xF;
	v7 =	vld [tilespmem:s11+$0xFFFFFFE0];
	_ =	sdelay $0x1  }
0x289: {  	s22 =	spop (v2sf)  }
0x28a: {  	s18 =	sadd.s32 s7, s22  }
0x28b: {  	p0 =	slt.s32 s18, $0x30;
	s3 =	smov.u32 s18  }
0x28c: {  	s23 =	simm.s32 $0x40;
	s3 =	simm.s32 @!p0 $0x30;
	vm0 =	vle.f32 v7, v6;
	v8, _, _ =	vpop (xrf0)  }
0x28d: {  	[tilespmem:s3+$0x10600] =	vst.msk vm0, v7;
	v7 =	vor.u32 s23, v2;
	(v2sf) =	vpush v8, $0xF  }
0x28e: {  	v9 =	vsel vm0, $0x1, v1;
	[tilespmem:s3+$0x10A00] =	vst.msk vm0, v7;
	s3 =	simm.s32 $0xA060  }
0x28f: {  	(xrf0) =	vadd.scan.msk.s32 $0xffff, v9;
	v8 =	vld [tilespmem:s3+$0xFFFFFFE0];
	_ =	sdelay $0x1  }
0x290: {  	s24 =	spop (v2sf)  }
0x291: {  	s13 =	sadd.s32 s4, s24  }
0x292: {  	p0 =	slt.s32 s13, $0x30;
	s4 =	smov.u32 s13  }
0x293: {  	s4 =	simm.s32 @!p0 $0x30;
	vm0 =	vle.f32 v8, v5  }
0x294: {  	v9 =	vsel vm0, $0x1, v1;
	[tilespmem:s4+$0x10680] =	vst.msk vm0, v8;
	v8, _, _ =	vpop (xrf0)  }
0x295: {  	s31 =	spop (v2sf);
	[tilespmem:s4+$0x10A80] =	vst.msk vm0, v7;
	(xrf0) =	vadd.scan.msk.s32 $0xffff, v9;
	s4 =	simm.s32 $0xC060;
	(v2sf) =	vpush v8, $0xF  }
0x296: {  	v9 =	vld [tilespmem:s4+$0xFFFFFFE0];
	_ =	sdelay $0x2  }
0x297: {  	s16 =	sadd.s32 s16, s31  }
0x298: {  	s7 =	simm.s32 $0x70;
	p0 =	slt.s32 s16, $0x30;
	s22 =	smov.u32 s16  }
0x299: {  	s23 =	simm.s32 $0xB0;
	s22 =	simm.s32 @!p0 $0x30;
	vm0 =	vle.f32 v9, v4;
	v8, _, _ =	vpop (xrf0);
	s19 =	spop (v2sf)  }
.LBB2_5:
0x29a: {  	s19 =	sadd.s32 s12, s19  }
0x29b: {  	[tilespmem:s22+$0x10700] =	vst.msk vm0, v9;
	s21 =	sadd.s32 $0x40, s21;
	s12 =	smov.u32 s23;
	s10 =	sadd.s32 $0x40, s23  }
0x29c: {  	p0 =	sne.s32 s23, $0x1FF0;
	[tilespmem:s22+$0x10B00] =	vst.msk vm0, v7;
	p1 =	slt.s32 s19, $0x30  }
0x29d: {  	v9 =	vld [tilespmem:s21+$0xFFFFFFE0];
	_ =	sdelay $0x2  }
0x29e: {  	v10 =	vsel vm0, $0x1, v1;
	(v2sf) =	vpush v8, $0xF  }
0x29f: {  	s22 =	smov.u32 s19;
	(xrf0) =	vadd.scan.msk.s32 $0xffff, v10  }
0x2a0: {  	s22 =	simm.s32 @!p1 $0x30;
	vm0 =	vle.f32 v9, v3;
	s23 =	spop (v2sf)  }
0x2a1: {  	s18 =	sadd.s32 s18, s23;
	v8 =	vsel vm0, $0x1, v1;
	[tilespmem:s22+$0x10780] =	vst.msk vm0, v9  }
0x2a2: {  	[tilespmem:s22+$0x10B80] =	vst.msk vm0, v7;
	p1 =	slt.s32 s18, $0x30;
	(xrf0) =	vadd.scan.msk.s32 $0xffff, v8  }
0x2a3: {  	v7 =	vld [tilespmem:s11+$0xFFFFFFF0];
	_ =	sdelay $0x1  }
0x2a4: {  	v8, _, _ =	vpop (xrf0)  }
0x2a5: {  	(v2sf) =	vpush v8, $0xF  }
0x2a6: {  	s23 =	smov.u32 s18  }
0x2a7: {  	s22 =	sadd.s32 $0xFFFFFFE0, s7;
	s23 =	simm.s32 @!p1 $0x30;
	vm0 =	vle.f32 v7, v6;
	v8, _, _ =	vpop (xrf0)  }
0x2a8: {  	v9 =	vsel vm0, $0x1, v1;
	[tilespmem:s23+$0x10600] =	vst.msk vm0, v7;
	v7 =	vor.u32 s22, v2;
	(v2sf) =	vpush v8, $0xF  }
0x2a9: {  	[tilespmem:s23+$0x10A00] =	vst.msk vm0, v7;
	(xrf0) =	vadd.scan.msk.s32 $0xffff, v9  }
0x2aa: {  	v8 =	vld [tilespmem:s3+$0xFFFFFFF0];
	_ =	sdelay $0x1  }
0x2ab: {  	s22 =	spop (v2sf)  }
0x2ac: {  	s23 =	sadd.s32 s13, s22  }
0x2ad: {  	p1 =	slt.s32 s23, $0x30;
	s13 =	smov.u32 s23  }
0x2ae: {  	vm0 =	vle.f32 v8, v5;
	s13 =	simm.s32 @!p1 $0x30;
	v9, _, _ =	vpop (xrf0)  }
0x2af: {  	v10 =	vsel vm0, $0x1, v1;
	[tilespmem:s13+$0x10680] =	vst.msk vm0, v8;
	(v2sf) =	vpush v9, $0xF  }
0x2b0: {  	[tilespmem:s13+$0x10A80] =	vst.msk vm0, v7;
	(xrf0) =	vadd.scan.msk.s32 $0xffff, v10  }
0x2b1: {  	v8 =	vld [tilespmem:s4+$0xFFFFFFF0];
	_ =	sdelay $0x1  }
0x2b2: {  	s13 =	spop (v2sf)  }
0x2b3: {  	s22 =	sadd.s32 s16, s13  }
0x2b4: {  	p1 =	slt.s32 s22, $0x30;
	s16 =	smov.u32 s22  }
0x2b5: {  	vm0 =	vle.f32 v8, v4;
	s16 =	simm.s32 @!p1 $0x30;
	s13 =	spop (v2sf);
	v9, _, _ =	vpop (xrf0)  }
0x2b6: {  	s13 =	sadd.s32 s19, s13;
	v10 =	vsel vm0, $0x1, v1;
	[tilespmem:s16+$0x10700] =	vst.msk vm0, v8;
	(v2sf) =	vpush v9, $0xF  }
0x2b7: {  	[tilespmem:s16+$0x10B00] =	vst.msk vm0, v7;
	p1 =	slt.s32 s13, $0x30;
	(xrf0) =	vadd.scan.msk.s32 $0xffff, v10  }
0x2b8: {  	v8 =	vld [tilespmem:s21+$0xFFFFFFF0];
	_ =	sdelay $0x3  }
0x2b9: {  	s19 =	smov.u32 s13  }
0x2ba: {  	s19 =	simm.s32 @!p1 $0x30;
	vm0 =	vle.f32 v8, v3;
	s16 =	spop (v2sf);
	v9, _, _ =	vpop (xrf0)  }
0x2bb: {  	s16 =	sadd.s32 s18, s16;
	v10 =	vsel vm0, $0x1, v1;
	[tilespmem:s19+$0x10780] =	vst.msk vm0, v8;
	(v2sf) =	vpush v9, $0xF  }
0x2bc: {  	[tilespmem:s19+$0x10B80] =	vst.msk vm0, v7;
	p1 =	slt.s32 s16, $0x30;
	(xrf0) =	vadd.scan.msk.s32 $0xffff, v10  }
0x2bd: {  	v7 =	vld [tilespmem:s11+$0x0];
	_ =	sdelay $0x3  }
0x2be: {  	s19 =	smov.u32 s16  }
0x2bf: {  	s18 =	sadd.s32 $0xFFFFFFF0, s7;
	s19 =	simm.s32 @!p1 $0x30;
	vm0 =	vle.f32 v7, v6;
	s24 =	spop (v2sf);
	v8, _, _ =	vpop (xrf0)  }
0x2c0: {  	s23 =	sadd.s32 s23, s24;
	v9 =	vsel vm0, $0x1, v1;
	[tilespmem:s19+$0x10600] =	vst.msk vm0, v7;
	v7 =	vor.u32 s18, v2;
	(v2sf) =	vpush v8, $0xF  }
0x2c1: {  	[tilespmem:s19+$0x10A00] =	vst.msk vm0, v7;
	p1 =	slt.s32 s23, $0x30;
	(xrf0) =	vadd.scan.msk.s32 $0xffff, v9  }
0x2c2: {  	v8 =	vld [tilespmem:s3+$0x0];
	_ =	sdelay $0x3  }
0x2c3: {  	s19 =	smov.u32 s23  }
0x2c4: {  	s19 =	simm.s32 @!p1 $0x30;
	vm0 =	vle.f32 v8, v5;
	s18 =	spop (v2sf);
	v9, _, _ =	vpop (xrf0)  }
0x2c5: {  	s18 =	sadd.s32 s22, s18;
	v10 =	vsel vm0, $0x1, v1;
	[tilespmem:s19+$0x10680] =	vst.msk vm0, v8;
	(v2sf) =	vpush v9, $0xF  }
0x2c6: {  	[tilespmem:s19+$0x10A80] =	vst.msk vm0, v7;
	p1 =	slt.s32 s18, $0x30;
	(xrf0) =	vadd.scan.msk.s32 $0xffff, v10  }
0x2c7: {  	v8 =	vld [tilespmem:s4+$0x0];
	_ =	sdelay $0x3  }
0x2c8: {  	s22 =	smov.u32 s18  }
0x2c9: {  	s22 =	simm.s32 @!p1 $0x30;
	vm0 =	vle.f32 v8, v4;
	s19 =	spop (v2sf);
	v9, _, _ =	vpop (xrf0)  }
0x2ca: {  	s19 =	sadd.s32 s13, s19;
	v10 =	vsel vm0, $0x1, v1;
	[tilespmem:s22+$0x10700] =	vst.msk vm0, v8;
	(v2sf) =	vpush v9, $0xF  }
0x2cb: {  	[tilespmem:s22+$0x10B00] =	vst.msk vm0, v7;
	p1 =	slt.s32 s19, $0x30;
	(xrf0) =	vadd.scan.msk.s32 $0xffff, v10  }
0x2cc: {  	v8 =	vld [tilespmem:s21+$0x0];
	_ =	sdelay $0x3  }
0x2cd: {  	s13 =	smov.u32 s19  }
0x2ce: {  	s13 =	simm.s32 @!p1 $0x30;
	vm0 =	vle.f32 v8, v3;
	s22 =	spop (v2sf);
	v9, _, _ =	vpop (xrf0)  }
0x2cf: {  	s22 =	sadd.s32 s16, s22;
	v10 =	vsel vm0, $0x1, v1;
	[tilespmem:s13+$0x10780] =	vst.msk vm0, v8;
	(v2sf) =	vpush v9, $0xF  }
0x2d0: {  	[tilespmem:s13+$0x10B80] =	vst.msk vm0, v7;
	p1 =	slt.s32 s22, $0x30;
	(xrf0) =	vadd.scan.msk.s32 $0xffff, v10  }
0x2d1: {  	v7 =	vld [tilespmem:s11+$0x10];
	_ =	sdelay $0x3  }
0x2d2: {  	s16 =	smov.u32 s22  }
0x2d3: {  	s16 =	simm.s32 @!p1 $0x30;
	vm0 =	vle.f32 v7, v6;
	s13 =	spop (v2sf);
	v8, _, _ =	vpop (xrf0)  }
0x2d4: {  	s13 =	sadd.s32 s23, s13;
	v9 =	vsel vm0, $0x1, v1;
	[tilespmem:s16+$0x10600] =	vst.msk vm0, v7;
	v7 =	vor.u32 s7, v2;
	(v2sf) =	vpush v8, $0xF;
	s7 =	smov.u32 s12  }
0x2d5: {  	[tilespmem:s16+$0x10A00] =	vst.msk vm0, v7;
	p1 =	slt.s32 s13, $0x30;
	(xrf0) =	vadd.scan.msk.s32 $0xffff, v9  }
0x2d6: {  	v8 =	vld [tilespmem:s3+$0x10];
	_ =	sdelay $0x3  }
0x2d7: {  	s12 =	smov.u32 s13  }
0x2d8: {  	s12 =	simm.s32 @!p1 $0x30;
	vm0 =	vle.f32 v8, v5;
	s16 =	spop (v2sf);
	v9, _, _ =	vpop (xrf0)  }
0x2d9: {  	s16 =	sadd.s32 s18, s16;
	v10 =	vsel vm0, $0x1, v1;
	[tilespmem:s12+$0x10680] =	vst.msk vm0, v8;
	(v2sf) =	vpush v9, $0xF  }
0x2da: {  	[tilespmem:s12+$0x10A80] =	vst.msk vm0, v7;
	p1 =	slt.s32 s16, $0x30;
	(xrf0) =	vadd.scan.msk.s32 $0xffff, v10  }
0x2db: {  	v8 =	vld [tilespmem:s4+$0x10];
	_ =	sdelay $0x3  }
0x2dc: {  	s18 =	smov.u32 s16  }
0x2dd: {  	s18 =	simm.s32 @!p1 $0x30;
	vm0 =	vle.f32 v8, v4;
	s12 =	spop (v2sf);
	v9, _, _ =	vpop (xrf0)  }
0x2de: {  	s12 =	sadd.s32 s19, s12;
	v10 =	vsel vm0, $0x1, v1;
	[tilespmem:s18+$0x10700] =	vst.msk vm0, v8;
	(v2sf) =	vpush v9, $0xF  }
0x2df: {  	[tilespmem:s18+$0x10B00] =	vst.msk vm0, v7;
	p1 =	slt.s32 s12, $0x30;
	(xrf0) =	vadd.scan.msk.s32 $0xffff, v10  }
0x2e0: {  	v8 =	vld [tilespmem:s21+$0x10];
	_ =	sdelay $0x3  }
0x2e1: {  	s19 =	smov.u32 s12  }
0x2e2: {  	s19 =	simm.s32 @!p1 $0x30;
	vm0 =	vle.f32 v8, v3;
	s18 =	spop (v2sf);
	v9, _, _ =	vpop (xrf0)  }
0x2e3: {  	s18 =	sadd.s32 s22, s18;
	v10 =	vsel vm0, $0x1, v1;
	[tilespmem:s19+$0x10780] =	vst.msk vm0, v8;
	(v2sf) =	vpush v9, $0xF  }
0x2e4: {  	s11 =	sadd.s32 $0x40, s11;
	p1 =	slt.s32 s18, $0x30;
	[tilespmem:s19+$0x10B80] =	vst.msk vm0, v7;
	(xrf0) =	vadd.scan.msk.s32 $0xffff, v10  }
0x2e5: {  	v7 =	vld [tilespmem:s11+$0xFFFFFFE0];
	_ =	sdelay $0x3  }
0x2e6: {  	s22 =	smov.u32 s18  }
0x2e7: {  	s19 =	sadd.s32 $0xFFFFFFD0, s7;
	s22 =	simm.s32 @!p1 $0x30;
	vm0 =	vle.f32 v7, v6;
	s23 =	spop (v2sf);
	v8, _, _ =	vpop (xrf0)  }
0x2e8: {  	v9 =	vsel vm0, $0x1, v1;
	[tilespmem:s22+$0x10600] =	vst.msk vm0, v7;
	v7 =	vor.u32 s19, v2;
	s13 =	sadd.s32 s13, s23;
	(v2sf) =	vpush v8, $0xF  }
0x2e9: {  	s3 =	sadd.s32 $0x40, s3;
	[tilespmem:s22+$0x10A00] =	vst.msk vm0, v7;
	p1 =	slt.s32 s13, $0x30;
	(xrf0) =	vadd.scan.msk.s32 $0xffff, v9  }
0x2ea: {  	v8 =	vld [tilespmem:s3+$0xFFFFFFE0];
	_ =	sdelay $0x3  }
0x2eb: {  	s19 =	smov.u32 s13  }
0x2ec: {  	s19 =	simm.s32 @!p1 $0x30;
	vm0 =	vle.f32 v8, v5;
	v9, _, _ =	vpop (xrf0);
	s22 =	spop (v2sf)  }
0x2ed: {  	v10 =	vsel vm0, $0x1, v1;
	[tilespmem:s19+$0x10680] =	vst.msk vm0, v8;
	(v2sf) =	vpush v9, $0xF;
	s16 =	sadd.s32 s16, s22  }
0x2ee: {  	s4 =	sadd.s32 $0x40, s4;
	[tilespmem:s19+$0x10A80] =	vst.msk vm0, v7;
	p1 =	slt.s32 s16, $0x30;
	(xrf0) =	vadd.scan.msk.s32 $0xffff, v10  }
0x2ef: {  	v9 =	vld [tilespmem:s4+$0xFFFFFFE0]  }
.Ltmp1:
0x2f0: {  	(pc) =	sbr.rel @p0 .LBB2_5-.Ltmp1, $3  }
0x2f1: {  	_ =	sdelay $0x1  }
0x2f2: {  	s22 =	smov.u32 s16  }
0x2f3: {  	s23 =	smov.u32 s10;
	s22 =	simm.s32 @!p1 $0x30;
	vm0 =	vle.f32 v9, v4;
	v8, _, _ =	vpop (xrf0);
	s19 =	spop (v2sf)  }
0x2f4: {  	[tilespmem:s22+$0x10700] =	vst.msk vm0, v9  }
0x2f5: {  	s10 =	sadd.s32 $0x40, s21;
	[tilespmem:s22+$0x10B00] =	vst.msk vm0, v7  }
0x2f6: {  	v9 =	vld [tilespmem:s10+$0xFFFFFFE0];
	_ =	sdelay $0x2  }
0x2f7: {  	s12 =	sadd.s32 s12, s19;
	v10 =	vsel vm0, $0x1, v1;
	(v2sf) =	vpush v8, $0xF  }
0x2f8: {  	p0 =	slt.s32 s12, $0x30;
	(xrf0) =	vadd.scan.msk.s32 $0xffff, v10;
	s19 =	smov.u32 s12  }
0x2f9: {  	s19 =	simm.s32 @!p0 $0x30;
	vm5 =	vle.f32 v9, v3  }
0x2fa: {  	[tilespmem:s19+$0x10780] =	vst.msk vm5, v9  }
0x2fb: {  	[tilespmem:s19+$0x10B80] =	vst.msk vm5, v7  }
0x2fc: {  	v7 =	vld [tilespmem:s11+$0xFFFFFFF0];
	_ =	sdelay $0x1  }
0x2fd: {  	s24 =	spop (v2sf);
	v37, _, _ =	vpop (xrf0)  }
0x2fe: {  	s18 =	sadd.s32 s18, s24;
	v38 =	vsel vm5, $0x1, v1;
	(v2sf) =	vpush v37, $0xF  }
0x2ff: {  	p0 =	slt.s32 s18, $0x30;
	(xrf0) =	vadd.scan.msk.s32 $0xffff, v38;
	s19 =	smov.u32 s18  }
0x300: {  	s31 =	sadd.s32 $0xFFFFFFE0, s7;
	s19 =	simm.s32 @!p0 $0x30;
	vm6 =	vle.f32 v7, v6  }
0x301: {  	v39 =	vor.u32 s31, v2;
	[tilespmem:s19+$0x10600] =	vst.msk vm6, v7  }
0x302: {  	[tilespmem:s19+$0x10A00] =	vst.msk vm6, v39  }
0x303: {  	v40 =	vld [tilespmem:s3+$0xFFFFFFF0];
	_ =	sdelay $0x1  }
0x304: {  	v9, _, _ =	vpop (xrf0);
	s21 =	spop (v2sf)  }
0x305: {  	v41 =	vsel vm6, $0x1, v1;
	(v2sf) =	vpush v9, $0xF;
	s13 =	sadd.s32 s13, s21  }
0x306: {  	(xrf0) =	vadd.scan.msk.s32 $0xffff, v41;
	p0 =	slt.s32 s13, $0x30;
	s19 =	smov.u32 s13  }
0x307: {  	s19 =	simm.s32 @!p0 $0x30;
	vm7 =	vle.f32 v40, v5  }
0x308: {  	[tilespmem:s19+$0x10680] =	vst.msk vm7, v40  }
0x309: {  	[tilespmem:s19+$0x10A80] =	vst.msk vm7, v39  }
0x30a: {  	v8 =	vld [tilespmem:s4+$0xFFFFFFF0];
	_ =	sdelay $0x1  }
0x30b: {  	v42, _, _ =	vpop (xrf0);
	s22 =	spop (v2sf)  }
0x30c: {  	v43 =	vsel vm7, $0x1, v1;
	(v2sf) =	vpush v42, $0xF;
	s16 =	sadd.s32 s16, s22  }
0x30d: {  	(xrf0) =	vadd.scan.msk.s32 $0xffff, v43;
	p0 =	slt.s32 s16, $0x30;
	s19 =	smov.u32 s16  }
0x30e: {  	s19 =	simm.s32 @!p0 $0x30;
	vm8 =	vle.f32 v8, v4  }
0x30f: {  	[tilespmem:s19+$0x10700] =	vst.msk vm8, v8  }
0x310: {  	[tilespmem:s19+$0x10B00] =	vst.msk vm8, v39  }
0x311: {  	v8 =	vld [tilespmem:s10+$0xFFFFFFF0];
	_ =	sdelay $0x1  }
0x312: {  	s23 =	spop (v2sf);
	v44, _, _ =	vpop (xrf0)  }
0x313: {  	s12 =	sadd.s32 s12, s23;
	v45 =	vsel vm8, $0x1, v1;
	(v2sf) =	vpush v44, $0xF  }
0x314: {  	p0 =	slt.s32 s12, $0x30;
	(xrf0) =	vadd.scan.msk.s32 $0xffff, v45;
	s19 =	smov.u32 s12  }
0x315: {  	s19 =	simm.s32 @!p0 $0x30;
	vm9 =	vle.f32 v8, v3  }
0x316: {  	[tilespmem:s19+$0x10780] =	vst.msk vm9, v8  }
0x317: {  	[tilespmem:s19+$0x10B80] =	vst.msk vm9, v39  }
0x318: {  	v7 =	vld [tilespmem:s11+$0x0];
	_ =	sdelay $0x1  }
0x319: {  	s24 =	spop (v2sf);
	v46, _, _ =	vpop (xrf0)  }
0x31a: {  	s18 =	sadd.s32 s18, s24;
	v47 =	vsel vm9, $0x1, v1;
	(v2sf) =	vpush v46, $0xF  }
0x31b: {  	p0 =	slt.s32 s18, $0x30;
	(xrf0) =	vadd.scan.msk.s32 $0xffff, v47;
	s19 =	smov.u32 s18  }
0x31c: {  	s31 =	sadd.s32 $0xFFFFFFF0, s7;
	s19 =	simm.s32 @!p0 $0x30;
	vm10 =	vle.f32 v7, v6  }
0x31d: {  	v48 =	vor.u32 s31, v2;
	[tilespmem:s19+$0x10600] =	vst.msk vm10, v7  }
0x31e: {  	[tilespmem:s19+$0x10A00] =	vst.msk vm10, v48  }
0x31f: {  	v49 =	vld [tilespmem:s3+$0x0];
	_ =	sdelay $0x1  }
0x320: {  	s22 =	spop (v2sf);
	v9, _, _ =	vpop (xrf0)  }
0x321: {  	s13 =	sadd.s32 s13, s22;
	v50 =	vsel vm10, $0x1, v1;
	(v2sf) =	vpush v9, $0xF  }
0x322: {  	p0 =	slt.s32 s13, $0x30;
	(xrf0) =	vadd.scan.msk.s32 $0xffff, v50;
	s19 =	smov.u32 s13  }
0x323: {  	s19 =	simm.s32 @!p0 $0x30;
	vm11 =	vle.f32 v49, v5  }
0x324: {  	[tilespmem:s19+$0x10680] =	vst.msk vm11, v49  }
0x325: {  	[tilespmem:s19+$0x10A80] =	vst.msk vm11, v48  }
0x326: {  	v8 =	vld [tilespmem:s4+$0x0];
	_ =	sdelay $0x1  }
0x327: {  	s23 =	spop (v2sf);
	v51, _, _ =	vpop (xrf0)  }
0x328: {  	s16 =	sadd.s32 s16, s23;
	v52 =	vsel vm11, $0x1, v1;
	(v2sf) =	vpush v51, $0xF  }
0x329: {  	p0 =	slt.s32 s16, $0x30;
	(xrf0) =	vadd.scan.msk.s32 $0xffff, v52;
	s19 =	smov.u32 s16  }
0x32a: {  	s19 =	simm.s32 @!p0 $0x30;
	vm12 =	vle.f32 v8, v4  }
0x32b: {  	[tilespmem:s19+$0x10700] =	vst.msk vm12, v8  }
0x32c: {  	[tilespmem:s19+$0x10B00] =	vst.msk vm12, v48  }
0x32d: {  	v8 =	vld [tilespmem:s10+$0x0];
	_ =	sdelay $0x1  }
0x32e: {  	s24 =	spop (v2sf);
	v53, _, _ =	vpop (xrf0)  }
0x32f: {  	s12 =	sadd.s32 s12, s24;
	v54 =	vsel vm12, $0x1, v1;
	(v2sf) =	vpush v53, $0xF  }
0x330: {  	p0 =	slt.s32 s12, $0x30;
	(xrf0) =	vadd.scan.msk.s32 $0xffff, v54;
	s19 =	smov.u32 s12  }
0x331: {  	s19 =	simm.s32 @!p0 $0x30;
	vm13 =	vle.f32 v8, v3  }
0x332: {  	[tilespmem:s19+$0x10780] =	vst.msk vm13, v8  }
0x333: {  	[tilespmem:s19+$0x10B80] =	vst.msk vm13, v48  }
0x334: {  	v7 =	vld [tilespmem:s11+$0x10];
	_ =	sdelay $0x1  }
0x335: {  	s31 =	spop (v2sf);
	v55, _, _ =	vpop (xrf0)  }
0x336: {  	(v2sf) =	vpush v55, $0xF;
	s11 =	sadd.s32 s18, s31  }
0x337: {  	p0 =	slt.s32 s11, $0x30  }
0x338: {  	v56 =	vsel vm13, $0x1, v1;
	s11 =	simm.s32 @!p0 $0x30;
	vm14 =	vle.f32 v7, v6  }
0x339: {  	v57 =	vor.u32 s7, v2;
	(xrf0) =	vadd.scan.msk.s32 $0xffff, v56;
	[tilespmem:s11+$0x10600] =	vst.msk vm14, v7  }
0x33a: {  	[tilespmem:s11+$0x10A00] =	vst.msk vm14, v57  }
0x33b: {  	v7 =	vld [tilespmem:s3+$0x10];
	_ =	sdelay $0x1  }
0x33c: {  	s11 =	spop (v2sf)  }
0x33d: {  	s3 =	sadd.s32 s13, s11  }
0x33e: {  	v58, _, _ =	vpop (xrf0);
	p0 =	slt.s32 s3, $0x30  }
0x33f: {  	(v2sf) =	vpush v58, $0xF;
	s3 =	simm.s32 @!p0 $0x30;
	vm1 =	vle.f32 v7, v5  }
0x340: {  	[tilespmem:s3+$0x10680] =	vst.msk vm1, v7  }
0x341: {  	[tilespmem:s3+$0x10A80] =	vst.msk vm1, v57  }
0x342: {  	v59 =	vld [tilespmem:s4+$0x10];
	_ =	sdelay $0x1  }
0x343: {  	s13 =	spop (v2sf)  }
0x344: {  	s3 =	sadd.s32 s16, s13  }
0x345: {  	p0 =	slt.s32 s3, $0x30  }
0x346: {  	s3 =	simm.s32 @!p0 $0x30;
	vm2 =	vle.f32 v59, v4  }
0x347: {  	[tilespmem:s3+$0x10700] =	vst.msk vm2, v59  }
0x348: {  	[tilespmem:s3+$0x10B00] =	vst.msk vm2, v57  }
0x349: {  	v60 =	vld [tilespmem:s10+$0x10];
	_ =	sdelay $0x2  }
0x34a: {  	v61 =	vsel vm14, $0x1, v1  }
0x34b: {  	(xrf0) =	vadd.scan.msk.s32 $0xffff, v61;
	v62 =	vsel vm1, $0x1, v1;
	s18 =	spop (v2sf)  }
0x34c: {  	(xrf0) =	vadd.scan.msk.s32 $0xffff, v62;
	v63 =	vsel vm2, $0x1, v1;
	s3 =	sadd.s32 s12, s18;
	vm15 =	vle.f32 v60, v3  }
0x34d: {  	(xrf0) =	vadd.scan.msk.s32 $0xffff, v63;
	p0 =	slt.s32 s3, $0x30;
	v3 =	vsel vm15, $0x1, v1  }
0x34e: {  	s3 =	simm.s32 @!p0 $0x30;
	(xrf0) =	vadd.scan.msk.s32 $0xffff, v3  }
0x34f: {  	s19 =	sshll.u32 s17, $0x4;
	[tilespmem:s3+$0x10780] =	vst.msk vm15, v60  }
0x350: {  	s22 =	simm.s32 $0x10600;
	s21 =	sadd.s32 s5, s19;
	s31 =	sand.u32 $0x1FF80, s19;
	[tilespmem:s3+$0x10B80] =	vst.msk vm15, v57  }
0x351: {  	[hbm4b:s21+s1] =	stream.linear.scatter [tilespmem:s22], [sflag:$0x4], $0x80, $0x38;
	v3, _, _ =	vpop (xrf0);
	[tilespmem:$0x10C00] =	vst v63  }
0x352: {  	s24 =	simm.s32 $0x10A00;
	s23 =	sadd.s32 s6, s19;
	s4 =	sor.u32 $0x50, s31;
	(v2sf) =	vpush v3, $0xF;
	v3, _, _ =	vpop (xrf0)  }
0x353: {  	[hbm4b:s23+s1] =	stream.linear.scatter [tilespmem:s24], [sflag:$0x4], $0x80, $0x38;
	(v2sf) =	vpush v3, $0xF;
	v3, _, _ =	vpop (xrf0);
	[tilespmem:$0x10C00] =	vst v63  }
0x354: {  	s11 =	simm.s32 $0x10680;
	s10 =	sadd.s32 s5, s4;
	(v2sf) =	vpush v3, $0xF;
	v3, _, _ =	vpop (xrf0)  }
0x355: {  	[hbm4b:s10+s1] =	stream.linear.scatter [tilespmem:s11], [sflag:$0x4], $0x80, $0x38;
	(v2sf) =	vpush v3, $0xF;
	[tilespmem:$0x10C00] =	vst v63  }
0x356: {  	s13 =	sor.u32 $0x60, s31;
	s12 =	simm.s32 $0x10A80;
	s4 =	sadd.s32 s6, s4  }
0x357: {  	[hbm4b:s4+s1] =	stream.linear.scatter [tilespmem:s12], [sflag:$0x4], $0x80, $0x38;
	[tilespmem:$0x10C00] =	vst v63  }
0x358: {  	s17 =	simm.s32 $0x10700;
	s16 =	sadd.s32 s5, s13  }
0x359: {  	[hbm4b:s16+s1] =	stream.linear.scatter [tilespmem:s17], [sflag:$0x4], $0x80, $0x38;
	[tilespmem:$0x10C00] =	vst v63  }
0x35a: {  	s18 =	simm.s32 $0x10B00;
	s3 =	sor.u32 $0x70, s31;
	s4 =	sadd.s32 s6, s13  }
0x35b: {  	[hbm4b:s4+s1] =	stream.linear.scatter [tilespmem:s18], [sflag:$0x4], $0x80, $0x38;
	[tilespmem:$0x10C00] =	vst v63  }
0x35c: {  	s15 =	sadd.s32 $0x1, s15;
	s19 =	sadd.s32 s5, s3;
	s21 =	simm.s32 $0x10780  }
0x35d: {  	[hbm4b:s19+s1] =	stream.linear.scatter [tilespmem:s21], [sflag:$0x4], $0x80, $0x38;
	[tilespmem:$0x10C00] =	vst v63  }
0x35e: {  	p0 =	sne.s32 s15, $0x20;
	s3 =	sadd.s32 s6, s3;
	s4 =	simm.s32 $0x10B80  }
0x35f: {  	[hbm4b:s3+s1] =	stream.linear.scatter [tilespmem:s4], [sflag:$0x4], $0x80, $0x38;
	[tilespmem:$0x10C00] =	vst v63  }
.Ltmp2:
0x360: {  	_ = 	snop;
	(pc) =	sbr.rel @p0 .LBB2_2-.Ltmp2, $4  }
0x361: {  	s22 =	spop (v2sf)  }
0x362: {  	s23 =	spop (v2sf)  }
0x363: {  	s24 =	spop (v2sf)  }
0x364: {  	s31 =	spop (v2sf)  }
0x365: {  	s3 =	simm.s32 $0x3  }
0x366: {  	_ =	swait.ge [sflag:s3], $0x80  }
0x367: {  	[sflag:s3] =	ssyncset.done $0x0  }
0x368: {  	[sflag:s3] =	ssyncadd.s32 $0xFFFFFF80  }
0x369: {  	_ =	swait.ge [sflag:s3], $0x80  }
0x36a: {  	[sflag:s3] =	ssyncset.done $0x0  }
0x36b: {  	[sflag:s3] =	ssyncadd.s32 $0xFFFFFF80  }
0x36c: {  	_ =	swait.ge [sflag:s3], $0x80  }
0x36d: {  	[sflag:s3] =	ssyncset.done $0x0  }
0x36e: {  	[sflag:s3] =	ssyncadd.s32 $0xFFFFFF80  }
0x36f: {  	_ =	swait.ge [sflag:s3], $0x80  }
0x370: {  	[sflag:s3] =	ssyncset.done $0x0  }
0x371: {  	[sflag:s3] =	ssyncadd.s32 $0xFFFFFF80  }
0x372: {  	_ =	swait.ge [sflag:s3], $0x80  }
0x373: {  	[sflag:s3] =	ssyncset.done $0x0  }
0x374: {  	[sflag:s3] =	ssyncadd.s32 $0xFFFFFF80  }
0x375: {  	_ =	swait.ge [sflag:s3], $0x80  }
0x376: {  	[sflag:s3] =	ssyncset.done $0x0  }
0x377: {  	[sflag:s3] =	ssyncadd.s32 $0xFFFFFF80  }
0x378: {  	_ =	swait.ge [sflag:s3], $0x80  }
0x379: {  	[sflag:s3] =	ssyncset.done $0x0  }
0x37a: {  	[sflag:s3] =	ssyncadd.s32 $0xFFFFFF80  }
0x37b: {  	_ =	swait.ge [sflag:s3], $0x80  }
0x37c: {  	[sflag:s3] =	ssyncset.done $0x0  }
0x37d: {  	s4 =	simm.s32 $0x4;
	[sflag:s3] =	ssyncadd.s32 $0xFFFFFF80  }
0x37e: {  	_ =	swait.ge [sflag:s4], $0x80  }
0x37f: {  	[sflag:s4] =	ssyncset.done $0x0  }
0x380: {  	[sflag:s4] =	ssyncadd.s32 $0xFFFFFF80  }
0x381: {  	_ =	swait.ge [sflag:s4], $0x80  }
0x382: {  	[sflag:s4] =	ssyncset.done $0x0  }
0x383: {  	[sflag:s4] =	ssyncadd.s32 $0xFFFFFF80  }
0x384: {  	_ =	swait.ge [sflag:s4], $0x80  }
0x385: {  	[sflag:s4] =	ssyncset.done $0x0  }
0x386: {  	[sflag:s4] =	ssyncadd.s32 $0xFFFFFF80  }
0x387: {  	_ =	swait.ge [sflag:s4], $0x80  }
0x388: {  	[sflag:s4] =	ssyncset.done $0x0  }
0x389: {  	[sflag:s4] =	ssyncadd.s32 $0xFFFFFF80  }
0x38a: {  	_ =	swait.ge [sflag:s4], $0x80  }
0x38b: {  	[sflag:s4] =	ssyncset.done $0x0  }
0x38c: {  	[sflag:s4] =	ssyncadd.s32 $0xFFFFFF80  }
0x38d: {  	_ =	swait.ge [sflag:s4], $0x80  }
0x38e: {  	[sflag:s4] =	ssyncset.done $0x0  }
0x38f: {  	[sflag:s4] =	ssyncadd.s32 $0xFFFFFF80  }
0x390: {  	_ =	swait.ge [sflag:s4], $0x80  }
0x391: {  	[sflag:s4] =	ssyncset.done $0x0  }
0x392: {  	[sflag:s4] =	ssyncadd.s32 $0xFFFFFF80  }
0x393: {  	_ =	swait.ge [sflag:s4], $0x80  }
0x394: {  	s7 =	rddreg [dreg:$0x17]  }
0x395: {  	s31 =	rddreg [dreg:$0x15];
	s7 =	sadd.s32 $0x1, s7  }
0x396: {  	p0 =	sne.s32 s7, s31  }
.Ltmp3:
0x397: {  	_ = 	snop;
	(pc) =	sbr.rel @p0 .LBB2_1-.Ltmp3, $3  }
0x398: {  	_ =	sdelay $0x1  }
0x399: {  	[sflag:s4] =	ssyncset.done $0x0  }
0x39a: {  	[sflag:s4] =	ssyncadd.s32 $0xFFFFFF80  }
0x39b: {  	_ =	sfence.sel $0x180000  }
0x39c: {  	[bflag:$0x0] =	sbarrier.arrive $0xFFFF  }
0x39d: {  	_ =	strace $0x90000047  }
0x39e: {  	s0 =	stileid.u32;
	[bflag:$0x2] =	sbarrier.arrive $0xFFFF  }
0x39f: {  	p0 =	sne.s32 s0, $0x0;
	s0 =	rddreg [dreg:$0x1]  }
0x3a0: {  	s0 =	sadd.s32 @!p0 $0x100000, s0  }
0x3a1: {  	[sflag:s0] =	ssyncadd.tile.s32 @!p0 $0x1;
	_ =	shalt  }
.Lfunc_end2:
_tile_overlayer_lowered:
.L_overlay_start_2:
0x3a2: {  	(tag) =	ssettag $0x2  }
0x3a3: {  	s0 =	rddreg [dreg:$0x0];
	s2 =	stileid.u32  }
0x3a4: {  	s1 =	rddreg [dreg:$0x1];
	p0 =	sne.s32 s2, $0x0  }
0x3a5: {  	s3 =	rddreg [dreg:$0x2];
	[bflag:$0x3] =	sbarrier.arrive $0xFFFF;
	s2 =	simm.s32 @!p0 $0x1C05  }
0x3a6: {  	[timem:s3], [sflag:s2] =	dma.local @!p0 [hbm:s0], s1  }
0x3a7: {  	s0 =	simm.s32 @!p0 $0x5  }
0x3a8: {  	_ =	swait.ge @!p0 [sflag:s0], s1  }
0x3a9: {  	s1 =	ssub.s32 @!p0 $0x0, s1;
	[sflag:s0] =	ssyncset.done @!p0 $0x0  }
0x3aa: {  	[sflag:s0] =	ssyncadd.s32 @!p0 s1  }
0x3ab: {  	[bflag:$0x3] =	sbarrier.arrive $0xFFFF  }
0x3ac: {  	_ =	shalt  }

</sc_bundles>
